<compile_context>
chip_gen: v7x
topology: tpu7x:2x2x1
jax: 0.10.2.dev20260603
libtpu: 0.0.44.dev20260713+nightly
codegen_flags: <defaults>
</compile_context>

<pallas_src>
import jax
import jax.numpy as jnp
from jax import lax
from jax.experimental import pallas as pl
from jax.experimental.pallas import tpu as pltpu
from jax.experimental.pallas import tpu_sc as plsc

B = 4096
V = 1000
CB = 128
RB = 40
NCHUNK = V // RB
NR = 4
LOOK = 2
VH = 504


def _body(idx_hbm, w_hbm, avg_hbm, wt_hbm, w_tab, sem_i, sem_o):
    cid = lax.axis_index("c")
    sid = lax.axis_index("s")
    wid = sid * 2 + cid
    c0 = wid * CB
    lanes = lax.iota(jnp.int32, 16)
    zeros16 = jnp.zeros((16,), jnp.float32)

    pltpu.sync_copy(w_hbm, w_tab)

    def fetch(ring, chunk, buf):
        pltpu.async_copy(
            idx_hbm.at[pl.ds(chunk * RB, RB), pl.ds(c0, CB)],
            ring.at[buf], sem_i.at[buf])

    def wait_in(ring, buf):
        pltpu.make_async_copy(
            idx_hbm.at[pl.ds(0, RB), pl.ds(c0, CB)],
            ring.at[buf], sem_i.at[buf]).wait()

    def phases(acc, ring, ring_o):
        def put(chunk, buf):
            pltpu.async_copy(
                ring_o.at[buf],
                wt_hbm.at[pl.ds(chunk * RB, RB), pl.ds(c0, CB)],
                sem_o.at[buf])

        def wait_out(buf):
            pltpu.make_async_copy(
                ring_o.at[buf],
                wt_hbm.at[pl.ds(0, RB), pl.ds(c0, CB)],
                sem_o.at[buf]).wait()

        def zero_acc():
            @plsc.parallel_loop(0, VH, unroll=4)
            def _zero(row):
                for u in range(CB // 16):
                    acc[row, pl.ds(u * 16, 16)] = zeros16

        def step1(chunk, buf):
            @pl.when(chunk < NCHUNK)
            def _():
                wait_in(ring, buf)

                @pl.when(chunk >= NR)
                def _():
                    wait_out(buf)

                @plsc.parallel_loop(0, RB, unroll=2)
                def _rows(r):
                    for u in range(CB // 16):
                        cvec = jnp.int32(u * 16) + lanes
                        colv = ring[buf, r, pl.ds(u * 16, 16)]
                        w = plsc.load_gather(w_tab, [colv])
                        ring_o[buf, r, pl.ds(u * 16, 16)] = w
                        m = colv < VH
                        cl = jnp.where(m, colv, 0)
                        wm = jnp.where(m, w, 0.0)
                        plsc.addupdate_scatter(acc, [cl, cvec], wm)

                put(chunk, buf)

                @pl.when(chunk + LOOK < NCHUNK)
                def _():
                    fetch(ring, chunk + LOOK, (buf + LOOK) % NR)

        def step2(chunk, buf):
            @pl.when(chunk < NCHUNK)
            def _():
                wait_in(ring, buf)

                @plsc.parallel_loop(0, RB, unroll=2)
                def _rows(r):
                    for u in range(CB // 16):
                        cvec = jnp.int32(u * 16) + lanes
                        colv = ring[buf, r, pl.ds(u * 16, 16)]
                        w = plsc.load_gather(w_tab, [colv])
                        cl = colv - (V - VH)
                        m = cl >= 0
                        cl = jnp.where(m, cl, 0)
                        w = jnp.where(m, w, 0.0)
                        plsc.addupdate_scatter(acc, [cl, cvec], w)

                @pl.when(chunk + LOOK < NCHUNK)
                def _():
                    fetch(ring, chunk + LOOK, (buf + LOOK) % NR)

        for b in range(LOOK):
            fetch(ring, b, b)
        zero_acc()

        def grp1(j, carry):
            for b in range(NR):
                step1(j * NR + b, b)
            return carry
        lax.fori_loop(0, (NCHUNK + NR - 1) // NR, grp1, 0)
        pltpu.sync_copy(acc, avg_hbm.at[pl.ds(0, VH), pl.ds(c0, CB)])
        for b in range(NR):
            wait_out(b)

        for b in range(LOOK):
            fetch(ring, b, b)
        zero_acc()

        def grp2(j, carry):
            for b in range(NR):
                step2(j * NR + b, b)
            return carry
        lax.fori_loop(0, (NCHUNK + NR - 1) // NR, grp2, 0)
        pltpu.sync_copy(acc, avg_hbm.at[pl.ds(V - VH, VH), pl.ds(c0, CB)])

    pl.run_scoped(
        phases,
        pltpu.VMEM((VH, CB), jnp.float32),
        pltpu.VMEM((NR, RB, CB), jnp.int32),
        pltpu.VMEM((NR, RB, CB), jnp.float32),
    )


@jax.jit
def kernel(indices, w_es):
    run = pl.kernel(
        _body,
        out_type=(
            jax.ShapeDtypeStruct((V, B), jnp.float32),
            jax.ShapeDtypeStruct((V, B), jnp.float32),
        ),
        mesh=plsc.VectorSubcoreMesh(
            core_axis_name="c", subcore_axis_name="s",
            num_cores=2, num_subcores=16,
        ),
        scratch_types=[
            pltpu.VMEM((V,), jnp.float32),
            pltpu.SemaphoreType.DMA((NR,)),
            pltpu.SemaphoreType.DMA((NR,)),
        ],
        compiler_params=pltpu.CompilerParams(
            use_tc_tiling_on_sc=True, needs_layout_passes=False),
    )
    idx_t = jnp.transpose(indices.astype(jnp.int32))
    avg_t, wt = run(idx_t, w_es)
    return jnp.transpose(avg_t), wt

# --- scband reference (transcript-rebuilt; emitter-appended) ---
"""Pipeline reference for scband-one-hot-weighted-average-71330816852664 (READ-ONLY COPY).

The authoritative reference and input builder live on the scoring server;
editing this copy changes nothing except your own understanding.
"""

import jax, jax.numpy as jnp
import numpy as np

BATCH = 4096
VOC = 1000

def setup_inputs(seed: int = 0) -> dict:
    key = jax.random.key(seed)
    k1, k2 = jax.random.split(key)
    indices = jax.random.randint(k1, (BATCH, VOC), 0, VOC, dtype=jnp.int64 if jax.config.read('jax_enable_x64') else jnp.int32)
    w_es = jax.random.uniform(k2, (VOC,), dtype=jnp.float32)
    return {"indices": indices, "w_es": w_es}

def reference(indices, w_es):
    # weighting_scheme(indices, w_es): per-token weight lookup -> [B, V]
    B, V = indices.shape
    weights = jnp.take(w_es, indices, axis=0)            # [B, V] gather
    weights_t = jnp.transpose(weights, (1, 0))           # [V, B] (matches torch.transpose(weights,0,1))
    # The original python loop builds one-hots of indices[b][i] and accumulates
    # weights[i][b] * onehot(indices[b][i]). Equivalent to a scatter-add:
    # average[b, v] = sum_i weights[b, i] * (indices[b, i] == v)
    rows = jnp.broadcast_to(jnp.arange(B)[:, None], (B, V))
    average = jnp.zeros((B, V), dtype=jnp.float32).at[rows, indices].add(weights)
    return (average, weights_t)

if __name__ == "__main__":
    import jax
    _d = setup_inputs()
    print(jax.jit(kernel)(*tuple(_d.values())))

</pallas_src>

<mosaic_0001>
#map = affine_map<(d0, d1) -> (0, 0)>
#map1 = affine_map<(d0, d1) -> (0)>
module attributes {stable_mosaic.version = 14 : i64} {
  func.func @_body(%arg0: i32, %arg1: i32, %arg2: memref<1000x4096xi32, #tpu.memory_space<hbm>>, %arg3: memref<1000xf32, #tpu.memory_space<hbm>>, %arg4: memref<1000x4096xf32, #tpu.memory_space<hbm>>, %arg5: memref<1000x4096xf32, #tpu.memory_space<hbm>>, %arg6: memref<1000xf32, #tpu.memory_space<vmem>>, %arg7: memref<4x!tpu.dma_semaphore, #tpu.memory_space<semaphore_mem>>, %arg8: memref<4x!tpu.dma_semaphore, #tpu.memory_space<semaphore_mem>>) attributes {dimension_semantics = [#tpu.dimension_semantics<core_parallel>, #tpu.dimension_semantics<subcore_parallel>], iteration_bounds = array<i64: 2, 16>, scalar_prefetch = 0 : i64, scratch_operands = 3 : i64, tpu.core_type = #tpu.core_type<sc_vector_subcore>, window_params = [{transform_indices = #map}, {transform_indices = #map1}, {transform_indices = #map}, {transform_indices = #map}]} {
    %mul3A = arith.constant 2 : i32
    %mul3A_0 = arith.muli %arg1, %mul3A : i32
    %add3A = arith.addi %mul3A_0, %arg0 : i32
    %mul3A_1 = arith.constant 128 : i32
    %mul3A_2 = arith.muli %add3A, %mul3A_1 : i32
    %iota3A = tpu.iota {dimensions = array<i32: 0>} : vector<16xi32>
    %broadcast_in_dim3A = arith.constant 0.000000e+00 : f32
    %broadcast_in_dim3A_3 = vector.broadcast %broadcast_in_dim3A : f32 to vector<16xf32>
    "tpu.region"() ({
      %run_scoped3A = tpu.sem_alloc : memref<!tpu.dma_semaphore, #tpu.memory_space<semaphore_mem>>
      tpu.enqueue_dma source(%arg3 : memref<1000xf32, #tpu.memory_space<hbm>>) target(%arg6 : memref<1000xf32, #tpu.memory_space<vmem>>) target_semaphore(%run_scoped3A : memref<!tpu.dma_semaphore, #tpu.memory_space<semaphore_mem>>)
      tpu.wait_dma2 semaphore(%run_scoped3A : memref<!tpu.dma_semaphore, #tpu.memory_space<semaphore_mem>>) src(%arg3 : memref<1000xf32, #tpu.memory_space<hbm>>) dst(%arg6 : memref<1000xf32, #tpu.memory_space<vmem>>)
      tpu.yield
    }) : () -> ()
    "tpu.region"() ({
      %run_scoped3A = memref.alloca() : memref<504x128xf32, #tpu.memory_space<vmem>>
      %run_scoped3A_4 = memref.alloca() : memref<4x40x128xi32, #tpu.memory_space<vmem>>
      %run_scoped3A_5 = memref.alloca() : memref<4x40x128xf32, #tpu.memory_space<vmem>>
      %dma_start3A = arith.constant 0 : i32
      %dma_start3A_6 = arith.constant 0 : i32
      %dma_start3A_7 = arith.constant 0 : i32
      %dma_start3A_8 = arith.constant 0 : i32
      %dma_start3A_9 = tpu.memref_slice %run_scoped3A_4[%dma_start3A, %dma_start3A_7, %dma_start3A_8] : memref<4x40x128xi32, #tpu.memory_space<vmem>> -> memref<1x40x128xi32, #tpu.memory_space<vmem>>
      %dma_start3A_10 = tpu.memref_squeeze %dma_start3A_9 : memref<1x40x128xi32, #tpu.memory_space<vmem>> -> memref<40x128xi32, #tpu.memory_space<vmem>>
      %dma_start3A_11 = arith.constant 0 : i32
      %dma_start3A_12 = tpu.memref_slice %arg2[%dma_start3A_11, %mul3A_2] : memref<1000x4096xi32, #tpu.memory_space<hbm>> -> memref<40x128xi32, #tpu.memory_space<hbm>>
      %dma_start3A_13 = tpu.memref_slice %arg7[%dma_start3A_6] : memref<4x!tpu.dma_semaphore, #tpu.memory_space<semaphore_mem>> -> memref<1x!tpu.dma_semaphore, #tpu.memory_space<semaphore_mem>>
      %dma_start3A_14 = tpu.memref_squeeze %dma_start3A_13 : memref<1x!tpu.dma_semaphore, #tpu.memory_space<semaphore_mem>> -> memref<!tpu.dma_semaphore, #tpu.memory_space<semaphore_mem>>
      %dma_start3A_15 = arith.constant 0 : i32
      %dma_start3A_16 = arith.constant 0 : i32
      %dma_start3A_17 = tpu.memref_slice %run_scoped3A_4[%dma_start3A, %dma_start3A_15, %dma_start3A_16] : memref<4x40x128xi32, #tpu.memory_space<vmem>> -> memref<1x40x128xi32, #tpu.memory_space<vmem>>
      %dma_start3A_18 = tpu.memref_squeeze %dma_start3A_17 : memref<1x40x128xi32, #tpu.memory_space<vmem>> -> memref<40x128xi32, #tpu.memory_space<vmem>>
      %dma_start3A_19 = arith.constant 0 : i32
      %dma_start3A_20 = tpu.memref_slice %arg2[%dma_start3A_19, %mul3A_2] : memref<1000x4096xi32, #tpu.memory_space<hbm>> -> memref<40x128xi32, #tpu.memory_space<hbm>>
      tpu.enqueue_dma source(%dma_start3A_20 : memref<40x128xi32, #tpu.memory_space<hbm>>) target(%dma_start3A_18 : memref<40x128xi32, #tpu.memory_space<vmem>>) target_semaphore(%dma_start3A_14 : memref<!tpu.dma_semaphore, #tpu.memory_space<semaphore_mem>>)
      %dma_start3A_21 = arith.constant 1 : i32
      %dma_start3A_22 = arith.constant 1 : i32
      %dma_start3A_23 = arith.constant 0 : i32
      %dma_start3A_24 = arith.constant 0 : i32
      %dma_start3A_25 = tpu.memref_slice %run_scoped3A_4[%dma_start3A_21, %dma_start3A_23, %dma_start3A_24] : memref<4x40x128xi32, #tpu.memory_space<vmem>> -> memref<1x40x128xi32, #tpu.memory_space<vmem>>
      %dma_start3A_26 = tpu.memref_squeeze %dma_start3A_25 : memref<1x40x128xi32, #tpu.memory_space<vmem>> -> memref<40x128xi32, #tpu.memory_space<vmem>>
      %dma_start3A_27 = arith.constant 40 : i32
      %dma_start3A_28 = tpu.memref_slice %arg2[%dma_start3A_27, %mul3A_2] : memref<1000x4096xi32, #tpu.memory_space<hbm>> -> memref<40x128xi32, #tpu.memory_space<hbm>>
      %dma_start3A_29 = tpu.memref_slice %arg7[%dma_start3A_22] : memref<4x!tpu.dma_semaphore, #tpu.memory_space<semaphore_mem>> -> memref<1x!tpu.dma_semaphore, #tpu.memory_space<semaphore_mem>>
      %dma_start3A_30 = tpu.memref_squeeze %dma_start3A_29 : memref<1x!tpu.dma_semaphore, #tpu.memory_space<semaphore_mem>> -> memref<!tpu.dma_semaphore, #tpu.memory_space<semaphore_mem>>
      %dma_start3A_31 = arith.constant 0 : i32
      %dma_start3A_32 = arith.constant 0 : i32
      %dma_start3A_33 = tpu.memref_slice %run_scoped3A_4[%dma_start3A_21, %dma_start3A_31, %dma_start3A_32] : memref<4x40x128xi32, #tpu.memory_space<vmem>> -> memref<1x40x128xi32, #tpu.memory_space<vmem>>
      %dma_start3A_34 = tpu.memref_squeeze %dma_start3A_33 : memref<1x40x128xi32, #tpu.memory_space<vmem>> -> memref<40x128xi32, #tpu.memory_space<vmem>>
      %dma_start3A_35 = arith.constant 40 : i32
      %dma_start3A_36 = tpu.memref_slice %arg2[%dma_start3A_35, %mul3A_2] : memref<1000x4096xi32, #tpu.memory_space<hbm>> -> memref<40x128xi32, #tpu.memory_space<hbm>>
      tpu.enqueue_dma source(%dma_start3A_36 : memref<40x128xi32, #tpu.memory_space<hbm>>) target(%dma_start3A_34 : memref<40x128xi32, #tpu.memory_space<vmem>>) target_semaphore(%dma_start3A_30 : memref<!tpu.dma_semaphore, #tpu.memory_space<semaphore_mem>>)
      %parallel_loop3A = arith.constant 0 : i32
      %parallel_loop3A_37 = arith.constant 504 : i32
      %parallel_loop3A_38 = arith.constant 1 : i32
      scf.for %parallel_loop3A_148 = %parallel_loop3A to %parallel_loop3A_37 step %parallel_loop3A_38  : i32 {
        %parallel_loop3A_149 = arith.index_cast %parallel_loop3A_148 : i32 to index
        %parallel_loop3A_150 = arith.constant 0 : index
        %parallel_loop3A_151 = tpu.vector_load %run_scoped3A[%parallel_loop3A_149, %parallel_loop3A_150] {strides = array<i32>} : memref<504x128xf32, #tpu.memory_space<vmem>>, vector<16xf32>,
        tpu.vector_store %run_scoped3A[%parallel_loop3A_149, %parallel_loop3A_150], %broadcast_in_dim3A_3 {strides = array<i32>} : memref<504x128xf32, #tpu.memory_space<vmem>>, vector<16xf32>,
        %parallel_loop3A_152 = arith.index_cast %parallel_loop3A_148 : i32 to index
        %parallel_loop3A_153 = arith.constant 16 : index
        %parallel_loop3A_154 = tpu.vector_load %run_scoped3A[%parallel_loop3A_152, %parallel_loop3A_153] {strides = array<i32>} : memref<504x128xf32, #tpu.memory_space<vmem>>, vector<16xf32>,
        tpu.vector_store %run_scoped3A[%parallel_loop3A_152, %parallel_loop3A_153], %broadcast_in_dim3A_3 {strides = array<i32>} : memref<504x128xf32, #tpu.memory_space<vmem>>, vector<16xf32>,
        %parallel_loop3A_155 = arith.index_cast %parallel_loop3A_148 : i32 to index
        %parallel_loop3A_156 = arith.constant 32 : index
        %parallel_loop3A_157 = tpu.vector_load %run_scoped3A[%parallel_loop3A_155, %parallel_loop3A_156] {strides = array<i32>} : memref<504x128xf32, #tpu.memory_space<vmem>>, vector<16xf32>,
        tpu.vector_store %run_scoped3A[%parallel_loop3A_155, %parallel_loop3A_156], %broadcast_in_dim3A_3 {strides = array<i32>} : memref<504x128xf32, #tpu.memory_space<vmem>>, vector<16xf32>,
        %parallel_loop3A_158 = arith.index_cast %parallel_loop3A_148 : i32 to index
        %parallel_loop3A_159 = arith.constant 48 : index
        %parallel_loop3A_160 = tpu.vector_load %run_scoped3A[%parallel_loop3A_158, %parallel_loop3A_159] {strides = array<i32>} : memref<504x128xf32, #tpu.memory_space<vmem>>, vector<16xf32>,
        tpu.vector_store %run_scoped3A[%parallel_loop3A_158, %parallel_loop3A_159], %broadcast_in_dim3A_3 {strides = array<i32>} : memref<504x128xf32, #tpu.memory_space<vmem>>, vector<16xf32>,
        %parallel_loop3A_161 = arith.index_cast %parallel_loop3A_148 : i32 to index
        %parallel_loop3A_162 = arith.constant 64 : index
        %parallel_loop3A_163 = tpu.vector_load %run_scoped3A[%parallel_loop3A_161, %parallel_loop3A_162] {strides = array<i32>} : memref<504x128xf32, #tpu.memory_space<vmem>>, vector<16xf32>,
        tpu.vector_store %run_scoped3A[%parallel_loop3A_161, %parallel_loop3A_162], %broadcast_in_dim3A_3 {strides = array<i32>} : memref<504x128xf32, #tpu.memory_space<vmem>>, vector<16xf32>,
        %parallel_loop3A_164 = arith.index_cast %parallel_loop3A_148 : i32 to index
        %parallel_loop3A_165 = arith.constant 80 : index
        %parallel_loop3A_166 = tpu.vector_load %run_scoped3A[%parallel_loop3A_164, %parallel_loop3A_165] {strides = array<i32>} : memref<504x128xf32, #tpu.memory_space<vmem>>, vector<16xf32>,
        tpu.vector_store %run_scoped3A[%parallel_loop3A_164, %parallel_loop3A_165], %broadcast_in_dim3A_3 {strides = array<i32>} : memref<504x128xf32, #tpu.memory_space<vmem>>, vector<16xf32>,
        %parallel_loop3A_167 = arith.index_cast %parallel_loop3A_148 : i32 to index
        %parallel_loop3A_168 = arith.constant 96 : index
        %parallel_loop3A_169 = tpu.vector_load %run_scoped3A[%parallel_loop3A_167, %parallel_loop3A_168] {strides = array<i32>} : memref<504x128xf32, #tpu.memory_space<vmem>>, vector<16xf32>,
        tpu.vector_store %run_scoped3A[%parallel_loop3A_167, %parallel_loop3A_168], %broadcast_in_dim3A_3 {strides = array<i32>} : memref<504x128xf32, #tpu.memory_space<vmem>>, vector<16xf32>,
        %parallel_loop3A_170 = arith.index_cast %parallel_loop3A_148 : i32 to index
        %parallel_loop3A_171 = arith.constant 112 : index
        %parallel_loop3A_172 = tpu.vector_load %run_scoped3A[%parallel_loop3A_170, %parallel_loop3A_171] {strides = array<i32>} : memref<504x128xf32, #tpu.memory_space<vmem>>, vector<16xf32>,
        tpu.vector_store %run_scoped3A[%parallel_loop3A_170, %parallel_loop3A_171], %broadcast_in_dim3A_3 {strides = array<i32>} : memref<504x128xf32, #tpu.memory_space<vmem>>, vector<16xf32>,
      } {sc.loop_unroll_factor = 4 : i64, sc.parallel_access}
      %scan3A = arith.constant 0 : i32
      %scan3A_39 = arith.constant 0 : i32
      %scan3A_40 = arith.constant 7 : i32
      %scan3A_41 = arith.addi %scan3A_39, %scan3A_40 : i32
      %scan3A_42 = arith.constant 1 : i32
      scf.for %scan3A_148 = %scan3A_39 to %scan3A_41 step %scan3A_42  : i32 {
        %mul3A_149 = arith.constant 4 : i32
        %mul3A_150 = arith.muli %scan3A_148, %mul3A_149 : i32
        %add3A_151 = arith.constant 0 : i32
        %add3A_152 = arith.addi %mul3A_150, %add3A_151 : i32
        %lt3A = arith.constant 25 : i32
        %lt3A_153 = arith.cmpi slt, %add3A_152, %lt3A : i32
        %convert_element_type3A = arith.extui %lt3A_153 : i1 to i32
        %cond3A = arith.constant 0 : i32
        %cond3A_154 = arith.cmpi ne, %convert_element_type3A, %cond3A : i32
        scf.if %cond3A_154 {
          %dma_wait3A_182 = arith.constant 0 : i32
          %dma_wait3A_183 = arith.constant 0 : i32
          %dma_wait3A_184 = arith.constant 0 : i32
          %dma_wait3A_185 = arith.constant 0 : i32
          %dma_wait3A_186 = tpu.memref_slice %run_scoped3A_4[%dma_wait3A_182, %dma_wait3A_184, %dma_wait3A_185] : memref<4x40x128xi32, #tpu.memory_space<vmem>> -> memref<1x40x128xi32, #tpu.memory_space<vmem>>
          %dma_wait3A_187 = tpu.memref_squeeze %dma_wait3A_186 : memref<1x40x128xi32, #tpu.memory_space<vmem>> -> memref<40x128xi32, #tpu.memory_space<vmem>>
          %dma_wait3A_188 = arith.constant 0 : i32
          %dma_wait3A_189 = tpu.memref_slice %arg2[%dma_wait3A_188, %mul3A_2] : memref<1000x4096xi32, #tpu.memory_space<hbm>> -> memref<40x128xi32, #tpu.memory_space<hbm>>
          %dma_wait3A_190 = tpu.memref_slice %arg7[%dma_wait3A_183] : memref<4x!tpu.dma_semaphore, #tpu.memory_space<semaphore_mem>> -> memref<1x!tpu.dma_semaphore, #tpu.memory_space<semaphore_mem>>
          %dma_wait3A_191 = tpu.memref_squeeze %dma_wait3A_190 : memref<1x!tpu.dma_semaphore, #tpu.memory_space<semaphore_mem>> -> memref<!tpu.dma_semaphore, #tpu.memory_space<semaphore_mem>>
          %dma_wait3A_192 = arith.constant 0 : i32
          %dma_wait3A_193 = arith.constant 0 : i32
          %dma_wait3A_194 = tpu.memref_slice %run_scoped3A_4[%dma_wait3A_182, %dma_wait3A_192, %dma_wait3A_193] : memref<4x40x128xi32, #tpu.memory_space<vmem>> -> memref<1x40x128xi32, #tpu.memory_space<vmem>>
          %dma_wait3A_195 = tpu.memref_squeeze %dma_wait3A_194 : memref<1x40x128xi32, #tpu.memory_space<vmem>> -> memref<40x128xi32, #tpu.memory_space<vmem>>
          %dma_wait3A_196 = arith.constant 0 : i32
          %dma_wait3A_197 = tpu.memref_slice %arg2[%dma_wait3A_196, %mul3A_2] : memref<1000x4096xi32, #tpu.memory_space<hbm>> -> memref<40x128xi32, #tpu.memory_space<hbm>>
          tpu.wait_dma2 semaphore(%dma_wait3A_191 : memref<!tpu.dma_semaphore, #tpu.memory_space<semaphore_mem>>) src(%dma_wait3A_197 : memref<40x128xi32, #tpu.memory_space<hbm>>) dst(%dma_wait3A_195 : memref<40x128xi32, #tpu.memory_space<vmem>>)
          %ge3A = arith.constant 4 : i32
          %ge3A_198 = arith.cmpi sge, %add3A_152, %ge3A : i32
          %convert_element_type3A_199 = arith.extui %ge3A_198 : i1 to i32
          %cond3A_200 = arith.constant 0 : i32
          %cond3A_201 = arith.cmpi ne, %convert_element_type3A_199, %cond3A_200 : i32
          scf.if %cond3A_201 {
            %dma_wait3A_228 = arith.constant 0 : i32
            %dma_wait3A_229 = arith.constant 0 : i32
            %dma_wait3A_230 = arith.constant 0 : i32
            %dma_wait3A_231 = arith.constant 0 : i32
            %dma_wait3A_232 = tpu.memref_slice %run_scoped3A_5[%dma_wait3A_228, %dma_wait3A_230, %dma_wait3A_231] : memref<4x40x128xf32, #tpu.memory_space<vmem>> -> memref<1x40x128xf32, #tpu.memory_space<vmem>>
            %dma_wait3A_233 = tpu.memref_squeeze %dma_wait3A_232 : memref<1x40x128xf32, #tpu.memory_space<vmem>> -> memref<40x128xf32, #tpu.memory_space<vmem>>
            %dma_wait3A_234 = arith.constant 0 : i32
            %dma_wait3A_235 = tpu.memref_slice %arg5[%dma_wait3A_234, %mul3A_2] : memref<1000x4096xf32, #tpu.memory_space<hbm>> -> memref<40x128xf32, #tpu.memory_space<hbm>>
            %dma_wait3A_236 = tpu.memref_slice %arg8[%dma_wait3A_229] : memref<4x!tpu.dma_semaphore, #tpu.memory_space<semaphore_mem>> -> memref<1x!tpu.dma_semaphore, #tpu.memory_space<semaphore_mem>>
            %dma_wait3A_237 = tpu.memref_squeeze %dma_wait3A_236 : memref<1x!tpu.dma_semaphore, #tpu.memory_space<semaphore_mem>> -> memref<!tpu.dma_semaphore, #tpu.memory_space<semaphore_mem>>
            %dma_wait3A_238 = arith.constant 0 : i32
            %dma_wait3A_239 = tpu.memref_slice %arg5[%dma_wait3A_238, %mul3A_2] : memref<1000x4096xf32, #tpu.memory_space<hbm>> -> memref<40x128xf32, #tpu.memory_space<hbm>>
            %dma_wait3A_240 = arith.constant 0 : i32
            %dma_wait3A_241 = arith.constant 0 : i32
            %dma_wait3A_242 = tpu.memref_slice %run_scoped3A_5[%dma_wait3A_228, %dma_wait3A_240, %dma_wait3A_241] : memref<4x40x128xf32, #tpu.memory_space<vmem>> -> memref<1x40x128xf32, #tpu.memory_space<vmem>>
            %dma_wait3A_243 = tpu.memref_squeeze %dma_wait3A_242 : memref<1x40x128xf32, #tpu.memory_space<vmem>> -> memref<40x128xf32, #tpu.memory_space<vmem>>
            tpu.wait_dma2 semaphore(%dma_wait3A_237 : memref<!tpu.dma_semaphore, #tpu.memory_space<semaphore_mem>>) src(%dma_wait3A_243 : memref<40x128xf32, #tpu.memory_space<vmem>>) dst(%dma_wait3A_239 : memref<40x128xf32, #tpu.memory_space<hbm>>)
          } else {
          }
          %parallel_loop3A_202 = arith.constant 0 : i32
          %parallel_loop3A_203 = arith.constant 40 : i32
          %parallel_loop3A_204 = arith.constant 1 : i32
          scf.for %parallel_loop3A_228 = %parallel_loop3A_202 to %parallel_loop3A_203 step %parallel_loop3A_204  : i32 {
            %parallel_loop3A_229 = arith.constant 0 : i32
            %parallel_loop3A_230 = vector.broadcast %parallel_loop3A_229 : i32 to vector<16xi32>
            %parallel_loop3A_231 = arith.addi %parallel_loop3A_230, %iota3A : vector<16xi32>
            %parallel_loop3A_232 = arith.constant 0 : i32
            %parallel_loop3A_233 = arith.index_cast %parallel_loop3A_232 : i32 to index
            %parallel_loop3A_234 = arith.index_cast %parallel_loop3A_228 : i32 to index
            %parallel_loop3A_235 = arith.constant 0 : index
            %parallel_loop3A_236 = tpu.vector_load %run_scoped3A_4[%parallel_loop3A_233, %parallel_loop3A_234, %parallel_loop3A_235] {strides = array<i32>} : memref<4x40x128xi32, #tpu.memory_space<vmem>>, vector<16xi32>,
            %parallel_loop3A_237 = tpu.vector_load_idx %arg6[%parallel_loop3A_236] : memref<1000xf32, #tpu.memory_space<vmem>>[vector<16xi32>], vector<16xf32>,
            %parallel_loop3A_238 = arith.constant 0 : i32
            %parallel_loop3A_239 = arith.index_cast %parallel_loop3A_238 : i32 to index
            %parallel_loop3A_240 = arith.index_cast %parallel_loop3A_228 : i32 to index
            %parallel_loop3A_241 = arith.constant 0 : index
            %parallel_loop3A_242 = tpu.vector_load %run_scoped3A_5[%parallel_loop3A_239, %parallel_loop3A_240, %parallel_loop3A_241] {strides = array<i32>} : memref<4x40x128xf32, #tpu.memory_space<vmem>>, vector<16xf32>,
            tpu.vector_store %run_scoped3A_5[%parallel_loop3A_239, %parallel_loop3A_240, %parallel_loop3A_241], %parallel_loop3A_237 {strides = array<i32>} : memref<4x40x128xf32, #tpu.memory_space<vmem>>, vector<16xf32>,
            %parallel_loop3A_243 = arith.constant 504 : i32
            %parallel_loop3A_244 = vector.broadcast %parallel_loop3A_243 : i32 to vector<16xi32>
            %parallel_loop3A_245 = arith.cmpi slt, %parallel_loop3A_236, %parallel_loop3A_244 : vector<16xi32>
            %parallel_loop3A_246 = arith.constant 0 : i32
            %parallel_loop3A_247 = vector.broadcast %parallel_loop3A_246 : i32 to vector<16xi32>
            %parallel_loop3A_248 = arith.select %parallel_loop3A_245, %parallel_loop3A_236, %parallel_loop3A_247 : vector<16xi1>, vector<16xi32>
            %parallel_loop3A_249 = arith.constant 0.000000e+00 : f32
            %parallel_loop3A_250 = vector.broadcast %parallel_loop3A_249 : f32 to vector<16xf32>
            %parallel_loop3A_251 = arith.select %parallel_loop3A_245, %parallel_loop3A_237, %parallel_loop3A_250 : vector<16xi1>, vector<16xf32>
            tpu.vector_store_idx %run_scoped3A[%parallel_loop3A_248, %parallel_loop3A_231], %parallel_loop3A_251 {add = true} : memref<504x128xf32, #tpu.memory_space<vmem>>[vector<16xi32>, vector<16xi32>], vector<16xf32>,
            %parallel_loop3A_252 = arith.constant 16 : i32
            %parallel_loop3A_253 = vector.broadcast %parallel_loop3A_252 : i32 to vector<16xi32>
            %parallel_loop3A_254 = arith.addi %parallel_loop3A_253, %iota3A : vector<16xi32>
            %parallel_loop3A_255 = arith.constant 0 : i32
            %parallel_loop3A_256 = arith.index_cast %parallel_loop3A_255 : i32 to index
            %parallel_loop3A_257 = arith.index_cast %parallel_loop3A_228 : i32 to index
            %parallel_loop3A_258 = arith.constant 16 : index
            %parallel_loop3A_259 = tpu.vector_load %run_scoped3A_4[%parallel_loop3A_256, %parallel_loop3A_257, %parallel_loop3A_258] {strides = array<i32>} : memref<4x40x128xi32, #tpu.memory_space<vmem>>, vector<16xi32>,
            %parallel_loop3A_260 = tpu.vector_load_idx %arg6[%parallel_loop3A_259] : memref<1000xf32, #tpu.memory_space<vmem>>[vector<16xi32>], vector<16xf32>,
            %parallel_loop3A_261 = arith.constant 0 : i32
            %parallel_loop3A_262 = arith.index_cast %parallel_loop3A_261 : i32 to index
            %parallel_loop3A_263 = arith.index_cast %parallel_loop3A_228 : i32 to index
            %parallel_loop3A_264 = arith.constant 16 : index
            %parallel_loop3A_265 = tpu.vector_load %run_scoped3A_5[%parallel_loop3A_262, %parallel_loop3A_263, %parallel_loop3A_264] {strides = array<i32>} : memref<4x40x128xf32, #tpu.memory_space<vmem>>, vector<16xf32>,
            tpu.vector_store %run_scoped3A_5[%parallel_loop3A_262, %parallel_loop3A_263, %parallel_loop3A_264], %parallel_loop3A_260 {strides = array<i32>} : memref<4x40x128xf32, #tpu.memory_space<vmem>>, vector<16xf32>,
            %parallel_loop3A_266 = arith.constant 504 : i32
            %parallel_loop3A_267 = vector.broadcast %parallel_loop3A_266 : i32 to vector<16xi32>
            %parallel_loop3A_268 = arith.cmpi slt, %parallel_loop3A_259, %parallel_loop3A_267 : vector<16xi32>
            %parallel_loop3A_269 = arith.constant 0 : i32
            %parallel_loop3A_270 = vector.broadcast %parallel_loop3A_269 : i32 to vector<16xi32>
            %parallel_loop3A_271 = arith.select %parallel_loop3A_268, %parallel_loop3A_259, %parallel_loop3A_270 : vector<16xi1>, vector<16xi32>
            %parallel_loop3A_272 = arith.constant 0.000000e+00 : f32
            %parallel_loop3A_273 = vector.broadcast %parallel_loop3A_272 : f32 to vector<16xf32>
            %parallel_loop3A_274 = arith.select %parallel_loop3A_268, %parallel_loop3A_260, %parallel_loop3A_273 : vector<16xi1>, vector<16xf32>
            tpu.vector_store_idx %run_scoped3A[%parallel_loop3A_271, %parallel_loop3A_254], %parallel_loop3A_274 {add = true} : memref<504x128xf32, #tpu.memory_space<vmem>>[vector<16xi32>, vector<16xi32>], vector<16xf32>,
            %parallel_loop3A_275 = arith.constant 32 : i32
            %parallel_loop3A_276 = vector.broadcast %parallel_loop3A_275 : i32 to vector<16xi32>
            %parallel_loop3A_277 = arith.addi %parallel_loop3A_276, %iota3A : vector<16xi32>
            %parallel_loop3A_278 = arith.constant 0 : i32
            %parallel_loop3A_279 = arith.index_cast %parallel_loop3A_278 : i32 to index
            %parallel_loop3A_280 = arith.index_cast %parallel_loop3A_228 : i32 to index
            %parallel_loop3A_281 = arith.constant 32 : index
            %parallel_loop3A_282 = tpu.vector_load %run_scoped3A_4[%parallel_loop3A_279, %parallel_loop3A_280, %parallel_loop3A_281] {strides = array<i32>} : memref<4x40x128xi32, #tpu.memory_space<vmem>>, vector<16xi32>,
            %parallel_loop3A_283 = tpu.vector_load_idx %arg6[%parallel_loop3A_282] : memref<1000xf32, #tpu.memory_space<vmem>>[vector<16xi32>], vector<16xf32>,
            %parallel_loop3A_284 = arith.constant 0 : i32
            %parallel_loop3A_285 = arith.index_cast %parallel_loop3A_284 : i32 to index
            %parallel_loop3A_286 = arith.index_cast %parallel_loop3A_228 : i32 to index
            %parallel_loop3A_287 = arith.constant 32 : index
            %parallel_loop3A_288 = tpu.vector_load %run_scoped3A_5[%parallel_loop3A_285, %parallel_loop3A_286, %parallel_loop3A_287] {strides = array<i32>} : memref<4x40x128xf32, #tpu.memory_space<vmem>>, vector<16xf32>,
            tpu.vector_store %run_scoped3A_5[%parallel_loop3A_285, %parallel_loop3A_286, %parallel_loop3A_287], %parallel_loop3A_283 {strides = array<i32>} : memref<4x40x128xf32, #tpu.memory_space<vmem>>, vector<16xf32>,
            %parallel_loop3A_289 = arith.constant 504 : i32
            %parallel_loop3A_290 = vector.broadcast %parallel_loop3A_289 : i32 to vector<16xi32>
            %parallel_loop3A_291 = arith.cmpi slt, %parallel_loop3A_282, %parallel_loop3A_290 : vector<16xi32>
            %parallel_loop3A_292 = arith.constant 0 : i32
            %parallel_loop3A_293 = vector.broadcast %parallel_loop3A_292 : i32 to vector<16xi32>
            %parallel_loop3A_294 = arith.select %parallel_loop3A_291, %parallel_loop3A_282, %parallel_loop3A_293 : vector<16xi1>, vector<16xi32>
            %parallel_loop3A_295 = arith.constant 0.000000e+00 : f32
            %parallel_loop3A_296 = vector.broadcast %parallel_loop3A_295 : f32 to vector<16xf32>
            %parallel_loop3A_297 = arith.select %parallel_loop3A_291, %parallel_loop3A_283, %parallel_loop3A_296 : vector<16xi1>, vector<16xf32>
            tpu.vector_store_idx %run_scoped3A[%parallel_loop3A_294, %parallel_loop3A_277], %parallel_loop3A_297 {add = true} : memref<504x128xf32, #tpu.memory_space<vmem>>[vector<16xi32>, vector<16xi32>], vector<16xf32>,
            %parallel_loop3A_298 = arith.constant 48 : i32
            %parallel_loop3A_299 = vector.broadcast %parallel_loop3A_298 : i32 to vector<16xi32>
            %parallel_loop3A_300 = arith.addi %parallel_loop3A_299, %iota3A : vector<16xi32>
            %parallel_loop3A_301 = arith.constant 0 : i32
            %parallel_loop3A_302 = arith.index_cast %parallel_loop3A_301 : i32 to index
            %parallel_loop3A_303 = arith.index_cast %parallel_loop3A_228 : i32 to index
            %parallel_loop3A_304 = arith.constant 48 : index
            %parallel_loop3A_305 = tpu.vector_load %run_scoped3A_4[%parallel_loop3A_302, %parallel_loop3A_303, %parallel_loop3A_304] {strides = array<i32>} : memref<4x40x128xi32, #tpu.memory_space<vmem>>, vector<16xi32>,
            %parallel_loop3A_306 = tpu.vector_load_idx %arg6[%parallel_loop3A_305] : memref<1000xf32, #tpu.memory_space<vmem>>[vector<16xi32>], vector<16xf32>,
            %parallel_loop3A_307 = arith.constant 0 : i32
            %parallel_loop3A_308 = arith.index_cast %parallel_loop3A_307 : i32 to index
            %parallel_loop3A_309 = arith.index_cast %parallel_loop3A_228 : i32 to index
            %parallel_loop3A_310 = arith.constant 48 : index
            %parallel_loop3A_311 = tpu.vector_load %run_scoped3A_5[%parallel_loop3A_308, %parallel_loop3A_309, %parallel_loop3A_310] {strides = array<i32>} : memref<4x40x128xf32, #tpu.memory_space<vmem>>, vector<16xf32>,
            tpu.vector_store %run_scoped3A_5[%parallel_loop3A_308, %parallel_loop3A_309, %parallel_loop3A_310], %parallel_loop3A_306 {strides = array<i32>} : memref<4x40x128xf32, #tpu.memory_space<vmem>>, vector<16xf32>,
            %parallel_loop3A_312 = arith.constant 504 : i32
            %parallel_loop3A_313 = vector.broadcast %parallel_loop3A_312 : i32 to vector<16xi32>
            %parallel_loop3A_314 = arith.cmpi slt, %parallel_loop3A_305, %parallel_loop3A_313 : vector<16xi32>
            %parallel_loop3A_315 = arith.constant 0 : i32
            %parallel_loop3A_316 = vector.broadcast %parallel_loop3A_315 : i32 to vector<16xi32>
            %parallel_loop3A_317 = arith.select %parallel_loop3A_314, %parallel_loop3A_305, %parallel_loop3A_316 : vector<16xi1>, vector<16xi32>
            %parallel_loop3A_318 = arith.constant 0.000000e+00 : f32
            %parallel_loop3A_319 = vector.broadcast %parallel_loop3A_318 : f32 to vector<16xf32>
            %parallel_loop3A_320 = arith.select %parallel_loop3A_314, %parallel_loop3A_306, %parallel_loop3A_319 : vector<16xi1>, vector<16xf32>
            tpu.vector_store_idx %run_scoped3A[%parallel_loop3A_317, %parallel_loop3A_300], %parallel_loop3A_320 {add = true} : memref<504x128xf32, #tpu.memory_space<vmem>>[vector<16xi32>, vector<16xi32>], vector<16xf32>,
            %parallel_loop3A_321 = arith.constant 64 : i32
            %parallel_loop3A_322 = vector.broadcast %parallel_loop3A_321 : i32 to vector<16xi32>
            %parallel_loop3A_323 = arith.addi %parallel_loop3A_322, %iota3A : vector<16xi32>
            %parallel_loop3A_324 = arith.constant 0 : i32
            %parallel_loop3A_325 = arith.index_cast %parallel_loop3A_324 : i32 to index
            %parallel_loop3A_326 = arith.index_cast %parallel_loop3A_228 : i32 to index
            %parallel_loop3A_327 = arith.constant 64 : index
            %parallel_loop3A_328 = tpu.vector_load %run_scoped3A_4[%parallel_loop3A_325, %parallel_loop3A_326, %parallel_loop3A_327] {strides = array<i32>} : memref<4x40x128xi32, #tpu.memory_space<vmem>>, vector<16xi32>,
            %parallel_loop3A_329 = tpu.vector_load_idx %arg6[%parallel_loop3A_328] : memref<1000xf32, #tpu.memory_space<vmem>>[vector<16xi32>], vector<16xf32>,
            %parallel_loop3A_330 = arith.constant 0 : i32
            %parallel_loop3A_331 = arith.index_cast %parallel_loop3A_330 : i32 to index
            %parallel_loop3A_332 = arith.index_cast %parallel_loop3A_228 : i32 to index
            %parallel_loop3A_333 = arith.constant 64 : index
            %parallel_loop3A_334 = tpu.vector_load %run_scoped3A_5[%parallel_loop3A_331, %parallel_loop3A_332, %parallel_loop3A_333] {strides = array<i32>} : memref<4x40x128xf32, #tpu.memory_space<vmem>>, vector<16xf32>,
            tpu.vector_store %run_scoped3A_5[%parallel_loop3A_331, %parallel_loop3A_332, %parallel_loop3A_333], %parallel_loop3A_329 {strides = array<i32>} : memref<4x40x128xf32, #tpu.memory_space<vmem>>, vector<16xf32>,
            %parallel_loop3A_335 = arith.constant 504 : i32
            %parallel_loop3A_336 = vector.broadcast %parallel_loop3A_335 : i32 to vector<16xi32>
            %parallel_loop3A_337 = arith.cmpi slt, %parallel_loop3A_328, %parallel_loop3A_336 : vector<16xi32>
            %parallel_loop3A_338 = arith.constant 0 : i32
            %parallel_loop3A_339 = vector.broadcast %parallel_loop3A_338 : i32 to vector<16xi32>
            %parallel_loop3A_340 = arith.select %parallel_loop3A_337, %parallel_loop3A_328, %parallel_loop3A_339 : vector<16xi1>, vector<16xi32>
            %parallel_loop3A_341 = arith.constant 0.000000e+00 : f32
            %parallel_loop3A_342 = vector.broadcast %parallel_loop3A_341 : f32 to vector<16xf32>
            %parallel_loop3A_343 = arith.select %parallel_loop3A_337, %parallel_loop3A_329, %parallel_loop3A_342 : vector<16xi1>, vector<16xf32>
            tpu.vector_store_idx %run_scoped3A[%parallel_loop3A_340, %parallel_loop3A_323], %parallel_loop3A_343 {add = true} : memref<504x128xf32, #tpu.memory_space<vmem>>[vector<16xi32>, vector<16xi32>], vector<16xf32>,
            %parallel_loop3A_344 = arith.constant 80 : i32
            %parallel_loop3A_345 = vector.broadcast %parallel_loop3A_344 : i32 to vector<16xi32>
            %parallel_loop3A_346 = arith.addi %parallel_loop3A_345, %iota3A : vector<16xi32>
            %parallel_loop3A_347 = arith.constant 0 : i32
            %parallel_loop3A_348 = arith.index_cast %parallel_loop3A_347 : i32 to index
            %parallel_loop3A_349 = arith.index_cast %parallel_loop3A_228 : i32 to index
            %parallel_loop3A_350 = arith.constant 80 : index
            %parallel_loop3A_351 = tpu.vector_load %run_scoped3A_4[%parallel_loop3A_348, %parallel_loop3A_349, %parallel_loop3A_350] {strides = array<i32>} : memref<4x40x128xi32, #tpu.memory_space<vmem>>, vector<16xi32>,
            %parallel_loop3A_352 = tpu.vector_load_idx %arg6[%parallel_loop3A_351] : memref<1000xf32, #tpu.memory_space<vmem>>[vector<16xi32>], vector<16xf32>,
            %parallel_loop3A_353 = arith.constant 0 : i32
            %parallel_loop3A_354 = arith.index_cast %parallel_loop3A_353 : i32 to index
            %parallel_loop3A_355 = arith.index_cast %parallel_loop3A_228 : i32 to index
            %parallel_loop3A_356 = arith.constant 80 : index
            %parallel_loop3A_357 = tpu.vector_load %run_scoped3A_5[%parallel_loop3A_354, %parallel_loop3A_355, %parallel_loop3A_356] {strides = array<i32>} : memref<4x40x128xf32, #tpu.memory_space<vmem>>, vector<16xf32>,
            tpu.vector_store %run_scoped3A_5[%parallel_loop3A_354, %parallel_loop3A_355, %parallel_loop3A_356], %parallel_loop3A_352 {strides = array<i32>} : memref<4x40x128xf32, #tpu.memory_space<vmem>>, vector<16xf32>,
            %parallel_loop3A_358 = arith.constant 504 : i32
            %parallel_loop3A_359 = vector.broadcast %parallel_loop3A_358 : i32 to vector<16xi32>
            %parallel_loop3A_360 = arith.cmpi slt, %parallel_loop3A_351, %parallel_loop3A_359 : vector<16xi32>
            %parallel_loop3A_361 = arith.constant 0 : i32
            %parallel_loop3A_362 = vector.broadcast %parallel_loop3A_361 : i32 to vector<16xi32>
            %parallel_loop3A_363 = arith.select %parallel_loop3A_360, %parallel_loop3A_351, %parallel_loop3A_362 : vector<16xi1>, vector<16xi32>
            %parallel_loop3A_364 = arith.constant 0.000000e+00 : f32
            %parallel_loop3A_365 = vector.broadcast %parallel_loop3A_364 : f32 to vector<16xf32>
            %parallel_loop3A_366 = arith.select %parallel_loop3A_360, %parallel_loop3A_352, %parallel_loop3A_365 : vector<16xi1>, vector<16xf32>
            tpu.vector_store_idx %run_scoped3A[%parallel_loop3A_363, %parallel_loop3A_346], %parallel_loop3A_366 {add = true} : memref<504x128xf32, #tpu.memory_space<vmem>>[vector<16xi32>, vector<16xi32>], vector<16xf32>,
            %parallel_loop3A_367 = arith.constant 96 : i32
            %parallel_loop3A_368 = vector.broadcast %parallel_loop3A_367 : i32 to vector<16xi32>
            %parallel_loop3A_369 = arith.addi %parallel_loop3A_368, %iota3A : vector<16xi32>
            %parallel_loop3A_370 = arith.constant 0 : i32
            %parallel_loop3A_371 = arith.index_cast %parallel_loop3A_370 : i32 to index
            %parallel_loop3A_372 = arith.index_cast %parallel_loop3A_228 : i32 to index
            %parallel_loop3A_373 = arith.constant 96 : index
            %parallel_loop3A_374 = tpu.vector_load %run_scoped3A_4[%parallel_loop3A_371, %parallel_loop3A_372, %parallel_loop3A_373] {strides = array<i32>} : memref<4x40x128xi32, #tpu.memory_space<vmem>>, vector<16xi32>,
            %parallel_loop3A_375 = tpu.vector_load_idx %arg6[%parallel_loop3A_374] : memref<1000xf32, #tpu.memory_space<vmem>>[vector<16xi32>], vector<16xf32>,
            %parallel_loop3A_376 = arith.constant 0 : i32
            %parallel_loop3A_377 = arith.index_cast %parallel_loop3A_376 : i32 to index
            %parallel_loop3A_378 = arith.index_cast %parallel_loop3A_228 : i32 to index
            %parallel_loop3A_379 = arith.constant 96 : index
            %parallel_loop3A_380 = tpu.vector_load %run_scoped3A_5[%parallel_loop3A_377, %parallel_loop3A_378, %parallel_loop3A_379] {strides = array<i32>} : memref<4x40x128xf32, #tpu.memory_space<vmem>>, vector<16xf32>,
            tpu.vector_store %run_scoped3A_5[%parallel_loop3A_377, %parallel_loop3A_378, %parallel_loop3A_379], %parallel_loop3A_375 {strides = array<i32>} : memref<4x40x128xf32, #tpu.memory_space<vmem>>, vector<16xf32>,
            %parallel_loop3A_381 = arith.constant 504 : i32
            %parallel_loop3A_382 = vector.broadcast %parallel_loop3A_381 : i32 to vector<16xi32>
            %parallel_loop3A_383 = arith.cmpi slt, %parallel_loop3A_374, %parallel_loop3A_382 : vector<16xi32>
            %parallel_loop3A_384 = arith.constant 0 : i32
            %parallel_loop3A_385 = vector.broadcast %parallel_loop3A_384 : i32 to vector<16xi32>
            %parallel_loop3A_386 = arith.select %parallel_loop3A_383, %parallel_loop3A_374, %parallel_loop3A_385 : vector<16xi1>, vector<16xi32>
            %parallel_loop3A_387 = arith.constant 0.000000e+00 : f32
            %parallel_loop3A_388 = vector.broadcast %parallel_loop3A_387 : f32 to vector<16xf32>
            %parallel_loop3A_389 = arith.select %parallel_loop3A_383, %parallel_loop3A_375, %parallel_loop3A_388 : vector<16xi1>, vector<16xf32>
            tpu.vector_store_idx %run_scoped3A[%parallel_loop3A_386, %parallel_loop3A_369], %parallel_loop3A_389 {add = true} : memref<504x128xf32, #tpu.memory_space<vmem>>[vector<16xi32>, vector<16xi32>], vector<16xf32>,
            %parallel_loop3A_390 = arith.constant 112 : i32
            %parallel_loop3A_391 = vector.broadcast %parallel_loop3A_390 : i32 to vector<16xi32>
            %parallel_loop3A_392 = arith.addi %parallel_loop3A_391, %iota3A : vector<16xi32>
            %parallel_loop3A_393 = arith.constant 0 : i32
            %parallel_loop3A_394 = arith.index_cast %parallel_loop3A_393 : i32 to index
            %parallel_loop3A_395 = arith.index_cast %parallel_loop3A_228 : i32 to index
            %parallel_loop3A_396 = arith.constant 112 : index
            %parallel_loop3A_397 = tpu.vector_load %run_scoped3A_4[%parallel_loop3A_394, %parallel_loop3A_395, %parallel_loop3A_396] {strides = array<i32>} : memref<4x40x128xi32, #tpu.memory_space<vmem>>, vector<16xi32>,
            %parallel_loop3A_398 = tpu.vector_load_idx %arg6[%parallel_loop3A_397] : memref<1000xf32, #tpu.memory_space<vmem>>[vector<16xi32>], vector<16xf32>,
            %parallel_loop3A_399 = arith.constant 0 : i32
            %parallel_loop3A_400 = arith.index_cast %parallel_loop3A_399 : i32 to index
            %parallel_loop3A_401 = arith.index_cast %parallel_loop3A_228 : i32 to index
            %parallel_loop3A_402 = arith.constant 112 : index
            %parallel_loop3A_403 = tpu.vector_load %run_scoped3A_5[%parallel_loop3A_400, %parallel_loop3A_401, %parallel_loop3A_402] {strides = array<i32>} : memref<4x40x128xf32, #tpu.memory_space<vmem>>, vector<16xf32>,
            tpu.vector_store %run_scoped3A_5[%parallel_loop3A_400, %parallel_loop3A_401, %parallel_loop3A_402], %parallel_loop3A_398 {strides = array<i32>} : memref<4x40x128xf32, #tpu.memory_space<vmem>>, vector<16xf32>,
            %parallel_loop3A_404 = arith.constant 504 : i32
            %parallel_loop3A_405 = vector.broadcast %parallel_loop3A_404 : i32 to vector<16xi32>
            %parallel_loop3A_406 = arith.cmpi slt, %parallel_loop3A_397, %parallel_loop3A_405 : vector<16xi32>
            %parallel_loop3A_407 = arith.constant 0 : i32
            %parallel_loop3A_408 = vector.broadcast %parallel_loop3A_407 : i32 to vector<16xi32>
            %parallel_loop3A_409 = arith.select %parallel_loop3A_406, %parallel_loop3A_397, %parallel_loop3A_408 : vector<16xi1>, vector<16xi32>
            %parallel_loop3A_410 = arith.constant 0.000000e+00 : f32
            %parallel_loop3A_411 = vector.broadcast %parallel_loop3A_410 : f32 to vector<16xf32>
            %parallel_loop3A_412 = arith.select %parallel_loop3A_406, %parallel_loop3A_398, %parallel_loop3A_411 : vector<16xi1>, vector<16xf32>
            tpu.vector_store_idx %run_scoped3A[%parallel_loop3A_409, %parallel_loop3A_392], %parallel_loop3A_412 {add = true} : memref<504x128xf32, #tpu.memory_space<vmem>>[vector<16xi32>, vector<16xi32>], vector<16xf32>,
          } {sc.loop_unroll_factor = 2 : i64, sc.parallel_access}
          %mul3A_205 = arith.constant 40 : i32
          %mul3A_206 = arith.muli %add3A_152, %mul3A_205 : i32
          %dma_start3A_207 = arith.constant 0 : i32
          %dma_start3A_208 = arith.constant 0 : i32
          %dma_start3A_209 = arith.constant 0 : i32
          %dma_start3A_210 = arith.constant 0 : i32
          %dma_start3A_211 = tpu.memref_slice %run_scoped3A_5[%dma_start3A_207, %dma_start3A_209, %dma_start3A_210] : memref<4x40x128xf32, #tpu.memory_space<vmem>> -> memref<1x40x128xf32, #tpu.memory_space<vmem>>
          %dma_start3A_212 = tpu.memref_squeeze %dma_start3A_211 : memref<1x40x128xf32, #tpu.memory_space<vmem>> -> memref<40x128xf32, #tpu.memory_space<vmem>>
          %dma_start3A_213 = tpu.memref_slice %arg5[%mul3A_206, %mul3A_2] : memref<1000x4096xf32, #tpu.memory_space<hbm>> -> memref<40x128xf32, #tpu.memory_space<hbm>>
          %dma_start3A_214 = tpu.memref_slice %arg8[%dma_start3A_208] : memref<4x!tpu.dma_semaphore, #tpu.memory_space<semaphore_mem>> -> memref<1x!tpu.dma_semaphore, #tpu.memory_space<semaphore_mem>>
          %dma_start3A_215 = tpu.memref_squeeze %dma_start3A_214 : memref<1x!tpu.dma_semaphore, #tpu.memory_space<semaphore_mem>> -> memref<!tpu.dma_semaphore, #tpu.memory_space<semaphore_mem>>
          %dma_start3A_216 = tpu.memref_slice %arg5[%mul3A_206, %mul3A_2] : memref<1000x4096xf32, #tpu.memory_space<hbm>> -> memref<40x128xf32, #tpu.memory_space<hbm>>
          %dma_start3A_217 = arith.constant 0 : i32
          %dma_start3A_218 = arith.constant 0 : i32
          %dma_start3A_219 = tpu.memref_slice %run_scoped3A_5[%dma_start3A_207, %dma_start3A_217, %dma_start3A_218] : memref<4x40x128xf32, #tpu.memory_space<vmem>> -> memref<1x40x128xf32, #tpu.memory_space<vmem>>
          %dma_start3A_220 = tpu.memref_squeeze %dma_start3A_219 : memref<1x40x128xf32, #tpu.memory_space<vmem>> -> memref<40x128xf32, #tpu.memory_space<vmem>>
          tpu.enqueue_dma source(%dma_start3A_220 : memref<40x128xf32, #tpu.memory_space<vmem>>) target(%dma_start3A_216 : memref<40x128xf32, #tpu.memory_space<hbm>>) target_semaphore(%dma_start3A_215 : memref<!tpu.dma_semaphore, #tpu.memory_space<semaphore_mem>>)
          %add3A_221 = arith.constant 2 : i32
          %add3A_222 = arith.addi %add3A_152, %add3A_221 : i32
          %lt3A_223 = arith.constant 25 : i32
          %lt3A_224 = arith.cmpi slt, %add3A_222, %lt3A_223 : i32
          %convert_element_type3A_225 = arith.extui %lt3A_224 : i1 to i32
          %cond3A_226 = arith.constant 0 : i32
          %cond3A_227 = arith.cmpi ne, %convert_element_type3A_225, %cond3A_226 : i32
          scf.if %cond3A_227 {
            %add3A_228 = arith.constant 2 : i32
            %add3A_229 = arith.addi %add3A_152, %add3A_228 : i32
            %mul3A_230 = arith.constant 40 : i32
            %mul3A_231 = arith.muli %add3A_229, %mul3A_230 : i32
            %dma_start3A_232 = arith.constant 2 : i32
            %dma_start3A_233 = arith.constant 2 : i32
            %dma_start3A_234 = arith.constant 0 : i32
            %dma_start3A_235 = arith.constant 0 : i32
            %dma_start3A_236 = tpu.memref_slice %run_scoped3A_4[%dma_start3A_232, %dma_start3A_234, %dma_start3A_235] : memref<4x40x128xi32, #tpu.memory_space<vmem>> -> memref<1x40x128xi32, #tpu.memory_space<vmem>>
            %dma_start3A_237 = tpu.memref_squeeze %dma_start3A_236 : memref<1x40x128xi32, #tpu.memory_space<vmem>> -> memref<40x128xi32, #tpu.memory_space<vmem>>
            %dma_start3A_238 = tpu.memref_slice %arg2[%mul3A_231, %mul3A_2] : memref<1000x4096xi32, #tpu.memory_space<hbm>> -> memref<40x128xi32, #tpu.memory_space<hbm>>
            %dma_start3A_239 = tpu.memref_slice %arg7[%dma_start3A_233] : memref<4x!tpu.dma_semaphore, #tpu.memory_space<semaphore_mem>> -> memref<1x!tpu.dma_semaphore, #tpu.memory_space<semaphore_mem>>
            %dma_start3A_240 = tpu.memref_squeeze %dma_start3A_239 : memref<1x!tpu.dma_semaphore, #tpu.memory_space<semaphore_mem>> -> memref<!tpu.dma_semaphore, #tpu.memory_space<semaphore_mem>>
            %dma_start3A_241 = arith.constant 0 : i32
            %dma_start3A_242 = arith.constant 0 : i32
            %dma_start3A_243 = tpu.memref_slice %run_scoped3A_4[%dma_start3A_232, %dma_start3A_241, %dma_start3A_242] : memref<4x40x128xi32, #tpu.memory_space<vmem>> -> memref<1x40x128xi32, #tpu.memory_space<vmem>>
            %dma_start3A_244 = tpu.memref_squeeze %dma_start3A_243 : memref<1x40x128xi32, #tpu.memory_space<vmem>> -> memref<40x128xi32, #tpu.memory_space<vmem>>
            %dma_start3A_245 = tpu.memref_slice %arg2[%mul3A_231, %mul3A_2] : memref<1000x4096xi32, #tpu.memory_space<hbm>> -> memref<40x128xi32, #tpu.memory_space<hbm>>
            tpu.enqueue_dma source(%dma_start3A_245 : memref<40x128xi32, #tpu.memory_space<hbm>>) target(%dma_start3A_244 : memref<40x128xi32, #tpu.memory_space<vmem>>) target_semaphore(%dma_start3A_240 : memref<!tpu.dma_semaphore, #tpu.memory_space<semaphore_mem>>)
          } else {
          }
        } else {
        }
        %mul3A_155 = arith.constant 4 : i32
        %mul3A_156 = arith.muli %scan3A_148, %mul3A_155 : i32
        %add3A_157 = arith.constant 1 : i32
        %add3A_158 = arith.addi %mul3A_156, %add3A_157 : i32
        %lt3A_159 = arith.constant 25 : i32
        %lt3A_160 = arith.cmpi slt, %add3A_158, %lt3A_159 : i32
        %convert_element_type3A_161 = arith.extui %lt3A_160 : i1 to i32
        %cond3A_162 = arith.constant 0 : i32
        %cond3A_163 = arith.cmpi ne, %convert_element_type3A_161, %cond3A_162 : i32
        scf.if %cond3A_163 {
          %dma_wait3A_182 = arith.constant 1 : i32
          %dma_wait3A_183 = arith.constant 1 : i32
          %dma_wait3A_184 = arith.constant 0 : i32
          %dma_wait3A_185 = arith.constant 0 : i32
          %dma_wait3A_186 = tpu.memref_slice %run_scoped3A_4[%dma_wait3A_182, %dma_wait3A_184, %dma_wait3A_185] : memref<4x40x128xi32, #tpu.memory_space<vmem>> -> memref<1x40x128xi32, #tpu.memory_space<vmem>>
          %dma_wait3A_187 = tpu.memref_squeeze %dma_wait3A_186 : memref<1x40x128xi32, #tpu.memory_space<vmem>> -> memref<40x128xi32, #tpu.memory_space<vmem>>
          %dma_wait3A_188 = arith.constant 0 : i32
          %dma_wait3A_189 = tpu.memref_slice %arg2[%dma_wait3A_188, %mul3A_2] : memref<1000x4096xi32, #tpu.memory_space<hbm>> -> memref<40x128xi32, #tpu.memory_space<hbm>>
          %dma_wait3A_190 = tpu.memref_slice %arg7[%dma_wait3A_183] : memref<4x!tpu.dma_semaphore, #tpu.memory_space<semaphore_mem>> -> memref<1x!tpu.dma_semaphore, #tpu.memory_space<semaphore_mem>>
          %dma_wait3A_191 = tpu.memref_squeeze %dma_wait3A_190 : memref<1x!tpu.dma_semaphore, #tpu.memory_space<semaphore_mem>> -> memref<!tpu.dma_semaphore, #tpu.memory_space<semaphore_mem>>
          %dma_wait3A_192 = arith.constant 0 : i32
          %dma_wait3A_193 = arith.constant 0 : i32
          %dma_wait3A_194 = tpu.memref_slice %run_scoped3A_4[%dma_wait3A_182, %dma_wait3A_192, %dma_wait3A_193] : memref<4x40x128xi32, #tpu.memory_space<vmem>> -> memref<1x40x128xi32, #tpu.memory_space<vmem>>
          %dma_wait3A_195 = tpu.memref_squeeze %dma_wait3A_194 : memref<1x40x128xi32, #tpu.memory_space<vmem>> -> memref<40x128xi32, #tpu.memory_space<vmem>>
          %dma_wait3A_196 = arith.constant 0 : i32
          %dma_wait3A_197 = tpu.memref_slice %arg2[%dma_wait3A_196, %mul3A_2] : memref<1000x4096xi32, #tpu.memory_space<hbm>> -> memref<40x128xi32, #tpu.memory_space<hbm>>
          tpu.wait_dma2 semaphore(%dma_wait3A_191 : memref<!tpu.dma_semaphore, #tpu.memory_space<semaphore_mem>>) src(%dma_wait3A_197 : memref<40x128xi32, #tpu.memory_space<hbm>>) dst(%dma_wait3A_195 : memref<40x128xi32, #tpu.memory_space<vmem>>)
          %ge3A = arith.constant 4 : i32
          %ge3A_198 = arith.cmpi sge, %add3A_158, %ge3A : i32
          %convert_element_type3A_199 = arith.extui %ge3A_198 : i1 to i32
          %cond3A_200 = arith.constant 0 : i32
          %cond3A_201 = arith.cmpi ne, %convert_element_type3A_199, %cond3A_200 : i32
          scf.if %cond3A_201 {
            %dma_wait3A_228 = arith.constant 1 : i32
            %dma_wait3A_229 = arith.constant 1 : i32
            %dma_wait3A_230 = arith.constant 0 : i32
            %dma_wait3A_231 = arith.constant 0 : i32
            %dma_wait3A_232 = tpu.memref_slice %run_scoped3A_5[%dma_wait3A_228, %dma_wait3A_230, %dma_wait3A_231] : memref<4x40x128xf32, #tpu.memory_space<vmem>> -> memref<1x40x128xf32, #tpu.memory_space<vmem>>
            %dma_wait3A_233 = tpu.memref_squeeze %dma_wait3A_232 : memref<1x40x128xf32, #tpu.memory_space<vmem>> -> memref<40x128xf32, #tpu.memory_space<vmem>>
            %dma_wait3A_234 = arith.constant 0 : i32
            %dma_wait3A_235 = tpu.memref_slice %arg5[%dma_wait3A_234, %mul3A_2] : memref<1000x4096xf32, #tpu.memory_space<hbm>> -> memref<40x128xf32, #tpu.memory_space<hbm>>
            %dma_wait3A_236 = tpu.memref_slice %arg8[%dma_wait3A_229] : memref<4x!tpu.dma_semaphore, #tpu.memory_space<semaphore_mem>> -> memref<1x!tpu.dma_semaphore, #tpu.memory_space<semaphore_mem>>
            %dma_wait3A_237 = tpu.memref_squeeze %dma_wait3A_236 : memref<1x!tpu.dma_semaphore, #tpu.memory_space<semaphore_mem>> -> memref<!tpu.dma_semaphore, #tpu.memory_space<semaphore_mem>>
            %dma_wait3A_238 = arith.constant 0 : i32
            %dma_wait3A_239 = tpu.memref_slice %arg5[%dma_wait3A_238, %mul3A_2] : memref<1000x4096xf32, #tpu.memory_space<hbm>> -> memref<40x128xf32, #tpu.memory_space<hbm>>
            %dma_wait3A_240 = arith.constant 0 : i32
            %dma_wait3A_241 = arith.constant 0 : i32
            %dma_wait3A_242 = tpu.memref_slice %run_scoped3A_5[%dma_wait3A_228, %dma_wait3A_240, %dma_wait3A_241] : memref<4x40x128xf32, #tpu.memory_space<vmem>> -> memref<1x40x128xf32, #tpu.memory_space<vmem>>
            %dma_wait3A_243 = tpu.memref_squeeze %dma_wait3A_242 : memref<1x40x128xf32, #tpu.memory_space<vmem>> -> memref<40x128xf32, #tpu.memory_space<vmem>>
            tpu.wait_dma2 semaphore(%dma_wait3A_237 : memref<!tpu.dma_semaphore, #tpu.memory_space<semaphore_mem>>) src(%dma_wait3A_243 : memref<40x128xf32, #tpu.memory_space<vmem>>) dst(%dma_wait3A_239 : memref<40x128xf32, #tpu.memory_space<hbm>>)
          } else {
          }
          %parallel_loop3A_202 = arith.constant 0 : i32
          %parallel_loop3A_203 = arith.constant 40 : i32
          %parallel_loop3A_204 = arith.constant 1 : i32
          scf.for %parallel_loop3A_228 = %parallel_loop3A_202 to %parallel_loop3A_203 step %parallel_loop3A_204  : i32 {
            %parallel_loop3A_229 = arith.constant 0 : i32
            %parallel_loop3A_230 = vector.broadcast %parallel_loop3A_229 : i32 to vector<16xi32>
            %parallel_loop3A_231 = arith.addi %parallel_loop3A_230, %iota3A : vector<16xi32>
            %parallel_loop3A_232 = arith.constant 1 : i32
            %parallel_loop3A_233 = arith.index_cast %parallel_loop3A_232 : i32 to index
            %parallel_loop3A_234 = arith.index_cast %parallel_loop3A_228 : i32 to index
            %parallel_loop3A_235 = arith.constant 0 : index
            %parallel_loop3A_236 = tpu.vector_load %run_scoped3A_4[%parallel_loop3A_233, %parallel_loop3A_234, %parallel_loop3A_235] {strides = array<i32>} : memref<4x40x128xi32, #tpu.memory_space<vmem>>, vector<16xi32>,
            %parallel_loop3A_237 = tpu.vector_load_idx %arg6[%parallel_loop3A_236] : memref<1000xf32, #tpu.memory_space<vmem>>[vector<16xi32>], vector<16xf32>,
            %parallel_loop3A_238 = arith.constant 1 : i32
            %parallel_loop3A_239 = arith.index_cast %parallel_loop3A_238 : i32 to index
            %parallel_loop3A_240 = arith.index_cast %parallel_loop3A_228 : i32 to index
            %parallel_loop3A_241 = arith.constant 0 : index
            %parallel_loop3A_242 = tpu.vector_load %run_scoped3A_5[%parallel_loop3A_239, %parallel_loop3A_240, %parallel_loop3A_241] {strides = array<i32>} : memref<4x40x128xf32, #tpu.memory_space<vmem>>, vector<16xf32>,
            tpu.vector_store %run_scoped3A_5[%parallel_loop3A_239, %parallel_loop3A_240, %parallel_loop3A_241], %parallel_loop3A_237 {strides = array<i32>} : memref<4x40x128xf32, #tpu.memory_space<vmem>>, vector<16xf32>,
            %parallel_loop3A_243 = arith.constant 504 : i32
            %parallel_loop3A_244 = vector.broadcast %parallel_loop3A_243 : i32 to vector<16xi32>
            %parallel_loop3A_245 = arith.cmpi slt, %parallel_loop3A_236, %parallel_loop3A_244 : vector<16xi32>
            %parallel_loop3A_246 = arith.constant 0 : i32
            %parallel_loop3A_247 = vector.broadcast %parallel_loop3A_246 : i32 to vector<16xi32>
            %parallel_loop3A_248 = arith.select %parallel_loop3A_245, %parallel_loop3A_236, %parallel_loop3A_247 : vector<16xi1>, vector<16xi32>
            %parallel_loop3A_249 = arith.constant 0.000000e+00 : f32
            %parallel_loop3A_250 = vector.broadcast %parallel_loop3A_249 : f32 to vector<16xf32>
            %parallel_loop3A_251 = arith.select %parallel_loop3A_245, %parallel_loop3A_237, %parallel_loop3A_250 : vector<16xi1>, vector<16xf32>
            tpu.vector_store_idx %run_scoped3A[%parallel_loop3A_248, %parallel_loop3A_231], %parallel_loop3A_251 {add = true} : memref<504x128xf32, #tpu.memory_space<vmem>>[vector<16xi32>, vector<16xi32>], vector<16xf32>,
            %parallel_loop3A_252 = arith.constant 16 : i32
            %parallel_loop3A_253 = vector.broadcast %parallel_loop3A_252 : i32 to vector<16xi32>
            %parallel_loop3A_254 = arith.addi %parallel_loop3A_253, %iota3A : vector<16xi32>
            %parallel_loop3A_255 = arith.constant 1 : i32
            %parallel_loop3A_256 = arith.index_cast %parallel_loop3A_255 : i32 to index
            %parallel_loop3A_257 = arith.index_cast %parallel_loop3A_228 : i32 to index
            %parallel_loop3A_258 = arith.constant 16 : index
            %parallel_loop3A_259 = tpu.vector_load %run_scoped3A_4[%parallel_loop3A_256, %parallel_loop3A_257, %parallel_loop3A_258] {strides = array<i32>} : memref<4x40x128xi32, #tpu.memory_space<vmem>>, vector<16xi32>,
            %parallel_loop3A_260 = tpu.vector_load_idx %arg6[%parallel_loop3A_259] : memref<1000xf32, #tpu.memory_space<vmem>>[vector<16xi32>], vector<16xf32>,
            %parallel_loop3A_261 = arith.constant 1 : i32
            %parallel_loop3A_262 = arith.index_cast %parallel_loop3A_261 : i32 to index
            %parallel_loop3A_263 = arith.index_cast %parallel_loop3A_228 : i32 to index
            %parallel_loop3A_264 = arith.constant 16 : index
            %parallel_loop3A_265 = tpu.vector_load %run_scoped3A_5[%parallel_loop3A_262, %parallel_loop3A_263, %parallel_loop3A_264] {strides = array<i32>} : memref<4x40x128xf32, #tpu.memory_space<vmem>>, vector<16xf32>,
            tpu.vector_store %run_scoped3A_5[%parallel_loop3A_262, %parallel_loop3A_263, %parallel_loop3A_264], %parallel_loop3A_260 {strides = array<i32>} : memref<4x40x128xf32, #tpu.memory_space<vmem>>, vector<16xf32>,
            %parallel_loop3A_266 = arith.constant 504 : i32
            %parallel_loop3A_267 = vector.broadcast %parallel_loop3A_266 : i32 to vector<16xi32>
            %parallel_loop3A_268 = arith.cmpi slt, %parallel_loop3A_259, %parallel_loop3A_267 : vector<16xi32>
            %parallel_loop3A_269 = arith.constant 0 : i32
            %parallel_loop3A_270 = vector.broadcast %parallel_loop3A_269 : i32 to vector<16xi32>
            %parallel_loop3A_271 = arith.select %parallel_loop3A_268, %parallel_loop3A_259, %parallel_loop3A_270 : vector<16xi1>, vector<16xi32>
            %parallel_loop3A_272 = arith.constant 0.000000e+00 : f32
            %parallel_loop3A_273 = vector.broadcast %parallel_loop3A_272 : f32 to vector<16xf32>
            %parallel_loop3A_274 = arith.select %parallel_loop3A_268, %parallel_loop3A_260, %parallel_loop3A_273 : vector<16xi1>, vector<16xf32>
            tpu.vector_store_idx %run_scoped3A[%parallel_loop3A_271, %parallel_loop3A_254], %parallel_loop3A_274 {add = true} : memref<504x128xf32, #tpu.memory_space<vmem>>[vector<16xi32>, vector<16xi32>], vector<16xf32>,
            %parallel_loop3A_275 = arith.constant 32 : i32
            %parallel_loop3A_276 = vector.broadcast %parallel_loop3A_275 : i32 to vector<16xi32>
            %parallel_loop3A_277 = arith.addi %parallel_loop3A_276, %iota3A : vector<16xi32>
            %parallel_loop3A_278 = arith.constant 1 : i32
            %parallel_loop3A_279 = arith.index_cast %parallel_loop3A_278 : i32 to index
            %parallel_loop3A_280 = arith.index_cast %parallel_loop3A_228 : i32 to index
            %parallel_loop3A_281 = arith.constant 32 : index
            %parallel_loop3A_282 = tpu.vector_load %run_scoped3A_4[%parallel_loop3A_279, %parallel_loop3A_280, %parallel_loop3A_281] {strides = array<i32>} : memref<4x40x128xi32, #tpu.memory_space<vmem>>, vector<16xi32>,
            %parallel_loop3A_283 = tpu.vector_load_idx %arg6[%parallel_loop3A_282] : memref<1000xf32, #tpu.memory_space<vmem>>[vector<16xi32>], vector<16xf32>,
            %parallel_loop3A_284 = arith.constant 1 : i32
            %parallel_loop3A_285 = arith.index_cast %parallel_loop3A_284 : i32 to index
            %parallel_loop3A_286 = arith.index_cast %parallel_loop3A_228 : i32 to index
            %parallel_loop3A_287 = arith.constant 32 : index
            %parallel_loop3A_288 = tpu.vector_load %run_scoped3A_5[%parallel_loop3A_285, %parallel_loop3A_286, %parallel_loop3A_287] {strides = array<i32>} : memref<4x40x128xf32, #tpu.memory_space<vmem>>, vector<16xf32>,
            tpu.vector_store %run_scoped3A_5[%parallel_loop3A_285, %parallel_loop3A_286, %parallel_loop3A_287], %parallel_loop3A_283 {strides = array<i32>} : memref<4x40x128xf32, #tpu.memory_space<vmem>>, vector<16xf32>,
            %parallel_loop3A_289 = arith.constant 504 : i32
            %parallel_loop3A_290 = vector.broadcast %parallel_loop3A_289 : i32 to vector<16xi32>
            %parallel_loop3A_291 = arith.cmpi slt, %parallel_loop3A_282, %parallel_loop3A_290 : vector<16xi32>
            %parallel_loop3A_292 = arith.constant 0 : i32
            %parallel_loop3A_293 = vector.broadcast %parallel_loop3A_292 : i32 to vector<16xi32>
            %parallel_loop3A_294 = arith.select %parallel_loop3A_291, %parallel_loop3A_282, %parallel_loop3A_293 : vector<16xi1>, vector<16xi32>
            %parallel_loop3A_295 = arith.constant 0.000000e+00 : f32
            %parallel_loop3A_296 = vector.broadcast %parallel_loop3A_295 : f32 to vector<16xf32>
            %parallel_loop3A_297 = arith.select %parallel_loop3A_291, %parallel_loop3A_283, %parallel_loop3A_296 : vector<16xi1>, vector<16xf32>
            tpu.vector_store_idx %run_scoped3A[%parallel_loop3A_294, %parallel_loop3A_277], %parallel_loop3A_297 {add = true} : memref<504x128xf32, #tpu.memory_space<vmem>>[vector<16xi32>, vector<16xi32>], vector<16xf32>,
            %parallel_loop3A_298 = arith.constant 48 : i32
            %parallel_loop3A_299 = vector.broadcast %parallel_loop3A_298 : i32 to vector<16xi32>
            %parallel_loop3A_300 = arith.addi %parallel_loop3A_299, %iota3A : vector<16xi32>
            %parallel_loop3A_301 = arith.constant 1 : i32
            %parallel_loop3A_302 = arith.index_cast %parallel_loop3A_301 : i32 to index
            %parallel_loop3A_303 = arith.index_cast %parallel_loop3A_228 : i32 to index
            %parallel_loop3A_304 = arith.constant 48 : index
            %parallel_loop3A_305 = tpu.vector_load %run_scoped3A_4[%parallel_loop3A_302, %parallel_loop3A_303, %parallel_loop3A_304] {strides = array<i32>} : memref<4x40x128xi32, #tpu.memory_space<vmem>>, vector<16xi32>,
            %parallel_loop3A_306 = tpu.vector_load_idx %arg6[%parallel_loop3A_305] : memref<1000xf32, #tpu.memory_space<vmem>>[vector<16xi32>], vector<16xf32>,
            %parallel_loop3A_307 = arith.constant 1 : i32
            %parallel_loop3A_308 = arith.index_cast %parallel_loop3A_307 : i32 to index
            %parallel_loop3A_309 = arith.index_cast %parallel_loop3A_228 : i32 to index
            %parallel_loop3A_310 = arith.constant 48 : index
            %parallel_loop3A_311 = tpu.vector_load %run_scoped3A_5[%parallel_loop3A_308, %parallel_loop3A_309, %parallel_loop3A_310] {strides = array<i32>} : memref<4x40x128xf32, #tpu.memory_space<vmem>>, vector<16xf32>,
            tpu.vector_store %run_scoped3A_5[%parallel_loop3A_308, %parallel_loop3A_309, %parallel_loop3A_310], %parallel_loop3A_306 {strides = array<i32>} : memref<4x40x128xf32, #tpu.memory_space<vmem>>, vector<16xf32>,
            %parallel_loop3A_312 = arith.constant 504 : i32
            %parallel_loop3A_313 = vector.broadcast %parallel_loop3A_312 : i32 to vector<16xi32>
            %parallel_loop3A_314 = arith.cmpi slt, %parallel_loop3A_305, %parallel_loop3A_313 : vector<16xi32>
            %parallel_loop3A_315 = arith.constant 0 : i32
            %parallel_loop3A_316 = vector.broadcast %parallel_loop3A_315 : i32 to vector<16xi32>
            %parallel_loop3A_317 = arith.select %parallel_loop3A_314, %parallel_loop3A_305, %parallel_loop3A_316 : vector<16xi1>, vector<16xi32>
            %parallel_loop3A_318 = arith.constant 0.000000e+00 : f32
            %parallel_loop3A_319 = vector.broadcast %parallel_loop3A_318 : f32 to vector<16xf32>
            %parallel_loop3A_320 = arith.select %parallel_loop3A_314, %parallel_loop3A_306, %parallel_loop3A_319 : vector<16xi1>, vector<16xf32>
            tpu.vector_store_idx %run_scoped3A[%parallel_loop3A_317, %parallel_loop3A_300], %parallel_loop3A_320 {add = true} : memref<504x128xf32, #tpu.memory_space<vmem>>[vector<16xi32>, vector<16xi32>], vector<16xf32>,
            %parallel_loop3A_321 = arith.constant 64 : i32
            %parallel_loop3A_322 = vector.broadcast %parallel_loop3A_321 : i32 to vector<16xi32>
            %parallel_loop3A_323 = arith.addi %parallel_loop3A_322, %iota3A : vector<16xi32>
            %parallel_loop3A_324 = arith.constant 1 : i32
            %parallel_loop3A_325 = arith.index_cast %parallel_loop3A_324 : i32 to index
            %parallel_loop3A_326 = arith.index_cast %parallel_loop3A_228 : i32 to index
            %parallel_loop3A_327 = arith.constant 64 : index
            %parallel_loop3A_328 = tpu.vector_load %run_scoped3A_4[%parallel_loop3A_325, %parallel_loop3A_326, %parallel_loop3A_327] {strides = array<i32>} : memref<4x40x128xi32, #tpu.memory_space<vmem>>, vector<16xi32>,
            %parallel_loop3A_329 = tpu.vector_load_idx %arg6[%parallel_loop3A_328] : memref<1000xf32, #tpu.memory_space<vmem>>[vector<16xi32>], vector<16xf32>,
            %parallel_loop3A_330 = arith.constant 1 : i32
            %parallel_loop3A_331 = arith.index_cast %parallel_loop3A_330 : i32 to index
            %parallel_loop3A_332 = arith.index_cast %parallel_loop3A_228 : i32 to index
            %parallel_loop3A_333 = arith.constant 64 : index
            %parallel_loop3A_334 = tpu.vector_load %run_scoped3A_5[%parallel_loop3A_331, %parallel_loop3A_332, %parallel_loop3A_333] {strides = array<i32>} : memref<4x40x128xf32, #tpu.memory_space<vmem>>, vector<16xf32>,
            tpu.vector_store %run_scoped3A_5[%parallel_loop3A_331, %parallel_loop3A_332, %parallel_loop3A_333], %parallel_loop3A_329 {strides = array<i32>} : memref<4x40x128xf32, #tpu.memory_space<vmem>>, vector<16xf32>,
            %parallel_loop3A_335 = arith.constant 504 : i32
            %parallel_loop3A_336 = vector.broadcast %parallel_loop3A_335 : i32 to vector<16xi32>
            %parallel_loop3A_337 = arith.cmpi slt, %parallel_loop3A_328, %parallel_loop3A_336 : vector<16xi32>
            %parallel_loop3A_338 = arith.constant 0 : i32
            %parallel_loop3A_339 = vector.broadcast %parallel_loop3A_338 : i32 to vector<16xi32>
            %parallel_loop3A_340 = arith.select %parallel_loop3A_337, %parallel_loop3A_328, %parallel_loop3A_339 : vector<16xi1>, vector<16xi32>
            %parallel_loop3A_341 = arith.constant 0.000000e+00 : f32
            %parallel_loop3A_342 = vector.broadcast %parallel_loop3A_341 : f32 to vector<16xf32>
            %parallel_loop3A_343 = arith.select %parallel_loop3A_337, %parallel_loop3A_329, %parallel_loop3A_342 : vector<16xi1>, vector<16xf32>
            tpu.vector_store_idx %run_scoped3A[%parallel_loop3A_340, %parallel_loop3A_323], %parallel_loop3A_343 {add = true} : memref<504x128xf32, #tpu.memory_space<vmem>>[vector<16xi32>, vector<16xi32>], vector<16xf32>,
            %parallel_loop3A_344 = arith.constant 80 : i32
            %parallel_loop3A_345 = vector.broadcast %parallel_loop3A_344 : i32 to vector<16xi32>
            %parallel_loop3A_346 = arith.addi %parallel_loop3A_345, %iota3A : vector<16xi32>
            %parallel_loop3A_347 = arith.constant 1 : i32
            %parallel_loop3A_348 = arith.index_cast %parallel_loop3A_347 : i32 to index
            %parallel_loop3A_349 = arith.index_cast %parallel_loop3A_228 : i32 to index
            %parallel_loop3A_350 = arith.constant 80 : index
            %parallel_loop3A_351 = tpu.vector_load %run_scoped3A_4[%parallel_loop3A_348, %parallel_loop3A_349, %parallel_loop3A_350] {strides = array<i32>} : memref<4x40x128xi32, #tpu.memory_space<vmem>>, vector<16xi32>,
            %parallel_loop3A_352 = tpu.vector_load_idx %arg6[%parallel_loop3A_351] : memref<1000xf32, #tpu.memory_space<vmem>>[vector<16xi32>], vector<16xf32>,
            %parallel_loop3A_353 = arith.constant 1 : i32
            %parallel_loop3A_354 = arith.index_cast %parallel_loop3A_353 : i32 to index
            %parallel_loop3A_355 = arith.index_cast %parallel_loop3A_228 : i32 to index
            %parallel_loop3A_356 = arith.constant 80 : index
            %parallel_loop3A_357 = tpu.vector_load %run_scoped3A_5[%parallel_loop3A_354, %parallel_loop3A_355, %parallel_loop3A_356] {strides = array<i32>} : memref<4x40x128xf32, #tpu.memory_space<vmem>>, vector<16xf32>,
            tpu.vector_store %run_scoped3A_5[%parallel_loop3A_354, %parallel_loop3A_355, %parallel_loop3A_356], %parallel_loop3A_352 {strides = array<i32>} : memref<4x40x128xf32, #tpu.memory_space<vmem>>, vector<16xf32>,
            %parallel_loop3A_358 = arith.constant 504 : i32
            %parallel_loop3A_359 = vector.broadcast %parallel_loop3A_358 : i32 to vector<16xi32>
            %parallel_loop3A_360 = arith.cmpi slt, %parallel_loop3A_351, %parallel_loop3A_359 : vector<16xi32>
            %parallel_loop3A_361 = arith.constant 0 : i32
            %parallel_loop3A_362 = vector.broadcast %parallel_loop3A_361 : i32 to vector<16xi32>
            %parallel_loop3A_363 = arith.select %parallel_loop3A_360, %parallel_loop3A_351, %parallel_loop3A_362 : vector<16xi1>, vector<16xi32>
            %parallel_loop3A_364 = arith.constant 0.000000e+00 : f32
            %parallel_loop3A_365 = vector.broadcast %parallel_loop3A_364 : f32 to vector<16xf32>
            %parallel_loop3A_366 = arith.select %parallel_loop3A_360, %parallel_loop3A_352, %parallel_loop3A_365 : vector<16xi1>, vector<16xf32>
            tpu.vector_store_idx %run_scoped3A[%parallel_loop3A_363, %parallel_loop3A_346], %parallel_loop3A_366 {add = true} : memref<504x128xf32, #tpu.memory_space<vmem>>[vector<16xi32>, vector<16xi32>], vector<16xf32>,
            %parallel_loop3A_367 = arith.constant 96 : i32
            %parallel_loop3A_368 = vector.broadcast %parallel_loop3A_367 : i32 to vector<16xi32>
            %parallel_loop3A_369 = arith.addi %parallel_loop3A_368, %iota3A : vector<16xi32>
            %parallel_loop3A_370 = arith.constant 1 : i32
            %parallel_loop3A_371 = arith.index_cast %parallel_loop3A_370 : i32 to index
            %parallel_loop3A_372 = arith.index_cast %parallel_loop3A_228 : i32 to index
            %parallel_loop3A_373 = arith.constant 96 : index
            %parallel_loop3A_374 = tpu.vector_load %run_scoped3A_4[%parallel_loop3A_371, %parallel_loop3A_372, %parallel_loop3A_373] {strides = array<i32>} : memref<4x40x128xi32, #tpu.memory_space<vmem>>, vector<16xi32>,
            %parallel_loop3A_375 = tpu.vector_load_idx %arg6[%parallel_loop3A_374] : memref<1000xf32, #tpu.memory_space<vmem>>[vector<16xi32>], vector<16xf32>,
            %parallel_loop3A_376 = arith.constant 1 : i32
            %parallel_loop3A_377 = arith.index_cast %parallel_loop3A_376 : i32 to index
            %parallel_loop3A_378 = arith.index_cast %parallel_loop3A_228 : i32 to index
            %parallel_loop3A_379 = arith.constant 96 : index
            %parallel_loop3A_380 = tpu.vector_load %run_scoped3A_5[%parallel_loop3A_377, %parallel_loop3A_378, %parallel_loop3A_379] {strides = array<i32>} : memref<4x40x128xf32, #tpu.memory_space<vmem>>, vector<16xf32>,
            tpu.vector_store %run_scoped3A_5[%parallel_loop3A_377, %parallel_loop3A_378, %parallel_loop3A_379], %parallel_loop3A_375 {strides = array<i32>} : memref<4x40x128xf32, #tpu.memory_space<vmem>>, vector<16xf32>,
            %parallel_loop3A_381 = arith.constant 504 : i32
            %parallel_loop3A_382 = vector.broadcast %parallel_loop3A_381 : i32 to vector<16xi32>
            %parallel_loop3A_383 = arith.cmpi slt, %parallel_loop3A_374, %parallel_loop3A_382 : vector<16xi32>
            %parallel_loop3A_384 = arith.constant 0 : i32
            %parallel_loop3A_385 = vector.broadcast %parallel_loop3A_384 : i32 to vector<16xi32>
            %parallel_loop3A_386 = arith.select %parallel_loop3A_383, %parallel_loop3A_374, %parallel_loop3A_385 : vector<16xi1>, vector<16xi32>
            %parallel_loop3A_387 = arith.constant 0.000000e+00 : f32
            %parallel_loop3A_388 = vector.broadcast %parallel_loop3A_387 : f32 to vector<16xf32>
            %parallel_loop3A_389 = arith.select %parallel_loop3A_383, %parallel_loop3A_375, %parallel_loop3A_388 : vector<16xi1>, vector<16xf32>
            tpu.vector_store_idx %run_scoped3A[%parallel_loop3A_386, %parallel_loop3A_369], %parallel_loop3A_389 {add = true} : memref<504x128xf32, #tpu.memory_space<vmem>>[vector<16xi32>, vector<16xi32>], vector<16xf32>,
            %parallel_loop3A_390 = arith.constant 112 : i32
            %parallel_loop3A_391 = vector.broadcast %parallel_loop3A_390 : i32 to vector<16xi32>
            %parallel_loop3A_392 = arith.addi %parallel_loop3A_391, %iota3A : vector<16xi32>
            %parallel_loop3A_393 = arith.constant 1 : i32
            %parallel_loop3A_394 = arith.index_cast %parallel_loop3A_393 : i32 to index
            %parallel_loop3A_395 = arith.index_cast %parallel_loop3A_228 : i32 to index
            %parallel_loop3A_396 = arith.constant 112 : index
            %parallel_loop3A_397 = tpu.vector_load %run_scoped3A_4[%parallel_loop3A_394, %parallel_loop3A_395, %parallel_loop3A_396] {strides = array<i32>} : memref<4x40x128xi32, #tpu.memory_space<vmem>>, vector<16xi32>,
            %parallel_loop3A_398 = tpu.vector_load_idx %arg6[%parallel_loop3A_397] : memref<1000xf32, #tpu.memory_space<vmem>>[vector<16xi32>], vector<16xf32>,
            %parallel_loop3A_399 = arith.constant 1 : i32
            %parallel_loop3A_400 = arith.index_cast %parallel_loop3A_399 : i32 to index
            %parallel_loop3A_401 = arith.index_cast %parallel_loop3A_228 : i32 to index
            %parallel_loop3A_402 = arith.constant 112 : index
            %parallel_loop3A_403 = tpu.vector_load %run_scoped3A_5[%parallel_loop3A_400, %parallel_loop3A_401, %parallel_loop3A_402] {strides = array<i32>} : memref<4x40x128xf32, #tpu.memory_space<vmem>>, vector<16xf32>,
            tpu.vector_store %run_scoped3A_5[%parallel_loop3A_400, %parallel_loop3A_401, %parallel_loop3A_402], %parallel_loop3A_398 {strides = array<i32>} : memref<4x40x128xf32, #tpu.memory_space<vmem>>, vector<16xf32>,
            %parallel_loop3A_404 = arith.constant 504 : i32
            %parallel_loop3A_405 = vector.broadcast %parallel_loop3A_404 : i32 to vector<16xi32>
            %parallel_loop3A_406 = arith.cmpi slt, %parallel_loop3A_397, %parallel_loop3A_405 : vector<16xi32>
            %parallel_loop3A_407 = arith.constant 0 : i32
            %parallel_loop3A_408 = vector.broadcast %parallel_loop3A_407 : i32 to vector<16xi32>
            %parallel_loop3A_409 = arith.select %parallel_loop3A_406, %parallel_loop3A_397, %parallel_loop3A_408 : vector<16xi1>, vector<16xi32>
            %parallel_loop3A_410 = arith.constant 0.000000e+00 : f32
            %parallel_loop3A_411 = vector.broadcast %parallel_loop3A_410 : f32 to vector<16xf32>
            %parallel_loop3A_412 = arith.select %parallel_loop3A_406, %parallel_loop3A_398, %parallel_loop3A_411 : vector<16xi1>, vector<16xf32>
            tpu.vector_store_idx %run_scoped3A[%parallel_loop3A_409, %parallel_loop3A_392], %parallel_loop3A_412 {add = true} : memref<504x128xf32, #tpu.memory_space<vmem>>[vector<16xi32>, vector<16xi32>], vector<16xf32>,
          } {sc.loop_unroll_factor = 2 : i64, sc.parallel_access}
          %mul3A_205 = arith.constant 40 : i32
          %mul3A_206 = arith.muli %add3A_158, %mul3A_205 : i32
          %dma_start3A_207 = arith.constant 1 : i32
          %dma_start3A_208 = arith.constant 1 : i32
          %dma_start3A_209 = arith.constant 0 : i32
          %dma_start3A_210 = arith.constant 0 : i32
          %dma_start3A_211 = tpu.memref_slice %run_scoped3A_5[%dma_start3A_207, %dma_start3A_209, %dma_start3A_210] : memref<4x40x128xf32, #tpu.memory_space<vmem>> -> memref<1x40x128xf32, #tpu.memory_space<vmem>>
          %dma_start3A_212 = tpu.memref_squeeze %dma_start3A_211 : memref<1x40x128xf32, #tpu.memory_space<vmem>> -> memref<40x128xf32, #tpu.memory_space<vmem>>
          %dma_start3A_213 = tpu.memref_slice %arg5[%mul3A_206, %mul3A_2] : memref<1000x4096xf32, #tpu.memory_space<hbm>> -> memref<40x128xf32, #tpu.memory_space<hbm>>
          %dma_start3A_214 = tpu.memref_slice %arg8[%dma_start3A_208] : memref<4x!tpu.dma_semaphore, #tpu.memory_space<semaphore_mem>> -> memref<1x!tpu.dma_semaphore, #tpu.memory_space<semaphore_mem>>
          %dma_start3A_215 = tpu.memref_squeeze %dma_start3A_214 : memref<1x!tpu.dma_semaphore, #tpu.memory_space<semaphore_mem>> -> memref<!tpu.dma_semaphore, #tpu.memory_space<semaphore_mem>>
          %dma_start3A_216 = tpu.memref_slice %arg5[%mul3A_206, %mul3A_2] : memref<1000x4096xf32, #tpu.memory_space<hbm>> -> memref<40x128xf32, #tpu.memory_space<hbm>>
          %dma_start3A_217 = arith.constant 0 : i32
          %dma_start3A_218 = arith.constant 0 : i32
          %dma_start3A_219 = tpu.memref_slice %run_scoped3A_5[%dma_start3A_207, %dma_start3A_217, %dma_start3A_218] : memref<4x40x128xf32, #tpu.memory_space<vmem>> -> memref<1x40x128xf32, #tpu.memory_space<vmem>>
          %dma_start3A_220 = tpu.memref_squeeze %dma_start3A_219 : memref<1x40x128xf32, #tpu.memory_space<vmem>> -> memref<40x128xf32, #tpu.memory_space<vmem>>
          tpu.enqueue_dma source(%dma_start3A_220 : memref<40x128xf32, #tpu.memory_space<vmem>>) target(%dma_start3A_216 : memref<40x128xf32, #tpu.memory_space<hbm>>) target_semaphore(%dma_start3A_215 : memref<!tpu.dma_semaphore, #tpu.memory_space<semaphore_mem>>)
          %add3A_221 = arith.constant 2 : i32
          %add3A_222 = arith.addi %add3A_158, %add3A_221 : i32
          %lt3A_223 = arith.constant 25 : i32
          %lt3A_224 = arith.cmpi slt, %add3A_222, %lt3A_223 : i32
          %convert_element_type3A_225 = arith.extui %lt3A_224 : i1 to i32
          %cond3A_226 = arith.constant 0 : i32
          %cond3A_227 = arith.cmpi ne, %convert_element_type3A_225, %cond3A_226 : i32
          scf.if %cond3A_227 {
            %add3A_228 = arith.constant 2 : i32
            %add3A_229 = arith.addi %add3A_158, %add3A_228 : i32
            %mul3A_230 = arith.constant 40 : i32
            %mul3A_231 = arith.muli %add3A_229, %mul3A_230 : i32
            %dma_start3A_232 = arith.constant 3 : i32
            %dma_start3A_233 = arith.constant 3 : i32
            %dma_start3A_234 = arith.constant 0 : i32
            %dma_start3A_235 = arith.constant 0 : i32
            %dma_start3A_236 = tpu.memref_slice %run_scoped3A_4[%dma_start3A_232, %dma_start3A_234, %dma_start3A_235] : memref<4x40x128xi32, #tpu.memory_space<vmem>> -> memref<1x40x128xi32, #tpu.memory_space<vmem>>
            %dma_start3A_237 = tpu.memref_squeeze %dma_start3A_236 : memref<1x40x128xi32, #tpu.memory_space<vmem>> -> memref<40x128xi32, #tpu.memory_space<vmem>>
            %dma_start3A_238 = tpu.memref_slice %arg2[%mul3A_231, %mul3A_2] : memref<1000x4096xi32, #tpu.memory_space<hbm>> -> memref<40x128xi32, #tpu.memory_space<hbm>>
            %dma_start3A_239 = tpu.memref_slice %arg7[%dma_start3A_233] : memref<4x!tpu.dma_semaphore, #tpu.memory_space<semaphore_mem>> -> memref<1x!tpu.dma_semaphore, #tpu.memory_space<semaphore_mem>>
            %dma_start3A_240 = tpu.memref_squeeze %dma_start3A_239 : memref<1x!tpu.dma_semaphore, #tpu.memory_space<semaphore_mem>> -> memref<!tpu.dma_semaphore, #tpu.memory_space<semaphore_mem>>
            %dma_start3A_241 = arith.constant 0 : i32
            %dma_start3A_242 = arith.constant 0 : i32
            %dma_start3A_243 = tpu.memref_slice %run_scoped3A_4[%dma_start3A_232, %dma_start3A_241, %dma_start3A_242] : memref<4x40x128xi32, #tpu.memory_space<vmem>> -> memref<1x40x128xi32, #tpu.memory_space<vmem>>
            %dma_start3A_244 = tpu.memref_squeeze %dma_start3A_243 : memref<1x40x128xi32, #tpu.memory_space<vmem>> -> memref<40x128xi32, #tpu.memory_space<vmem>>
            %dma_start3A_245 = tpu.memref_slice %arg2[%mul3A_231, %mul3A_2] : memref<1000x4096xi32, #tpu.memory_space<hbm>> -> memref<40x128xi32, #tpu.memory_space<hbm>>
            tpu.enqueue_dma source(%dma_start3A_245 : memref<40x128xi32, #tpu.memory_space<hbm>>) target(%dma_start3A_244 : memref<40x128xi32, #tpu.memory_space<vmem>>) target_semaphore(%dma_start3A_240 : memref<!tpu.dma_semaphore, #tpu.memory_space<semaphore_mem>>)
          } else {
          }
        } else {
        }
        %mul3A_164 = arith.constant 4 : i32
        %mul3A_165 = arith.muli %scan3A_148, %mul3A_164 : i32
        %add3A_166 = arith.constant 2 : i32
        %add3A_167 = arith.addi %mul3A_165, %add3A_166 : i32
        %lt3A_168 = arith.constant 25 : i32
        %lt3A_169 = arith.cmpi slt, %add3A_167, %lt3A_168 : i32
        %convert_element_type3A_170 = arith.extui %lt3A_169 : i1 to i32
        %cond3A_171 = arith.constant 0 : i32
        %cond3A_172 = arith.cmpi ne, %convert_element_type3A_170, %cond3A_171 : i32
        scf.if %cond3A_172 {
          %dma_wait3A_182 = arith.constant 2 : i32
          %dma_wait3A_183 = arith.constant 2 : i32
          %dma_wait3A_184 = arith.constant 0 : i32
          %dma_wait3A_185 = arith.constant 0 : i32
          %dma_wait3A_186 = tpu.memref_slice %run_scoped3A_4[%dma_wait3A_182, %dma_wait3A_184, %dma_wait3A_185] : memref<4x40x128xi32, #tpu.memory_space<vmem>> -> memref<1x40x128xi32, #tpu.memory_space<vmem>>
          %dma_wait3A_187 = tpu.memref_squeeze %dma_wait3A_186 : memref<1x40x128xi32, #tpu.memory_space<vmem>> -> memref<40x128xi32, #tpu.memory_space<vmem>>
          %dma_wait3A_188 = arith.constant 0 : i32
          %dma_wait3A_189 = tpu.memref_slice %arg2[%dma_wait3A_188, %mul3A_2] : memref<1000x4096xi32, #tpu.memory_space<hbm>> -> memref<40x128xi32, #tpu.memory_space<hbm>>
          %dma_wait3A_190 = tpu.memref_slice %arg7[%dma_wait3A_183] : memref<4x!tpu.dma_semaphore, #tpu.memory_space<semaphore_mem>> -> memref<1x!tpu.dma_semaphore, #tpu.memory_space<semaphore_mem>>
          %dma_wait3A_191 = tpu.memref_squeeze %dma_wait3A_190 : memref<1x!tpu.dma_semaphore, #tpu.memory_space<semaphore_mem>> -> memref<!tpu.dma_semaphore, #tpu.memory_space<semaphore_mem>>
          %dma_wait3A_192 = arith.constant 0 : i32
          %dma_wait3A_193 = arith.constant 0 : i32
          %dma_wait3A_194 = tpu.memref_slice %run_scoped3A_4[%dma_wait3A_182, %dma_wait3A_192, %dma_wait3A_193] : memref<4x40x128xi32, #tpu.memory_space<vmem>> -> memref<1x40x128xi32, #tpu.memory_space<vmem>>
          %dma_wait3A_195 = tpu.memref_squeeze %dma_wait3A_194 : memref<1x40x128xi32, #tpu.memory_space<vmem>> -> memref<40x128xi32, #tpu.memory_space<vmem>>
          %dma_wait3A_196 = arith.constant 0 : i32
          %dma_wait3A_197 = tpu.memref_slice %arg2[%dma_wait3A_196, %mul3A_2] : memref<1000x4096xi32, #tpu.memory_space<hbm>> -> memref<40x128xi32, #tpu.memory_space<hbm>>
          tpu.wait_dma2 semaphore(%dma_wait3A_191 : memref<!tpu.dma_semaphore, #tpu.memory_space<semaphore_mem>>) src(%dma_wait3A_197 : memref<40x128xi32, #tpu.memory_space<hbm>>) dst(%dma_wait3A_195 : memref<40x128xi32, #tpu.memory_space<vmem>>)
          %ge3A = arith.constant 4 : i32
          %ge3A_198 = arith.cmpi sge, %add3A_167, %ge3A : i32
          %convert_element_type3A_199 = arith.extui %ge3A_198 : i1 to i32
          %cond3A_200 = arith.constant 0 : i32
          %cond3A_201 = arith.cmpi ne, %convert_element_type3A_199, %cond3A_200 : i32
          scf.if %cond3A_201 {
            %dma_wait3A_228 = arith.constant 2 : i32
            %dma_wait3A_229 = arith.constant 2 : i32
            %dma_wait3A_230 = arith.constant 0 : i32
            %dma_wait3A_231 = arith.constant 0 : i32
            %dma_wait3A_232 = tpu.memref_slice %run_scoped3A_5[%dma_wait3A_228, %dma_wait3A_230, %dma_wait3A_231] : memref<4x40x128xf32, #tpu.memory_space<vmem>> -> memref<1x40x128xf32, #tpu.memory_space<vmem>>
            %dma_wait3A_233 = tpu.memref_squeeze %dma_wait3A_232 : memref<1x40x128xf32, #tpu.memory_space<vmem>> -> memref<40x128xf32, #tpu.memory_space<vmem>>
            %dma_wait3A_234 = arith.constant 0 : i32
            %dma_wait3A_235 = tpu.memref_slice %arg5[%dma_wait3A_234, %mul3A_2] : memref<1000x4096xf32, #tpu.memory_space<hbm>> -> memref<40x128xf32, #tpu.memory_space<hbm>>
            %dma_wait3A_236 = tpu.memref_slice %arg8[%dma_wait3A_229] : memref<4x!tpu.dma_semaphore, #tpu.memory_space<semaphore_mem>> -> memref<1x!tpu.dma_semaphore, #tpu.memory_space<semaphore_mem>>
            %dma_wait3A_237 = tpu.memref_squeeze %dma_wait3A_236 : memref<1x!tpu.dma_semaphore, #tpu.memory_space<semaphore_mem>> -> memref<!tpu.dma_semaphore, #tpu.memory_space<semaphore_mem>>
            %dma_wait3A_238 = arith.constant 0 : i32
            %dma_wait3A_239 = tpu.memref_slice %arg5[%dma_wait3A_238, %mul3A_2] : memref<1000x4096xf32, #tpu.memory_space<hbm>> -> memref<40x128xf32, #tpu.memory_space<hbm>>
            %dma_wait3A_240 = arith.constant 0 : i32
            %dma_wait3A_241 = arith.constant 0 : i32
            %dma_wait3A_242 = tpu.memref_slice %run_scoped3A_5[%dma_wait3A_228, %dma_wait3A_240, %dma_wait3A_241] : memref<4x40x128xf32, #tpu.memory_space<vmem>> -> memref<1x40x128xf32, #tpu.memory_space<vmem>>
            %dma_wait3A_243 = tpu.memref_squeeze %dma_wait3A_242 : memref<1x40x128xf32, #tpu.memory_space<vmem>> -> memref<40x128xf32, #tpu.memory_space<vmem>>
            tpu.wait_dma2 semaphore(%dma_wait3A_237 : memref<!tpu.dma_semaphore, #tpu.memory_space<semaphore_mem>>) src(%dma_wait3A_243 : memref<40x128xf32, #tpu.memory_space<vmem>>) dst(%dma_wait3A_239 : memref<40x128xf32, #tpu.memory_space<hbm>>)
          } else {
          }
          %parallel_loop3A_202 = arith.constant 0 : i32
          %parallel_loop3A_203 = arith.constant 40 : i32
          %parallel_loop3A_204 = arith.constant 1 : i32
          scf.for %parallel_loop3A_228 = %parallel_loop3A_202 to %parallel_loop3A_203 step %parallel_loop3A_204  : i32 {
            %parallel_loop3A_229 = arith.constant 0 : i32
            %parallel_loop3A_230 = vector.broadcast %parallel_loop3A_229 : i32 to vector<16xi32>
            %parallel_loop3A_231 = arith.addi %parallel_loop3A_230, %iota3A : vector<16xi32>
            %parallel_loop3A_232 = arith.constant 2 : i32
            %parallel_loop3A_233 = arith.index_cast %parallel_loop3A_232 : i32 to index
            %parallel_loop3A_234 = arith.index_cast %parallel_loop3A_228 : i32 to index
            %parallel_loop3A_235 = arith.constant 0 : index
            %parallel_loop3A_236 = tpu.vector_load %run_scoped3A_4[%parallel_loop3A_233, %parallel_loop3A_234, %parallel_loop3A_235] {strides = array<i32>} : memref<4x40x128xi32, #tpu.memory_space<vmem>>, vector<16xi32>,
            %parallel_loop3A_237 = tpu.vector_load_idx %arg6[%parallel_loop3A_236] : memref<1000xf32, #tpu.memory_space<vmem>>[vector<16xi32>], vector<16xf32>,
            %parallel_loop3A_238 = arith.constant 2 : i32
            %parallel_loop3A_239 = arith.index_cast %parallel_loop3A_238 : i32 to index
            %parallel_loop3A_240 = arith.index_cast %parallel_loop3A_228 : i32 to index
            %parallel_loop3A_241 = arith.constant 0 : index
            %parallel_loop3A_242 = tpu.vector_load %run_scoped3A_5[%parallel_loop3A_239, %parallel_loop3A_240, %parallel_loop3A_241] {strides = array<i32>} : memref<4x40x128xf32, #tpu.memory_space<vmem>>, vector<16xf32>,
            tpu.vector_store %run_scoped3A_5[%parallel_loop3A_239, %parallel_loop3A_240, %parallel_loop3A_241], %parallel_loop3A_237 {strides = array<i32>} : memref<4x40x128xf32, #tpu.memory_space<vmem>>, vector<16xf32>,
            %parallel_loop3A_243 = arith.constant 504 : i32
            %parallel_loop3A_244 = vector.broadcast %parallel_loop3A_243 : i32 to vector<16xi32>
            %parallel_loop3A_245 = arith.cmpi slt, %parallel_loop3A_236, %parallel_loop3A_244 : vector<16xi32>
            %parallel_loop3A_246 = arith.constant 0 : i32
            %parallel_loop3A_247 = vector.broadcast %parallel_loop3A_246 : i32 to vector<16xi32>
            %parallel_loop3A_248 = arith.select %parallel_loop3A_245, %parallel_loop3A_236, %parallel_loop3A_247 : vector<16xi1>, vector<16xi32>
            %parallel_loop3A_249 = arith.constant 0.000000e+00 : f32
            %parallel_loop3A_250 = vector.broadcast %parallel_loop3A_249 : f32 to vector<16xf32>
            %parallel_loop3A_251 = arith.select %parallel_loop3A_245, %parallel_loop3A_237, %parallel_loop3A_250 : vector<16xi1>, vector<16xf32>
            tpu.vector_store_idx %run_scoped3A[%parallel_loop3A_248, %parallel_loop3A_231], %parallel_loop3A_251 {add = true} : memref<504x128xf32, #tpu.memory_space<vmem>>[vector<16xi32>, vector<16xi32>], vector<16xf32>,
            %parallel_loop3A_252 = arith.constant 16 : i32
            %parallel_loop3A_253 = vector.broadcast %parallel_loop3A_252 : i32 to vector<16xi32>
            %parallel_loop3A_254 = arith.addi %parallel_loop3A_253, %iota3A : vector<16xi32>
            %parallel_loop3A_255 = arith.constant 2 : i32
            %parallel_loop3A_256 = arith.index_cast %parallel_loop3A_255 : i32 to index
            %parallel_loop3A_257 = arith.index_cast %parallel_loop3A_228 : i32 to index
            %parallel_loop3A_258 = arith.constant 16 : index
            %parallel_loop3A_259 = tpu.vector_load %run_scoped3A_4[%parallel_loop3A_256, %parallel_loop3A_257, %parallel_loop3A_258] {strides = array<i32>} : memref<4x40x128xi32, #tpu.memory_space<vmem>>, vector<16xi32>,
            %parallel_loop3A_260 = tpu.vector_load_idx %arg6[%parallel_loop3A_259] : memref<1000xf32, #tpu.memory_space<vmem>>[vector<16xi32>], vector<16xf32>,
            %parallel_loop3A_261 = arith.constant 2 : i32
            %parallel_loop3A_262 = arith.index_cast %parallel_loop3A_261 : i32 to index
            %parallel_loop3A_263 = arith.index_cast %parallel_loop3A_228 : i32 to index
            %parallel_loop3A_264 = arith.constant 16 : index
            %parallel_loop3A_265 = tpu.vector_load %run_scoped3A_5[%parallel_loop3A_262, %parallel_loop3A_263, %parallel_loop3A_264] {strides = array<i32>} : memref<4x40x128xf32, #tpu.memory_space<vmem>>, vector<16xf32>,
            tpu.vector_store %run_scoped3A_5[%parallel_loop3A_262, %parallel_loop3A_263, %parallel_loop3A_264], %parallel_loop3A_260 {strides = array<i32>} : memref<4x40x128xf32, #tpu.memory_space<vmem>>, vector<16xf32>,
            %parallel_loop3A_266 = arith.constant 504 : i32
            %parallel_loop3A_267 = vector.broadcast %parallel_loop3A_266 : i32 to vector<16xi32>
            %parallel_loop3A_268 = arith.cmpi slt, %parallel_loop3A_259, %parallel_loop3A_267 : vector<16xi32>
            %parallel_loop3A_269 = arith.constant 0 : i32
            %parallel_loop3A_270 = vector.broadcast %parallel_loop3A_269 : i32 to vector<16xi32>
            %parallel_loop3A_271 = arith.select %parallel_loop3A_268, %parallel_loop3A_259, %parallel_loop3A_270 : vector<16xi1>, vector<16xi32>
            %parallel_loop3A_272 = arith.constant 0.000000e+00 : f32
            %parallel_loop3A_273 = vector.broadcast %parallel_loop3A_272 : f32 to vector<16xf32>
            %parallel_loop3A_274 = arith.select %parallel_loop3A_268, %parallel_loop3A_260, %parallel_loop3A_273 : vector<16xi1>, vector<16xf32>
            tpu.vector_store_idx %run_scoped3A[%parallel_loop3A_271, %parallel_loop3A_254], %parallel_loop3A_274 {add = true} : memref<504x128xf32, #tpu.memory_space<vmem>>[vector<16xi32>, vector<16xi32>], vector<16xf32>,
            %parallel_loop3A_275 = arith.constant 32 : i32
            %parallel_loop3A_276 = vector.broadcast %parallel_loop3A_275 : i32 to vector<16xi32>
            %parallel_loop3A_277 = arith.addi %parallel_loop3A_276, %iota3A : vector<16xi32>
            %parallel_loop3A_278 = arith.constant 2 : i32
            %parallel_loop3A_279 = arith.index_cast %parallel_loop3A_278 : i32 to index
            %parallel_loop3A_280 = arith.index_cast %parallel_loop3A_228 : i32 to index
            %parallel_loop3A_281 = arith.constant 32 : index
            %parallel_loop3A_282 = tpu.vector_load %run_scoped3A_4[%parallel_loop3A_279, %parallel_loop3A_280, %parallel_loop3A_281] {strides = array<i32>} : memref<4x40x128xi32, #tpu.memory_space<vmem>>, vector<16xi32>,
            %parallel_loop3A_283 = tpu.vector_load_idx %arg6[%parallel_loop3A_282] : memref<1000xf32, #tpu.memory_space<vmem>>[vector<16xi32>], vector<16xf32>,
            %parallel_loop3A_284 = arith.constant 2 : i32
            %parallel_loop3A_285 = arith.index_cast %parallel_loop3A_284 : i32 to index
            %parallel_loop3A_286 = arith.index_cast %parallel_loop3A_228 : i32 to index
            %parallel_loop3A_287 = arith.constant 32 : index
            %parallel_loop3A_288 = tpu.vector_load %run_scoped3A_5[%parallel_loop3A_285, %parallel_loop3A_286, %parallel_loop3A_287] {strides = array<i32>} : memref<4x40x128xf32, #tpu.memory_space<vmem>>, vector<16xf32>,
            tpu.vector_store %run_scoped3A_5[%parallel_loop3A_285, %parallel_loop3A_286, %parallel_loop3A_287], %parallel_loop3A_283 {strides = array<i32>} : memref<4x40x128xf32, #tpu.memory_space<vmem>>, vector<16xf32>,
            %parallel_loop3A_289 = arith.constant 504 : i32
            %parallel_loop3A_290 = vector.broadcast %parallel_loop3A_289 : i32 to vector<16xi32>
            %parallel_loop3A_291 = arith.cmpi slt, %parallel_loop3A_282, %parallel_loop3A_290 : vector<16xi32>
            %parallel_loop3A_292 = arith.constant 0 : i32
            %parallel_loop3A_293 = vector.broadcast %parallel_loop3A_292 : i32 to vector<16xi32>
            %parallel_loop3A_294 = arith.select %parallel_loop3A_291, %parallel_loop3A_282, %parallel_loop3A_293 : vector<16xi1>, vector<16xi32>
            %parallel_loop3A_295 = arith.constant 0.000000e+00 : f32
            %parallel_loop3A_296 = vector.broadcast %parallel_loop3A_295 : f32 to vector<16xf32>
            %parallel_loop3A_297 = arith.select %parallel_loop3A_291, %parallel_loop3A_283, %parallel_loop3A_296 : vector<16xi1>, vector<16xf32>
            tpu.vector_store_idx %run_scoped3A[%parallel_loop3A_294, %parallel_loop3A_277], %parallel_loop3A_297 {add = true} : memref<504x128xf32, #tpu.memory_space<vmem>>[vector<16xi32>, vector<16xi32>], vector<16xf32>,
            %parallel_loop3A_298 = arith.constant 48 : i32
            %parallel_loop3A_299 = vector.broadcast %parallel_loop3A_298 : i32 to vector<16xi32>
            %parallel_loop3A_300 = arith.addi %parallel_loop3A_299, %iota3A : vector<16xi32>
            %parallel_loop3A_301 = arith.constant 2 : i32
            %parallel_loop3A_302 = arith.index_cast %parallel_loop3A_301 : i32 to index
            %parallel_loop3A_303 = arith.index_cast %parallel_loop3A_228 : i32 to index
            %parallel_loop3A_304 = arith.constant 48 : index
            %parallel_loop3A_305 = tpu.vector_load %run_scoped3A_4[%parallel_loop3A_302, %parallel_loop3A_303, %parallel_loop3A_304] {strides = array<i32>} : memref<4x40x128xi32, #tpu.memory_space<vmem>>, vector<16xi32>,
            %parallel_loop3A_306 = tpu.vector_load_idx %arg6[%parallel_loop3A_305] : memref<1000xf32, #tpu.memory_space<vmem>>[vector<16xi32>], vector<16xf32>,
            %parallel_loop3A_307 = arith.constant 2 : i32
            %parallel_loop3A_308 = arith.index_cast %parallel_loop3A_307 : i32 to index
            %parallel_loop3A_309 = arith.index_cast %parallel_loop3A_228 : i32 to index
            %parallel_loop3A_310 = arith.constant 48 : index
            %parallel_loop3A_311 = tpu.vector_load %run_scoped3A_5[%parallel_loop3A_308, %parallel_loop3A_309, %parallel_loop3A_310] {strides = array<i32>} : memref<4x40x128xf32, #tpu.memory_space<vmem>>, vector<16xf32>,
            tpu.vector_store %run_scoped3A_5[%parallel_loop3A_308, %parallel_loop3A_309, %parallel_loop3A_310], %parallel_loop3A_306 {strides = array<i32>} : memref<4x40x128xf32, #tpu.memory_space<vmem>>, vector<16xf32>,
            %parallel_loop3A_312 = arith.constant 504 : i32
            %parallel_loop3A_313 = vector.broadcast %parallel_loop3A_312 : i32 to vector<16xi32>
            %parallel_loop3A_314 = arith.cmpi slt, %parallel_loop3A_305, %parallel_loop3A_313 : vector<16xi32>
            %parallel_loop3A_315 = arith.constant 0 : i32
            %parallel_loop3A_316 = vector.broadcast %parallel_loop3A_315 : i32 to vector<16xi32>
            %parallel_loop3A_317 = arith.select %parallel_loop3A_314, %parallel_loop3A_305, %parallel_loop3A_316 : vector<16xi1>, vector<16xi32>
            %parallel_loop3A_318 = arith.constant 0.000000e+00 : f32
            %parallel_loop3A_319 = vector.broadcast %parallel_loop3A_318 : f32 to vector<16xf32>
            %parallel_loop3A_320 = arith.select %parallel_loop3A_314, %parallel_loop3A_306, %parallel_loop3A_319 : vector<16xi1>, vector<16xf32>
            tpu.vector_store_idx %run_scoped3A[%parallel_loop3A_317, %parallel_loop3A_300], %parallel_loop3A_320 {add = true} : memref<504x128xf32, #tpu.memory_space<vmem>>[vector<16xi32>, vector<16xi32>], vector<16xf32>,
            %parallel_loop3A_321 = arith.constant 64 : i32
            %parallel_loop3A_322 = vector.broadcast %parallel_loop3A_321 : i32 to vector<16xi32>
            %parallel_loop3A_323 = arith.addi %parallel_loop3A_322, %iota3A : vector<16xi32>
            %parallel_loop3A_324 = arith.constant 2 : i32
            %parallel_loop3A_325 = arith.index_cast %parallel_loop3A_324 : i32 to index
            %parallel_loop3A_326 = arith.index_cast %parallel_loop3A_228 : i32 to index
            %parallel_loop3A_327 = arith.constant 64 : index
            %parallel_loop3A_328 = tpu.vector_load %run_scoped3A_4[%parallel_loop3A_325, %parallel_loop3A_326, %parallel_loop3A_327] {strides = array<i32>} : memref<4x40x128xi32, #tpu.memory_space<vmem>>, vector<16xi32>,
            %parallel_loop3A_329 = tpu.vector_load_idx %arg6[%parallel_loop3A_328] : memref<1000xf32, #tpu.memory_space<vmem>>[vector<16xi32>], vector<16xf32>,
            %parallel_loop3A_330 = arith.constant 2 : i32
            %parallel_loop3A_331 = arith.index_cast %parallel_loop3A_330 : i32 to index
            %parallel_loop3A_332 = arith.index_cast %parallel_loop3A_228 : i32 to index
            %parallel_loop3A_333 = arith.constant 64 : index
            %parallel_loop3A_334 = tpu.vector_load %run_scoped3A_5[%parallel_loop3A_331, %parallel_loop3A_332, %parallel_loop3A_333] {strides = array<i32>} : memref<4x40x128xf32, #tpu.memory_space<vmem>>, vector<16xf32>,
            tpu.vector_store %run_scoped3A_5[%parallel_loop3A_331, %parallel_loop3A_332, %parallel_loop3A_333], %parallel_loop3A_329 {strides = array<i32>} : memref<4x40x128xf32, #tpu.memory_space<vmem>>, vector<16xf32>,
            %parallel_loop3A_335 = arith.constant 504 : i32
            %parallel_loop3A_336 = vector.broadcast %parallel_loop3A_335 : i32 to vector<16xi32>
            %parallel_loop3A_337 = arith.cmpi slt, %parallel_loop3A_328, %parallel_loop3A_336 : vector<16xi32>
            %parallel_loop3A_338 = arith.constant 0 : i32
            %parallel_loop3A_339 = vector.broadcast %parallel_loop3A_338 : i32 to vector<16xi32>
            %parallel_loop3A_340 = arith.select %parallel_loop3A_337, %parallel_loop3A_328, %parallel_loop3A_339 : vector<16xi1>, vector<16xi32>
            %parallel_loop3A_341 = arith.constant 0.000000e+00 : f32
            %parallel_loop3A_342 = vector.broadcast %parallel_loop3A_341 : f32 to vector<16xf32>
            %parallel_loop3A_343 = arith.select %parallel_loop3A_337, %parallel_loop3A_329, %parallel_loop3A_342 : vector<16xi1>, vector<16xf32>
            tpu.vector_store_idx %run_scoped3A[%parallel_loop3A_340, %parallel_loop3A_323], %parallel_loop3A_343 {add = true} : memref<504x128xf32, #tpu.memory_space<vmem>>[vector<16xi32>, vector<16xi32>], vector<16xf32>,
            %parallel_loop3A_344 = arith.constant 80 : i32
            %parallel_loop3A_345 = vector.broadcast %parallel_loop3A_344 : i32 to vector<16xi32>
            %parallel_loop3A_346 = arith.addi %parallel_loop3A_345, %iota3A : vector<16xi32>
            %parallel_loop3A_347 = arith.constant 2 : i32
            %parallel_loop3A_348 = arith.index_cast %parallel_loop3A_347 : i32 to index
            %parallel_loop3A_349 = arith.index_cast %parallel_loop3A_228 : i32 to index
            %parallel_loop3A_350 = arith.constant 80 : index
            %parallel_loop3A_351 = tpu.vector_load %run_scoped3A_4[%parallel_loop3A_348, %parallel_loop3A_349, %parallel_loop3A_350] {strides = array<i32>} : memref<4x40x128xi32, #tpu.memory_space<vmem>>, vector<16xi32>,
            %parallel_loop3A_352 = tpu.vector_load_idx %arg6[%parallel_loop3A_351] : memref<1000xf32, #tpu.memory_space<vmem>>[vector<16xi32>], vector<16xf32>,
            %parallel_loop3A_353 = arith.constant 2 : i32
            %parallel_loop3A_354 = arith.index_cast %parallel_loop3A_353 : i32 to index
            %parallel_loop3A_355 = arith.index_cast %parallel_loop3A_228 : i32 to index
            %parallel_loop3A_356 = arith.constant 80 : index
            %parallel_loop3A_357 = tpu.vector_load %run_scoped3A_5[%parallel_loop3A_354, %parallel_loop3A_355, %parallel_loop3A_356] {strides = array<i32>} : memref<4x40x128xf32, #tpu.memory_space<vmem>>, vector<16xf32>,
            tpu.vector_store %run_scoped3A_5[%parallel_loop3A_354, %parallel_loop3A_355, %parallel_loop3A_356], %parallel_loop3A_352 {strides = array<i32>} : memref<4x40x128xf32, #tpu.memory_space<vmem>>, vector<16xf32>,
            %parallel_loop3A_358 = arith.constant 504 : i32
            %parallel_loop3A_359 = vector.broadcast %parallel_loop3A_358 : i32 to vector<16xi32>
            %parallel_loop3A_360 = arith.cmpi slt, %parallel_loop3A_351, %parallel_loop3A_359 : vector<16xi32>
            %parallel_loop3A_361 = arith.constant 0 : i32
            %parallel_loop3A_362 = vector.broadcast %parallel_loop3A_361 : i32 to vector<16xi32>
            %parallel_loop3A_363 = arith.select %parallel_loop3A_360, %parallel_loop3A_351, %parallel_loop3A_362 : vector<16xi1>, vector<16xi32>
            %parallel_loop3A_364 = arith.constant 0.000000e+00 : f32
            %parallel_loop3A_365 = vector.broadcast %parallel_loop3A_364 : f32 to vector<16xf32>
            %parallel_loop3A_366 = arith.select %parallel_loop3A_360, %parallel_loop3A_352, %parallel_loop3A_365 : vector<16xi1>, vector<16xf32>
            tpu.vector_store_idx %run_scoped3A[%parallel_loop3A_363, %parallel_loop3A_346], %parallel_loop3A_366 {add = true} : memref<504x128xf32, #tpu.memory_space<vmem>>[vector<16xi32>, vector<16xi32>], vector<16xf32>,
            %parallel_loop3A_367 = arith.constant 96 : i32
            %parallel_loop3A_368 = vector.broadcast %parallel_loop3A_367 : i32 to vector<16xi32>
            %parallel_loop3A_369 = arith.addi %parallel_loop3A_368, %iota3A : vector<16xi32>
            %parallel_loop3A_370 = arith.constant 2 : i32
            %parallel_loop3A_371 = arith.index_cast %parallel_loop3A_370 : i32 to index
            %parallel_loop3A_372 = arith.index_cast %parallel_loop3A_228 : i32 to index
            %parallel_loop3A_373 = arith.constant 96 : index
            %parallel_loop3A_374 = tpu.vector_load %run_scoped3A_4[%parallel_loop3A_371, %parallel_loop3A_372, %parallel_loop3A_373] {strides = array<i32>} : memref<4x40x128xi32, #tpu.memory_space<vmem>>, vector<16xi32>,
            %parallel_loop3A_375 = tpu.vector_load_idx %arg6[%parallel_loop3A_374] : memref<1000xf32, #tpu.memory_space<vmem>>[vector<16xi32>], vector<16xf32>,
            %parallel_loop3A_376 = arith.constant 2 : i32
            %parallel_loop3A_377 = arith.index_cast %parallel_loop3A_376 : i32 to index
            %parallel_loop3A_378 = arith.index_cast %parallel_loop3A_228 : i32 to index
            %parallel_loop3A_379 = arith.constant 96 : index
            %parallel_loop3A_380 = tpu.vector_load %run_scoped3A_5[%parallel_loop3A_377, %parallel_loop3A_378, %parallel_loop3A_379] {strides = array<i32>} : memref<4x40x128xf32, #tpu.memory_space<vmem>>, vector<16xf32>,
            tpu.vector_store %run_scoped3A_5[%parallel_loop3A_377, %parallel_loop3A_378, %parallel_loop3A_379], %parallel_loop3A_375 {strides = array<i32>} : memref<4x40x128xf32, #tpu.memory_space<vmem>>, vector<16xf32>,
            %parallel_loop3A_381 = arith.constant 504 : i32
            %parallel_loop3A_382 = vector.broadcast %parallel_loop3A_381 : i32 to vector<16xi32>
            %parallel_loop3A_383 = arith.cmpi slt, %parallel_loop3A_374, %parallel_loop3A_382 : vector<16xi32>
            %parallel_loop3A_384 = arith.constant 0 : i32
            %parallel_loop3A_385 = vector.broadcast %parallel_loop3A_384 : i32 to vector<16xi32>
            %parallel_loop3A_386 = arith.select %parallel_loop3A_383, %parallel_loop3A_374, %parallel_loop3A_385 : vector<16xi1>, vector<16xi32>
            %parallel_loop3A_387 = arith.constant 0.000000e+00 : f32
            %parallel_loop3A_388 = vector.broadcast %parallel_loop3A_387 : f32 to vector<16xf32>
            %parallel_loop3A_389 = arith.select %parallel_loop3A_383, %parallel_loop3A_375, %parallel_loop3A_388 : vector<16xi1>, vector<16xf32>
            tpu.vector_store_idx %run_scoped3A[%parallel_loop3A_386, %parallel_loop3A_369], %parallel_loop3A_389 {add = true} : memref<504x128xf32, #tpu.memory_space<vmem>>[vector<16xi32>, vector<16xi32>], vector<16xf32>,
            %parallel_loop3A_390 = arith.constant 112 : i32
            %parallel_loop3A_391 = vector.broadcast %parallel_loop3A_390 : i32 to vector<16xi32>
            %parallel_loop3A_392 = arith.addi %parallel_loop3A_391, %iota3A : vector<16xi32>
            %parallel_loop3A_393 = arith.constant 2 : i32
            %parallel_loop3A_394 = arith.index_cast %parallel_loop3A_393 : i32 to index
            %parallel_loop3A_395 = arith.index_cast %parallel_loop3A_228 : i32 to index
            %parallel_loop3A_396 = arith.constant 112 : index
            %parallel_loop3A_397 = tpu.vector_load %run_scoped3A_4[%parallel_loop3A_394, %parallel_loop3A_395, %parallel_loop3A_396] {strides = array<i32>} : memref<4x40x128xi32, #tpu.memory_space<vmem>>, vector<16xi32>,
            %parallel_loop3A_398 = tpu.vector_load_idx %arg6[%parallel_loop3A_397] : memref<1000xf32, #tpu.memory_space<vmem>>[vector<16xi32>], vector<16xf32>,
            %parallel_loop3A_399 = arith.constant 2 : i32
            %parallel_loop3A_400 = arith.index_cast %parallel_loop3A_399 : i32 to index
            %parallel_loop3A_401 = arith.index_cast %parallel_loop3A_228 : i32 to index
            %parallel_loop3A_402 = arith.constant 112 : index
            %parallel_loop3A_403 = tpu.vector_load %run_scoped3A_5[%parallel_loop3A_400, %parallel_loop3A_401, %parallel_loop3A_402] {strides = array<i32>} : memref<4x40x128xf32, #tpu.memory_space<vmem>>, vector<16xf32>,
            tpu.vector_store %run_scoped3A_5[%parallel_loop3A_400, %parallel_loop3A_401, %parallel_loop3A_402], %parallel_loop3A_398 {strides = array<i32>} : memref<4x40x128xf32, #tpu.memory_space<vmem>>, vector<16xf32>,
            %parallel_loop3A_404 = arith.constant 504 : i32
            %parallel_loop3A_405 = vector.broadcast %parallel_loop3A_404 : i32 to vector<16xi32>
            %parallel_loop3A_406 = arith.cmpi slt, %parallel_loop3A_397, %parallel_loop3A_405 : vector<16xi32>
            %parallel_loop3A_407 = arith.constant 0 : i32
            %parallel_loop3A_408 = vector.broadcast %parallel_loop3A_407 : i32 to vector<16xi32>
            %parallel_loop3A_409 = arith.select %parallel_loop3A_406, %parallel_loop3A_397, %parallel_loop3A_408 : vector<16xi1>, vector<16xi32>
            %parallel_loop3A_410 = arith.constant 0.000000e+00 : f32
            %parallel_loop3A_411 = vector.broadcast %parallel_loop3A_410 : f32 to vector<16xf32>
            %parallel_loop3A_412 = arith.select %parallel_loop3A_406, %parallel_loop3A_398, %parallel_loop3A_411 : vector<16xi1>, vector<16xf32>
            tpu.vector_store_idx %run_scoped3A[%parallel_loop3A_409, %parallel_loop3A_392], %parallel_loop3A_412 {add = true} : memref<504x128xf32, #tpu.memory_space<vmem>>[vector<16xi32>, vector<16xi32>], vector<16xf32>,
          } {sc.loop_unroll_factor = 2 : i64, sc.parallel_access}
          %mul3A_205 = arith.constant 40 : i32
          %mul3A_206 = arith.muli %add3A_167, %mul3A_205 : i32
          %dma_start3A_207 = arith.constant 2 : i32
          %dma_start3A_208 = arith.constant 2 : i32
          %dma_start3A_209 = arith.constant 0 : i32
          %dma_start3A_210 = arith.constant 0 : i32
          %dma_start3A_211 = tpu.memref_slice %run_scoped3A_5[%dma_start3A_207, %dma_start3A_209, %dma_start3A_210] : memref<4x40x128xf32, #tpu.memory_space<vmem>> -> memref<1x40x128xf32, #tpu.memory_space<vmem>>
          %dma_start3A_212 = tpu.memref_squeeze %dma_start3A_211 : memref<1x40x128xf32, #tpu.memory_space<vmem>> -> memref<40x128xf32, #tpu.memory_space<vmem>>
          %dma_start3A_213 = tpu.memref_slice %arg5[%mul3A_206, %mul3A_2] : memref<1000x4096xf32, #tpu.memory_space<hbm>> -> memref<40x128xf32, #tpu.memory_space<hbm>>
          %dma_start3A_214 = tpu.memref_slice %arg8[%dma_start3A_208] : memref<4x!tpu.dma_semaphore, #tpu.memory_space<semaphore_mem>> -> memref<1x!tpu.dma_semaphore, #tpu.memory_space<semaphore_mem>>
          %dma_start3A_215 = tpu.memref_squeeze %dma_start3A_214 : memref<1x!tpu.dma_semaphore, #tpu.memory_space<semaphore_mem>> -> memref<!tpu.dma_semaphore, #tpu.memory_space<semaphore_mem>>
          %dma_start3A_216 = tpu.memref_slice %arg5[%mul3A_206, %mul3A_2] : memref<1000x4096xf32, #tpu.memory_space<hbm>> -> memref<40x128xf32, #tpu.memory_space<hbm>>
          %dma_start3A_217 = arith.constant 0 : i32
          %dma_start3A_218 = arith.constant 0 : i32
          %dma_start3A_219 = tpu.memref_slice %run_scoped3A_5[%dma_start3A_207, %dma_start3A_217, %dma_start3A_218] : memref<4x40x128xf32, #tpu.memory_space<vmem>> -> memref<1x40x128xf32, #tpu.memory_space<vmem>>
          %dma_start3A_220 = tpu.memref_squeeze %dma_start3A_219 : memref<1x40x128xf32, #tpu.memory_space<vmem>> -> memref<40x128xf32, #tpu.memory_space<vmem>>
          tpu.enqueue_dma source(%dma_start3A_220 : memref<40x128xf32, #tpu.memory_space<vmem>>) target(%dma_start3A_216 : memref<40x128xf32, #tpu.memory_space<hbm>>) target_semaphore(%dma_start3A_215 : memref<!tpu.dma_semaphore, #tpu.memory_space<semaphore_mem>>)
          %add3A_221 = arith.constant 2 : i32
          %add3A_222 = arith.addi %add3A_167, %add3A_221 : i32
          %lt3A_223 = arith.constant 25 : i32
          %lt3A_224 = arith.cmpi slt, %add3A_222, %lt3A_223 : i32
          %convert_element_type3A_225 = arith.extui %lt3A_224 : i1 to i32
          %cond3A_226 = arith.constant 0 : i32
          %cond3A_227 = arith.cmpi ne, %convert_element_type3A_225, %cond3A_226 : i32
          scf.if %cond3A_227 {
            %add3A_228 = arith.constant 2 : i32
            %add3A_229 = arith.addi %add3A_167, %add3A_228 : i32
            %mul3A_230 = arith.constant 40 : i32
            %mul3A_231 = arith.muli %add3A_229, %mul3A_230 : i32
            %dma_start3A_232 = arith.constant 0 : i32
            %dma_start3A_233 = arith.constant 0 : i32
            %dma_start3A_234 = arith.constant 0 : i32
            %dma_start3A_235 = arith.constant 0 : i32
            %dma_start3A_236 = tpu.memref_slice %run_scoped3A_4[%dma_start3A_232, %dma_start3A_234, %dma_start3A_235] : memref<4x40x128xi32, #tpu.memory_space<vmem>> -> memref<1x40x128xi32, #tpu.memory_space<vmem>>
            %dma_start3A_237 = tpu.memref_squeeze %dma_start3A_236 : memref<1x40x128xi32, #tpu.memory_space<vmem>> -> memref<40x128xi32, #tpu.memory_space<vmem>>
            %dma_start3A_238 = tpu.memref_slice %arg2[%mul3A_231, %mul3A_2] : memref<1000x4096xi32, #tpu.memory_space<hbm>> -> memref<40x128xi32, #tpu.memory_space<hbm>>
            %dma_start3A_239 = tpu.memref_slice %arg7[%dma_start3A_233] : memref<4x!tpu.dma_semaphore, #tpu.memory_space<semaphore_mem>> -> memref<1x!tpu.dma_semaphore, #tpu.memory_space<semaphore_mem>>
            %dma_start3A_240 = tpu.memref_squeeze %dma_start3A_239 : memref<1x!tpu.dma_semaphore, #tpu.memory_space<semaphore_mem>> -> memref<!tpu.dma_semaphore, #tpu.memory_space<semaphore_mem>>
            %dma_start3A_241 = arith.constant 0 : i32
            %dma_start3A_242 = arith.constant 0 : i32
            %dma_start3A_243 = tpu.memref_slice %run_scoped3A_4[%dma_start3A_232, %dma_start3A_241, %dma_start3A_242] : memref<4x40x128xi32, #tpu.memory_space<vmem>> -> memref<1x40x128xi32, #tpu.memory_space<vmem>>
            %dma_start3A_244 = tpu.memref_squeeze %dma_start3A_243 : memref<1x40x128xi32, #tpu.memory_space<vmem>> -> memref<40x128xi32, #tpu.memory_space<vmem>>
            %dma_start3A_245 = tpu.memref_slice %arg2[%mul3A_231, %mul3A_2] : memref<1000x4096xi32, #tpu.memory_space<hbm>> -> memref<40x128xi32, #tpu.memory_space<hbm>>
            tpu.enqueue_dma source(%dma_start3A_245 : memref<40x128xi32, #tpu.memory_space<hbm>>) target(%dma_start3A_244 : memref<40x128xi32, #tpu.memory_space<vmem>>) target_semaphore(%dma_start3A_240 : memref<!tpu.dma_semaphore, #tpu.memory_space<semaphore_mem>>)
          } else {
          }
        } else {
        }
        %mul3A_173 = arith.constant 4 : i32
        %mul3A_174 = arith.muli %scan3A_148, %mul3A_173 : i32
        %add3A_175 = arith.constant 3 : i32
        %add3A_176 = arith.addi %mul3A_174, %add3A_175 : i32
        %lt3A_177 = arith.constant 25 : i32
        %lt3A_178 = arith.cmpi slt, %add3A_176, %lt3A_177 : i32
        %convert_element_type3A_179 = arith.extui %lt3A_178 : i1 to i32
        %cond3A_180 = arith.constant 0 : i32
        %cond3A_181 = arith.cmpi ne, %convert_element_type3A_179, %cond3A_180 : i32
        scf.if %cond3A_181 {
          %dma_wait3A_182 = arith.constant 3 : i32
          %dma_wait3A_183 = arith.constant 3 : i32
          %dma_wait3A_184 = arith.constant 0 : i32
          %dma_wait3A_185 = arith.constant 0 : i32
          %dma_wait3A_186 = tpu.memref_slice %run_scoped3A_4[%dma_wait3A_182, %dma_wait3A_184, %dma_wait3A_185] : memref<4x40x128xi32, #tpu.memory_space<vmem>> -> memref<1x40x128xi32, #tpu.memory_space<vmem>>
          %dma_wait3A_187 = tpu.memref_squeeze %dma_wait3A_186 : memref<1x40x128xi32, #tpu.memory_space<vmem>> -> memref<40x128xi32, #tpu.memory_space<vmem>>
          %dma_wait3A_188 = arith.constant 0 : i32
          %dma_wait3A_189 = tpu.memref_slice %arg2[%dma_wait3A_188, %mul3A_2] : memref<1000x4096xi32, #tpu.memory_space<hbm>> -> memref<40x128xi32, #tpu.memory_space<hbm>>
          %dma_wait3A_190 = tpu.memref_slice %arg7[%dma_wait3A_183] : memref<4x!tpu.dma_semaphore, #tpu.memory_space<semaphore_mem>> -> memref<1x!tpu.dma_semaphore, #tpu.memory_space<semaphore_mem>>
          %dma_wait3A_191 = tpu.memref_squeeze %dma_wait3A_190 : memref<1x!tpu.dma_semaphore, #tpu.memory_space<semaphore_mem>> -> memref<!tpu.dma_semaphore, #tpu.memory_space<semaphore_mem>>
          %dma_wait3A_192 = arith.constant 0 : i32
          %dma_wait3A_193 = arith.constant 0 : i32
          %dma_wait3A_194 = tpu.memref_slice %run_scoped3A_4[%dma_wait3A_182, %dma_wait3A_192, %dma_wait3A_193] : memref<4x40x128xi32, #tpu.memory_space<vmem>> -> memref<1x40x128xi32, #tpu.memory_space<vmem>>
          %dma_wait3A_195 = tpu.memref_squeeze %dma_wait3A_194 : memref<1x40x128xi32, #tpu.memory_space<vmem>> -> memref<40x128xi32, #tpu.memory_space<vmem>>
          %dma_wait3A_196 = arith.constant 0 : i32
          %dma_wait3A_197 = tpu.memref_slice %arg2[%dma_wait3A_196, %mul3A_2] : memref<1000x4096xi32, #tpu.memory_space<hbm>> -> memref<40x128xi32, #tpu.memory_space<hbm>>
          tpu.wait_dma2 semaphore(%dma_wait3A_191 : memref<!tpu.dma_semaphore, #tpu.memory_space<semaphore_mem>>) src(%dma_wait3A_197 : memref<40x128xi32, #tpu.memory_space<hbm>>) dst(%dma_wait3A_195 : memref<40x128xi32, #tpu.memory_space<vmem>>)
          %ge3A = arith.constant 4 : i32
          %ge3A_198 = arith.cmpi sge, %add3A_176, %ge3A : i32
          %convert_element_type3A_199 = arith.extui %ge3A_198 : i1 to i32
          %cond3A_200 = arith.constant 0 : i32
          %cond3A_201 = arith.cmpi ne, %convert_element_type3A_199, %cond3A_200 : i32
          scf.if %cond3A_201 {
            %dma_wait3A_228 = arith.constant 3 : i32
            %dma_wait3A_229 = arith.constant 3 : i32
            %dma_wait3A_230 = arith.constant 0 : i32
            %dma_wait3A_231 = arith.constant 0 : i32
            %dma_wait3A_232 = tpu.memref_slice %run_scoped3A_5[%dma_wait3A_228, %dma_wait3A_230, %dma_wait3A_231] : memref<4x40x128xf32, #tpu.memory_space<vmem>> -> memref<1x40x128xf32, #tpu.memory_space<vmem>>
            %dma_wait3A_233 = tpu.memref_squeeze %dma_wait3A_232 : memref<1x40x128xf32, #tpu.memory_space<vmem>> -> memref<40x128xf32, #tpu.memory_space<vmem>>
            %dma_wait3A_234 = arith.constant 0 : i32
            %dma_wait3A_235 = tpu.memref_slice %arg5[%dma_wait3A_234, %mul3A_2] : memref<1000x4096xf32, #tpu.memory_space<hbm>> -> memref<40x128xf32, #tpu.memory_space<hbm>>
            %dma_wait3A_236 = tpu.memref_slice %arg8[%dma_wait3A_229] : memref<4x!tpu.dma_semaphore, #tpu.memory_space<semaphore_mem>> -> memref<1x!tpu.dma_semaphore, #tpu.memory_space<semaphore_mem>>
            %dma_wait3A_237 = tpu.memref_squeeze %dma_wait3A_236 : memref<1x!tpu.dma_semaphore, #tpu.memory_space<semaphore_mem>> -> memref<!tpu.dma_semaphore, #tpu.memory_space<semaphore_mem>>
            %dma_wait3A_238 = arith.constant 0 : i32
            %dma_wait3A_239 = tpu.memref_slice %arg5[%dma_wait3A_238, %mul3A_2] : memref<1000x4096xf32, #tpu.memory_space<hbm>> -> memref<40x128xf32, #tpu.memory_space<hbm>>
            %dma_wait3A_240 = arith.constant 0 : i32
            %dma_wait3A_241 = arith.constant 0 : i32
            %dma_wait3A_242 = tpu.memref_slice %run_scoped3A_5[%dma_wait3A_228, %dma_wait3A_240, %dma_wait3A_241] : memref<4x40x128xf32, #tpu.memory_space<vmem>> -> memref<1x40x128xf32, #tpu.memory_space<vmem>>
            %dma_wait3A_243 = tpu.memref_squeeze %dma_wait3A_242 : memref<1x40x128xf32, #tpu.memory_space<vmem>> -> memref<40x128xf32, #tpu.memory_space<vmem>>
            tpu.wait_dma2 semaphore(%dma_wait3A_237 : memref<!tpu.dma_semaphore, #tpu.memory_space<semaphore_mem>>) src(%dma_wait3A_243 : memref<40x128xf32, #tpu.memory_space<vmem>>) dst(%dma_wait3A_239 : memref<40x128xf32, #tpu.memory_space<hbm>>)
          } else {
          }
          %parallel_loop3A_202 = arith.constant 0 : i32
          %parallel_loop3A_203 = arith.constant 40 : i32
          %parallel_loop3A_204 = arith.constant 1 : i32
          scf.for %parallel_loop3A_228 = %parallel_loop3A_202 to %parallel_loop3A_203 step %parallel_loop3A_204  : i32 {
            %parallel_loop3A_229 = arith.constant 0 : i32
            %parallel_loop3A_230 = vector.broadcast %parallel_loop3A_229 : i32 to vector<16xi32>
            %parallel_loop3A_231 = arith.addi %parallel_loop3A_230, %iota3A : vector<16xi32>
            %parallel_loop3A_232 = arith.constant 3 : i32
            %parallel_loop3A_233 = arith.index_cast %parallel_loop3A_232 : i32 to index
            %parallel_loop3A_234 = arith.index_cast %parallel_loop3A_228 : i32 to index
            %parallel_loop3A_235 = arith.constant 0 : index
            %parallel_loop3A_236 = tpu.vector_load %run_scoped3A_4[%parallel_loop3A_233, %parallel_loop3A_234, %parallel_loop3A_235] {strides = array<i32>} : memref<4x40x128xi32, #tpu.memory_space<vmem>>, vector<16xi32>,
            %parallel_loop3A_237 = tpu.vector_load_idx %arg6[%parallel_loop3A_236] : memref<1000xf32, #tpu.memory_space<vmem>>[vector<16xi32>], vector<16xf32>,
            %parallel_loop3A_238 = arith.constant 3 : i32
            %parallel_loop3A_239 = arith.index_cast %parallel_loop3A_238 : i32 to index
            %parallel_loop3A_240 = arith.index_cast %parallel_loop3A_228 : i32 to index
            %parallel_loop3A_241 = arith.constant 0 : index
            %parallel_loop3A_242 = tpu.vector_load %run_scoped3A_5[%parallel_loop3A_239, %parallel_loop3A_240, %parallel_loop3A_241] {strides = array<i32>} : memref<4x40x128xf32, #tpu.memory_space<vmem>>, vector<16xf32>,
            tpu.vector_store %run_scoped3A_5[%parallel_loop3A_239, %parallel_loop3A_240, %parallel_loop3A_241], %parallel_loop3A_237 {strides = array<i32>} : memref<4x40x128xf32, #tpu.memory_space<vmem>>, vector<16xf32>,
            %parallel_loop3A_243 = arith.constant 504 : i32
            %parallel_loop3A_244 = vector.broadcast %parallel_loop3A_243 : i32 to vector<16xi32>
            %parallel_loop3A_245 = arith.cmpi slt, %parallel_loop3A_236, %parallel_loop3A_244 : vector<16xi32>
            %parallel_loop3A_246 = arith.constant 0 : i32
            %parallel_loop3A_247 = vector.broadcast %parallel_loop3A_246 : i32 to vector<16xi32>
            %parallel_loop3A_248 = arith.select %parallel_loop3A_245, %parallel_loop3A_236, %parallel_loop3A_247 : vector<16xi1>, vector<16xi32>
            %parallel_loop3A_249 = arith.constant 0.000000e+00 : f32
            %parallel_loop3A_250 = vector.broadcast %parallel_loop3A_249 : f32 to vector<16xf32>
            %parallel_loop3A_251 = arith.select %parallel_loop3A_245, %parallel_loop3A_237, %parallel_loop3A_250 : vector<16xi1>, vector<16xf32>
            tpu.vector_store_idx %run_scoped3A[%parallel_loop3A_248, %parallel_loop3A_231], %parallel_loop3A_251 {add = true} : memref<504x128xf32, #tpu.memory_space<vmem>>[vector<16xi32>, vector<16xi32>], vector<16xf32>,
            %parallel_loop3A_252 = arith.constant 16 : i32
            %parallel_loop3A_253 = vector.broadcast %parallel_loop3A_252 : i32 to vector<16xi32>
            %parallel_loop3A_254 = arith.addi %parallel_loop3A_253, %iota3A : vector<16xi32>
            %parallel_loop3A_255 = arith.constant 3 : i32
            %parallel_loop3A_256 = arith.index_cast %parallel_loop3A_255 : i32 to index
            %parallel_loop3A_257 = arith.index_cast %parallel_loop3A_228 : i32 to index
            %parallel_loop3A_258 = arith.constant 16 : index
            %parallel_loop3A_259 = tpu.vector_load %run_scoped3A_4[%parallel_loop3A_256, %parallel_loop3A_257, %parallel_loop3A_258] {strides = array<i32>} : memref<4x40x128xi32, #tpu.memory_space<vmem>>, vector<16xi32>,
            %parallel_loop3A_260 = tpu.vector_load_idx %arg6[%parallel_loop3A_259] : memref<1000xf32, #tpu.memory_space<vmem>>[vector<16xi32>], vector<16xf32>,
            %parallel_loop3A_261 = arith.constant 3 : i32
            %parallel_loop3A_262 = arith.index_cast %parallel_loop3A_261 : i32 to index
            %parallel_loop3A_263 = arith.index_cast %parallel_loop3A_228 : i32 to index
            %parallel_loop3A_264 = arith.constant 16 : index
            %parallel_loop3A_265 = tpu.vector_load %run_scoped3A_5[%parallel_loop3A_262, %parallel_loop3A_263, %parallel_loop3A_264] {strides = array<i32>} : memref<4x40x128xf32, #tpu.memory_space<vmem>>, vector<16xf32>,
            tpu.vector_store %run_scoped3A_5[%parallel_loop3A_262, %parallel_loop3A_263, %parallel_loop3A_264], %parallel_loop3A_260 {strides = array<i32>} : memref<4x40x128xf32, #tpu.memory_space<vmem>>, vector<16xf32>,
            %parallel_loop3A_266 = arith.constant 504 : i32
            %parallel_loop3A_267 = vector.broadcast %parallel_loop3A_266 : i32 to vector<16xi32>
            %parallel_loop3A_268 = arith.cmpi slt, %parallel_loop3A_259, %parallel_loop3A_267 : vector<16xi32>
            %parallel_loop3A_269 = arith.constant 0 : i32
            %parallel_loop3A_270 = vector.broadcast %parallel_loop3A_269 : i32 to vector<16xi32>
            %parallel_loop3A_271 = arith.select %parallel_loop3A_268, %parallel_loop3A_259, %parallel_loop3A_270 : vector<16xi1>, vector<16xi32>
            %parallel_loop3A_272 = arith.constant 0.000000e+00 : f32
            %parallel_loop3A_273 = vector.broadcast %parallel_loop3A_272 : f32 to vector<16xf32>
            %parallel_loop3A_274 = arith.select %parallel_loop3A_268, %parallel_loop3A_260, %parallel_loop3A_273 : vector<16xi1>, vector<16xf32>
            tpu.vector_store_idx %run_scoped3A[%parallel_loop3A_271, %parallel_loop3A_254], %parallel_loop3A_274 {add = true} : memref<504x128xf32, #tpu.memory_space<vmem>>[vector<16xi32>, vector<16xi32>], vector<16xf32>,
            %parallel_loop3A_275 = arith.constant 32 : i32
            %parallel_loop3A_276 = vector.broadcast %parallel_loop3A_275 : i32 to vector<16xi32>
            %parallel_loop3A_277 = arith.addi %parallel_loop3A_276, %iota3A : vector<16xi32>
            %parallel_loop3A_278 = arith.constant 3 : i32
            %parallel_loop3A_279 = arith.index_cast %parallel_loop3A_278 : i32 to index
            %parallel_loop3A_280 = arith.index_cast %parallel_loop3A_228 : i32 to index
            %parallel_loop3A_281 = arith.constant 32 : index
            %parallel_loop3A_282 = tpu.vector_load %run_scoped3A_4[%parallel_loop3A_279, %parallel_loop3A_280, %parallel_loop3A_281] {strides = array<i32>} : memref<4x40x128xi32, #tpu.memory_space<vmem>>, vector<16xi32>,
            %parallel_loop3A_283 = tpu.vector_load_idx %arg6[%parallel_loop3A_282] : memref<1000xf32, #tpu.memory_space<vmem>>[vector<16xi32>], vector<16xf32>,
            %parallel_loop3A_284 = arith.constant 3 : i32
            %parallel_loop3A_285 = arith.index_cast %parallel_loop3A_284 : i32 to index
            %parallel_loop3A_286 = arith.index_cast %parallel_loop3A_228 : i32 to index
            %parallel_loop3A_287 = arith.constant 32 : index
            %parallel_loop3A_288 = tpu.vector_load %run_scoped3A_5[%parallel_loop3A_285, %parallel_loop3A_286, %parallel_loop3A_287] {strides = array<i32>} : memref<4x40x128xf32, #tpu.memory_space<vmem>>, vector<16xf32>,
            tpu.vector_store %run_scoped3A_5[%parallel_loop3A_285, %parallel_loop3A_286, %parallel_loop3A_287], %parallel_loop3A_283 {strides = array<i32>} : memref<4x40x128xf32, #tpu.memory_space<vmem>>, vector<16xf32>,
            %parallel_loop3A_289 = arith.constant 504 : i32
            %parallel_loop3A_290 = vector.broadcast %parallel_loop3A_289 : i32 to vector<16xi32>
            %parallel_loop3A_291 = arith.cmpi slt, %parallel_loop3A_282, %parallel_loop3A_290 : vector<16xi32>
            %parallel_loop3A_292 = arith.constant 0 : i32
            %parallel_loop3A_293 = vector.broadcast %parallel_loop3A_292 : i32 to vector<16xi32>
            %parallel_loop3A_294 = arith.select %parallel_loop3A_291, %parallel_loop3A_282, %parallel_loop3A_293 : vector<16xi1>, vector<16xi32>
            %parallel_loop3A_295 = arith.constant 0.000000e+00 : f32
            %parallel_loop3A_296 = vector.broadcast %parallel_loop3A_295 : f32 to vector<16xf32>
            %parallel_loop3A_297 = arith.select %parallel_loop3A_291, %parallel_loop3A_283, %parallel_loop3A_296 : vector<16xi1>, vector<16xf32>
            tpu.vector_store_idx %run_scoped3A[%parallel_loop3A_294, %parallel_loop3A_277], %parallel_loop3A_297 {add = true} : memref<504x128xf32, #tpu.memory_space<vmem>>[vector<16xi32>, vector<16xi32>], vector<16xf32>,
            %parallel_loop3A_298 = arith.constant 48 : i32
            %parallel_loop3A_299 = vector.broadcast %parallel_loop3A_298 : i32 to vector<16xi32>
            %parallel_loop3A_300 = arith.addi %parallel_loop3A_299, %iota3A : vector<16xi32>
            %parallel_loop3A_301 = arith.constant 3 : i32
            %parallel_loop3A_302 = arith.index_cast %parallel_loop3A_301 : i32 to index
            %parallel_loop3A_303 = arith.index_cast %parallel_loop3A_228 : i32 to index
            %parallel_loop3A_304 = arith.constant 48 : index
            %parallel_loop3A_305 = tpu.vector_load %run_scoped3A_4[%parallel_loop3A_302, %parallel_loop3A_303, %parallel_loop3A_304] {strides = array<i32>} : memref<4x40x128xi32, #tpu.memory_space<vmem>>, vector<16xi32>,
            %parallel_loop3A_306 = tpu.vector_load_idx %arg6[%parallel_loop3A_305] : memref<1000xf32, #tpu.memory_space<vmem>>[vector<16xi32>], vector<16xf32>,
            %parallel_loop3A_307 = arith.constant 3 : i32
            %parallel_loop3A_308 = arith.index_cast %parallel_loop3A_307 : i32 to index
            %parallel_loop3A_309 = arith.index_cast %parallel_loop3A_228 : i32 to index
            %parallel_loop3A_310 = arith.constant 48 : index
            %parallel_loop3A_311 = tpu.vector_load %run_scoped3A_5[%parallel_loop3A_308, %parallel_loop3A_309, %parallel_loop3A_310] {strides = array<i32>} : memref<4x40x128xf32, #tpu.memory_space<vmem>>, vector<16xf32>,
            tpu.vector_store %run_scoped3A_5[%parallel_loop3A_308, %parallel_loop3A_309, %parallel_loop3A_310], %parallel_loop3A_306 {strides = array<i32>} : memref<4x40x128xf32, #tpu.memory_space<vmem>>, vector<16xf32>,
            %parallel_loop3A_312 = arith.constant 504 : i32
            %parallel_loop3A_313 = vector.broadcast %parallel_loop3A_312 : i32 to vector<16xi32>
            %parallel_loop3A_314 = arith.cmpi slt, %parallel_loop3A_305, %parallel_loop3A_313 : vector<16xi32>
            %parallel_loop3A_315 = arith.constant 0 : i32
            %parallel_loop3A_316 = vector.broadcast %parallel_loop3A_315 : i32 to vector<16xi32>
            %parallel_loop3A_317 = arith.select %parallel_loop3A_314, %parallel_loop3A_305, %parallel_loop3A_316 : vector<16xi1>, vector<16xi32>
            %parallel_loop3A_318 = arith.constant 0.000000e+00 : f32
            %parallel_loop3A_319 = vector.broadcast %parallel_loop3A_318 : f32 to vector<16xf32>
            %parallel_loop3A_320 = arith.select %parallel_loop3A_314, %parallel_loop3A_306, %parallel_loop3A_319 : vector<16xi1>, vector<16xf32>
            tpu.vector_store_idx %run_scoped3A[%parallel_loop3A_317, %parallel_loop3A_300], %parallel_loop3A_320 {add = true} : memref<504x128xf32, #tpu.memory_space<vmem>>[vector<16xi32>, vector<16xi32>], vector<16xf32>,
            %parallel_loop3A_321 = arith.constant 64 : i32
            %parallel_loop3A_322 = vector.broadcast %parallel_loop3A_321 : i32 to vector<16xi32>
            %parallel_loop3A_323 = arith.addi %parallel_loop3A_322, %iota3A : vector<16xi32>
            %parallel_loop3A_324 = arith.constant 3 : i32
            %parallel_loop3A_325 = arith.index_cast %parallel_loop3A_324 : i32 to index
            %parallel_loop3A_326 = arith.index_cast %parallel_loop3A_228 : i32 to index
            %parallel_loop3A_327 = arith.constant 64 : index
            %parallel_loop3A_328 = tpu.vector_load %run_scoped3A_4[%parallel_loop3A_325, %parallel_loop3A_326, %parallel_loop3A_327] {strides = array<i32>} : memref<4x40x128xi32, #tpu.memory_space<vmem>>, vector<16xi32>,
            %parallel_loop3A_329 = tpu.vector_load_idx %arg6[%parallel_loop3A_328] : memref<1000xf32, #tpu.memory_space<vmem>>[vector<16xi32>], vector<16xf32>,
            %parallel_loop3A_330 = arith.constant 3 : i32
            %parallel_loop3A_331 = arith.index_cast %parallel_loop3A_330 : i32 to index
            %parallel_loop3A_332 = arith.index_cast %parallel_loop3A_228 : i32 to index
            %parallel_loop3A_333 = arith.constant 64 : index
            %parallel_loop3A_334 = tpu.vector_load %run_scoped3A_5[%parallel_loop3A_331, %parallel_loop3A_332, %parallel_loop3A_333] {strides = array<i32>} : memref<4x40x128xf32, #tpu.memory_space<vmem>>, vector<16xf32>,
            tpu.vector_store %run_scoped3A_5[%parallel_loop3A_331, %parallel_loop3A_332, %parallel_loop3A_333], %parallel_loop3A_329 {strides = array<i32>} : memref<4x40x128xf32, #tpu.memory_space<vmem>>, vector<16xf32>,
            %parallel_loop3A_335 = arith.constant 504 : i32
            %parallel_loop3A_336 = vector.broadcast %parallel_loop3A_335 : i32 to vector<16xi32>
            %parallel_loop3A_337 = arith.cmpi slt, %parallel_loop3A_328, %parallel_loop3A_336 : vector<16xi32>
            %parallel_loop3A_338 = arith.constant 0 : i32
            %parallel_loop3A_339 = vector.broadcast %parallel_loop3A_338 : i32 to vector<16xi32>
            %parallel_loop3A_340 = arith.select %parallel_loop3A_337, %parallel_loop3A_328, %parallel_loop3A_339 : vector<16xi1>, vector<16xi32>
            %parallel_loop3A_341 = arith.constant 0.000000e+00 : f32
            %parallel_loop3A_342 = vector.broadcast %parallel_loop3A_341 : f32 to vector<16xf32>
            %parallel_loop3A_343 = arith.select %parallel_loop3A_337, %parallel_loop3A_329, %parallel_loop3A_342 : vector<16xi1>, vector<16xf32>
            tpu.vector_store_idx %run_scoped3A[%parallel_loop3A_340, %parallel_loop3A_323], %parallel_loop3A_343 {add = true} : memref<504x128xf32, #tpu.memory_space<vmem>>[vector<16xi32>, vector<16xi32>], vector<16xf32>,
            %parallel_loop3A_344 = arith.constant 80 : i32
            %parallel_loop3A_345 = vector.broadcast %parallel_loop3A_344 : i32 to vector<16xi32>
            %parallel_loop3A_346 = arith.addi %parallel_loop3A_345, %iota3A : vector<16xi32>
            %parallel_loop3A_347 = arith.constant 3 : i32
            %parallel_loop3A_348 = arith.index_cast %parallel_loop3A_347 : i32 to index
            %parallel_loop3A_349 = arith.index_cast %parallel_loop3A_228 : i32 to index
            %parallel_loop3A_350 = arith.constant 80 : index
            %parallel_loop3A_351 = tpu.vector_load %run_scoped3A_4[%parallel_loop3A_348, %parallel_loop3A_349, %parallel_loop3A_350] {strides = array<i32>} : memref<4x40x128xi32, #tpu.memory_space<vmem>>, vector<16xi32>,
            %parallel_loop3A_352 = tpu.vector_load_idx %arg6[%parallel_loop3A_351] : memref<1000xf32, #tpu.memory_space<vmem>>[vector<16xi32>], vector<16xf32>,
            %parallel_loop3A_353 = arith.constant 3 : i32
            %parallel_loop3A_354 = arith.index_cast %parallel_loop3A_353 : i32 to index
            %parallel_loop3A_355 = arith.index_cast %parallel_loop3A_228 : i32 to index
            %parallel_loop3A_356 = arith.constant 80 : index
            %parallel_loop3A_357 = tpu.vector_load %run_scoped3A_5[%parallel_loop3A_354, %parallel_loop3A_355, %parallel_loop3A_356] {strides = array<i32>} : memref<4x40x128xf32, #tpu.memory_space<vmem>>, vector<16xf32>,
            tpu.vector_store %run_scoped3A_5[%parallel_loop3A_354, %parallel_loop3A_355, %parallel_loop3A_356], %parallel_loop3A_352 {strides = array<i32>} : memref<4x40x128xf32, #tpu.memory_space<vmem>>, vector<16xf32>,
            %parallel_loop3A_358 = arith.constant 504 : i32
            %parallel_loop3A_359 = vector.broadcast %parallel_loop3A_358 : i32 to vector<16xi32>
            %parallel_loop3A_360 = arith.cmpi slt, %parallel_loop3A_351, %parallel_loop3A_359 : vector<16xi32>
            %parallel_loop3A_361 = arith.constant 0 : i32
            %parallel_loop3A_362 = vector.broadcast %parallel_loop3A_361 : i32 to vector<16xi32>
            %parallel_loop3A_363 = arith.select %parallel_loop3A_360, %parallel_loop3A_351, %parallel_loop3A_362 : vector<16xi1>, vector<16xi32>
            %parallel_loop3A_364 = arith.constant 0.000000e+00 : f32
            %parallel_loop3A_365 = vector.broadcast %parallel_loop3A_364 : f32 to vector<16xf32>
            %parallel_loop3A_366 = arith.select %parallel_loop3A_360, %parallel_loop3A_352, %parallel_loop3A_365 : vector<16xi1>, vector<16xf32>
            tpu.vector_store_idx %run_scoped3A[%parallel_loop3A_363, %parallel_loop3A_346], %parallel_loop3A_366 {add = true} : memref<504x128xf32, #tpu.memory_space<vmem>>[vector<16xi32>, vector<16xi32>], vector<16xf32>,
            %parallel_loop3A_367 = arith.constant 96 : i32
            %parallel_loop3A_368 = vector.broadcast %parallel_loop3A_367 : i32 to vector<16xi32>
            %parallel_loop3A_369 = arith.addi %parallel_loop3A_368, %iota3A : vector<16xi32>
            %parallel_loop3A_370 = arith.constant 3 : i32
            %parallel_loop3A_371 = arith.index_cast %parallel_loop3A_370 : i32 to index
            %parallel_loop3A_372 = arith.index_cast %parallel_loop3A_228 : i32 to index
            %parallel_loop3A_373 = arith.constant 96 : index
            %parallel_loop3A_374 = tpu.vector_load %run_scoped3A_4[%parallel_loop3A_371, %parallel_loop3A_372, %parallel_loop3A_373] {strides = array<i32>} : memref<4x40x128xi32, #tpu.memory_space<vmem>>, vector<16xi32>,
            %parallel_loop3A_375 = tpu.vector_load_idx %arg6[%parallel_loop3A_374] : memref<1000xf32, #tpu.memory_space<vmem>>[vector<16xi32>], vector<16xf32>,
            %parallel_loop3A_376 = arith.constant 3 : i32
            %parallel_loop3A_377 = arith.index_cast %parallel_loop3A_376 : i32 to index
            %parallel_loop3A_378 = arith.index_cast %parallel_loop3A_228 : i32 to index
            %parallel_loop3A_379 = arith.constant 96 : index
            %parallel_loop3A_380 = tpu.vector_load %run_scoped3A_5[%parallel_loop3A_377, %parallel_loop3A_378, %parallel_loop3A_379] {strides = array<i32>} : memref<4x40x128xf32, #tpu.memory_space<vmem>>, vector<16xf32>,
            tpu.vector_store %run_scoped3A_5[%parallel_loop3A_377, %parallel_loop3A_378, %parallel_loop3A_379], %parallel_loop3A_375 {strides = array<i32>} : memref<4x40x128xf32, #tpu.memory_space<vmem>>, vector<16xf32>,
            %parallel_loop3A_381 = arith.constant 504 : i32
            %parallel_loop3A_382 = vector.broadcast %parallel_loop3A_381 : i32 to vector<16xi32>
            %parallel_loop3A_383 = arith.cmpi slt, %parallel_loop3A_374, %parallel_loop3A_382 : vector<16xi32>
            %parallel_loop3A_384 = arith.constant 0 : i32
            %parallel_loop3A_385 = vector.broadcast %parallel_loop3A_384 : i32 to vector<16xi32>
            %parallel_loop3A_386 = arith.select %parallel_loop3A_383, %parallel_loop3A_374, %parallel_loop3A_385 : vector<16xi1>, vector<16xi32>
            %parallel_loop3A_387 = arith.constant 0.000000e+00 : f32
            %parallel_loop3A_388 = vector.broadcast %parallel_loop3A_387 : f32 to vector<16xf32>
            %parallel_loop3A_389 = arith.select %parallel_loop3A_383, %parallel_loop3A_375, %parallel_loop3A_388 : vector<16xi1>, vector<16xf32>
            tpu.vector_store_idx %run_scoped3A[%parallel_loop3A_386, %parallel_loop3A_369], %parallel_loop3A_389 {add = true} : memref<504x128xf32, #tpu.memory_space<vmem>>[vector<16xi32>, vector<16xi32>], vector<16xf32>,
            %parallel_loop3A_390 = arith.constant 112 : i32
            %parallel_loop3A_391 = vector.broadcast %parallel_loop3A_390 : i32 to vector<16xi32>
            %parallel_loop3A_392 = arith.addi %parallel_loop3A_391, %iota3A : vector<16xi32>
            %parallel_loop3A_393 = arith.constant 3 : i32
            %parallel_loop3A_394 = arith.index_cast %parallel_loop3A_393 : i32 to index
            %parallel_loop3A_395 = arith.index_cast %parallel_loop3A_228 : i32 to index
            %parallel_loop3A_396 = arith.constant 112 : index
            %parallel_loop3A_397 = tpu.vector_load %run_scoped3A_4[%parallel_loop3A_394, %parallel_loop3A_395, %parallel_loop3A_396] {strides = array<i32>} : memref<4x40x128xi32, #tpu.memory_space<vmem>>, vector<16xi32>,
            %parallel_loop3A_398 = tpu.vector_load_idx %arg6[%parallel_loop3A_397] : memref<1000xf32, #tpu.memory_space<vmem>>[vector<16xi32>], vector<16xf32>,
            %parallel_loop3A_399 = arith.constant 3 : i32
            %parallel_loop3A_400 = arith.index_cast %parallel_loop3A_399 : i32 to index
            %parallel_loop3A_401 = arith.index_cast %parallel_loop3A_228 : i32 to index
            %parallel_loop3A_402 = arith.constant 112 : index
            %parallel_loop3A_403 = tpu.vector_load %run_scoped3A_5[%parallel_loop3A_400, %parallel_loop3A_401, %parallel_loop3A_402] {strides = array<i32>} : memref<4x40x128xf32, #tpu.memory_space<vmem>>, vector<16xf32>,
            tpu.vector_store %run_scoped3A_5[%parallel_loop3A_400, %parallel_loop3A_401, %parallel_loop3A_402], %parallel_loop3A_398 {strides = array<i32>} : memref<4x40x128xf32, #tpu.memory_space<vmem>>, vector<16xf32>,
            %parallel_loop3A_404 = arith.constant 504 : i32
            %parallel_loop3A_405 = vector.broadcast %parallel_loop3A_404 : i32 to vector<16xi32>
            %parallel_loop3A_406 = arith.cmpi slt, %parallel_loop3A_397, %parallel_loop3A_405 : vector<16xi32>
            %parallel_loop3A_407 = arith.constant 0 : i32
            %parallel_loop3A_408 = vector.broadcast %parallel_loop3A_407 : i32 to vector<16xi32>
            %parallel_loop3A_409 = arith.select %parallel_loop3A_406, %parallel_loop3A_397, %parallel_loop3A_408 : vector<16xi1>, vector<16xi32>
            %parallel_loop3A_410 = arith.constant 0.000000e+00 : f32
            %parallel_loop3A_411 = vector.broadcast %parallel_loop3A_410 : f32 to vector<16xf32>
            %parallel_loop3A_412 = arith.select %parallel_loop3A_406, %parallel_loop3A_398, %parallel_loop3A_411 : vector<16xi1>, vector<16xf32>
            tpu.vector_store_idx %run_scoped3A[%parallel_loop3A_409, %parallel_loop3A_392], %parallel_loop3A_412 {add = true} : memref<504x128xf32, #tpu.memory_space<vmem>>[vector<16xi32>, vector<16xi32>], vector<16xf32>,
          } {sc.loop_unroll_factor = 2 : i64, sc.parallel_access}
          %mul3A_205 = arith.constant 40 : i32
          %mul3A_206 = arith.muli %add3A_176, %mul3A_205 : i32
          %dma_start3A_207 = arith.constant 3 : i32
          %dma_start3A_208 = arith.constant 3 : i32
          %dma_start3A_209 = arith.constant 0 : i32
          %dma_start3A_210 = arith.constant 0 : i32
          %dma_start3A_211 = tpu.memref_slice %run_scoped3A_5[%dma_start3A_207, %dma_start3A_209, %dma_start3A_210] : memref<4x40x128xf32, #tpu.memory_space<vmem>> -> memref<1x40x128xf32, #tpu.memory_space<vmem>>
          %dma_start3A_212 = tpu.memref_squeeze %dma_start3A_211 : memref<1x40x128xf32, #tpu.memory_space<vmem>> -> memref<40x128xf32, #tpu.memory_space<vmem>>
          %dma_start3A_213 = tpu.memref_slice %arg5[%mul3A_206, %mul3A_2] : memref<1000x4096xf32, #tpu.memory_space<hbm>> -> memref<40x128xf32, #tpu.memory_space<hbm>>
          %dma_start3A_214 = tpu.memref_slice %arg8[%dma_start3A_208] : memref<4x!tpu.dma_semaphore, #tpu.memory_space<semaphore_mem>> -> memref<1x!tpu.dma_semaphore, #tpu.memory_space<semaphore_mem>>
          %dma_start3A_215 = tpu.memref_squeeze %dma_start3A_214 : memref<1x!tpu.dma_semaphore, #tpu.memory_space<semaphore_mem>> -> memref<!tpu.dma_semaphore, #tpu.memory_space<semaphore_mem>>
          %dma_start3A_216 = tpu.memref_slice %arg5[%mul3A_206, %mul3A_2] : memref<1000x4096xf32, #tpu.memory_space<hbm>> -> memref<40x128xf32, #tpu.memory_space<hbm>>
          %dma_start3A_217 = arith.constant 0 : i32
          %dma_start3A_218 = arith.constant 0 : i32
          %dma_start3A_219 = tpu.memref_slice %run_scoped3A_5[%dma_start3A_207, %dma_start3A_217, %dma_start3A_218] : memref<4x40x128xf32, #tpu.memory_space<vmem>> -> memref<1x40x128xf32, #tpu.memory_space<vmem>>
          %dma_start3A_220 = tpu.memref_squeeze %dma_start3A_219 : memref<1x40x128xf32, #tpu.memory_space<vmem>> -> memref<40x128xf32, #tpu.memory_space<vmem>>
          tpu.enqueue_dma source(%dma_start3A_220 : memref<40x128xf32, #tpu.memory_space<vmem>>) target(%dma_start3A_216 : memref<40x128xf32, #tpu.memory_space<hbm>>) target_semaphore(%dma_start3A_215 : memref<!tpu.dma_semaphore, #tpu.memory_space<semaphore_mem>>)
          %add3A_221 = arith.constant 2 : i32
          %add3A_222 = arith.addi %add3A_176, %add3A_221 : i32
          %lt3A_223 = arith.constant 25 : i32
          %lt3A_224 = arith.cmpi slt, %add3A_222, %lt3A_223 : i32
          %convert_element_type3A_225 = arith.extui %lt3A_224 : i1 to i32
          %cond3A_226 = arith.constant 0 : i32
          %cond3A_227 = arith.cmpi ne, %convert_element_type3A_225, %cond3A_226 : i32
          scf.if %cond3A_227 {
            %add3A_228 = arith.constant 2 : i32
            %add3A_229 = arith.addi %add3A_176, %add3A_228 : i32
            %mul3A_230 = arith.constant 40 : i32
            %mul3A_231 = arith.muli %add3A_229, %mul3A_230 : i32
            %dma_start3A_232 = arith.constant 1 : i32
            %dma_start3A_233 = arith.constant 1 : i32
            %dma_start3A_234 = arith.constant 0 : i32
            %dma_start3A_235 = arith.constant 0 : i32
            %dma_start3A_236 = tpu.memref_slice %run_scoped3A_4[%dma_start3A_232, %dma_start3A_234, %dma_start3A_235] : memref<4x40x128xi32, #tpu.memory_space<vmem>> -> memref<1x40x128xi32, #tpu.memory_space<vmem>>
            %dma_start3A_237 = tpu.memref_squeeze %dma_start3A_236 : memref<1x40x128xi32, #tpu.memory_space<vmem>> -> memref<40x128xi32, #tpu.memory_space<vmem>>
            %dma_start3A_238 = tpu.memref_slice %arg2[%mul3A_231, %mul3A_2] : memref<1000x4096xi32, #tpu.memory_space<hbm>> -> memref<40x128xi32, #tpu.memory_space<hbm>>
            %dma_start3A_239 = tpu.memref_slice %arg7[%dma_start3A_233] : memref<4x!tpu.dma_semaphore, #tpu.memory_space<semaphore_mem>> -> memref<1x!tpu.dma_semaphore, #tpu.memory_space<semaphore_mem>>
            %dma_start3A_240 = tpu.memref_squeeze %dma_start3A_239 : memref<1x!tpu.dma_semaphore, #tpu.memory_space<semaphore_mem>> -> memref<!tpu.dma_semaphore, #tpu.memory_space<semaphore_mem>>
            %dma_start3A_241 = arith.constant 0 : i32
            %dma_start3A_242 = arith.constant 0 : i32
            %dma_start3A_243 = tpu.memref_slice %run_scoped3A_4[%dma_start3A_232, %dma_start3A_241, %dma_start3A_242] : memref<4x40x128xi32, #tpu.memory_space<vmem>> -> memref<1x40x128xi32, #tpu.memory_space<vmem>>
            %dma_start3A_244 = tpu.memref_squeeze %dma_start3A_243 : memref<1x40x128xi32, #tpu.memory_space<vmem>> -> memref<40x128xi32, #tpu.memory_space<vmem>>
            %dma_start3A_245 = tpu.memref_slice %arg2[%mul3A_231, %mul3A_2] : memref<1000x4096xi32, #tpu.memory_space<hbm>> -> memref<40x128xi32, #tpu.memory_space<hbm>>
            tpu.enqueue_dma source(%dma_start3A_245 : memref<40x128xi32, #tpu.memory_space<hbm>>) target(%dma_start3A_244 : memref<40x128xi32, #tpu.memory_space<vmem>>) target_semaphore(%dma_start3A_240 : memref<!tpu.dma_semaphore, #tpu.memory_space<semaphore_mem>>)
          } else {
          }
        } else {
        }
      }
      %scan3A_43 = arith.constant 7 : i32
      "tpu.region"() ({
        %run_scoped3A_148 = tpu.sem_alloc : memref<!tpu.dma_semaphore, #tpu.memory_space<semaphore_mem>>
        %dma_start3A_149 = arith.constant 0 : i32
        %dma_start3A_150 = tpu.memref_slice %arg4[%dma_start3A_149, %mul3A_2] : memref<1000x4096xf32, #tpu.memory_space<hbm>> -> memref<504x128xf32, #tpu.memory_space<hbm>>
        %dma_start3A_151 = arith.constant 0 : i32
        %dma_start3A_152 = tpu.memref_slice %arg4[%dma_start3A_151, %mul3A_2] : memref<1000x4096xf32, #tpu.memory_space<hbm>> -> memref<504x128xf32, #tpu.memory_space<hbm>>
        tpu.enqueue_dma source(%run_scoped3A : memref<504x128xf32, #tpu.memory_space<vmem>>) target(%dma_start3A_152 : memref<504x128xf32, #tpu.memory_space<hbm>>) target_semaphore(%run_scoped3A_148 : memref<!tpu.dma_semaphore, #tpu.memory_space<semaphore_mem>>)
        %dma_wait3A_153 = arith.constant 0 : i32
        %dma_wait3A_154 = tpu.memref_slice %arg4[%dma_wait3A_153, %mul3A_2] : memref<1000x4096xf32, #tpu.memory_space<hbm>> -> memref<504x128xf32, #tpu.memory_space<hbm>>
        %dma_wait3A_155 = arith.constant 0 : i32
        %dma_wait3A_156 = tpu.memref_slice %arg4[%dma_wait3A_155, %mul3A_2] : memref<1000x4096xf32, #tpu.memory_space<hbm>> -> memref<504x128xf32, #tpu.memory_space<hbm>>
        tpu.wait_dma2 semaphore(%run_scoped3A_148 : memref<!tpu.dma_semaphore, #tpu.memory_space<semaphore_mem>>) src(%run_scoped3A : memref<504x128xf32, #tpu.memory_space<vmem>>) dst(%dma_wait3A_156 : memref<504x128xf32, #tpu.memory_space<hbm>>)
        tpu.yield
      }) : () -> ()
      %dma_wait3A = arith.constant 0 : i32
      %dma_wait3A_44 = arith.constant 0 : i32
      %dma_wait3A_45 = arith.constant 0 : i32
      %dma_wait3A_46 = arith.constant 0 : i32
      %dma_wait3A_47 = tpu.memref_slice %run_scoped3A_5[%dma_wait3A, %dma_wait3A_45, %dma_wait3A_46] : memref<4x40x128xf32, #tpu.memory_space<vmem>> -> memref<1x40x128xf32, #tpu.memory_space<vmem>>
      %dma_wait3A_48 = tpu.memref_squeeze %dma_wait3A_47 : memref<1x40x128xf32, #tpu.memory_space<vmem>> -> memref<40x128xf32, #tpu.memory_space<vmem>>
      %dma_wait3A_49 = arith.constant 0 : i32
      %dma_wait3A_50 = tpu.memref_slice %arg5[%dma_wait3A_49, %mul3A_2] : memref<1000x4096xf32, #tpu.memory_space<hbm>> -> memref<40x128xf32, #tpu.memory_space<hbm>>
      %dma_wait3A_51 = tpu.memref_slice %arg8[%dma_wait3A_44] : memref<4x!tpu.dma_semaphore, #tpu.memory_space<semaphore_mem>> -> memref<1x!tpu.dma_semaphore, #tpu.memory_space<semaphore_mem>>
      %dma_wait3A_52 = tpu.memref_squeeze %dma_wait3A_51 : memref<1x!tpu.dma_semaphore, #tpu.memory_space<semaphore_mem>> -> memref<!tpu.dma_semaphore, #tpu.memory_space<semaphore_mem>>
      %dma_wait3A_53 = arith.constant 0 : i32
      %dma_wait3A_54 = tpu.memref_slice %arg5[%dma_wait3A_53, %mul3A_2] : memref<1000x4096xf32, #tpu.memory_space<hbm>> -> memref<40x128xf32, #tpu.memory_space<hbm>>
      %dma_wait3A_55 = arith.constant 0 : i32
      %dma_wait3A_56 = arith.constant 0 : i32
      %dma_wait3A_57 = tpu.memref_slice %run_scoped3A_5[%dma_wait3A, %dma_wait3A_55, %dma_wait3A_56] : memref<4x40x128xf32, #tpu.memory_space<vmem>> -> memref<1x40x128xf32, #tpu.memory_space<vmem>>
      %dma_wait3A_58 = tpu.memref_squeeze %dma_wait3A_57 : memref<1x40x128xf32, #tpu.memory_space<vmem>> -> memref<40x128xf32, #tpu.memory_space<vmem>>
      tpu.wait_dma2 semaphore(%dma_wait3A_52 : memref<!tpu.dma_semaphore, #tpu.memory_space<semaphore_mem>>) src(%dma_wait3A_58 : memref<40x128xf32, #tpu.memory_space<vmem>>) dst(%dma_wait3A_54 : memref<40x128xf32, #tpu.memory_space<hbm>>)
      %dma_wait3A_59 = arith.constant 1 : i32
      %dma_wait3A_60 = arith.constant 1 : i32
      %dma_wait3A_61 = arith.constant 0 : i32
      %dma_wait3A_62 = arith.constant 0 : i32
      %dma_wait3A_63 = tpu.memref_slice %run_scoped3A_5[%dma_wait3A_59, %dma_wait3A_61, %dma_wait3A_62] : memref<4x40x128xf32, #tpu.memory_space<vmem>> -> memref<1x40x128xf32, #tpu.memory_space<vmem>>
      %dma_wait3A_64 = tpu.memref_squeeze %dma_wait3A_63 : memref<1x40x128xf32, #tpu.memory_space<vmem>> -> memref<40x128xf32, #tpu.memory_space<vmem>>
      %dma_wait3A_65 = arith.constant 0 : i32
      %dma_wait3A_66 = tpu.memref_slice %arg5[%dma_wait3A_65, %mul3A_2] : memref<1000x4096xf32, #tpu.memory_space<hbm>> -> memref<40x128xf32, #tpu.memory_space<hbm>>
      %dma_wait3A_67 = tpu.memref_slice %arg8[%dma_wait3A_60] : memref<4x!tpu.dma_semaphore, #tpu.memory_space<semaphore_mem>> -> memref<1x!tpu.dma_semaphore, #tpu.memory_space<semaphore_mem>>
      %dma_wait3A_68 = tpu.memref_squeeze %dma_wait3A_67 : memref<1x!tpu.dma_semaphore, #tpu.memory_space<semaphore_mem>> -> memref<!tpu.dma_semaphore, #tpu.memory_space<semaphore_mem>>
      %dma_wait3A_69 = arith.constant 0 : i32
      %dma_wait3A_70 = tpu.memref_slice %arg5[%dma_wait3A_69, %mul3A_2] : memref<1000x4096xf32, #tpu.memory_space<hbm>> -> memref<40x128xf32, #tpu.memory_space<hbm>>
      %dma_wait3A_71 = arith.constant 0 : i32
      %dma_wait3A_72 = arith.constant 0 : i32
      %dma_wait3A_73 = tpu.memref_slice %run_scoped3A_5[%dma_wait3A_59, %dma_wait3A_71, %dma_wait3A_72] : memref<4x40x128xf32, #tpu.memory_space<vmem>> -> memref<1x40x128xf32, #tpu.memory_space<vmem>>
      %dma_wait3A_74 = tpu.memref_squeeze %dma_wait3A_73 : memref<1x40x128xf32, #tpu.memory_space<vmem>> -> memref<40x128xf32, #tpu.memory_space<vmem>>
      tpu.wait_dma2 semaphore(%dma_wait3A_68 : memref<!tpu.dma_semaphore, #tpu.memory_space<semaphore_mem>>) src(%dma_wait3A_74 : memref<40x128xf32, #tpu.memory_space<vmem>>) dst(%dma_wait3A_70 : memref<40x128xf32, #tpu.memory_space<hbm>>)
      %dma_wait3A_75 = arith.constant 2 : i32
      %dma_wait3A_76 = arith.constant 2 : i32
      %dma_wait3A_77 = arith.constant 0 : i32
      %dma_wait3A_78 = arith.constant 0 : i32
      %dma_wait3A_79 = tpu.memref_slice %run_scoped3A_5[%dma_wait3A_75, %dma_wait3A_77, %dma_wait3A_78] : memref<4x40x128xf32, #tpu.memory_space<vmem>> -> memref<1x40x128xf32, #tpu.memory_space<vmem>>
      %dma_wait3A_80 = tpu.memref_squeeze %dma_wait3A_79 : memref<1x40x128xf32, #tpu.memory_space<vmem>> -> memref<40x128xf32, #tpu.memory_space<vmem>>
      %dma_wait3A_81 = arith.constant 0 : i32
      %dma_wait3A_82 = tpu.memref_slice %arg5[%dma_wait3A_81, %mul3A_2] : memref<1000x4096xf32, #tpu.memory_space<hbm>> -> memref<40x128xf32, #tpu.memory_space<hbm>>
      %dma_wait3A_83 = tpu.memref_slice %arg8[%dma_wait3A_76] : memref<4x!tpu.dma_semaphore, #tpu.memory_space<semaphore_mem>> -> memref<1x!tpu.dma_semaphore, #tpu.memory_space<semaphore_mem>>
      %dma_wait3A_84 = tpu.memref_squeeze %dma_wait3A_83 : memref<1x!tpu.dma_semaphore, #tpu.memory_space<semaphore_mem>> -> memref<!tpu.dma_semaphore, #tpu.memory_space<semaphore_mem>>
      %dma_wait3A_85 = arith.constant 0 : i32
      %dma_wait3A_86 = tpu.memref_slice %arg5[%dma_wait3A_85, %mul3A_2] : memref<1000x4096xf32, #tpu.memory_space<hbm>> -> memref<40x128xf32, #tpu.memory_space<hbm>>
      %dma_wait3A_87 = arith.constant 0 : i32
      %dma_wait3A_88 = arith.constant 0 : i32
      %dma_wait3A_89 = tpu.memref_slice %run_scoped3A_5[%dma_wait3A_75, %dma_wait3A_87, %dma_wait3A_88] : memref<4x40x128xf32, #tpu.memory_space<vmem>> -> memref<1x40x128xf32, #tpu.memory_space<vmem>>
      %dma_wait3A_90 = tpu.memref_squeeze %dma_wait3A_89 : memref<1x40x128xf32, #tpu.memory_space<vmem>> -> memref<40x128xf32, #tpu.memory_space<vmem>>
      tpu.wait_dma2 semaphore(%dma_wait3A_84 : memref<!tpu.dma_semaphore, #tpu.memory_space<semaphore_mem>>) src(%dma_wait3A_90 : memref<40x128xf32, #tpu.memory_space<vmem>>) dst(%dma_wait3A_86 : memref<40x128xf32, #tpu.memory_space<hbm>>)
      %dma_wait3A_91 = arith.constant 3 : i32
      %dma_wait3A_92 = arith.constant 3 : i32
      %dma_wait3A_93 = arith.constant 0 : i32
      %dma_wait3A_94 = arith.constant 0 : i32
      %dma_wait3A_95 = tpu.memref_slice %run_scoped3A_5[%dma_wait3A_91, %dma_wait3A_93, %dma_wait3A_94] : memref<4x40x128xf32, #tpu.memory_space<vmem>> -> memref<1x40x128xf32, #tpu.memory_space<vmem>>
      %dma_wait3A_96 = tpu.memref_squeeze %dma_wait3A_95 : memref<1x40x128xf32, #tpu.memory_space<vmem>> -> memref<40x128xf32, #tpu.memory_space<vmem>>
      %dma_wait3A_97 = arith.constant 0 : i32
      %dma_wait3A_98 = tpu.memref_slice %arg5[%dma_wait3A_97, %mul3A_2] : memref<1000x4096xf32, #tpu.memory_space<hbm>> -> memref<40x128xf32, #tpu.memory_space<hbm>>
      %dma_wait3A_99 = tpu.memref_slice %arg8[%dma_wait3A_92] : memref<4x!tpu.dma_semaphore, #tpu.memory_space<semaphore_mem>> -> memref<1x!tpu.dma_semaphore, #tpu.memory_space<semaphore_mem>>
      %dma_wait3A_100 = tpu.memref_squeeze %dma_wait3A_99 : memref<1x!tpu.dma_semaphore, #tpu.memory_space<semaphore_mem>> -> memref<!tpu.dma_semaphore, #tpu.memory_space<semaphore_mem>>
      %dma_wait3A_101 = arith.constant 0 : i32
      %dma_wait3A_102 = tpu.memref_slice %arg5[%dma_wait3A_101, %mul3A_2] : memref<1000x4096xf32, #tpu.memory_space<hbm>> -> memref<40x128xf32, #tpu.memory_space<hbm>>
      %dma_wait3A_103 = arith.constant 0 : i32
      %dma_wait3A_104 = arith.constant 0 : i32
      %dma_wait3A_105 = tpu.memref_slice %run_scoped3A_5[%dma_wait3A_91, %dma_wait3A_103, %dma_wait3A_104] : memref<4x40x128xf32, #tpu.memory_space<vmem>> -> memref<1x40x128xf32, #tpu.memory_space<vmem>>
      %dma_wait3A_106 = tpu.memref_squeeze %dma_wait3A_105 : memref<1x40x128xf32, #tpu.memory_space<vmem>> -> memref<40x128xf32, #tpu.memory_space<vmem>>
      tpu.wait_dma2 semaphore(%dma_wait3A_100 : memref<!tpu.dma_semaphore, #tpu.memory_space<semaphore_mem>>) src(%dma_wait3A_106 : memref<40x128xf32, #tpu.memory_space<vmem>>) dst(%dma_wait3A_102 : memref<40x128xf32, #tpu.memory_space<hbm>>)
      %dma_start3A_107 = arith.constant 0 : i32
      %dma_start3A_108 = arith.constant 0 : i32
      %dma_start3A_109 = arith.constant 0 : i32
      %dma_start3A_110 = arith.constant 0 : i32
      %dma_start3A_111 = tpu.memref_slice %run_scoped3A_4[%dma_start3A_107, %dma_start3A_109, %dma_start3A_110] : memref<4x40x128xi32, #tpu.memory_space<vmem>> -> memref<1x40x128xi32, #tpu.memory_space<vmem>>
      %dma_start3A_112 = tpu.memref_squeeze %dma_start3A_111 : memref<1x40x128xi32, #tpu.memory_space<vmem>> -> memref<40x128xi32, #tpu.memory_space<vmem>>
      %dma_start3A_113 = arith.constant 0 : i32
      %dma_start3A_114 = tpu.memref_slice %arg2[%dma_start3A_113, %mul3A_2] : memref<1000x4096xi32, #tpu.memory_space<hbm>> -> memref<40x128xi32, #tpu.memory_space<hbm>>
      %dma_start3A_115 = tpu.memref_slice %arg7[%dma_start3A_108] : memref<4x!tpu.dma_semaphore, #tpu.memory_space<semaphore_mem>> -> memref<1x!tpu.dma_semaphore, #tpu.memory_space<semaphore_mem>>
      %dma_start3A_116 = tpu.memref_squeeze %dma_start3A_115 : memref<1x!tpu.dma_semaphore, #tpu.memory_space<semaphore_mem>> -> memref<!tpu.dma_semaphore, #tpu.memory_space<semaphore_mem>>
      %dma_start3A_117 = arith.constant 0 : i32
      %dma_start3A_118 = arith.constant 0 : i32
      %dma_start3A_119 = tpu.memref_slice %run_scoped3A_4[%dma_start3A_107, %dma_start3A_117, %dma_start3A_118] : memref<4x40x128xi32, #tpu.memory_space<vmem>> -> memref<1x40x128xi32, #tpu.memory_space<vmem>>
      %dma_start3A_120 = tpu.memref_squeeze %dma_start3A_119 : memref<1x40x128xi32, #tpu.memory_space<vmem>> -> memref<40x128xi32, #tpu.memory_space<vmem>>
      %dma_start3A_121 = arith.constant 0 : i32
      %dma_start3A_122 = tpu.memref_slice %arg2[%dma_start3A_121, %mul3A_2] : memref<1000x4096xi32, #tpu.memory_space<hbm>> -> memref<40x128xi32, #tpu.memory_space<hbm>>
      tpu.enqueue_dma source(%dma_start3A_122 : memref<40x128xi32, #tpu.memory_space<hbm>>) target(%dma_start3A_120 : memref<40x128xi32, #tpu.memory_space<vmem>>) target_semaphore(%dma_start3A_116 : memref<!tpu.dma_semaphore, #tpu.memory_space<semaphore_mem>>)
      %dma_start3A_123 = arith.constant 1 : i32
      %dma_start3A_124 = arith.constant 1 : i32
      %dma_start3A_125 = arith.constant 0 : i32
      %dma_start3A_126 = arith.constant 0 : i32
      %dma_start3A_127 = tpu.memref_slice %run_scoped3A_4[%dma_start3A_123, %dma_start3A_125, %dma_start3A_126] : memref<4x40x128xi32, #tpu.memory_space<vmem>> -> memref<1x40x128xi32, #tpu.memory_space<vmem>>
      %dma_start3A_128 = tpu.memref_squeeze %dma_start3A_127 : memref<1x40x128xi32, #tpu.memory_space<vmem>> -> memref<40x128xi32, #tpu.memory_space<vmem>>
      %dma_start3A_129 = arith.constant 40 : i32
      %dma_start3A_130 = tpu.memref_slice %arg2[%dma_start3A_129, %mul3A_2] : memref<1000x4096xi32, #tpu.memory_space<hbm>> -> memref<40x128xi32, #tpu.memory_space<hbm>>
      %dma_start3A_131 = tpu.memref_slice %arg7[%dma_start3A_124] : memref<4x!tpu.dma_semaphore, #tpu.memory_space<semaphore_mem>> -> memref<1x!tpu.dma_semaphore, #tpu.memory_space<semaphore_mem>>
      %dma_start3A_132 = tpu.memref_squeeze %dma_start3A_131 : memref<1x!tpu.dma_semaphore, #tpu.memory_space<semaphore_mem>> -> memref<!tpu.dma_semaphore, #tpu.memory_space<semaphore_mem>>
      %dma_start3A_133 = arith.constant 0 : i32
      %dma_start3A_134 = arith.constant 0 : i32
      %dma_start3A_135 = tpu.memref_slice %run_scoped3A_4[%dma_start3A_123, %dma_start3A_133, %dma_start3A_134] : memref<4x40x128xi32, #tpu.memory_space<vmem>> -> memref<1x40x128xi32, #tpu.memory_space<vmem>>
      %dma_start3A_136 = tpu.memref_squeeze %dma_start3A_135 : memref<1x40x128xi32, #tpu.memory_space<vmem>> -> memref<40x128xi32, #tpu.memory_space<vmem>>
      %dma_start3A_137 = arith.constant 40 : i32
      %dma_start3A_138 = tpu.memref_slice %arg2[%dma_start3A_137, %mul3A_2] : memref<1000x4096xi32, #tpu.memory_space<hbm>> -> memref<40x128xi32, #tpu.memory_space<hbm>>
      tpu.enqueue_dma source(%dma_start3A_138 : memref<40x128xi32, #tpu.memory_space<hbm>>) target(%dma_start3A_136 : memref<40x128xi32, #tpu.memory_space<vmem>>) target_semaphore(%dma_start3A_132 : memref<!tpu.dma_semaphore, #tpu.memory_space<semaphore_mem>>)
      %parallel_loop3A_139 = arith.constant 0 : i32
      %parallel_loop3A_140 = arith.constant 504 : i32
      %parallel_loop3A_141 = arith.constant 1 : i32
      scf.for %parallel_loop3A_148 = %parallel_loop3A_139 to %parallel_loop3A_140 step %parallel_loop3A_141  : i32 {
        %parallel_loop3A_149 = arith.index_cast %parallel_loop3A_148 : i32 to index
        %parallel_loop3A_150 = arith.constant 0 : index
        %parallel_loop3A_151 = tpu.vector_load %run_scoped3A[%parallel_loop3A_149, %parallel_loop3A_150] {strides = array<i32>} : memref<504x128xf32, #tpu.memory_space<vmem>>, vector<16xf32>,
        tpu.vector_store %run_scoped3A[%parallel_loop3A_149, %parallel_loop3A_150], %broadcast_in_dim3A_3 {strides = array<i32>} : memref<504x128xf32, #tpu.memory_space<vmem>>, vector<16xf32>,
        %parallel_loop3A_152 = arith.index_cast %parallel_loop3A_148 : i32 to index
        %parallel_loop3A_153 = arith.constant 16 : index
        %parallel_loop3A_154 = tpu.vector_load %run_scoped3A[%parallel_loop3A_152, %parallel_loop3A_153] {strides = array<i32>} : memref<504x128xf32, #tpu.memory_space<vmem>>, vector<16xf32>,
        tpu.vector_store %run_scoped3A[%parallel_loop3A_152, %parallel_loop3A_153], %broadcast_in_dim3A_3 {strides = array<i32>} : memref<504x128xf32, #tpu.memory_space<vmem>>, vector<16xf32>,
        %parallel_loop3A_155 = arith.index_cast %parallel_loop3A_148 : i32 to index
        %parallel_loop3A_156 = arith.constant 32 : index
        %parallel_loop3A_157 = tpu.vector_load %run_scoped3A[%parallel_loop3A_155, %parallel_loop3A_156] {strides = array<i32>} : memref<504x128xf32, #tpu.memory_space<vmem>>, vector<16xf32>,
        tpu.vector_store %run_scoped3A[%parallel_loop3A_155, %parallel_loop3A_156], %broadcast_in_dim3A_3 {strides = array<i32>} : memref<504x128xf32, #tpu.memory_space<vmem>>, vector<16xf32>,
        %parallel_loop3A_158 = arith.index_cast %parallel_loop3A_148 : i32 to index
        %parallel_loop3A_159 = arith.constant 48 : index
        %parallel_loop3A_160 = tpu.vector_load %run_scoped3A[%parallel_loop3A_158, %parallel_loop3A_159] {strides = array<i32>} : memref<504x128xf32, #tpu.memory_space<vmem>>, vector<16xf32>,
        tpu.vector_store %run_scoped3A[%parallel_loop3A_158, %parallel_loop3A_159], %broadcast_in_dim3A_3 {strides = array<i32>} : memref<504x128xf32, #tpu.memory_space<vmem>>, vector<16xf32>,
        %parallel_loop3A_161 = arith.index_cast %parallel_loop3A_148 : i32 to index
        %parallel_loop3A_162 = arith.constant 64 : index
        %parallel_loop3A_163 = tpu.vector_load %run_scoped3A[%parallel_loop3A_161, %parallel_loop3A_162] {strides = array<i32>} : memref<504x128xf32, #tpu.memory_space<vmem>>, vector<16xf32>,
        tpu.vector_store %run_scoped3A[%parallel_loop3A_161, %parallel_loop3A_162], %broadcast_in_dim3A_3 {strides = array<i32>} : memref<504x128xf32, #tpu.memory_space<vmem>>, vector<16xf32>,
        %parallel_loop3A_164 = arith.index_cast %parallel_loop3A_148 : i32 to index
        %parallel_loop3A_165 = arith.constant 80 : index
        %parallel_loop3A_166 = tpu.vector_load %run_scoped3A[%parallel_loop3A_164, %parallel_loop3A_165] {strides = array<i32>} : memref<504x128xf32, #tpu.memory_space<vmem>>, vector<16xf32>,
        tpu.vector_store %run_scoped3A[%parallel_loop3A_164, %parallel_loop3A_165], %broadcast_in_dim3A_3 {strides = array<i32>} : memref<504x128xf32, #tpu.memory_space<vmem>>, vector<16xf32>,
        %parallel_loop3A_167 = arith.index_cast %parallel_loop3A_148 : i32 to index
        %parallel_loop3A_168 = arith.constant 96 : index
        %parallel_loop3A_169 = tpu.vector_load %run_scoped3A[%parallel_loop3A_167, %parallel_loop3A_168] {strides = array<i32>} : memref<504x128xf32, #tpu.memory_space<vmem>>, vector<16xf32>,
        tpu.vector_store %run_scoped3A[%parallel_loop3A_167, %parallel_loop3A_168], %broadcast_in_dim3A_3 {strides = array<i32>} : memref<504x128xf32, #tpu.memory_space<vmem>>, vector<16xf32>,
        %parallel_loop3A_170 = arith.index_cast %parallel_loop3A_148 : i32 to index
        %parallel_loop3A_171 = arith.constant 112 : index
        %parallel_loop3A_172 = tpu.vector_load %run_scoped3A[%parallel_loop3A_170, %parallel_loop3A_171] {strides = array<i32>} : memref<504x128xf32, #tpu.memory_space<vmem>>, vector<16xf32>,
        tpu.vector_store %run_scoped3A[%parallel_loop3A_170, %parallel_loop3A_171], %broadcast_in_dim3A_3 {strides = array<i32>} : memref<504x128xf32, #tpu.memory_space<vmem>>, vector<16xf32>,
      } {sc.loop_unroll_factor = 4 : i64, sc.parallel_access}
      %scan3A_142 = arith.constant 0 : i32
      %scan3A_143 = arith.constant 0 : i32
      %scan3A_144 = arith.constant 7 : i32
      %scan3A_145 = arith.addi %scan3A_143, %scan3A_144 : i32
      %scan3A_146 = arith.constant 1 : i32
      scf.for %scan3A_148 = %scan3A_143 to %scan3A_145 step %scan3A_146  : i32 {
        %mul3A_149 = arith.constant 4 : i32
        %mul3A_150 = arith.muli %scan3A_148, %mul3A_149 : i32
        %add3A_151 = arith.constant 0 : i32
        %add3A_152 = arith.addi %mul3A_150, %add3A_151 : i32
        %lt3A = arith.constant 25 : i32
        %lt3A_153 = arith.cmpi slt, %add3A_152, %lt3A : i32
        %convert_element_type3A = arith.extui %lt3A_153 : i1 to i32
        %cond3A = arith.constant 0 : i32
        %cond3A_154 = arith.cmpi ne, %convert_element_type3A, %cond3A : i32
        scf.if %cond3A_154 {
          %dma_wait3A_182 = arith.constant 0 : i32
          %dma_wait3A_183 = arith.constant 0 : i32
          %dma_wait3A_184 = arith.constant 0 : i32
          %dma_wait3A_185 = arith.constant 0 : i32
          %dma_wait3A_186 = tpu.memref_slice %run_scoped3A_4[%dma_wait3A_182, %dma_wait3A_184, %dma_wait3A_185] : memref<4x40x128xi32, #tpu.memory_space<vmem>> -> memref<1x40x128xi32, #tpu.memory_space<vmem>>
          %dma_wait3A_187 = tpu.memref_squeeze %dma_wait3A_186 : memref<1x40x128xi32, #tpu.memory_space<vmem>> -> memref<40x128xi32, #tpu.memory_space<vmem>>
          %dma_wait3A_188 = arith.constant 0 : i32
          %dma_wait3A_189 = tpu.memref_slice %arg2[%dma_wait3A_188, %mul3A_2] : memref<1000x4096xi32, #tpu.memory_space<hbm>> -> memref<40x128xi32, #tpu.memory_space<hbm>>
          %dma_wait3A_190 = tpu.memref_slice %arg7[%dma_wait3A_183] : memref<4x!tpu.dma_semaphore, #tpu.memory_space<semaphore_mem>> -> memref<1x!tpu.dma_semaphore, #tpu.memory_space<semaphore_mem>>
          %dma_wait3A_191 = tpu.memref_squeeze %dma_wait3A_190 : memref<1x!tpu.dma_semaphore, #tpu.memory_space<semaphore_mem>> -> memref<!tpu.dma_semaphore, #tpu.memory_space<semaphore_mem>>
          %dma_wait3A_192 = arith.constant 0 : i32
          %dma_wait3A_193 = arith.constant 0 : i32
          %dma_wait3A_194 = tpu.memref_slice %run_scoped3A_4[%dma_wait3A_182, %dma_wait3A_192, %dma_wait3A_193] : memref<4x40x128xi32, #tpu.memory_space<vmem>> -> memref<1x40x128xi32, #tpu.memory_space<vmem>>
          %dma_wait3A_195 = tpu.memref_squeeze %dma_wait3A_194 : memref<1x40x128xi32, #tpu.memory_space<vmem>> -> memref<40x128xi32, #tpu.memory_space<vmem>>
          %dma_wait3A_196 = arith.constant 0 : i32
          %dma_wait3A_197 = tpu.memref_slice %arg2[%dma_wait3A_196, %mul3A_2] : memref<1000x4096xi32, #tpu.memory_space<hbm>> -> memref<40x128xi32, #tpu.memory_space<hbm>>
          tpu.wait_dma2 semaphore(%dma_wait3A_191 : memref<!tpu.dma_semaphore, #tpu.memory_space<semaphore_mem>>) src(%dma_wait3A_197 : memref<40x128xi32, #tpu.memory_space<hbm>>) dst(%dma_wait3A_195 : memref<40x128xi32, #tpu.memory_space<vmem>>)
          %parallel_loop3A_198 = arith.constant 0 : i32
          %parallel_loop3A_199 = arith.constant 40 : i32
          %parallel_loop3A_200 = arith.constant 1 : i32
          scf.for %parallel_loop3A_208 = %parallel_loop3A_198 to %parallel_loop3A_199 step %parallel_loop3A_200  : i32 {
            %parallel_loop3A_209 = arith.constant 0 : i32
            %parallel_loop3A_210 = vector.broadcast %parallel_loop3A_209 : i32 to vector<16xi32>
            %parallel_loop3A_211 = arith.addi %parallel_loop3A_210, %iota3A : vector<16xi32>
            %parallel_loop3A_212 = arith.constant 0 : i32
            %parallel_loop3A_213 = arith.index_cast %parallel_loop3A_212 : i32 to index
            %parallel_loop3A_214 = arith.index_cast %parallel_loop3A_208 : i32 to index
            %parallel_loop3A_215 = arith.constant 0 : index
            %parallel_loop3A_216 = tpu.vector_load %run_scoped3A_4[%parallel_loop3A_213, %parallel_loop3A_214, %parallel_loop3A_215] {strides = array<i32>} : memref<4x40x128xi32, #tpu.memory_space<vmem>>, vector<16xi32>,
            %parallel_loop3A_217 = tpu.vector_load_idx %arg6[%parallel_loop3A_216] : memref<1000xf32, #tpu.memory_space<vmem>>[vector<16xi32>], vector<16xf32>,
            %parallel_loop3A_218 = arith.constant 496 : i32
            %parallel_loop3A_219 = vector.broadcast %parallel_loop3A_218 : i32 to vector<16xi32>
            %parallel_loop3A_220 = arith.subi %parallel_loop3A_216, %parallel_loop3A_219 : vector<16xi32>
            %parallel_loop3A_221 = arith.constant 0 : i32
            %parallel_loop3A_222 = vector.broadcast %parallel_loop3A_221 : i32 to vector<16xi32>
            %parallel_loop3A_223 = arith.cmpi sge, %parallel_loop3A_220, %parallel_loop3A_222 : vector<16xi32>
            %parallel_loop3A_224 = arith.constant 0 : i32
            %parallel_loop3A_225 = vector.broadcast %parallel_loop3A_224 : i32 to vector<16xi32>
            %parallel_loop3A_226 = arith.select %parallel_loop3A_223, %parallel_loop3A_220, %parallel_loop3A_225 : vector<16xi1>, vector<16xi32>
            %parallel_loop3A_227 = arith.constant 0.000000e+00 : f32
            %parallel_loop3A_228 = vector.broadcast %parallel_loop3A_227 : f32 to vector<16xf32>
            %parallel_loop3A_229 = arith.select %parallel_loop3A_223, %parallel_loop3A_217, %parallel_loop3A_228 : vector<16xi1>, vector<16xf32>
            tpu.vector_store_idx %run_scoped3A[%parallel_loop3A_226, %parallel_loop3A_211], %parallel_loop3A_229 {add = true} : memref<504x128xf32, #tpu.memory_space<vmem>>[vector<16xi32>, vector<16xi32>], vector<16xf32>,
            %parallel_loop3A_230 = arith.constant 16 : i32
            %parallel_loop3A_231 = vector.broadcast %parallel_loop3A_230 : i32 to vector<16xi32>
            %parallel_loop3A_232 = arith.addi %parallel_loop3A_231, %iota3A : vector<16xi32>
            %parallel_loop3A_233 = arith.constant 0 : i32
            %parallel_loop3A_234 = arith.index_cast %parallel_loop3A_233 : i32 to index
            %parallel_loop3A_235 = arith.index_cast %parallel_loop3A_208 : i32 to index
            %parallel_loop3A_236 = arith.constant 16 : index
            %parallel_loop3A_237 = tpu.vector_load %run_scoped3A_4[%parallel_loop3A_234, %parallel_loop3A_235, %parallel_loop3A_236] {strides = array<i32>} : memref<4x40x128xi32, #tpu.memory_space<vmem>>, vector<16xi32>,
            %parallel_loop3A_238 = tpu.vector_load_idx %arg6[%parallel_loop3A_237] : memref<1000xf32, #tpu.memory_space<vmem>>[vector<16xi32>], vector<16xf32>,
            %parallel_loop3A_239 = arith.constant 496 : i32
            %parallel_loop3A_240 = vector.broadcast %parallel_loop3A_239 : i32 to vector<16xi32>
            %parallel_loop3A_241 = arith.subi %parallel_loop3A_237, %parallel_loop3A_240 : vector<16xi32>
            %parallel_loop3A_242 = arith.constant 0 : i32
            %parallel_loop3A_243 = vector.broadcast %parallel_loop3A_242 : i32 to vector<16xi32>
            %parallel_loop3A_244 = arith.cmpi sge, %parallel_loop3A_241, %parallel_loop3A_243 : vector<16xi32>
            %parallel_loop3A_245 = arith.constant 0 : i32
            %parallel_loop3A_246 = vector.broadcast %parallel_loop3A_245 : i32 to vector<16xi32>
            %parallel_loop3A_247 = arith.select %parallel_loop3A_244, %parallel_loop3A_241, %parallel_loop3A_246 : vector<16xi1>, vector<16xi32>
            %parallel_loop3A_248 = arith.constant 0.000000e+00 : f32
            %parallel_loop3A_249 = vector.broadcast %parallel_loop3A_248 : f32 to vector<16xf32>
            %parallel_loop3A_250 = arith.select %parallel_loop3A_244, %parallel_loop3A_238, %parallel_loop3A_249 : vector<16xi1>, vector<16xf32>
            tpu.vector_store_idx %run_scoped3A[%parallel_loop3A_247, %parallel_loop3A_232], %parallel_loop3A_250 {add = true} : memref<504x128xf32, #tpu.memory_space<vmem>>[vector<16xi32>, vector<16xi32>], vector<16xf32>,
            %parallel_loop3A_251 = arith.constant 32 : i32
            %parallel_loop3A_252 = vector.broadcast %parallel_loop3A_251 : i32 to vector<16xi32>
            %parallel_loop3A_253 = arith.addi %parallel_loop3A_252, %iota3A : vector<16xi32>
            %parallel_loop3A_254 = arith.constant 0 : i32
            %parallel_loop3A_255 = arith.index_cast %parallel_loop3A_254 : i32 to index
            %parallel_loop3A_256 = arith.index_cast %parallel_loop3A_208 : i32 to index
            %parallel_loop3A_257 = arith.constant 32 : index
            %parallel_loop3A_258 = tpu.vector_load %run_scoped3A_4[%parallel_loop3A_255, %parallel_loop3A_256, %parallel_loop3A_257] {strides = array<i32>} : memref<4x40x128xi32, #tpu.memory_space<vmem>>, vector<16xi32>,
            %parallel_loop3A_259 = tpu.vector_load_idx %arg6[%parallel_loop3A_258] : memref<1000xf32, #tpu.memory_space<vmem>>[vector<16xi32>], vector<16xf32>,
            %parallel_loop3A_260 = arith.constant 496 : i32
            %parallel_loop3A_261 = vector.broadcast %parallel_loop3A_260 : i32 to vector<16xi32>
            %parallel_loop3A_262 = arith.subi %parallel_loop3A_258, %parallel_loop3A_261 : vector<16xi32>
            %parallel_loop3A_263 = arith.constant 0 : i32
            %parallel_loop3A_264 = vector.broadcast %parallel_loop3A_263 : i32 to vector<16xi32>
            %parallel_loop3A_265 = arith.cmpi sge, %parallel_loop3A_262, %parallel_loop3A_264 : vector<16xi32>
            %parallel_loop3A_266 = arith.constant 0 : i32
            %parallel_loop3A_267 = vector.broadcast %parallel_loop3A_266 : i32 to vector<16xi32>
            %parallel_loop3A_268 = arith.select %parallel_loop3A_265, %parallel_loop3A_262, %parallel_loop3A_267 : vector<16xi1>, vector<16xi32>
            %parallel_loop3A_269 = arith.constant 0.000000e+00 : f32
            %parallel_loop3A_270 = vector.broadcast %parallel_loop3A_269 : f32 to vector<16xf32>
            %parallel_loop3A_271 = arith.select %parallel_loop3A_265, %parallel_loop3A_259, %parallel_loop3A_270 : vector<16xi1>, vector<16xf32>
            tpu.vector_store_idx %run_scoped3A[%parallel_loop3A_268, %parallel_loop3A_253], %parallel_loop3A_271 {add = true} : memref<504x128xf32, #tpu.memory_space<vmem>>[vector<16xi32>, vector<16xi32>], vector<16xf32>,
            %parallel_loop3A_272 = arith.constant 48 : i32
            %parallel_loop3A_273 = vector.broadcast %parallel_loop3A_272 : i32 to vector<16xi32>
            %parallel_loop3A_274 = arith.addi %parallel_loop3A_273, %iota3A : vector<16xi32>
            %parallel_loop3A_275 = arith.constant 0 : i32
            %parallel_loop3A_276 = arith.index_cast %parallel_loop3A_275 : i32 to index
            %parallel_loop3A_277 = arith.index_cast %parallel_loop3A_208 : i32 to index
            %parallel_loop3A_278 = arith.constant 48 : index
            %parallel_loop3A_279 = tpu.vector_load %run_scoped3A_4[%parallel_loop3A_276, %parallel_loop3A_277, %parallel_loop3A_278] {strides = array<i32>} : memref<4x40x128xi32, #tpu.memory_space<vmem>>, vector<16xi32>,
            %parallel_loop3A_280 = tpu.vector_load_idx %arg6[%parallel_loop3A_279] : memref<1000xf32, #tpu.memory_space<vmem>>[vector<16xi32>], vector<16xf32>,
            %parallel_loop3A_281 = arith.constant 496 : i32
            %parallel_loop3A_282 = vector.broadcast %parallel_loop3A_281 : i32 to vector<16xi32>
            %parallel_loop3A_283 = arith.subi %parallel_loop3A_279, %parallel_loop3A_282 : vector<16xi32>
            %parallel_loop3A_284 = arith.constant 0 : i32
            %parallel_loop3A_285 = vector.broadcast %parallel_loop3A_284 : i32 to vector<16xi32>
            %parallel_loop3A_286 = arith.cmpi sge, %parallel_loop3A_283, %parallel_loop3A_285 : vector<16xi32>
            %parallel_loop3A_287 = arith.constant 0 : i32
            %parallel_loop3A_288 = vector.broadcast %parallel_loop3A_287 : i32 to vector<16xi32>
            %parallel_loop3A_289 = arith.select %parallel_loop3A_286, %parallel_loop3A_283, %parallel_loop3A_288 : vector<16xi1>, vector<16xi32>
            %parallel_loop3A_290 = arith.constant 0.000000e+00 : f32
            %parallel_loop3A_291 = vector.broadcast %parallel_loop3A_290 : f32 to vector<16xf32>
            %parallel_loop3A_292 = arith.select %parallel_loop3A_286, %parallel_loop3A_280, %parallel_loop3A_291 : vector<16xi1>, vector<16xf32>
            tpu.vector_store_idx %run_scoped3A[%parallel_loop3A_289, %parallel_loop3A_274], %parallel_loop3A_292 {add = true} : memref<504x128xf32, #tpu.memory_space<vmem>>[vector<16xi32>, vector<16xi32>], vector<16xf32>,
            %parallel_loop3A_293 = arith.constant 64 : i32
            %parallel_loop3A_294 = vector.broadcast %parallel_loop3A_293 : i32 to vector<16xi32>
            %parallel_loop3A_295 = arith.addi %parallel_loop3A_294, %iota3A : vector<16xi32>
            %parallel_loop3A_296 = arith.constant 0 : i32
            %parallel_loop3A_297 = arith.index_cast %parallel_loop3A_296 : i32 to index
            %parallel_loop3A_298 = arith.index_cast %parallel_loop3A_208 : i32 to index
            %parallel_loop3A_299 = arith.constant 64 : index
            %parallel_loop3A_300 = tpu.vector_load %run_scoped3A_4[%parallel_loop3A_297, %parallel_loop3A_298, %parallel_loop3A_299] {strides = array<i32>} : memref<4x40x128xi32, #tpu.memory_space<vmem>>, vector<16xi32>,
            %parallel_loop3A_301 = tpu.vector_load_idx %arg6[%parallel_loop3A_300] : memref<1000xf32, #tpu.memory_space<vmem>>[vector<16xi32>], vector<16xf32>,
            %parallel_loop3A_302 = arith.constant 496 : i32
            %parallel_loop3A_303 = vector.broadcast %parallel_loop3A_302 : i32 to vector<16xi32>
            %parallel_loop3A_304 = arith.subi %parallel_loop3A_300, %parallel_loop3A_303 : vector<16xi32>
            %parallel_loop3A_305 = arith.constant 0 : i32
            %parallel_loop3A_306 = vector.broadcast %parallel_loop3A_305 : i32 to vector<16xi32>
            %parallel_loop3A_307 = arith.cmpi sge, %parallel_loop3A_304, %parallel_loop3A_306 : vector<16xi32>
            %parallel_loop3A_308 = arith.constant 0 : i32
            %parallel_loop3A_309 = vector.broadcast %parallel_loop3A_308 : i32 to vector<16xi32>
            %parallel_loop3A_310 = arith.select %parallel_loop3A_307, %parallel_loop3A_304, %parallel_loop3A_309 : vector<16xi1>, vector<16xi32>
            %parallel_loop3A_311 = arith.constant 0.000000e+00 : f32
            %parallel_loop3A_312 = vector.broadcast %parallel_loop3A_311 : f32 to vector<16xf32>
            %parallel_loop3A_313 = arith.select %parallel_loop3A_307, %parallel_loop3A_301, %parallel_loop3A_312 : vector<16xi1>, vector<16xf32>
            tpu.vector_store_idx %run_scoped3A[%parallel_loop3A_310, %parallel_loop3A_295], %parallel_loop3A_313 {add = true} : memref<504x128xf32, #tpu.memory_space<vmem>>[vector<16xi32>, vector<16xi32>], vector<16xf32>,
            %parallel_loop3A_314 = arith.constant 80 : i32
            %parallel_loop3A_315 = vector.broadcast %parallel_loop3A_314 : i32 to vector<16xi32>
            %parallel_loop3A_316 = arith.addi %parallel_loop3A_315, %iota3A : vector<16xi32>
            %parallel_loop3A_317 = arith.constant 0 : i32
            %parallel_loop3A_318 = arith.index_cast %parallel_loop3A_317 : i32 to index
            %parallel_loop3A_319 = arith.index_cast %parallel_loop3A_208 : i32 to index
            %parallel_loop3A_320 = arith.constant 80 : index
            %parallel_loop3A_321 = tpu.vector_load %run_scoped3A_4[%parallel_loop3A_318, %parallel_loop3A_319, %parallel_loop3A_320] {strides = array<i32>} : memref<4x40x128xi32, #tpu.memory_space<vmem>>, vector<16xi32>,
            %parallel_loop3A_322 = tpu.vector_load_idx %arg6[%parallel_loop3A_321] : memref<1000xf32, #tpu.memory_space<vmem>>[vector<16xi32>], vector<16xf32>,
            %parallel_loop3A_323 = arith.constant 496 : i32
            %parallel_loop3A_324 = vector.broadcast %parallel_loop3A_323 : i32 to vector<16xi32>
            %parallel_loop3A_325 = arith.subi %parallel_loop3A_321, %parallel_loop3A_324 : vector<16xi32>
            %parallel_loop3A_326 = arith.constant 0 : i32
            %parallel_loop3A_327 = vector.broadcast %parallel_loop3A_326 : i32 to vector<16xi32>
            %parallel_loop3A_328 = arith.cmpi sge, %parallel_loop3A_325, %parallel_loop3A_327 : vector<16xi32>
            %parallel_loop3A_329 = arith.constant 0 : i32
            %parallel_loop3A_330 = vector.broadcast %parallel_loop3A_329 : i32 to vector<16xi32>
            %parallel_loop3A_331 = arith.select %parallel_loop3A_328, %parallel_loop3A_325, %parallel_loop3A_330 : vector<16xi1>, vector<16xi32>
            %parallel_loop3A_332 = arith.constant 0.000000e+00 : f32
            %parallel_loop3A_333 = vector.broadcast %parallel_loop3A_332 : f32 to vector<16xf32>
            %parallel_loop3A_334 = arith.select %parallel_loop3A_328, %parallel_loop3A_322, %parallel_loop3A_333 : vector<16xi1>, vector<16xf32>
            tpu.vector_store_idx %run_scoped3A[%parallel_loop3A_331, %parallel_loop3A_316], %parallel_loop3A_334 {add = true} : memref<504x128xf32, #tpu.memory_space<vmem>>[vector<16xi32>, vector<16xi32>], vector<16xf32>,
            %parallel_loop3A_335 = arith.constant 96 : i32
            %parallel_loop3A_336 = vector.broadcast %parallel_loop3A_335 : i32 to vector<16xi32>
            %parallel_loop3A_337 = arith.addi %parallel_loop3A_336, %iota3A : vector<16xi32>
            %parallel_loop3A_338 = arith.constant 0 : i32
            %parallel_loop3A_339 = arith.index_cast %parallel_loop3A_338 : i32 to index
            %parallel_loop3A_340 = arith.index_cast %parallel_loop3A_208 : i32 to index
            %parallel_loop3A_341 = arith.constant 96 : index
            %parallel_loop3A_342 = tpu.vector_load %run_scoped3A_4[%parallel_loop3A_339, %parallel_loop3A_340, %parallel_loop3A_341] {strides = array<i32>} : memref<4x40x128xi32, #tpu.memory_space<vmem>>, vector<16xi32>,
            %parallel_loop3A_343 = tpu.vector_load_idx %arg6[%parallel_loop3A_342] : memref<1000xf32, #tpu.memory_space<vmem>>[vector<16xi32>], vector<16xf32>,
            %parallel_loop3A_344 = arith.constant 496 : i32
            %parallel_loop3A_345 = vector.broadcast %parallel_loop3A_344 : i32 to vector<16xi32>
            %parallel_loop3A_346 = arith.subi %parallel_loop3A_342, %parallel_loop3A_345 : vector<16xi32>
            %parallel_loop3A_347 = arith.constant 0 : i32
            %parallel_loop3A_348 = vector.broadcast %parallel_loop3A_347 : i32 to vector<16xi32>
            %parallel_loop3A_349 = arith.cmpi sge, %parallel_loop3A_346, %parallel_loop3A_348 : vector<16xi32>
            %parallel_loop3A_350 = arith.constant 0 : i32
            %parallel_loop3A_351 = vector.broadcast %parallel_loop3A_350 : i32 to vector<16xi32>
            %parallel_loop3A_352 = arith.select %parallel_loop3A_349, %parallel_loop3A_346, %parallel_loop3A_351 : vector<16xi1>, vector<16xi32>
            %parallel_loop3A_353 = arith.constant 0.000000e+00 : f32
            %parallel_loop3A_354 = vector.broadcast %parallel_loop3A_353 : f32 to vector<16xf32>
            %parallel_loop3A_355 = arith.select %parallel_loop3A_349, %parallel_loop3A_343, %parallel_loop3A_354 : vector<16xi1>, vector<16xf32>
            tpu.vector_store_idx %run_scoped3A[%parallel_loop3A_352, %parallel_loop3A_337], %parallel_loop3A_355 {add = true} : memref<504x128xf32, #tpu.memory_space<vmem>>[vector<16xi32>, vector<16xi32>], vector<16xf32>,
            %parallel_loop3A_356 = arith.constant 112 : i32
            %parallel_loop3A_357 = vector.broadcast %parallel_loop3A_356 : i32 to vector<16xi32>
            %parallel_loop3A_358 = arith.addi %parallel_loop3A_357, %iota3A : vector<16xi32>
            %parallel_loop3A_359 = arith.constant 0 : i32
            %parallel_loop3A_360 = arith.index_cast %parallel_loop3A_359 : i32 to index
            %parallel_loop3A_361 = arith.index_cast %parallel_loop3A_208 : i32 to index
            %parallel_loop3A_362 = arith.constant 112 : index
            %parallel_loop3A_363 = tpu.vector_load %run_scoped3A_4[%parallel_loop3A_360, %parallel_loop3A_361, %parallel_loop3A_362] {strides = array<i32>} : memref<4x40x128xi32, #tpu.memory_space<vmem>>, vector<16xi32>,
            %parallel_loop3A_364 = tpu.vector_load_idx %arg6[%parallel_loop3A_363] : memref<1000xf32, #tpu.memory_space<vmem>>[vector<16xi32>], vector<16xf32>,
            %parallel_loop3A_365 = arith.constant 496 : i32
            %parallel_loop3A_366 = vector.broadcast %parallel_loop3A_365 : i32 to vector<16xi32>
            %parallel_loop3A_367 = arith.subi %parallel_loop3A_363, %parallel_loop3A_366 : vector<16xi32>
            %parallel_loop3A_368 = arith.constant 0 : i32
            %parallel_loop3A_369 = vector.broadcast %parallel_loop3A_368 : i32 to vector<16xi32>
            %parallel_loop3A_370 = arith.cmpi sge, %parallel_loop3A_367, %parallel_loop3A_369 : vector<16xi32>
            %parallel_loop3A_371 = arith.constant 0 : i32
            %parallel_loop3A_372 = vector.broadcast %parallel_loop3A_371 : i32 to vector<16xi32>
            %parallel_loop3A_373 = arith.select %parallel_loop3A_370, %parallel_loop3A_367, %parallel_loop3A_372 : vector<16xi1>, vector<16xi32>
            %parallel_loop3A_374 = arith.constant 0.000000e+00 : f32
            %parallel_loop3A_375 = vector.broadcast %parallel_loop3A_374 : f32 to vector<16xf32>
            %parallel_loop3A_376 = arith.select %parallel_loop3A_370, %parallel_loop3A_364, %parallel_loop3A_375 : vector<16xi1>, vector<16xf32>
            tpu.vector_store_idx %run_scoped3A[%parallel_loop3A_373, %parallel_loop3A_358], %parallel_loop3A_376 {add = true} : memref<504x128xf32, #tpu.memory_space<vmem>>[vector<16xi32>, vector<16xi32>], vector<16xf32>,
          } {sc.loop_unroll_factor = 2 : i64, sc.parallel_access}
          %add3A_201 = arith.constant 2 : i32
          %add3A_202 = arith.addi %add3A_152, %add3A_201 : i32
          %lt3A_203 = arith.constant 25 : i32
          %lt3A_204 = arith.cmpi slt, %add3A_202, %lt3A_203 : i32
          %convert_element_type3A_205 = arith.extui %lt3A_204 : i1 to i32
          %cond3A_206 = arith.constant 0 : i32
          %cond3A_207 = arith.cmpi ne, %convert_element_type3A_205, %cond3A_206 : i32
          scf.if %cond3A_207 {
            %add3A_208 = arith.constant 2 : i32
            %add3A_209 = arith.addi %add3A_152, %add3A_208 : i32
            %mul3A_210 = arith.constant 40 : i32
            %mul3A_211 = arith.muli %add3A_209, %mul3A_210 : i32
            %dma_start3A_212 = arith.constant 2 : i32
            %dma_start3A_213 = arith.constant 2 : i32
            %dma_start3A_214 = arith.constant 0 : i32
            %dma_start3A_215 = arith.constant 0 : i32
            %dma_start3A_216 = tpu.memref_slice %run_scoped3A_4[%dma_start3A_212, %dma_start3A_214, %dma_start3A_215] : memref<4x40x128xi32, #tpu.memory_space<vmem>> -> memref<1x40x128xi32, #tpu.memory_space<vmem>>
            %dma_start3A_217 = tpu.memref_squeeze %dma_start3A_216 : memref<1x40x128xi32, #tpu.memory_space<vmem>> -> memref<40x128xi32, #tpu.memory_space<vmem>>
            %dma_start3A_218 = tpu.memref_slice %arg2[%mul3A_211, %mul3A_2] : memref<1000x4096xi32, #tpu.memory_space<hbm>> -> memref<40x128xi32, #tpu.memory_space<hbm>>
            %dma_start3A_219 = tpu.memref_slice %arg7[%dma_start3A_213] : memref<4x!tpu.dma_semaphore, #tpu.memory_space<semaphore_mem>> -> memref<1x!tpu.dma_semaphore, #tpu.memory_space<semaphore_mem>>
            %dma_start3A_220 = tpu.memref_squeeze %dma_start3A_219 : memref<1x!tpu.dma_semaphore, #tpu.memory_space<semaphore_mem>> -> memref<!tpu.dma_semaphore, #tpu.memory_space<semaphore_mem>>
            %dma_start3A_221 = arith.constant 0 : i32
            %dma_start3A_222 = arith.constant 0 : i32
            %dma_start3A_223 = tpu.memref_slice %run_scoped3A_4[%dma_start3A_212, %dma_start3A_221, %dma_start3A_222] : memref<4x40x128xi32, #tpu.memory_space<vmem>> -> memref<1x40x128xi32, #tpu.memory_space<vmem>>
            %dma_start3A_224 = tpu.memref_squeeze %dma_start3A_223 : memref<1x40x128xi32, #tpu.memory_space<vmem>> -> memref<40x128xi32, #tpu.memory_space<vmem>>
            %dma_start3A_225 = tpu.memref_slice %arg2[%mul3A_211, %mul3A_2] : memref<1000x4096xi32, #tpu.memory_space<hbm>> -> memref<40x128xi32, #tpu.memory_space<hbm>>
            tpu.enqueue_dma source(%dma_start3A_225 : memref<40x128xi32, #tpu.memory_space<hbm>>) target(%dma_start3A_224 : memref<40x128xi32, #tpu.memory_space<vmem>>) target_semaphore(%dma_start3A_220 : memref<!tpu.dma_semaphore, #tpu.memory_space<semaphore_mem>>)
          } else {
          }
        } else {
        }
        %mul3A_155 = arith.constant 4 : i32
        %mul3A_156 = arith.muli %scan3A_148, %mul3A_155 : i32
        %add3A_157 = arith.constant 1 : i32
        %add3A_158 = arith.addi %mul3A_156, %add3A_157 : i32
        %lt3A_159 = arith.constant 25 : i32
        %lt3A_160 = arith.cmpi slt, %add3A_158, %lt3A_159 : i32
        %convert_element_type3A_161 = arith.extui %lt3A_160 : i1 to i32
        %cond3A_162 = arith.constant 0 : i32
        %cond3A_163 = arith.cmpi ne, %convert_element_type3A_161, %cond3A_162 : i32
        scf.if %cond3A_163 {
          %dma_wait3A_182 = arith.constant 1 : i32
          %dma_wait3A_183 = arith.constant 1 : i32
          %dma_wait3A_184 = arith.constant 0 : i32
          %dma_wait3A_185 = arith.constant 0 : i32
          %dma_wait3A_186 = tpu.memref_slice %run_scoped3A_4[%dma_wait3A_182, %dma_wait3A_184, %dma_wait3A_185] : memref<4x40x128xi32, #tpu.memory_space<vmem>> -> memref<1x40x128xi32, #tpu.memory_space<vmem>>
          %dma_wait3A_187 = tpu.memref_squeeze %dma_wait3A_186 : memref<1x40x128xi32, #tpu.memory_space<vmem>> -> memref<40x128xi32, #tpu.memory_space<vmem>>
          %dma_wait3A_188 = arith.constant 0 : i32
          %dma_wait3A_189 = tpu.memref_slice %arg2[%dma_wait3A_188, %mul3A_2] : memref<1000x4096xi32, #tpu.memory_space<hbm>> -> memref<40x128xi32, #tpu.memory_space<hbm>>
          %dma_wait3A_190 = tpu.memref_slice %arg7[%dma_wait3A_183] : memref<4x!tpu.dma_semaphore, #tpu.memory_space<semaphore_mem>> -> memref<1x!tpu.dma_semaphore, #tpu.memory_space<semaphore_mem>>
          %dma_wait3A_191 = tpu.memref_squeeze %dma_wait3A_190 : memref<1x!tpu.dma_semaphore, #tpu.memory_space<semaphore_mem>> -> memref<!tpu.dma_semaphore, #tpu.memory_space<semaphore_mem>>
          %dma_wait3A_192 = arith.constant 0 : i32
          %dma_wait3A_193 = arith.constant 0 : i32
          %dma_wait3A_194 = tpu.memref_slice %run_scoped3A_4[%dma_wait3A_182, %dma_wait3A_192, %dma_wait3A_193] : memref<4x40x128xi32, #tpu.memory_space<vmem>> -> memref<1x40x128xi32, #tpu.memory_space<vmem>>
          %dma_wait3A_195 = tpu.memref_squeeze %dma_wait3A_194 : memref<1x40x128xi32, #tpu.memory_space<vmem>> -> memref<40x128xi32, #tpu.memory_space<vmem>>
          %dma_wait3A_196 = arith.constant 0 : i32
          %dma_wait3A_197 = tpu.memref_slice %arg2[%dma_wait3A_196, %mul3A_2] : memref<1000x4096xi32, #tpu.memory_space<hbm>> -> memref<40x128xi32, #tpu.memory_space<hbm>>
          tpu.wait_dma2 semaphore(%dma_wait3A_191 : memref<!tpu.dma_semaphore, #tpu.memory_space<semaphore_mem>>) src(%dma_wait3A_197 : memref<40x128xi32, #tpu.memory_space<hbm>>) dst(%dma_wait3A_195 : memref<40x128xi32, #tpu.memory_space<vmem>>)
          %parallel_loop3A_198 = arith.constant 0 : i32
          %parallel_loop3A_199 = arith.constant 40 : i32
          %parallel_loop3A_200 = arith.constant 1 : i32
          scf.for %parallel_loop3A_208 = %parallel_loop3A_198 to %parallel_loop3A_199 step %parallel_loop3A_200  : i32 {
            %parallel_loop3A_209 = arith.constant 0 : i32
            %parallel_loop3A_210 = vector.broadcast %parallel_loop3A_209 : i32 to vector<16xi32>
            %parallel_loop3A_211 = arith.addi %parallel_loop3A_210, %iota3A : vector<16xi32>
            %parallel_loop3A_212 = arith.constant 1 : i32
            %parallel_loop3A_213 = arith.index_cast %parallel_loop3A_212 : i32 to index
            %parallel_loop3A_214 = arith.index_cast %parallel_loop3A_208 : i32 to index
            %parallel_loop3A_215 = arith.constant 0 : index
            %parallel_loop3A_216 = tpu.vector_load %run_scoped3A_4[%parallel_loop3A_213, %parallel_loop3A_214, %parallel_loop3A_215] {strides = array<i32>} : memref<4x40x128xi32, #tpu.memory_space<vmem>>, vector<16xi32>,
            %parallel_loop3A_217 = tpu.vector_load_idx %arg6[%parallel_loop3A_216] : memref<1000xf32, #tpu.memory_space<vmem>>[vector<16xi32>], vector<16xf32>,
            %parallel_loop3A_218 = arith.constant 496 : i32
            %parallel_loop3A_219 = vector.broadcast %parallel_loop3A_218 : i32 to vector<16xi32>
            %parallel_loop3A_220 = arith.subi %parallel_loop3A_216, %parallel_loop3A_219 : vector<16xi32>
            %parallel_loop3A_221 = arith.constant 0 : i32
            %parallel_loop3A_222 = vector.broadcast %parallel_loop3A_221 : i32 to vector<16xi32>
            %parallel_loop3A_223 = arith.cmpi sge, %parallel_loop3A_220, %parallel_loop3A_222 : vector<16xi32>
            %parallel_loop3A_224 = arith.constant 0 : i32
            %parallel_loop3A_225 = vector.broadcast %parallel_loop3A_224 : i32 to vector<16xi32>
            %parallel_loop3A_226 = arith.select %parallel_loop3A_223, %parallel_loop3A_220, %parallel_loop3A_225 : vector<16xi1>, vector<16xi32>
            %parallel_loop3A_227 = arith.constant 0.000000e+00 : f32
            %parallel_loop3A_228 = vector.broadcast %parallel_loop3A_227 : f32 to vector<16xf32>
            %parallel_loop3A_229 = arith.select %parallel_loop3A_223, %parallel_loop3A_217, %parallel_loop3A_228 : vector<16xi1>, vector<16xf32>
            tpu.vector_store_idx %run_scoped3A[%parallel_loop3A_226, %parallel_loop3A_211], %parallel_loop3A_229 {add = true} : memref<504x128xf32, #tpu.memory_space<vmem>>[vector<16xi32>, vector<16xi32>], vector<16xf32>,
            %parallel_loop3A_230 = arith.constant 16 : i32
            %parallel_loop3A_231 = vector.broadcast %parallel_loop3A_230 : i32 to vector<16xi32>
            %parallel_loop3A_232 = arith.addi %parallel_loop3A_231, %iota3A : vector<16xi32>
            %parallel_loop3A_233 = arith.constant 1 : i32
            %parallel_loop3A_234 = arith.index_cast %parallel_loop3A_233 : i32 to index
            %parallel_loop3A_235 = arith.index_cast %parallel_loop3A_208 : i32 to index
            %parallel_loop3A_236 = arith.constant 16 : index
            %parallel_loop3A_237 = tpu.vector_load %run_scoped3A_4[%parallel_loop3A_234, %parallel_loop3A_235, %parallel_loop3A_236] {strides = array<i32>} : memref<4x40x128xi32, #tpu.memory_space<vmem>>, vector<16xi32>,
            %parallel_loop3A_238 = tpu.vector_load_idx %arg6[%parallel_loop3A_237] : memref<1000xf32, #tpu.memory_space<vmem>>[vector<16xi32>], vector<16xf32>,
            %parallel_loop3A_239 = arith.constant 496 : i32
            %parallel_loop3A_240 = vector.broadcast %parallel_loop3A_239 : i32 to vector<16xi32>
            %parallel_loop3A_241 = arith.subi %parallel_loop3A_237, %parallel_loop3A_240 : vector<16xi32>
            %parallel_loop3A_242 = arith.constant 0 : i32
            %parallel_loop3A_243 = vector.broadcast %parallel_loop3A_242 : i32 to vector<16xi32>
            %parallel_loop3A_244 = arith.cmpi sge, %parallel_loop3A_241, %parallel_loop3A_243 : vector<16xi32>
            %parallel_loop3A_245 = arith.constant 0 : i32
            %parallel_loop3A_246 = vector.broadcast %parallel_loop3A_245 : i32 to vector<16xi32>
            %parallel_loop3A_247 = arith.select %parallel_loop3A_244, %parallel_loop3A_241, %parallel_loop3A_246 : vector<16xi1>, vector<16xi32>
            %parallel_loop3A_248 = arith.constant 0.000000e+00 : f32
            %parallel_loop3A_249 = vector.broadcast %parallel_loop3A_248 : f32 to vector<16xf32>
            %parallel_loop3A_250 = arith.select %parallel_loop3A_244, %parallel_loop3A_238, %parallel_loop3A_249 : vector<16xi1>, vector<16xf32>
            tpu.vector_store_idx %run_scoped3A[%parallel_loop3A_247, %parallel_loop3A_232], %parallel_loop3A_250 {add = true} : memref<504x128xf32, #tpu.memory_space<vmem>>[vector<16xi32>, vector<16xi32>], vector<16xf32>,
            %parallel_loop3A_251 = arith.constant 32 : i32
            %parallel_loop3A_252 = vector.broadcast %parallel_loop3A_251 : i32 to vector<16xi32>
            %parallel_loop3A_253 = arith.addi %parallel_loop3A_252, %iota3A : vector<16xi32>
            %parallel_loop3A_254 = arith.constant 1 : i32
            %parallel_loop3A_255 = arith.index_cast %parallel_loop3A_254 : i32 to index
            %parallel_loop3A_256 = arith.index_cast %parallel_loop3A_208 : i32 to index
            %parallel_loop3A_257 = arith.constant 32 : index
            %parallel_loop3A_258 = tpu.vector_load %run_scoped3A_4[%parallel_loop3A_255, %parallel_loop3A_256, %parallel_loop3A_257] {strides = array<i32>} : memref<4x40x128xi32, #tpu.memory_space<vmem>>, vector<16xi32>,
            %parallel_loop3A_259 = tpu.vector_load_idx %arg6[%parallel_loop3A_258] : memref<1000xf32, #tpu.memory_space<vmem>>[vector<16xi32>], vector<16xf32>,
            %parallel_loop3A_260 = arith.constant 496 : i32
            %parallel_loop3A_261 = vector.broadcast %parallel_loop3A_260 : i32 to vector<16xi32>
            %parallel_loop3A_262 = arith.subi %parallel_loop3A_258, %parallel_loop3A_261 : vector<16xi32>
            %parallel_loop3A_263 = arith.constant 0 : i32
            %parallel_loop3A_264 = vector.broadcast %parallel_loop3A_263 : i32 to vector<16xi32>
            %parallel_loop3A_265 = arith.cmpi sge, %parallel_loop3A_262, %parallel_loop3A_264 : vector<16xi32>
            %parallel_loop3A_266 = arith.constant 0 : i32
            %parallel_loop3A_267 = vector.broadcast %parallel_loop3A_266 : i32 to vector<16xi32>
            %parallel_loop3A_268 = arith.select %parallel_loop3A_265, %parallel_loop3A_262, %parallel_loop3A_267 : vector<16xi1>, vector<16xi32>
            %parallel_loop3A_269 = arith.constant 0.000000e+00 : f32
            %parallel_loop3A_270 = vector.broadcast %parallel_loop3A_269 : f32 to vector<16xf32>
            %parallel_loop3A_271 = arith.select %parallel_loop3A_265, %parallel_loop3A_259, %parallel_loop3A_270 : vector<16xi1>, vector<16xf32>
            tpu.vector_store_idx %run_scoped3A[%parallel_loop3A_268, %parallel_loop3A_253], %parallel_loop3A_271 {add = true} : memref<504x128xf32, #tpu.memory_space<vmem>>[vector<16xi32>, vector<16xi32>], vector<16xf32>,
            %parallel_loop3A_272 = arith.constant 48 : i32
            %parallel_loop3A_273 = vector.broadcast %parallel_loop3A_272 : i32 to vector<16xi32>
            %parallel_loop3A_274 = arith.addi %parallel_loop3A_273, %iota3A : vector<16xi32>
            %parallel_loop3A_275 = arith.constant 1 : i32
            %parallel_loop3A_276 = arith.index_cast %parallel_loop3A_275 : i32 to index
            %parallel_loop3A_277 = arith.index_cast %parallel_loop3A_208 : i32 to index
            %parallel_loop3A_278 = arith.constant 48 : index
            %parallel_loop3A_279 = tpu.vector_load %run_scoped3A_4[%parallel_loop3A_276, %parallel_loop3A_277, %parallel_loop3A_278] {strides = array<i32>} : memref<4x40x128xi32, #tpu.memory_space<vmem>>, vector<16xi32>,
            %parallel_loop3A_280 = tpu.vector_load_idx %arg6[%parallel_loop3A_279] : memref<1000xf32, #tpu.memory_space<vmem>>[vector<16xi32>], vector<16xf32>,
            %parallel_loop3A_281 = arith.constant 496 : i32
            %parallel_loop3A_282 = vector.broadcast %parallel_loop3A_281 : i32 to vector<16xi32>
            %parallel_loop3A_283 = arith.subi %parallel_loop3A_279, %parallel_loop3A_282 : vector<16xi32>
            %parallel_loop3A_284 = arith.constant 0 : i32
            %parallel_loop3A_285 = vector.broadcast %parallel_loop3A_284 : i32 to vector<16xi32>
            %parallel_loop3A_286 = arith.cmpi sge, %parallel_loop3A_283, %parallel_loop3A_285 : vector<16xi32>
            %parallel_loop3A_287 = arith.constant 0 : i32
            %parallel_loop3A_288 = vector.broadcast %parallel_loop3A_287 : i32 to vector<16xi32>
            %parallel_loop3A_289 = arith.select %parallel_loop3A_286, %parallel_loop3A_283, %parallel_loop3A_288 : vector<16xi1>, vector<16xi32>
            %parallel_loop3A_290 = arith.constant 0.000000e+00 : f32
            %parallel_loop3A_291 = vector.broadcast %parallel_loop3A_290 : f32 to vector<16xf32>
            %parallel_loop3A_292 = arith.select %parallel_loop3A_286, %parallel_loop3A_280, %parallel_loop3A_291 : vector<16xi1>, vector<16xf32>
            tpu.vector_store_idx %run_scoped3A[%parallel_loop3A_289, %parallel_loop3A_274], %parallel_loop3A_292 {add = true} : memref<504x128xf32, #tpu.memory_space<vmem>>[vector<16xi32>, vector<16xi32>], vector<16xf32>,
            %parallel_loop3A_293 = arith.constant 64 : i32
            %parallel_loop3A_294 = vector.broadcast %parallel_loop3A_293 : i32 to vector<16xi32>
            %parallel_loop3A_295 = arith.addi %parallel_loop3A_294, %iota3A : vector<16xi32>
            %parallel_loop3A_296 = arith.constant 1 : i32
            %parallel_loop3A_297 = arith.index_cast %parallel_loop3A_296 : i32 to index
            %parallel_loop3A_298 = arith.index_cast %parallel_loop3A_208 : i32 to index
            %parallel_loop3A_299 = arith.constant 64 : index
            %parallel_loop3A_300 = tpu.vector_load %run_scoped3A_4[%parallel_loop3A_297, %parallel_loop3A_298, %parallel_loop3A_299] {strides = array<i32>} : memref<4x40x128xi32, #tpu.memory_space<vmem>>, vector<16xi32>,
            %parallel_loop3A_301 = tpu.vector_load_idx %arg6[%parallel_loop3A_300] : memref<1000xf32, #tpu.memory_space<vmem>>[vector<16xi32>], vector<16xf32>,
            %parallel_loop3A_302 = arith.constant 496 : i32
            %parallel_loop3A_303 = vector.broadcast %parallel_loop3A_302 : i32 to vector<16xi32>
            %parallel_loop3A_304 = arith.subi %parallel_loop3A_300, %parallel_loop3A_303 : vector<16xi32>
            %parallel_loop3A_305 = arith.constant 0 : i32
            %parallel_loop3A_306 = vector.broadcast %parallel_loop3A_305 : i32 to vector<16xi32>
            %parallel_loop3A_307 = arith.cmpi sge, %parallel_loop3A_304, %parallel_loop3A_306 : vector<16xi32>
            %parallel_loop3A_308 = arith.constant 0 : i32
            %parallel_loop3A_309 = vector.broadcast %parallel_loop3A_308 : i32 to vector<16xi32>
            %parallel_loop3A_310 = arith.select %parallel_loop3A_307, %parallel_loop3A_304, %parallel_loop3A_309 : vector<16xi1>, vector<16xi32>
            %parallel_loop3A_311 = arith.constant 0.000000e+00 : f32
            %parallel_loop3A_312 = vector.broadcast %parallel_loop3A_311 : f32 to vector<16xf32>
            %parallel_loop3A_313 = arith.select %parallel_loop3A_307, %parallel_loop3A_301, %parallel_loop3A_312 : vector<16xi1>, vector<16xf32>
            tpu.vector_store_idx %run_scoped3A[%parallel_loop3A_310, %parallel_loop3A_295], %parallel_loop3A_313 {add = true} : memref<504x128xf32, #tpu.memory_space<vmem>>[vector<16xi32>, vector<16xi32>], vector<16xf32>,
            %parallel_loop3A_314 = arith.constant 80 : i32
            %parallel_loop3A_315 = vector.broadcast %parallel_loop3A_314 : i32 to vector<16xi32>
            %parallel_loop3A_316 = arith.addi %parallel_loop3A_315, %iota3A : vector<16xi32>
            %parallel_loop3A_317 = arith.constant 1 : i32
            %parallel_loop3A_318 = arith.index_cast %parallel_loop3A_317 : i32 to index
            %parallel_loop3A_319 = arith.index_cast %parallel_loop3A_208 : i32 to index
            %parallel_loop3A_320 = arith.constant 80 : index
            %parallel_loop3A_321 = tpu.vector_load %run_scoped3A_4[%parallel_loop3A_318, %parallel_loop3A_319, %parallel_loop3A_320] {strides = array<i32>} : memref<4x40x128xi32, #tpu.memory_space<vmem>>, vector<16xi32>,
            %parallel_loop3A_322 = tpu.vector_load_idx %arg6[%parallel_loop3A_321] : memref<1000xf32, #tpu.memory_space<vmem>>[vector<16xi32>], vector<16xf32>,
            %parallel_loop3A_323 = arith.constant 496 : i32
            %parallel_loop3A_324 = vector.broadcast %parallel_loop3A_323 : i32 to vector<16xi32>
            %parallel_loop3A_325 = arith.subi %parallel_loop3A_321, %parallel_loop3A_324 : vector<16xi32>
            %parallel_loop3A_326 = arith.constant 0 : i32
            %parallel_loop3A_327 = vector.broadcast %parallel_loop3A_326 : i32 to vector<16xi32>
            %parallel_loop3A_328 = arith.cmpi sge, %parallel_loop3A_325, %parallel_loop3A_327 : vector<16xi32>
            %parallel_loop3A_329 = arith.constant 0 : i32
            %parallel_loop3A_330 = vector.broadcast %parallel_loop3A_329 : i32 to vector<16xi32>
            %parallel_loop3A_331 = arith.select %parallel_loop3A_328, %parallel_loop3A_325, %parallel_loop3A_330 : vector<16xi1>, vector<16xi32>
            %parallel_loop3A_332 = arith.constant 0.000000e+00 : f32
            %parallel_loop3A_333 = vector.broadcast %parallel_loop3A_332 : f32 to vector<16xf32>
            %parallel_loop3A_334 = arith.select %parallel_loop3A_328, %parallel_loop3A_322, %parallel_loop3A_333 : vector<16xi1>, vector<16xf32>
            tpu.vector_store_idx %run_scoped3A[%parallel_loop3A_331, %parallel_loop3A_316], %parallel_loop3A_334 {add = true} : memref<504x128xf32, #tpu.memory_space<vmem>>[vector<16xi32>, vector<16xi32>], vector<16xf32>,
            %parallel_loop3A_335 = arith.constant 96 : i32
            %parallel_loop3A_336 = vector.broadcast %parallel_loop3A_335 : i32 to vector<16xi32>
            %parallel_loop3A_337 = arith.addi %parallel_loop3A_336, %iota3A : vector<16xi32>
            %parallel_loop3A_338 = arith.constant 1 : i32
            %parallel_loop3A_339 = arith.index_cast %parallel_loop3A_338 : i32 to index
            %parallel_loop3A_340 = arith.index_cast %parallel_loop3A_208 : i32 to index
            %parallel_loop3A_341 = arith.constant 96 : index
            %parallel_loop3A_342 = tpu.vector_load %run_scoped3A_4[%parallel_loop3A_339, %parallel_loop3A_340, %parallel_loop3A_341] {strides = array<i32>} : memref<4x40x128xi32, #tpu.memory_space<vmem>>, vector<16xi32>,
            %parallel_loop3A_343 = tpu.vector_load_idx %arg6[%parallel_loop3A_342] : memref<1000xf32, #tpu.memory_space<vmem>>[vector<16xi32>], vector<16xf32>,
            %parallel_loop3A_344 = arith.constant 496 : i32
            %parallel_loop3A_345 = vector.broadcast %parallel_loop3A_344 : i32 to vector<16xi32>
            %parallel_loop3A_346 = arith.subi %parallel_loop3A_342, %parallel_loop3A_345 : vector<16xi32>
            %parallel_loop3A_347 = arith.constant 0 : i32
            %parallel_loop3A_348 = vector.broadcast %parallel_loop3A_347 : i32 to vector<16xi32>
            %parallel_loop3A_349 = arith.cmpi sge, %parallel_loop3A_346, %parallel_loop3A_348 : vector<16xi32>
            %parallel_loop3A_350 = arith.constant 0 : i32
            %parallel_loop3A_351 = vector.broadcast %parallel_loop3A_350 : i32 to vector<16xi32>
            %parallel_loop3A_352 = arith.select %parallel_loop3A_349, %parallel_loop3A_346, %parallel_loop3A_351 : vector<16xi1>, vector<16xi32>
            %parallel_loop3A_353 = arith.constant 0.000000e+00 : f32
            %parallel_loop3A_354 = vector.broadcast %parallel_loop3A_353 : f32 to vector<16xf32>
            %parallel_loop3A_355 = arith.select %parallel_loop3A_349, %parallel_loop3A_343, %parallel_loop3A_354 : vector<16xi1>, vector<16xf32>
            tpu.vector_store_idx %run_scoped3A[%parallel_loop3A_352, %parallel_loop3A_337], %parallel_loop3A_355 {add = true} : memref<504x128xf32, #tpu.memory_space<vmem>>[vector<16xi32>, vector<16xi32>], vector<16xf32>,
            %parallel_loop3A_356 = arith.constant 112 : i32
            %parallel_loop3A_357 = vector.broadcast %parallel_loop3A_356 : i32 to vector<16xi32>
            %parallel_loop3A_358 = arith.addi %parallel_loop3A_357, %iota3A : vector<16xi32>
            %parallel_loop3A_359 = arith.constant 1 : i32
            %parallel_loop3A_360 = arith.index_cast %parallel_loop3A_359 : i32 to index
            %parallel_loop3A_361 = arith.index_cast %parallel_loop3A_208 : i32 to index
            %parallel_loop3A_362 = arith.constant 112 : index
            %parallel_loop3A_363 = tpu.vector_load %run_scoped3A_4[%parallel_loop3A_360, %parallel_loop3A_361, %parallel_loop3A_362] {strides = array<i32>} : memref<4x40x128xi32, #tpu.memory_space<vmem>>, vector<16xi32>,
            %parallel_loop3A_364 = tpu.vector_load_idx %arg6[%parallel_loop3A_363] : memref<1000xf32, #tpu.memory_space<vmem>>[vector<16xi32>], vector<16xf32>,
            %parallel_loop3A_365 = arith.constant 496 : i32
            %parallel_loop3A_366 = vector.broadcast %parallel_loop3A_365 : i32 to vector<16xi32>
            %parallel_loop3A_367 = arith.subi %parallel_loop3A_363, %parallel_loop3A_366 : vector<16xi32>
            %parallel_loop3A_368 = arith.constant 0 : i32
            %parallel_loop3A_369 = vector.broadcast %parallel_loop3A_368 : i32 to vector<16xi32>
            %parallel_loop3A_370 = arith.cmpi sge, %parallel_loop3A_367, %parallel_loop3A_369 : vector<16xi32>
            %parallel_loop3A_371 = arith.constant 0 : i32
            %parallel_loop3A_372 = vector.broadcast %parallel_loop3A_371 : i32 to vector<16xi32>
            %parallel_loop3A_373 = arith.select %parallel_loop3A_370, %parallel_loop3A_367, %parallel_loop3A_372 : vector<16xi1>, vector<16xi32>
            %parallel_loop3A_374 = arith.constant 0.000000e+00 : f32
            %parallel_loop3A_375 = vector.broadcast %parallel_loop3A_374 : f32 to vector<16xf32>
            %parallel_loop3A_376 = arith.select %parallel_loop3A_370, %parallel_loop3A_364, %parallel_loop3A_375 : vector<16xi1>, vector<16xf32>
            tpu.vector_store_idx %run_scoped3A[%parallel_loop3A_373, %parallel_loop3A_358], %parallel_loop3A_376 {add = true} : memref<504x128xf32, #tpu.memory_space<vmem>>[vector<16xi32>, vector<16xi32>], vector<16xf32>,
          } {sc.loop_unroll_factor = 2 : i64, sc.parallel_access}
          %add3A_201 = arith.constant 2 : i32
          %add3A_202 = arith.addi %add3A_158, %add3A_201 : i32
          %lt3A_203 = arith.constant 25 : i32
          %lt3A_204 = arith.cmpi slt, %add3A_202, %lt3A_203 : i32
          %convert_element_type3A_205 = arith.extui %lt3A_204 : i1 to i32
          %cond3A_206 = arith.constant 0 : i32
          %cond3A_207 = arith.cmpi ne, %convert_element_type3A_205, %cond3A_206 : i32
          scf.if %cond3A_207 {
            %add3A_208 = arith.constant 2 : i32
            %add3A_209 = arith.addi %add3A_158, %add3A_208 : i32
            %mul3A_210 = arith.constant 40 : i32
            %mul3A_211 = arith.muli %add3A_209, %mul3A_210 : i32
            %dma_start3A_212 = arith.constant 3 : i32
            %dma_start3A_213 = arith.constant 3 : i32
            %dma_start3A_214 = arith.constant 0 : i32
            %dma_start3A_215 = arith.constant 0 : i32
            %dma_start3A_216 = tpu.memref_slice %run_scoped3A_4[%dma_start3A_212, %dma_start3A_214, %dma_start3A_215] : memref<4x40x128xi32, #tpu.memory_space<vmem>> -> memref<1x40x128xi32, #tpu.memory_space<vmem>>
            %dma_start3A_217 = tpu.memref_squeeze %dma_start3A_216 : memref<1x40x128xi32, #tpu.memory_space<vmem>> -> memref<40x128xi32, #tpu.memory_space<vmem>>
            %dma_start3A_218 = tpu.memref_slice %arg2[%mul3A_211, %mul3A_2] : memref<1000x4096xi32, #tpu.memory_space<hbm>> -> memref<40x128xi32, #tpu.memory_space<hbm>>
            %dma_start3A_219 = tpu.memref_slice %arg7[%dma_start3A_213] : memref<4x!tpu.dma_semaphore, #tpu.memory_space<semaphore_mem>> -> memref<1x!tpu.dma_semaphore, #tpu.memory_space<semaphore_mem>>
            %dma_start3A_220 = tpu.memref_squeeze %dma_start3A_219 : memref<1x!tpu.dma_semaphore, #tpu.memory_space<semaphore_mem>> -> memref<!tpu.dma_semaphore, #tpu.memory_space<semaphore_mem>>
            %dma_start3A_221 = arith.constant 0 : i32
            %dma_start3A_222 = arith.constant 0 : i32
            %dma_start3A_223 = tpu.memref_slice %run_scoped3A_4[%dma_start3A_212, %dma_start3A_221, %dma_start3A_222] : memref<4x40x128xi32, #tpu.memory_space<vmem>> -> memref<1x40x128xi32, #tpu.memory_space<vmem>>
            %dma_start3A_224 = tpu.memref_squeeze %dma_start3A_223 : memref<1x40x128xi32, #tpu.memory_space<vmem>> -> memref<40x128xi32, #tpu.memory_space<vmem>>
            %dma_start3A_225 = tpu.memref_slice %arg2[%mul3A_211, %mul3A_2] : memref<1000x4096xi32, #tpu.memory_space<hbm>> -> memref<40x128xi32, #tpu.memory_space<hbm>>
            tpu.enqueue_dma source(%dma_start3A_225 : memref<40x128xi32, #tpu.memory_space<hbm>>) target(%dma_start3A_224 : memref<40x128xi32, #tpu.memory_space<vmem>>) target_semaphore(%dma_start3A_220 : memref<!tpu.dma_semaphore, #tpu.memory_space<semaphore_mem>>)
          } else {
          }
        } else {
        }
        %mul3A_164 = arith.constant 4 : i32
        %mul3A_165 = arith.muli %scan3A_148, %mul3A_164 : i32
        %add3A_166 = arith.constant 2 : i32
        %add3A_167 = arith.addi %mul3A_165, %add3A_166 : i32
        %lt3A_168 = arith.constant 25 : i32
        %lt3A_169 = arith.cmpi slt, %add3A_167, %lt3A_168 : i32
        %convert_element_type3A_170 = arith.extui %lt3A_169 : i1 to i32
        %cond3A_171 = arith.constant 0 : i32
        %cond3A_172 = arith.cmpi ne, %convert_element_type3A_170, %cond3A_171 : i32
        scf.if %cond3A_172 {
          %dma_wait3A_182 = arith.constant 2 : i32
          %dma_wait3A_183 = arith.constant 2 : i32
          %dma_wait3A_184 = arith.constant 0 : i32
          %dma_wait3A_185 = arith.constant 0 : i32
          %dma_wait3A_186 = tpu.memref_slice %run_scoped3A_4[%dma_wait3A_182, %dma_wait3A_184, %dma_wait3A_185] : memref<4x40x128xi32, #tpu.memory_space<vmem>> -> memref<1x40x128xi32, #tpu.memory_space<vmem>>
          %dma_wait3A_187 = tpu.memref_squeeze %dma_wait3A_186 : memref<1x40x128xi32, #tpu.memory_space<vmem>> -> memref<40x128xi32, #tpu.memory_space<vmem>>
          %dma_wait3A_188 = arith.constant 0 : i32
          %dma_wait3A_189 = tpu.memref_slice %arg2[%dma_wait3A_188, %mul3A_2] : memref<1000x4096xi32, #tpu.memory_space<hbm>> -> memref<40x128xi32, #tpu.memory_space<hbm>>
          %dma_wait3A_190 = tpu.memref_slice %arg7[%dma_wait3A_183] : memref<4x!tpu.dma_semaphore, #tpu.memory_space<semaphore_mem>> -> memref<1x!tpu.dma_semaphore, #tpu.memory_space<semaphore_mem>>
          %dma_wait3A_191 = tpu.memref_squeeze %dma_wait3A_190 : memref<1x!tpu.dma_semaphore, #tpu.memory_space<semaphore_mem>> -> memref<!tpu.dma_semaphore, #tpu.memory_space<semaphore_mem>>
          %dma_wait3A_192 = arith.constant 0 : i32
          %dma_wait3A_193 = arith.constant 0 : i32
          %dma_wait3A_194 = tpu.memref_slice %run_scoped3A_4[%dma_wait3A_182, %dma_wait3A_192, %dma_wait3A_193] : memref<4x40x128xi32, #tpu.memory_space<vmem>> -> memref<1x40x128xi32, #tpu.memory_space<vmem>>
          %dma_wait3A_195 = tpu.memref_squeeze %dma_wait3A_194 : memref<1x40x128xi32, #tpu.memory_space<vmem>> -> memref<40x128xi32, #tpu.memory_space<vmem>>
          %dma_wait3A_196 = arith.constant 0 : i32
          %dma_wait3A_197 = tpu.memref_slice %arg2[%dma_wait3A_196, %mul3A_2] : memref<1000x4096xi32, #tpu.memory_space<hbm>> -> memref<40x128xi32, #tpu.memory_space<hbm>>
          tpu.wait_dma2 semaphore(%dma_wait3A_191 : memref<!tpu.dma_semaphore, #tpu.memory_space<semaphore_mem>>) src(%dma_wait3A_197 : memref<40x128xi32, #tpu.memory_space<hbm>>) dst(%dma_wait3A_195 : memref<40x128xi32, #tpu.memory_space<vmem>>)
          %parallel_loop3A_198 = arith.constant 0 : i32
          %parallel_loop3A_199 = arith.constant 40 : i32
          %parallel_loop3A_200 = arith.constant 1 : i32
          scf.for %parallel_loop3A_208 = %parallel_loop3A_198 to %parallel_loop3A_199 step %parallel_loop3A_200  : i32 {
            %parallel_loop3A_209 = arith.constant 0 : i32
            %parallel_loop3A_210 = vector.broadcast %parallel_loop3A_209 : i32 to vector<16xi32>
            %parallel_loop3A_211 = arith.addi %parallel_loop3A_210, %iota3A : vector<16xi32>
            %parallel_loop3A_212 = arith.constant 2 : i32
            %parallel_loop3A_213 = arith.index_cast %parallel_loop3A_212 : i32 to index
            %parallel_loop3A_214 = arith.index_cast %parallel_loop3A_208 : i32 to index
            %parallel_loop3A_215 = arith.constant 0 : index
            %parallel_loop3A_216 = tpu.vector_load %run_scoped3A_4[%parallel_loop3A_213, %parallel_loop3A_214, %parallel_loop3A_215] {strides = array<i32>} : memref<4x40x128xi32, #tpu.memory_space<vmem>>, vector<16xi32>,
            %parallel_loop3A_217 = tpu.vector_load_idx %arg6[%parallel_loop3A_216] : memref<1000xf32, #tpu.memory_space<vmem>>[vector<16xi32>], vector<16xf32>,
            %parallel_loop3A_218 = arith.constant 496 : i32
            %parallel_loop3A_219 = vector.broadcast %parallel_loop3A_218 : i32 to vector<16xi32>
            %parallel_loop3A_220 = arith.subi %parallel_loop3A_216, %parallel_loop3A_219 : vector<16xi32>
            %parallel_loop3A_221 = arith.constant 0 : i32
            %parallel_loop3A_222 = vector.broadcast %parallel_loop3A_221 : i32 to vector<16xi32>
            %parallel_loop3A_223 = arith.cmpi sge, %parallel_loop3A_220, %parallel_loop3A_222 : vector<16xi32>
            %parallel_loop3A_224 = arith.constant 0 : i32
            %parallel_loop3A_225 = vector.broadcast %parallel_loop3A_224 : i32 to vector<16xi32>
            %parallel_loop3A_226 = arith.select %parallel_loop3A_223, %parallel_loop3A_220, %parallel_loop3A_225 : vector<16xi1>, vector<16xi32>
            %parallel_loop3A_227 = arith.constant 0.000000e+00 : f32
            %parallel_loop3A_228 = vector.broadcast %parallel_loop3A_227 : f32 to vector<16xf32>
            %parallel_loop3A_229 = arith.select %parallel_loop3A_223, %parallel_loop3A_217, %parallel_loop3A_228 : vector<16xi1>, vector<16xf32>
            tpu.vector_store_idx %run_scoped3A[%parallel_loop3A_226, %parallel_loop3A_211], %parallel_loop3A_229 {add = true} : memref<504x128xf32, #tpu.memory_space<vmem>>[vector<16xi32>, vector<16xi32>], vector<16xf32>,
            %parallel_loop3A_230 = arith.constant 16 : i32
            %parallel_loop3A_231 = vector.broadcast %parallel_loop3A_230 : i32 to vector<16xi32>
            %parallel_loop3A_232 = arith.addi %parallel_loop3A_231, %iota3A : vector<16xi32>
            %parallel_loop3A_233 = arith.constant 2 : i32
            %parallel_loop3A_234 = arith.index_cast %parallel_loop3A_233 : i32 to index
            %parallel_loop3A_235 = arith.index_cast %parallel_loop3A_208 : i32 to index
            %parallel_loop3A_236 = arith.constant 16 : index
            %parallel_loop3A_237 = tpu.vector_load %run_scoped3A_4[%parallel_loop3A_234, %parallel_loop3A_235, %parallel_loop3A_236] {strides = array<i32>} : memref<4x40x128xi32, #tpu.memory_space<vmem>>, vector<16xi32>,
            %parallel_loop3A_238 = tpu.vector_load_idx %arg6[%parallel_loop3A_237] : memref<1000xf32, #tpu.memory_space<vmem>>[vector<16xi32>], vector<16xf32>,
            %parallel_loop3A_239 = arith.constant 496 : i32
            %parallel_loop3A_240 = vector.broadcast %parallel_loop3A_239 : i32 to vector<16xi32>
            %parallel_loop3A_241 = arith.subi %parallel_loop3A_237, %parallel_loop3A_240 : vector<16xi32>
            %parallel_loop3A_242 = arith.constant 0 : i32
            %parallel_loop3A_243 = vector.broadcast %parallel_loop3A_242 : i32 to vector<16xi32>
            %parallel_loop3A_244 = arith.cmpi sge, %parallel_loop3A_241, %parallel_loop3A_243 : vector<16xi32>
            %parallel_loop3A_245 = arith.constant 0 : i32
            %parallel_loop3A_246 = vector.broadcast %parallel_loop3A_245 : i32 to vector<16xi32>
            %parallel_loop3A_247 = arith.select %parallel_loop3A_244, %parallel_loop3A_241, %parallel_loop3A_246 : vector<16xi1>, vector<16xi32>
            %parallel_loop3A_248 = arith.constant 0.000000e+00 : f32
            %parallel_loop3A_249 = vector.broadcast %parallel_loop3A_248 : f32 to vector<16xf32>
            %parallel_loop3A_250 = arith.select %parallel_loop3A_244, %parallel_loop3A_238, %parallel_loop3A_249 : vector<16xi1>, vector<16xf32>
            tpu.vector_store_idx %run_scoped3A[%parallel_loop3A_247, %parallel_loop3A_232], %parallel_loop3A_250 {add = true} : memref<504x128xf32, #tpu.memory_space<vmem>>[vector<16xi32>, vector<16xi32>], vector<16xf32>,
            %parallel_loop3A_251 = arith.constant 32 : i32
            %parallel_loop3A_252 = vector.broadcast %parallel_loop3A_251 : i32 to vector<16xi32>
            %parallel_loop3A_253 = arith.addi %parallel_loop3A_252, %iota3A : vector<16xi32>
            %parallel_loop3A_254 = arith.constant 2 : i32
            %parallel_loop3A_255 = arith.index_cast %parallel_loop3A_254 : i32 to index
            %parallel_loop3A_256 = arith.index_cast %parallel_loop3A_208 : i32 to index
            %parallel_loop3A_257 = arith.constant 32 : index
            %parallel_loop3A_258 = tpu.vector_load %run_scoped3A_4[%parallel_loop3A_255, %parallel_loop3A_256, %parallel_loop3A_257] {strides = array<i32>} : memref<4x40x128xi32, #tpu.memory_space<vmem>>, vector<16xi32>,
            %parallel_loop3A_259 = tpu.vector_load_idx %arg6[%parallel_loop3A_258] : memref<1000xf32, #tpu.memory_space<vmem>>[vector<16xi32>], vector<16xf32>,
            %parallel_loop3A_260 = arith.constant 496 : i32
            %parallel_loop3A_261 = vector.broadcast %parallel_loop3A_260 : i32 to vector<16xi32>
            %parallel_loop3A_262 = arith.subi %parallel_loop3A_258, %parallel_loop3A_261 : vector<16xi32>
            %parallel_loop3A_263 = arith.constant 0 : i32
            %parallel_loop3A_264 = vector.broadcast %parallel_loop3A_263 : i32 to vector<16xi32>
            %parallel_loop3A_265 = arith.cmpi sge, %parallel_loop3A_262, %parallel_loop3A_264 : vector<16xi32>
            %parallel_loop3A_266 = arith.constant 0 : i32
            %parallel_loop3A_267 = vector.broadcast %parallel_loop3A_266 : i32 to vector<16xi32>
            %parallel_loop3A_268 = arith.select %parallel_loop3A_265, %parallel_loop3A_262, %parallel_loop3A_267 : vector<16xi1>, vector<16xi32>
            %parallel_loop3A_269 = arith.constant 0.000000e+00 : f32
            %parallel_loop3A_270 = vector.broadcast %parallel_loop3A_269 : f32 to vector<16xf32>
            %parallel_loop3A_271 = arith.select %parallel_loop3A_265, %parallel_loop3A_259, %parallel_loop3A_270 : vector<16xi1>, vector<16xf32>
            tpu.vector_store_idx %run_scoped3A[%parallel_loop3A_268, %parallel_loop3A_253], %parallel_loop3A_271 {add = true} : memref<504x128xf32, #tpu.memory_space<vmem>>[vector<16xi32>, vector<16xi32>], vector<16xf32>,
            %parallel_loop3A_272 = arith.constant 48 : i32
            %parallel_loop3A_273 = vector.broadcast %parallel_loop3A_272 : i32 to vector<16xi32>
            %parallel_loop3A_274 = arith.addi %parallel_loop3A_273, %iota3A : vector<16xi32>
            %parallel_loop3A_275 = arith.constant 2 : i32
            %parallel_loop3A_276 = arith.index_cast %parallel_loop3A_275 : i32 to index
            %parallel_loop3A_277 = arith.index_cast %parallel_loop3A_208 : i32 to index
            %parallel_loop3A_278 = arith.constant 48 : index
            %parallel_loop3A_279 = tpu.vector_load %run_scoped3A_4[%parallel_loop3A_276, %parallel_loop3A_277, %parallel_loop3A_278] {strides = array<i32>} : memref<4x40x128xi32, #tpu.memory_space<vmem>>, vector<16xi32>,
            %parallel_loop3A_280 = tpu.vector_load_idx %arg6[%parallel_loop3A_279] : memref<1000xf32, #tpu.memory_space<vmem>>[vector<16xi32>], vector<16xf32>,
            %parallel_loop3A_281 = arith.constant 496 : i32
            %parallel_loop3A_282 = vector.broadcast %parallel_loop3A_281 : i32 to vector<16xi32>
            %parallel_loop3A_283 = arith.subi %parallel_loop3A_279, %parallel_loop3A_282 : vector<16xi32>
            %parallel_loop3A_284 = arith.constant 0 : i32
            %parallel_loop3A_285 = vector.broadcast %parallel_loop3A_284 : i32 to vector<16xi32>
            %parallel_loop3A_286 = arith.cmpi sge, %parallel_loop3A_283, %parallel_loop3A_285 : vector<16xi32>
            %parallel_loop3A_287 = arith.constant 0 : i32
            %parallel_loop3A_288 = vector.broadcast %parallel_loop3A_287 : i32 to vector<16xi32>
            %parallel_loop3A_289 = arith.select %parallel_loop3A_286, %parallel_loop3A_283, %parallel_loop3A_288 : vector<16xi1>, vector<16xi32>
            %parallel_loop3A_290 = arith.constant 0.000000e+00 : f32
            %parallel_loop3A_291 = vector.broadcast %parallel_loop3A_290 : f32 to vector<16xf32>
            %parallel_loop3A_292 = arith.select %parallel_loop3A_286, %parallel_loop3A_280, %parallel_loop3A_291 : vector<16xi1>, vector<16xf32>
            tpu.vector_store_idx %run_scoped3A[%parallel_loop3A_289, %parallel_loop3A_274], %parallel_loop3A_292 {add = true} : memref<504x128xf32, #tpu.memory_space<vmem>>[vector<16xi32>, vector<16xi32>], vector<16xf32>,
            %parallel_loop3A_293 = arith.constant 64 : i32
            %parallel_loop3A_294 = vector.broadcast %parallel_loop3A_293 : i32 to vector<16xi32>
            %parallel_loop3A_295 = arith.addi %parallel_loop3A_294, %iota3A : vector<16xi32>
            %parallel_loop3A_296 = arith.constant 2 : i32
            %parallel_loop3A_297 = arith.index_cast %parallel_loop3A_296 : i32 to index
            %parallel_loop3A_298 = arith.index_cast %parallel_loop3A_208 : i32 to index
            %parallel_loop3A_299 = arith.constant 64 : index
            %parallel_loop3A_300 = tpu.vector_load %run_scoped3A_4[%parallel_loop3A_297, %parallel_loop3A_298, %parallel_loop3A_299] {strides = array<i32>} : memref<4x40x128xi32, #tpu.memory_space<vmem>>, vector<16xi32>,
            %parallel_loop3A_301 = tpu.vector_load_idx %arg6[%parallel_loop3A_300] : memref<1000xf32, #tpu.memory_space<vmem>>[vector<16xi32>], vector<16xf32>,
            %parallel_loop3A_302 = arith.constant 496 : i32
            %parallel_loop3A_303 = vector.broadcast %parallel_loop3A_302 : i32 to vector<16xi32>
            %parallel_loop3A_304 = arith.subi %parallel_loop3A_300, %parallel_loop3A_303 : vector<16xi32>
            %parallel_loop3A_305 = arith.constant 0 : i32
            %parallel_loop3A_306 = vector.broadcast %parallel_loop3A_305 : i32 to vector<16xi32>
            %parallel_loop3A_307 = arith.cmpi sge, %parallel_loop3A_304, %parallel_loop3A_306 : vector<16xi32>
            %parallel_loop3A_308 = arith.constant 0 : i32
            %parallel_loop3A_309 = vector.broadcast %parallel_loop3A_308 : i32 to vector<16xi32>
            %parallel_loop3A_310 = arith.select %parallel_loop3A_307, %parallel_loop3A_304, %parallel_loop3A_309 : vector<16xi1>, vector<16xi32>
            %parallel_loop3A_311 = arith.constant 0.000000e+00 : f32
            %parallel_loop3A_312 = vector.broadcast %parallel_loop3A_311 : f32 to vector<16xf32>
            %parallel_loop3A_313 = arith.select %parallel_loop3A_307, %parallel_loop3A_301, %parallel_loop3A_312 : vector<16xi1>, vector<16xf32>
            tpu.vector_store_idx %run_scoped3A[%parallel_loop3A_310, %parallel_loop3A_295], %parallel_loop3A_313 {add = true} : memref<504x128xf32, #tpu.memory_space<vmem>>[vector<16xi32>, vector<16xi32>], vector<16xf32>,
            %parallel_loop3A_314 = arith.constant 80 : i32
            %parallel_loop3A_315 = vector.broadcast %parallel_loop3A_314 : i32 to vector<16xi32>
            %parallel_loop3A_316 = arith.addi %parallel_loop3A_315, %iota3A : vector<16xi32>
            %parallel_loop3A_317 = arith.constant 2 : i32
            %parallel_loop3A_318 = arith.index_cast %parallel_loop3A_317 : i32 to index
            %parallel_loop3A_319 = arith.index_cast %parallel_loop3A_208 : i32 to index
            %parallel_loop3A_320 = arith.constant 80 : index
            %parallel_loop3A_321 = tpu.vector_load %run_scoped3A_4[%parallel_loop3A_318, %parallel_loop3A_319, %parallel_loop3A_320] {strides = array<i32>} : memref<4x40x128xi32, #tpu.memory_space<vmem>>, vector<16xi32>,
            %parallel_loop3A_322 = tpu.vector_load_idx %arg6[%parallel_loop3A_321] : memref<1000xf32, #tpu.memory_space<vmem>>[vector<16xi32>], vector<16xf32>,
            %parallel_loop3A_323 = arith.constant 496 : i32
            %parallel_loop3A_324 = vector.broadcast %parallel_loop3A_323 : i32 to vector<16xi32>
            %parallel_loop3A_325 = arith.subi %parallel_loop3A_321, %parallel_loop3A_324 : vector<16xi32>
            %parallel_loop3A_326 = arith.constant 0 : i32
            %parallel_loop3A_327 = vector.broadcast %parallel_loop3A_326 : i32 to vector<16xi32>
            %parallel_loop3A_328 = arith.cmpi sge, %parallel_loop3A_325, %parallel_loop3A_327 : vector<16xi32>
            %parallel_loop3A_329 = arith.constant 0 : i32
            %parallel_loop3A_330 = vector.broadcast %parallel_loop3A_329 : i32 to vector<16xi32>
            %parallel_loop3A_331 = arith.select %parallel_loop3A_328, %parallel_loop3A_325, %parallel_loop3A_330 : vector<16xi1>, vector<16xi32>
            %parallel_loop3A_332 = arith.constant 0.000000e+00 : f32
            %parallel_loop3A_333 = vector.broadcast %parallel_loop3A_332 : f32 to vector<16xf32>
            %parallel_loop3A_334 = arith.select %parallel_loop3A_328, %parallel_loop3A_322, %parallel_loop3A_333 : vector<16xi1>, vector<16xf32>
            tpu.vector_store_idx %run_scoped3A[%parallel_loop3A_331, %parallel_loop3A_316], %parallel_loop3A_334 {add = true} : memref<504x128xf32, #tpu.memory_space<vmem>>[vector<16xi32>, vector<16xi32>], vector<16xf32>,
            %parallel_loop3A_335 = arith.constant 96 : i32
            %parallel_loop3A_336 = vector.broadcast %parallel_loop3A_335 : i32 to vector<16xi32>
            %parallel_loop3A_337 = arith.addi %parallel_loop3A_336, %iota3A : vector<16xi32>
            %parallel_loop3A_338 = arith.constant 2 : i32
            %parallel_loop3A_339 = arith.index_cast %parallel_loop3A_338 : i32 to index
            %parallel_loop3A_340 = arith.index_cast %parallel_loop3A_208 : i32 to index
            %parallel_loop3A_341 = arith.constant 96 : index
            %parallel_loop3A_342 = tpu.vector_load %run_scoped3A_4[%parallel_loop3A_339, %parallel_loop3A_340, %parallel_loop3A_341] {strides = array<i32>} : memref<4x40x128xi32, #tpu.memory_space<vmem>>, vector<16xi32>,
            %parallel_loop3A_343 = tpu.vector_load_idx %arg6[%parallel_loop3A_342] : memref<1000xf32, #tpu.memory_space<vmem>>[vector<16xi32>], vector<16xf32>,
            %parallel_loop3A_344 = arith.constant 496 : i32
            %parallel_loop3A_345 = vector.broadcast %parallel_loop3A_344 : i32 to vector<16xi32>
            %parallel_loop3A_346 = arith.subi %parallel_loop3A_342, %parallel_loop3A_345 : vector<16xi32>
            %parallel_loop3A_347 = arith.constant 0 : i32
            %parallel_loop3A_348 = vector.broadcast %parallel_loop3A_347 : i32 to vector<16xi32>
            %parallel_loop3A_349 = arith.cmpi sge, %parallel_loop3A_346, %parallel_loop3A_348 : vector<16xi32>
            %parallel_loop3A_350 = arith.constant 0 : i32
            %parallel_loop3A_351 = vector.broadcast %parallel_loop3A_350 : i32 to vector<16xi32>
            %parallel_loop3A_352 = arith.select %parallel_loop3A_349, %parallel_loop3A_346, %parallel_loop3A_351 : vector<16xi1>, vector<16xi32>
            %parallel_loop3A_353 = arith.constant 0.000000e+00 : f32
            %parallel_loop3A_354 = vector.broadcast %parallel_loop3A_353 : f32 to vector<16xf32>
            %parallel_loop3A_355 = arith.select %parallel_loop3A_349, %parallel_loop3A_343, %parallel_loop3A_354 : vector<16xi1>, vector<16xf32>
            tpu.vector_store_idx %run_scoped3A[%parallel_loop3A_352, %parallel_loop3A_337], %parallel_loop3A_355 {add = true} : memref<504x128xf32, #tpu.memory_space<vmem>>[vector<16xi32>, vector<16xi32>], vector<16xf32>,
            %parallel_loop3A_356 = arith.constant 112 : i32
            %parallel_loop3A_357 = vector.broadcast %parallel_loop3A_356 : i32 to vector<16xi32>
            %parallel_loop3A_358 = arith.addi %parallel_loop3A_357, %iota3A : vector<16xi32>
            %parallel_loop3A_359 = arith.constant 2 : i32
            %parallel_loop3A_360 = arith.index_cast %parallel_loop3A_359 : i32 to index
            %parallel_loop3A_361 = arith.index_cast %parallel_loop3A_208 : i32 to index
            %parallel_loop3A_362 = arith.constant 112 : index
            %parallel_loop3A_363 = tpu.vector_load %run_scoped3A_4[%parallel_loop3A_360, %parallel_loop3A_361, %parallel_loop3A_362] {strides = array<i32>} : memref<4x40x128xi32, #tpu.memory_space<vmem>>, vector<16xi32>,
            %parallel_loop3A_364 = tpu.vector_load_idx %arg6[%parallel_loop3A_363] : memref<1000xf32, #tpu.memory_space<vmem>>[vector<16xi32>], vector<16xf32>,
            %parallel_loop3A_365 = arith.constant 496 : i32
            %parallel_loop3A_366 = vector.broadcast %parallel_loop3A_365 : i32 to vector<16xi32>
            %parallel_loop3A_367 = arith.subi %parallel_loop3A_363, %parallel_loop3A_366 : vector<16xi32>
            %parallel_loop3A_368 = arith.constant 0 : i32
            %parallel_loop3A_369 = vector.broadcast %parallel_loop3A_368 : i32 to vector<16xi32>
            %parallel_loop3A_370 = arith.cmpi sge, %parallel_loop3A_367, %parallel_loop3A_369 : vector<16xi32>
            %parallel_loop3A_371 = arith.constant 0 : i32
            %parallel_loop3A_372 = vector.broadcast %parallel_loop3A_371 : i32 to vector<16xi32>
            %parallel_loop3A_373 = arith.select %parallel_loop3A_370, %parallel_loop3A_367, %parallel_loop3A_372 : vector<16xi1>, vector<16xi32>
            %parallel_loop3A_374 = arith.constant 0.000000e+00 : f32
            %parallel_loop3A_375 = vector.broadcast %parallel_loop3A_374 : f32 to vector<16xf32>
            %parallel_loop3A_376 = arith.select %parallel_loop3A_370, %parallel_loop3A_364, %parallel_loop3A_375 : vector<16xi1>, vector<16xf32>
            tpu.vector_store_idx %run_scoped3A[%parallel_loop3A_373, %parallel_loop3A_358], %parallel_loop3A_376 {add = true} : memref<504x128xf32, #tpu.memory_space<vmem>>[vector<16xi32>, vector<16xi32>], vector<16xf32>,
          } {sc.loop_unroll_factor = 2 : i64, sc.parallel_access}
          %add3A_201 = arith.constant 2 : i32
          %add3A_202 = arith.addi %add3A_167, %add3A_201 : i32
          %lt3A_203 = arith.constant 25 : i32
          %lt3A_204 = arith.cmpi slt, %add3A_202, %lt3A_203 : i32
          %convert_element_type3A_205 = arith.extui %lt3A_204 : i1 to i32
          %cond3A_206 = arith.constant 0 : i32
          %cond3A_207 = arith.cmpi ne, %convert_element_type3A_205, %cond3A_206 : i32
          scf.if %cond3A_207 {
            %add3A_208 = arith.constant 2 : i32
            %add3A_209 = arith.addi %add3A_167, %add3A_208 : i32
            %mul3A_210 = arith.constant 40 : i32
            %mul3A_211 = arith.muli %add3A_209, %mul3A_210 : i32
            %dma_start3A_212 = arith.constant 0 : i32
            %dma_start3A_213 = arith.constant 0 : i32
            %dma_start3A_214 = arith.constant 0 : i32
            %dma_start3A_215 = arith.constant 0 : i32
            %dma_start3A_216 = tpu.memref_slice %run_scoped3A_4[%dma_start3A_212, %dma_start3A_214, %dma_start3A_215] : memref<4x40x128xi32, #tpu.memory_space<vmem>> -> memref<1x40x128xi32, #tpu.memory_space<vmem>>
            %dma_start3A_217 = tpu.memref_squeeze %dma_start3A_216 : memref<1x40x128xi32, #tpu.memory_space<vmem>> -> memref<40x128xi32, #tpu.memory_space<vmem>>
            %dma_start3A_218 = tpu.memref_slice %arg2[%mul3A_211, %mul3A_2] : memref<1000x4096xi32, #tpu.memory_space<hbm>> -> memref<40x128xi32, #tpu.memory_space<hbm>>
            %dma_start3A_219 = tpu.memref_slice %arg7[%dma_start3A_213] : memref<4x!tpu.dma_semaphore, #tpu.memory_space<semaphore_mem>> -> memref<1x!tpu.dma_semaphore, #tpu.memory_space<semaphore_mem>>
            %dma_start3A_220 = tpu.memref_squeeze %dma_start3A_219 : memref<1x!tpu.dma_semaphore, #tpu.memory_space<semaphore_mem>> -> memref<!tpu.dma_semaphore, #tpu.memory_space<semaphore_mem>>
            %dma_start3A_221 = arith.constant 0 : i32
            %dma_start3A_222 = arith.constant 0 : i32
            %dma_start3A_223 = tpu.memref_slice %run_scoped3A_4[%dma_start3A_212, %dma_start3A_221, %dma_start3A_222] : memref<4x40x128xi32, #tpu.memory_space<vmem>> -> memref<1x40x128xi32, #tpu.memory_space<vmem>>
            %dma_start3A_224 = tpu.memref_squeeze %dma_start3A_223 : memref<1x40x128xi32, #tpu.memory_space<vmem>> -> memref<40x128xi32, #tpu.memory_space<vmem>>
            %dma_start3A_225 = tpu.memref_slice %arg2[%mul3A_211, %mul3A_2] : memref<1000x4096xi32, #tpu.memory_space<hbm>> -> memref<40x128xi32, #tpu.memory_space<hbm>>
            tpu.enqueue_dma source(%dma_start3A_225 : memref<40x128xi32, #tpu.memory_space<hbm>>) target(%dma_start3A_224 : memref<40x128xi32, #tpu.memory_space<vmem>>) target_semaphore(%dma_start3A_220 : memref<!tpu.dma_semaphore, #tpu.memory_space<semaphore_mem>>)
          } else {
          }
        } else {
        }
        %mul3A_173 = arith.constant 4 : i32
        %mul3A_174 = arith.muli %scan3A_148, %mul3A_173 : i32
        %add3A_175 = arith.constant 3 : i32
        %add3A_176 = arith.addi %mul3A_174, %add3A_175 : i32
        %lt3A_177 = arith.constant 25 : i32
        %lt3A_178 = arith.cmpi slt, %add3A_176, %lt3A_177 : i32
        %convert_element_type3A_179 = arith.extui %lt3A_178 : i1 to i32
        %cond3A_180 = arith.constant 0 : i32
        %cond3A_181 = arith.cmpi ne, %convert_element_type3A_179, %cond3A_180 : i32
        scf.if %cond3A_181 {
          %dma_wait3A_182 = arith.constant 3 : i32
          %dma_wait3A_183 = arith.constant 3 : i32
          %dma_wait3A_184 = arith.constant 0 : i32
          %dma_wait3A_185 = arith.constant 0 : i32
          %dma_wait3A_186 = tpu.memref_slice %run_scoped3A_4[%dma_wait3A_182, %dma_wait3A_184, %dma_wait3A_185] : memref<4x40x128xi32, #tpu.memory_space<vmem>> -> memref<1x40x128xi32, #tpu.memory_space<vmem>>
          %dma_wait3A_187 = tpu.memref_squeeze %dma_wait3A_186 : memref<1x40x128xi32, #tpu.memory_space<vmem>> -> memref<40x128xi32, #tpu.memory_space<vmem>>
          %dma_wait3A_188 = arith.constant 0 : i32
          %dma_wait3A_189 = tpu.memref_slice %arg2[%dma_wait3A_188, %mul3A_2] : memref<1000x4096xi32, #tpu.memory_space<hbm>> -> memref<40x128xi32, #tpu.memory_space<hbm>>
          %dma_wait3A_190 = tpu.memref_slice %arg7[%dma_wait3A_183] : memref<4x!tpu.dma_semaphore, #tpu.memory_space<semaphore_mem>> -> memref<1x!tpu.dma_semaphore, #tpu.memory_space<semaphore_mem>>
          %dma_wait3A_191 = tpu.memref_squeeze %dma_wait3A_190 : memref<1x!tpu.dma_semaphore, #tpu.memory_space<semaphore_mem>> -> memref<!tpu.dma_semaphore, #tpu.memory_space<semaphore_mem>>
          %dma_wait3A_192 = arith.constant 0 : i32
          %dma_wait3A_193 = arith.constant 0 : i32
          %dma_wait3A_194 = tpu.memref_slice %run_scoped3A_4[%dma_wait3A_182, %dma_wait3A_192, %dma_wait3A_193] : memref<4x40x128xi32, #tpu.memory_space<vmem>> -> memref<1x40x128xi32, #tpu.memory_space<vmem>>
          %dma_wait3A_195 = tpu.memref_squeeze %dma_wait3A_194 : memref<1x40x128xi32, #tpu.memory_space<vmem>> -> memref<40x128xi32, #tpu.memory_space<vmem>>
          %dma_wait3A_196 = arith.constant 0 : i32
          %dma_wait3A_197 = tpu.memref_slice %arg2[%dma_wait3A_196, %mul3A_2] : memref<1000x4096xi32, #tpu.memory_space<hbm>> -> memref<40x128xi32, #tpu.memory_space<hbm>>
          tpu.wait_dma2 semaphore(%dma_wait3A_191 : memref<!tpu.dma_semaphore, #tpu.memory_space<semaphore_mem>>) src(%dma_wait3A_197 : memref<40x128xi32, #tpu.memory_space<hbm>>) dst(%dma_wait3A_195 : memref<40x128xi32, #tpu.memory_space<vmem>>)
          %parallel_loop3A_198 = arith.constant 0 : i32
          %parallel_loop3A_199 = arith.constant 40 : i32
          %parallel_loop3A_200 = arith.constant 1 : i32
          scf.for %parallel_loop3A_208 = %parallel_loop3A_198 to %parallel_loop3A_199 step %parallel_loop3A_200  : i32 {
            %parallel_loop3A_209 = arith.constant 0 : i32
            %parallel_loop3A_210 = vector.broadcast %parallel_loop3A_209 : i32 to vector<16xi32>
            %parallel_loop3A_211 = arith.addi %parallel_loop3A_210, %iota3A : vector<16xi32>
            %parallel_loop3A_212 = arith.constant 3 : i32
            %parallel_loop3A_213 = arith.index_cast %parallel_loop3A_212 : i32 to index
            %parallel_loop3A_214 = arith.index_cast %parallel_loop3A_208 : i32 to index
            %parallel_loop3A_215 = arith.constant 0 : index
            %parallel_loop3A_216 = tpu.vector_load %run_scoped3A_4[%parallel_loop3A_213, %parallel_loop3A_214, %parallel_loop3A_215] {strides = array<i32>} : memref<4x40x128xi32, #tpu.memory_space<vmem>>, vector<16xi32>,
            %parallel_loop3A_217 = tpu.vector_load_idx %arg6[%parallel_loop3A_216] : memref<1000xf32, #tpu.memory_space<vmem>>[vector<16xi32>], vector<16xf32>,
            %parallel_loop3A_218 = arith.constant 496 : i32
            %parallel_loop3A_219 = vector.broadcast %parallel_loop3A_218 : i32 to vector<16xi32>
            %parallel_loop3A_220 = arith.subi %parallel_loop3A_216, %parallel_loop3A_219 : vector<16xi32>
            %parallel_loop3A_221 = arith.constant 0 : i32
            %parallel_loop3A_222 = vector.broadcast %parallel_loop3A_221 : i32 to vector<16xi32>
            %parallel_loop3A_223 = arith.cmpi sge, %parallel_loop3A_220, %parallel_loop3A_222 : vector<16xi32>
            %parallel_loop3A_224 = arith.constant 0 : i32
            %parallel_loop3A_225 = vector.broadcast %parallel_loop3A_224 : i32 to vector<16xi32>
            %parallel_loop3A_226 = arith.select %parallel_loop3A_223, %parallel_loop3A_220, %parallel_loop3A_225 : vector<16xi1>, vector<16xi32>
            %parallel_loop3A_227 = arith.constant 0.000000e+00 : f32
            %parallel_loop3A_228 = vector.broadcast %parallel_loop3A_227 : f32 to vector<16xf32>
            %parallel_loop3A_229 = arith.select %parallel_loop3A_223, %parallel_loop3A_217, %parallel_loop3A_228 : vector<16xi1>, vector<16xf32>
            tpu.vector_store_idx %run_scoped3A[%parallel_loop3A_226, %parallel_loop3A_211], %parallel_loop3A_229 {add = true} : memref<504x128xf32, #tpu.memory_space<vmem>>[vector<16xi32>, vector<16xi32>], vector<16xf32>,
            %parallel_loop3A_230 = arith.constant 16 : i32
            %parallel_loop3A_231 = vector.broadcast %parallel_loop3A_230 : i32 to vector<16xi32>
            %parallel_loop3A_232 = arith.addi %parallel_loop3A_231, %iota3A : vector<16xi32>
            %parallel_loop3A_233 = arith.constant 3 : i32
            %parallel_loop3A_234 = arith.index_cast %parallel_loop3A_233 : i32 to index
            %parallel_loop3A_235 = arith.index_cast %parallel_loop3A_208 : i32 to index
            %parallel_loop3A_236 = arith.constant 16 : index
            %parallel_loop3A_237 = tpu.vector_load %run_scoped3A_4[%parallel_loop3A_234, %parallel_loop3A_235, %parallel_loop3A_236] {strides = array<i32>} : memref<4x40x128xi32, #tpu.memory_space<vmem>>, vector<16xi32>,
            %parallel_loop3A_238 = tpu.vector_load_idx %arg6[%parallel_loop3A_237] : memref<1000xf32, #tpu.memory_space<vmem>>[vector<16xi32>], vector<16xf32>,
            %parallel_loop3A_239 = arith.constant 496 : i32
            %parallel_loop3A_240 = vector.broadcast %parallel_loop3A_239 : i32 to vector<16xi32>
            %parallel_loop3A_241 = arith.subi %parallel_loop3A_237, %parallel_loop3A_240 : vector<16xi32>
            %parallel_loop3A_242 = arith.constant 0 : i32
            %parallel_loop3A_243 = vector.broadcast %parallel_loop3A_242 : i32 to vector<16xi32>
            %parallel_loop3A_244 = arith.cmpi sge, %parallel_loop3A_241, %parallel_loop3A_243 : vector<16xi32>
            %parallel_loop3A_245 = arith.constant 0 : i32
            %parallel_loop3A_246 = vector.broadcast %parallel_loop3A_245 : i32 to vector<16xi32>
            %parallel_loop3A_247 = arith.select %parallel_loop3A_244, %parallel_loop3A_241, %parallel_loop3A_246 : vector<16xi1>, vector<16xi32>
            %parallel_loop3A_248 = arith.constant 0.000000e+00 : f32
            %parallel_loop3A_249 = vector.broadcast %parallel_loop3A_248 : f32 to vector<16xf32>
            %parallel_loop3A_250 = arith.select %parallel_loop3A_244, %parallel_loop3A_238, %parallel_loop3A_249 : vector<16xi1>, vector<16xf32>
            tpu.vector_store_idx %run_scoped3A[%parallel_loop3A_247, %parallel_loop3A_232], %parallel_loop3A_250 {add = true} : memref<504x128xf32, #tpu.memory_space<vmem>>[vector<16xi32>, vector<16xi32>], vector<16xf32>,
            %parallel_loop3A_251 = arith.constant 32 : i32
            %parallel_loop3A_252 = vector.broadcast %parallel_loop3A_251 : i32 to vector<16xi32>
            %parallel_loop3A_253 = arith.addi %parallel_loop3A_252, %iota3A : vector<16xi32>
            %parallel_loop3A_254 = arith.constant 3 : i32
            %parallel_loop3A_255 = arith.index_cast %parallel_loop3A_254 : i32 to index
            %parallel_loop3A_256 = arith.index_cast %parallel_loop3A_208 : i32 to index
            %parallel_loop3A_257 = arith.constant 32 : index
            %parallel_loop3A_258 = tpu.vector_load %run_scoped3A_4[%parallel_loop3A_255, %parallel_loop3A_256, %parallel_loop3A_257] {strides = array<i32>} : memref<4x40x128xi32, #tpu.memory_space<vmem>>, vector<16xi32>,
            %parallel_loop3A_259 = tpu.vector_load_idx %arg6[%parallel_loop3A_258] : memref<1000xf32, #tpu.memory_space<vmem>>[vector<16xi32>], vector<16xf32>,
            %parallel_loop3A_260 = arith.constant 496 : i32
            %parallel_loop3A_261 = vector.broadcast %parallel_loop3A_260 : i32 to vector<16xi32>
            %parallel_loop3A_262 = arith.subi %parallel_loop3A_258, %parallel_loop3A_261 : vector<16xi32>
            %parallel_loop3A_263 = arith.constant 0 : i32
            %parallel_loop3A_264 = vector.broadcast %parallel_loop3A_263 : i32 to vector<16xi32>
            %parallel_loop3A_265 = arith.cmpi sge, %parallel_loop3A_262, %parallel_loop3A_264 : vector<16xi32>
            %parallel_loop3A_266 = arith.constant 0 : i32
            %parallel_loop3A_267 = vector.broadcast %parallel_loop3A_266 : i32 to vector<16xi32>
            %parallel_loop3A_268 = arith.select %parallel_loop3A_265, %parallel_loop3A_262, %parallel_loop3A_267 : vector<16xi1>, vector<16xi32>
            %parallel_loop3A_269 = arith.constant 0.000000e+00 : f32
            %parallel_loop3A_270 = vector.broadcast %parallel_loop3A_269 : f32 to vector<16xf32>
            %parallel_loop3A_271 = arith.select %parallel_loop3A_265, %parallel_loop3A_259, %parallel_loop3A_270 : vector<16xi1>, vector<16xf32>
            tpu.vector_store_idx %run_scoped3A[%parallel_loop3A_268, %parallel_loop3A_253], %parallel_loop3A_271 {add = true} : memref<504x128xf32, #tpu.memory_space<vmem>>[vector<16xi32>, vector<16xi32>], vector<16xf32>,
            %parallel_loop3A_272 = arith.constant 48 : i32
            %parallel_loop3A_273 = vector.broadcast %parallel_loop3A_272 : i32 to vector<16xi32>
            %parallel_loop3A_274 = arith.addi %parallel_loop3A_273, %iota3A : vector<16xi32>
            %parallel_loop3A_275 = arith.constant 3 : i32
            %parallel_loop3A_276 = arith.index_cast %parallel_loop3A_275 : i32 to index
            %parallel_loop3A_277 = arith.index_cast %parallel_loop3A_208 : i32 to index
            %parallel_loop3A_278 = arith.constant 48 : index
            %parallel_loop3A_279 = tpu.vector_load %run_scoped3A_4[%parallel_loop3A_276, %parallel_loop3A_277, %parallel_loop3A_278] {strides = array<i32>} : memref<4x40x128xi32, #tpu.memory_space<vmem>>, vector<16xi32>,
            %parallel_loop3A_280 = tpu.vector_load_idx %arg6[%parallel_loop3A_279] : memref<1000xf32, #tpu.memory_space<vmem>>[vector<16xi32>], vector<16xf32>,
            %parallel_loop3A_281 = arith.constant 496 : i32
            %parallel_loop3A_282 = vector.broadcast %parallel_loop3A_281 : i32 to vector<16xi32>
            %parallel_loop3A_283 = arith.subi %parallel_loop3A_279, %parallel_loop3A_282 : vector<16xi32>
            %parallel_loop3A_284 = arith.constant 0 : i32
            %parallel_loop3A_285 = vector.broadcast %parallel_loop3A_284 : i32 to vector<16xi32>
            %parallel_loop3A_286 = arith.cmpi sge, %parallel_loop3A_283, %parallel_loop3A_285 : vector<16xi32>
            %parallel_loop3A_287 = arith.constant 0 : i32
            %parallel_loop3A_288 = vector.broadcast %parallel_loop3A_287 : i32 to vector<16xi32>
            %parallel_loop3A_289 = arith.select %parallel_loop3A_286, %parallel_loop3A_283, %parallel_loop3A_288 : vector<16xi1>, vector<16xi32>
            %parallel_loop3A_290 = arith.constant 0.000000e+00 : f32
            %parallel_loop3A_291 = vector.broadcast %parallel_loop3A_290 : f32 to vector<16xf32>
            %parallel_loop3A_292 = arith.select %parallel_loop3A_286, %parallel_loop3A_280, %parallel_loop3A_291 : vector<16xi1>, vector<16xf32>
            tpu.vector_store_idx %run_scoped3A[%parallel_loop3A_289, %parallel_loop3A_274], %parallel_loop3A_292 {add = true} : memref<504x128xf32, #tpu.memory_space<vmem>>[vector<16xi32>, vector<16xi32>], vector<16xf32>,
            %parallel_loop3A_293 = arith.constant 64 : i32
            %parallel_loop3A_294 = vector.broadcast %parallel_loop3A_293 : i32 to vector<16xi32>
            %parallel_loop3A_295 = arith.addi %parallel_loop3A_294, %iota3A : vector<16xi32>
            %parallel_loop3A_296 = arith.constant 3 : i32
            %parallel_loop3A_297 = arith.index_cast %parallel_loop3A_296 : i32 to index
            %parallel_loop3A_298 = arith.index_cast %parallel_loop3A_208 : i32 to index
            %parallel_loop3A_299 = arith.constant 64 : index
            %parallel_loop3A_300 = tpu.vector_load %run_scoped3A_4[%parallel_loop3A_297, %parallel_loop3A_298, %parallel_loop3A_299] {strides = array<i32>} : memref<4x40x128xi32, #tpu.memory_space<vmem>>, vector<16xi32>,
            %parallel_loop3A_301 = tpu.vector_load_idx %arg6[%parallel_loop3A_300] : memref<1000xf32, #tpu.memory_space<vmem>>[vector<16xi32>], vector<16xf32>,
            %parallel_loop3A_302 = arith.constant 496 : i32
            %parallel_loop3A_303 = vector.broadcast %parallel_loop3A_302 : i32 to vector<16xi32>
            %parallel_loop3A_304 = arith.subi %parallel_loop3A_300, %parallel_loop3A_303 : vector<16xi32>
            %parallel_loop3A_305 = arith.constant 0 : i32
            %parallel_loop3A_306 = vector.broadcast %parallel_loop3A_305 : i32 to vector<16xi32>
            %parallel_loop3A_307 = arith.cmpi sge, %parallel_loop3A_304, %parallel_loop3A_306 : vector<16xi32>
            %parallel_loop3A_308 = arith.constant 0 : i32
            %parallel_loop3A_309 = vector.broadcast %parallel_loop3A_308 : i32 to vector<16xi32>
            %parallel_loop3A_310 = arith.select %parallel_loop3A_307, %parallel_loop3A_304, %parallel_loop3A_309 : vector<16xi1>, vector<16xi32>
            %parallel_loop3A_311 = arith.constant 0.000000e+00 : f32
            %parallel_loop3A_312 = vector.broadcast %parallel_loop3A_311 : f32 to vector<16xf32>
            %parallel_loop3A_313 = arith.select %parallel_loop3A_307, %parallel_loop3A_301, %parallel_loop3A_312 : vector<16xi1>, vector<16xf32>
            tpu.vector_store_idx %run_scoped3A[%parallel_loop3A_310, %parallel_loop3A_295], %parallel_loop3A_313 {add = true} : memref<504x128xf32, #tpu.memory_space<vmem>>[vector<16xi32>, vector<16xi32>], vector<16xf32>,
            %parallel_loop3A_314 = arith.constant 80 : i32
            %parallel_loop3A_315 = vector.broadcast %parallel_loop3A_314 : i32 to vector<16xi32>
            %parallel_loop3A_316 = arith.addi %parallel_loop3A_315, %iota3A : vector<16xi32>
            %parallel_loop3A_317 = arith.constant 3 : i32
            %parallel_loop3A_318 = arith.index_cast %parallel_loop3A_317 : i32 to index
            %parallel_loop3A_319 = arith.index_cast %parallel_loop3A_208 : i32 to index
            %parallel_loop3A_320 = arith.constant 80 : index
            %parallel_loop3A_321 = tpu.vector_load %run_scoped3A_4[%parallel_loop3A_318, %parallel_loop3A_319, %parallel_loop3A_320] {strides = array<i32>} : memref<4x40x128xi32, #tpu.memory_space<vmem>>, vector<16xi32>,
            %parallel_loop3A_322 = tpu.vector_load_idx %arg6[%parallel_loop3A_321] : memref<1000xf32, #tpu.memory_space<vmem>>[vector<16xi32>], vector<16xf32>,
            %parallel_loop3A_323 = arith.constant 496 : i32
            %parallel_loop3A_324 = vector.broadcast %parallel_loop3A_323 : i32 to vector<16xi32>
            %parallel_loop3A_325 = arith.subi %parallel_loop3A_321, %parallel_loop3A_324 : vector<16xi32>
            %parallel_loop3A_326 = arith.constant 0 : i32
            %parallel_loop3A_327 = vector.broadcast %parallel_loop3A_326 : i32 to vector<16xi32>
            %parallel_loop3A_328 = arith.cmpi sge, %parallel_loop3A_325, %parallel_loop3A_327 : vector<16xi32>
            %parallel_loop3A_329 = arith.constant 0 : i32
            %parallel_loop3A_330 = vector.broadcast %parallel_loop3A_329 : i32 to vector<16xi32>
            %parallel_loop3A_331 = arith.select %parallel_loop3A_328, %parallel_loop3A_325, %parallel_loop3A_330 : vector<16xi1>, vector<16xi32>
            %parallel_loop3A_332 = arith.constant 0.000000e+00 : f32
            %parallel_loop3A_333 = vector.broadcast %parallel_loop3A_332 : f32 to vector<16xf32>
            %parallel_loop3A_334 = arith.select %parallel_loop3A_328, %parallel_loop3A_322, %parallel_loop3A_333 : vector<16xi1>, vector<16xf32>
            tpu.vector_store_idx %run_scoped3A[%parallel_loop3A_331, %parallel_loop3A_316], %parallel_loop3A_334 {add = true} : memref<504x128xf32, #tpu.memory_space<vmem>>[vector<16xi32>, vector<16xi32>], vector<16xf32>,
            %parallel_loop3A_335 = arith.constant 96 : i32
            %parallel_loop3A_336 = vector.broadcast %parallel_loop3A_335 : i32 to vector<16xi32>
            %parallel_loop3A_337 = arith.addi %parallel_loop3A_336, %iota3A : vector<16xi32>
            %parallel_loop3A_338 = arith.constant 3 : i32
            %parallel_loop3A_339 = arith.index_cast %parallel_loop3A_338 : i32 to index
            %parallel_loop3A_340 = arith.index_cast %parallel_loop3A_208 : i32 to index
            %parallel_loop3A_341 = arith.constant 96 : index
            %parallel_loop3A_342 = tpu.vector_load %run_scoped3A_4[%parallel_loop3A_339, %parallel_loop3A_340, %parallel_loop3A_341] {strides = array<i32>} : memref<4x40x128xi32, #tpu.memory_space<vmem>>, vector<16xi32>,
            %parallel_loop3A_343 = tpu.vector_load_idx %arg6[%parallel_loop3A_342] : memref<1000xf32, #tpu.memory_space<vmem>>[vector<16xi32>], vector<16xf32>,
            %parallel_loop3A_344 = arith.constant 496 : i32
            %parallel_loop3A_345 = vector.broadcast %parallel_loop3A_344 : i32 to vector<16xi32>
            %parallel_loop3A_346 = arith.subi %parallel_loop3A_342, %parallel_loop3A_345 : vector<16xi32>
            %parallel_loop3A_347 = arith.constant 0 : i32
            %parallel_loop3A_348 = vector.broadcast %parallel_loop3A_347 : i32 to vector<16xi32>
            %parallel_loop3A_349 = arith.cmpi sge, %parallel_loop3A_346, %parallel_loop3A_348 : vector<16xi32>
            %parallel_loop3A_350 = arith.constant 0 : i32
            %parallel_loop3A_351 = vector.broadcast %parallel_loop3A_350 : i32 to vector<16xi32>
            %parallel_loop3A_352 = arith.select %parallel_loop3A_349, %parallel_loop3A_346, %parallel_loop3A_351 : vector<16xi1>, vector<16xi32>
            %parallel_loop3A_353 = arith.constant 0.000000e+00 : f32
            %parallel_loop3A_354 = vector.broadcast %parallel_loop3A_353 : f32 to vector<16xf32>
            %parallel_loop3A_355 = arith.select %parallel_loop3A_349, %parallel_loop3A_343, %parallel_loop3A_354 : vector<16xi1>, vector<16xf32>
            tpu.vector_store_idx %run_scoped3A[%parallel_loop3A_352, %parallel_loop3A_337], %parallel_loop3A_355 {add = true} : memref<504x128xf32, #tpu.memory_space<vmem>>[vector<16xi32>, vector<16xi32>], vector<16xf32>,
            %parallel_loop3A_356 = arith.constant 112 : i32
            %parallel_loop3A_357 = vector.broadcast %parallel_loop3A_356 : i32 to vector<16xi32>
            %parallel_loop3A_358 = arith.addi %parallel_loop3A_357, %iota3A : vector<16xi32>
            %parallel_loop3A_359 = arith.constant 3 : i32
            %parallel_loop3A_360 = arith.index_cast %parallel_loop3A_359 : i32 to index
            %parallel_loop3A_361 = arith.index_cast %parallel_loop3A_208 : i32 to index
            %parallel_loop3A_362 = arith.constant 112 : index
            %parallel_loop3A_363 = tpu.vector_load %run_scoped3A_4[%parallel_loop3A_360, %parallel_loop3A_361, %parallel_loop3A_362] {strides = array<i32>} : memref<4x40x128xi32, #tpu.memory_space<vmem>>, vector<16xi32>,
            %parallel_loop3A_364 = tpu.vector_load_idx %arg6[%parallel_loop3A_363] : memref<1000xf32, #tpu.memory_space<vmem>>[vector<16xi32>], vector<16xf32>,
            %parallel_loop3A_365 = arith.constant 496 : i32
            %parallel_loop3A_366 = vector.broadcast %parallel_loop3A_365 : i32 to vector<16xi32>
            %parallel_loop3A_367 = arith.subi %parallel_loop3A_363, %parallel_loop3A_366 : vector<16xi32>
            %parallel_loop3A_368 = arith.constant 0 : i32
            %parallel_loop3A_369 = vector.broadcast %parallel_loop3A_368 : i32 to vector<16xi32>
            %parallel_loop3A_370 = arith.cmpi sge, %parallel_loop3A_367, %parallel_loop3A_369 : vector<16xi32>
            %parallel_loop3A_371 = arith.constant 0 : i32
            %parallel_loop3A_372 = vector.broadcast %parallel_loop3A_371 : i32 to vector<16xi32>
            %parallel_loop3A_373 = arith.select %parallel_loop3A_370, %parallel_loop3A_367, %parallel_loop3A_372 : vector<16xi1>, vector<16xi32>
            %parallel_loop3A_374 = arith.constant 0.000000e+00 : f32
            %parallel_loop3A_375 = vector.broadcast %parallel_loop3A_374 : f32 to vector<16xf32>
            %parallel_loop3A_376 = arith.select %parallel_loop3A_370, %parallel_loop3A_364, %parallel_loop3A_375 : vector<16xi1>, vector<16xf32>
            tpu.vector_store_idx %run_scoped3A[%parallel_loop3A_373, %parallel_loop3A_358], %parallel_loop3A_376 {add = true} : memref<504x128xf32, #tpu.memory_space<vmem>>[vector<16xi32>, vector<16xi32>], vector<16xf32>,
          } {sc.loop_unroll_factor = 2 : i64, sc.parallel_access}
          %add3A_201 = arith.constant 2 : i32
          %add3A_202 = arith.addi %add3A_176, %add3A_201 : i32
          %lt3A_203 = arith.constant 25 : i32
          %lt3A_204 = arith.cmpi slt, %add3A_202, %lt3A_203 : i32
          %convert_element_type3A_205 = arith.extui %lt3A_204 : i1 to i32
          %cond3A_206 = arith.constant 0 : i32
          %cond3A_207 = arith.cmpi ne, %convert_element_type3A_205, %cond3A_206 : i32
          scf.if %cond3A_207 {
            %add3A_208 = arith.constant 2 : i32
            %add3A_209 = arith.addi %add3A_176, %add3A_208 : i32
            %mul3A_210 = arith.constant 40 : i32
            %mul3A_211 = arith.muli %add3A_209, %mul3A_210 : i32
            %dma_start3A_212 = arith.constant 1 : i32
            %dma_start3A_213 = arith.constant 1 : i32
            %dma_start3A_214 = arith.constant 0 : i32
            %dma_start3A_215 = arith.constant 0 : i32
            %dma_start3A_216 = tpu.memref_slice %run_scoped3A_4[%dma_start3A_212, %dma_start3A_214, %dma_start3A_215] : memref<4x40x128xi32, #tpu.memory_space<vmem>> -> memref<1x40x128xi32, #tpu.memory_space<vmem>>
            %dma_start3A_217 = tpu.memref_squeeze %dma_start3A_216 : memref<1x40x128xi32, #tpu.memory_space<vmem>> -> memref<40x128xi32, #tpu.memory_space<vmem>>
            %dma_start3A_218 = tpu.memref_slice %arg2[%mul3A_211, %mul3A_2] : memref<1000x4096xi32, #tpu.memory_space<hbm>> -> memref<40x128xi32, #tpu.memory_space<hbm>>
            %dma_start3A_219 = tpu.memref_slice %arg7[%dma_start3A_213] : memref<4x!tpu.dma_semaphore, #tpu.memory_space<semaphore_mem>> -> memref<1x!tpu.dma_semaphore, #tpu.memory_space<semaphore_mem>>
            %dma_start3A_220 = tpu.memref_squeeze %dma_start3A_219 : memref<1x!tpu.dma_semaphore, #tpu.memory_space<semaphore_mem>> -> memref<!tpu.dma_semaphore, #tpu.memory_space<semaphore_mem>>
            %dma_start3A_221 = arith.constant 0 : i32
            %dma_start3A_222 = arith.constant 0 : i32
            %dma_start3A_223 = tpu.memref_slice %run_scoped3A_4[%dma_start3A_212, %dma_start3A_221, %dma_start3A_222] : memref<4x40x128xi32, #tpu.memory_space<vmem>> -> memref<1x40x128xi32, #tpu.memory_space<vmem>>
            %dma_start3A_224 = tpu.memref_squeeze %dma_start3A_223 : memref<1x40x128xi32, #tpu.memory_space<vmem>> -> memref<40x128xi32, #tpu.memory_space<vmem>>
            %dma_start3A_225 = tpu.memref_slice %arg2[%mul3A_211, %mul3A_2] : memref<1000x4096xi32, #tpu.memory_space<hbm>> -> memref<40x128xi32, #tpu.memory_space<hbm>>
            tpu.enqueue_dma source(%dma_start3A_225 : memref<40x128xi32, #tpu.memory_space<hbm>>) target(%dma_start3A_224 : memref<40x128xi32, #tpu.memory_space<vmem>>) target_semaphore(%dma_start3A_220 : memref<!tpu.dma_semaphore, #tpu.memory_space<semaphore_mem>>)
          } else {
          }
        } else {
        }
      }
      %scan3A_147 = arith.constant 7 : i32
      "tpu.region"() ({
        %run_scoped3A_148 = tpu.sem_alloc : memref<!tpu.dma_semaphore, #tpu.memory_space<semaphore_mem>>
        %dma_start3A_149 = arith.constant 496 : i32
        %dma_start3A_150 = tpu.memref_slice %arg4[%dma_start3A_149, %mul3A_2] : memref<1000x4096xf32, #tpu.memory_space<hbm>> -> memref<504x128xf32, #tpu.memory_space<hbm>>
        %dma_start3A_151 = arith.constant 496 : i32
        %dma_start3A_152 = tpu.memref_slice %arg4[%dma_start3A_151, %mul3A_2] : memref<1000x4096xf32, #tpu.memory_space<hbm>> -> memref<504x128xf32, #tpu.memory_space<hbm>>
        tpu.enqueue_dma source(%run_scoped3A : memref<504x128xf32, #tpu.memory_space<vmem>>) target(%dma_start3A_152 : memref<504x128xf32, #tpu.memory_space<hbm>>) target_semaphore(%run_scoped3A_148 : memref<!tpu.dma_semaphore, #tpu.memory_space<semaphore_mem>>)
        %dma_wait3A_153 = arith.constant 496 : i32
        %dma_wait3A_154 = tpu.memref_slice %arg4[%dma_wait3A_153, %mul3A_2] : memref<1000x4096xf32, #tpu.memory_space<hbm>> -> memref<504x128xf32, #tpu.memory_space<hbm>>
        %dma_wait3A_155 = arith.constant 496 : i32
        %dma_wait3A_156 = tpu.memref_slice %arg4[%dma_wait3A_155, %mul3A_2] : memref<1000x4096xf32, #tpu.memory_space<hbm>> -> memref<504x128xf32, #tpu.memory_space<hbm>>
        tpu.wait_dma2 semaphore(%run_scoped3A_148 : memref<!tpu.dma_semaphore, #tpu.memory_space<semaphore_mem>>) src(%run_scoped3A : memref<504x128xf32, #tpu.memory_space<vmem>>) dst(%dma_wait3A_156 : memref<504x128xf32, #tpu.memory_space<hbm>>)
        tpu.yield
      }) : () -> ()
      tpu.yield
    }) : () -> ()
    return
  }
}

</mosaic_0001>

<sc_bundles>
// kernel: kernel.3.cloned.1.call-start
scs
__scs_entry_jumppad:
0x0: {  	(pc) =	sbr.rel $0x88, $3  }
0x1: {  	(tag) =	ssettag $0x0;
	lr =	simm.s32 $0x1  }
0x2: {  	[smem:$0x3F9F] =	sst lr;
	_ =	strace $0xD0000000  }
0x3: {  	_ = 	snop  }
0x4: {  	_ = 	snop  }
0x5: {  	_ = 	snop  }
0x6: {  	_ = 	snop  }
0x7: {  	_ = 	snop  }
__scs_overlays_trampoline_lowered:
0x8: {  	[smem:$0x3FAE] =	sst s0  }
0x9: {  	[smem:$0x3FAF] =	sst s1  }
0xa: {  	[smem:$0x3FB0] =	sst s2  }
0xb: {  	[smem:$0x3FB1] =	sst s3  }
0xc: {  	[smem:$0x3FB2] =	sst s4  }
0xd: {  	[smem:$0x3FB3] =	sst s5  }
0xe: {  	[smem:$0x3FB4] =	sst s6  }
0xf: {  	[smem:$0x3FB5] =	sst s7  }
0x10: {  	[smem:$0x3FB6] =	sst s8  }
0x11: {  	[smem:$0x3FB7] =	sst s9;
	s0 =	simm.s32 @!p0 $0x0  }
0x12: {  	s1 =	sld [smem:$0x3F9D];
	s0 =	simm.s32 @p0 $0x1  }
0x13: {  	[smem:$0x3FB8] =	sst s0;
	s0 =	simm.s32 @!p1 $0x0  }
0x14: {  	s2 =	sld [smem:$0x3F9C];
	s0 =	simm.s32 @p1 $0x1  }
0x15: {  	[smem:$0x3FB9] =	sst s0;
	s0 =	simm.s32 @!p2 $0x0  }
0x16: {  	s3 =	sld [smem:$0x3FDB];
	s0 =	simm.s32 @p2 $0x1  }
0x17: {  	s4 =	simm.s32 $0x1BF5;
	[smem:$0x3FBB] =	sst s0  }
0x18: {  	s0 =	sld [smem:$0x3F9E];
	_ =	swait.ge [sflag:s4], $0x0  }
0x19: {  	s7 =	sld [smem:$0x3F9F]  }
0x1a: {  	s8 =	sadd.s32 $0xFFFFE003, lr  }
0x1b: {  	s9 =	sadd.s32 $0xFFFFFEF7, lr;
	s5 =	simm.s32 $0xFFFFFFFF;
	p2 =	slt.u32 s8, $0xFFFFF086  }
0x1c: {  	p1 =	slt.u32 s9, $0xF7A;
	s5 =	simm.s32 @!p2 $0x0  }
0x1d: {  	s5 =	simm.s32 @p1 $0x1;
	p0 =	seq.s32 s7, s2  }
0x1e: {  	s7 =	smul.u32 @!p0 $0xF7A, s2;
	p2 =	seq.s32 @!p0 s5, $0x0  }
0x1f: {  	s9 =	smul.u32 $0xF7A, s1;
	s8 =	simm.s32 @!p0 $0x1BF5;
	p2 =	por !p2, p0  }
0x20: {  	[sflag:s8] =	ssyncset.s32 @!p0 $0xFFFFF086;
	s6 =	sadd.s32 @!p0 s3, s7;
	s7 =	simm.s32 @!p0 $0x108  }
0x21: {  	s3 =	sadd.s32 s3, s9;
	s6 =	sadd.s32 @!p0 $0x88, s6;
	s7 =	simm.s32 @p2 $0x1082  }
0x22: {  	[simem:s7], [sflag:s8] =	dma.local @!p0 [hbm:s6], $0xF7A  }
0x23: {  	s9 =	sor.u32 $0xD0000000, s2;
	s6 =	simm.s32 $0x108;
	_ =	swait.ge @!p0 [sflag:s8], $0x0  }
0x24: {  	s3 =	sadd.s32 $0x88, s3;
	s6 =	simm.s32 @!p1 $0x1082;
	[sflag:s4] =	ssyncset.s32 $0xFFFFF086  }
0x25: {  	[simem:s6], [sflag:s4] =	dma.local [hbm:s3], $0xF7A  }
0x26: {  	[smem:$0x3F9F] =	sst s1;
	(tag) =	ssettag s2;
	_ =	strace s9  }
0x27: {  	s1 =	sld [smem:$0x3FAF]  }
0x28: {  	s2 =	sld [smem:$0x3FB0]  }
0x29: {  	s4 =	sld [smem:$0x3FB2]  }
0x2a: {  	p0 =	seq.s32 s5, $0x0;
	s5 =	sld [smem:$0x3FB3]  }
0x2b: {  	s6 =	sld [smem:$0x3FB4]  }
0x2c: {  	s7 =	sld [smem:$0x3FB5]  }
0x2d: {  	s3 =	simm.s32 $0x108;
	s8 =	sld [smem:$0x3FB6]  }
0x2e: {  	s3 =	simm.s32 @!p0 $0x1082;
	s9 =	sld [smem:$0x3FB7]  }
0x2f: {  	lr =	sadd.s32 s0, s3;
	s0 =	sld [smem:$0x3FAE]  }
0x30: {  	s3 =	sld [smem:$0x3FB1]  }
0x31: {  	[smem:$0x3FBA] =	sst s10  }
0x32: {  	s10 =	sld [smem:$0x3FB8];
	_ =	sdelay $0x3  }
0x33: {  	p0 =	seq.s32 s10, $0x1;
	s10 =	sld [smem:$0x3FBA];
	_ =	sdelay $0x3  }
0x34: {  	[smem:$0x3FBA] =	sst s10  }
0x35: {  	s10 =	sld [smem:$0x3FB9];
	_ =	sdelay $0x3  }
0x36: {  	p1 =	seq.s32 s10, $0x1;
	s10 =	sld [smem:$0x3FBA];
	_ =	sdelay $0x3  }
0x37: {  	[smem:$0x3FBA] =	sst s10  }
0x38: {  	s10 =	sld [smem:$0x3FBB]  }
0x39: {  	_ = 	snop;
	(pc) =	sbr.ind lr, $3  }
0x3a: {  	_ = 	snop  }
0x3b: {  	_ = 	snop  }
0x3c: {  	p2 =	seq.s32 s10, $0x1;
	s10 =	sld [smem:$0x3FBA]  }
0x3d: {  	_ =	shalt  }
0x3e: {  	_ =	shalt  }
0x3f: {  	_ =	shalt  }
0x40: {  	_ =	shalt  }
0x41: {  	_ =	shalt  }
0x42: {  	_ =	shalt  }
0x43: {  	_ =	shalt  }
0x44: {  	_ =	shalt  }
0x45: {  	_ =	shalt  }
0x46: {  	_ =	shalt  }
0x47: {  	_ =	shalt  }
0x48: {  	_ =	shalt  }
0x49: {  	_ =	shalt  }
0x4a: {  	_ =	shalt  }
0x4b: {  	_ =	shalt  }
0x4c: {  	_ =	shalt  }
0x4d: {  	_ =	shalt  }
0x4e: {  	_ =	shalt  }
0x4f: {  	_ =	shalt  }
0x50: {  	_ =	shalt  }
0x51: {  	_ =	shalt  }
0x52: {  	_ =	shalt  }
0x53: {  	_ =	shalt  }
0x54: {  	_ =	shalt  }
0x55: {  	_ =	shalt  }
0x56: {  	_ =	shalt  }
0x57: {  	_ =	shalt  }
0x58: {  	_ =	shalt  }
0x59: {  	_ =	shalt  }
0x5a: {  	_ =	shalt  }
0x5b: {  	_ =	shalt  }
0x5c: {  	_ =	shalt  }
0x5d: {  	_ =	shalt  }
0x5e: {  	_ =	shalt  }
0x5f: {  	_ =	shalt  }
0x60: {  	_ =	shalt  }
0x61: {  	_ =	shalt  }
0x62: {  	_ =	shalt  }
0x63: {  	_ =	shalt  }
0x64: {  	_ =	shalt  }
0x65: {  	_ =	shalt  }
0x66: {  	_ =	shalt  }
0x67: {  	_ =	shalt  }
0x68: {  	_ =	shalt  }
0x69: {  	_ =	shalt  }
0x6a: {  	_ =	shalt  }
0x6b: {  	_ =	shalt  }
0x6c: {  	_ =	shalt  }
0x6d: {  	_ =	shalt  }
0x6e: {  	_ =	shalt  }
0x6f: {  	_ =	shalt  }
0x70: {  	_ =	shalt  }
0x71: {  	_ =	shalt  }
0x72: {  	_ =	shalt  }
0x73: {  	_ =	shalt  }
0x74: {  	_ =	shalt  }
0x75: {  	_ =	shalt  }
0x76: {  	_ =	shalt  }
0x77: {  	_ =	shalt  }
0x78: {  	_ =	shalt  }
0x79: {  	_ =	shalt  }
0x7a: {  	_ =	shalt  }
0x7b: {  	_ =	shalt  }
0x7c: {  	_ =	shalt  }
0x7d: {  	_ =	shalt  }
0x7e: {  	_ =	shalt  }
0x7f: {  	_ =	shalt  }
0x80: {  	_ =	shalt  }
0x81: {  	_ =	shalt  }
0x82: {  	_ =	shalt  }
0x83: {  	_ =	shalt  }
0x84: {  	_ =	shalt  }
0x85: {  	_ =	shalt  }
0x86: {  	_ =	shalt  }
0x87: {  	_ =	shalt  }
.Lfunc_end0:
.L_simem_size_0:
called_computation_lowered:
.L_overlay_start_0:
0x88: {  	s2 =	sld [smem:$0x3FD9]  }
0x89: {  	s3 =	sld [smem:$0x3FFE];
	_ =	sdelay $0x1  }
0x8a: {  	s1 =	srdreg.scid  }
0x8b: {  	s0 =	sand.u32 $0x1, s1  }
0x8c: {  	s15 =	sshll.u32 s0, $0xA;
	s2 =	sadd.s32 s3, s2  }
0x8d: {  	s2 =	sadd.s32 s2, s15  }
0x8e: {  	[smem:$0x3FC6] =	sst s2  }
0x8f: {  	_ = 	snop  }
0x90: {  	s2 =	sld [smem:$0x3FD0];
	_ =	sdelay $0x1  }
0x91: {  	s16 =	sld [smem:$0x3FC9]  }
0x92: {  	s5 =	simm.s32 $0xA;
	s6 =	simm.s32 $0x10;
	s4 =	sld [smem:$0x3FC8]  }
0x93: {  	[smem:s6], [sflag:s5] =	dma.local [hbm:s2], $0x1  }
0x94: {  	_ =	swait.eq [sflag:s5], $0x1  }
0x95: {  	[sflag:s5] =	ssyncset.done $0x0  }
0x96: {  	s17 =	sld [smem:$0x10];
	[sflag:s5] =	ssyncadd.s32 $0xFFFFFFFF  }
0x97: {  	s18 =	sld [smem:$0x11];
	(tm) =	ssettm $0x1  }
0x98: {  	s19 =	sld [smem:$0x3FFB];
	_ =	sdelay $0x3  }
0x99: {  	_ =	strace s19  }
0x9a: {  	s6 =	sld [smem:$0x3FFC];
	_ =	sdelay $0x3  }
0x9b: {  	_ =	strace s6  }
0x9c: {  	s6 =	sld [smem:$0x3FFD];
	_ =	sdelay $0x3  }
0x9d: {  	_ =	strace s6  }
0x9e: {  	_ =	strace $0x8FFFFFFF  }
0x9f: {  	s20 =	sld [smem:$0x3FDB];
	_ =	sdelay $0x1  }
0xa0: {  	s7 =	simm.s32 $_scs_section_size  }
0xa1: {  	s8 =	simm.s32 $_size__tile_overlayer_lowered;
	s9 =	simm.s32 $_tile_overlayer_lowered  }
0xa2: {  	s23 =	simm.s32 $0x1BFF;
	s22 =	sshll.u32 s9, $0x1;
	s6 =	sadd.s32 s7, s20  }
0xa3: {  	s10 =	simm.s32 $0x0;
	s21 =	sshll.u32 s8, $0x1;
	s8 =	sadd.s32 s22, s6  }
0xa4: {  	[timem:s10], [sflag:s23] =	dma.local [hbm:s8], s21  }
0xa5: {  	_ =	swait.ge [sflag:s23], s21  }
0xa6: {  	s7 =	ssub.s32 $0x0, s21;
	[sflag:s23] =	ssyncset.done $0x0  }
0xa7: {  	[sflag:s23] =	ssyncadd.s32 s7;
	_ =	sdelay $0x1  }
0xa8: {  	s24 =	simm.s32 $0x1B8B  }
0xa9: {  	_ =	swait.ge [sflag:s24], $0x1  }
0xaa: {  	[sflag:s24] =	ssyncset.done $0x0  }
0xab: {  	s25 =	simm.s32 $0x1B8E;
	[sflag:s24] =	ssyncadd.s32 $0xFFFFFFFF  }
0xac: {  	s26 =	simm.s32 $execute0_lowered;
	[smem:$0x3FD2] =	sst s25  }
0xad: {  	s7 =	sshll.u32 s26, $0x1;
	_ =	strace $0x80000046;
	[dreg:$0x1] =	wrdreg $0xFFFFFFFF  }
0xae: {  	s28 =	simm.s32 $_size_execute0_lowered;
	s6 =	sadd.s32 s6, s7;
	[dreg:$0x0] =	wrdreg $0x0  }
0xaf: {  	s7 =	sshll.u32 s28, $0x1;
	[dreg:$0x2] =	wrdreg s6  }
0xb0: {  	[dreg:$0x3] =	wrdreg s7  }
0xb1: {  	[dreg:$0x4] =	wrdreg $0xC0  }
0xb2: {  	_ =	task [dreg:s10], $0x5FFFF  }
0xb3: {  	[dreg:$0x1] =	wrdreg $0xFFFFFFFF  }
0xb4: {  	[dreg:$0x0] =	wrdreg $0x60  }
0xb5: {  	[dreg:$0x2] =	wrdreg s16  }
0xb6: {  	[dreg:$0x3] =	wrdreg s4  }
0xb7: {  	[dreg:$0x4] =	wrdreg s17  }
0xb8: {  	[dreg:$0x5] =	wrdreg s18  }
0xb9: {  	[dreg:$0x6] =	wrdreg $0x9  }
0xba: {  	_ =	task.clear_ibuf [dreg:s10], $0x7FFFF;
	_ =	strace $0x90000046  }
0xbb: {  	s29 =	simm.s32 $0x9;
	_ =	strace $0x80000048  }
0xbc: {  	_ =	swait.ge [sflag:s29], $0x1  }
0xbd: {  	[sflag:s29] =	ssyncadd.s32 $0xFFFFFFFF  }
0xbe: {  	_ =	strace $0x90000048  }
0xbf: {  	_ =	sfence  }
0xc0: {  	s30 =	sld [smem:$0x0];
	_ =	sdelay $0x2  }
0xc1: {  	s31 =	sshll.u32 s1, $0xD;
	s1 =	sshrl.u32 s1, $0x2  }
0xc2: {  	s3 =	sand.u32 $0x4000, s31;
	s1 =	sadd.s32 s1, s30  }
0xc3: {  	s0 =	sor.u32 s3, s0;
	s1 =	sshll.u32 s1, $0x11  }
0xc4: {  	s0 =	sor.u32 s1, s0  }
0xc5: {  	s0 =	sadd.s32 $0x8F2B, s0  }
0xc6: {  	[sflag:s0] =	ssyncadd.remote.s32 $0x1  }
0xc7: {  	_ =	sfence.sel $0xFFFF  }
0xc8: {  	[dreg:$0x0] =	wrdreg $0xFFFFFFFF;
	(pc) =	sbr.abs _section_cstart, $3  }
0xc9: {  	[dreg:$0x1] =	wrdreg $0xFFFFFFFF  }
0xca: {  	_ =	task.clear_ibuf [dreg:s10], $0x2FFFF;
	_ =	strace $0x9FFFFFFF  }
0xcb: {  	(tm) =	ssettm $0x7FFFFFFF  }
tec
execute0_lowered:
.L_overlay_start_1:
0x0: {  	(tag) =	ssettag $0x1  }
0x1: {  	s1 =	rddreg [dreg:$0x0];
	s0 =	srdreg.scid  }
0x2: {  	s2 =	rddreg [dreg:$0x2];
	s3 =	stileid.u32  }
0x3: {  	s4 =	rddreg [dreg:$0x3];
	s6 =	simm.s32 $0x0;
	s14 =	simm.s32 $0x9  }
0x4: {  	s15 =	simm.s32 $0x400;
	s16 =	simm.s32 $0x8000;
	s17 =	simm.s32 $0x10000  }
0x5: {  	s19 =	simm.s32 $0x1;
	s20 =	simm.s32 $0x15000;
	s21 =	simm.s32 $0x2  }
0x6: {  	s22 =	simm.s32 $0x16400;
	s23 =	simm.s32 $0x13C00;
	s24 =	simm.s32 $0x3  }
0x7: {  	s25 =	simm.s32 $0x17800;
	s26 =	simm.s32 $0x4;
	s0 =	sand.u32 $0x1, s0  }
0x8: {  	s28 =	simm.s32 $0x18C00;
	s3 =	sshll.u32 s3, $0xB;
	s5 =	sshll.u32 s0, $0xA  }
0x9: {  	[smem:$0x7FF] =	sst s6;
	s0 =	ssub.s32 $0x2, s0;
	s5 =	sor.u32 s5, s3  }
0xa: {  	_ =	strace $0x80000047;
	s8 =	sshrl.u32 s0, $0x1;
	s3 =	sshrl.u32 s5, $0x3  }
.Ltmp0:
0xb: {  	s0 =	ssub.s32 s0, s8;
	s7 =	sadd.s32 s1, s3;
	(pc) =	sbr.rel .LBB2_1-.Ltmp0, $4  }
0xc: {  	v0 =	vlaneseq.u32;
	s9 =	sor.u32 $0xA0000, s5;
	s2 =	sadd.s32 s2, s3;
	[dreg:$0x5] =	wrdreg s7  }
0xd: {  	v1 =	vimm.f32 $0.0e+00;
	v2 =	vor.u32 $0x10, v0;
	s10 =	sor.u32 $0xC8000, s5;
	s0 =	smax.u32 s0, $0x1;
	[dreg:$0x6] =	wrdreg s2  }
0xe: {  	v3 =	vor.u32 $0x20, v0;
	v4 =	vor.u32 $0x30, v0;
	v5 =	vor.u32 $0x40, v0;
	s29 =	sadd.s32 $0x5000, s7;
	s2 =	sadd.s32 $0x3E000, s2;
	[dreg:$0x8] =	wrdreg s0  }
0xf: {  	v6 =	vor.u32 $0x50, v0;
	v7 =	vor.u32 $0x60, v0;
	v8 =	vor.u32 $0x70, v0;
	s7 =	simm.s32 $0x11400;
	s0 =	simm.s32 $0x0;
	[dreg:$0x7] =	wrdreg s2  }
.LBB2_37:
0x10: {  	s2 =	rddreg [dreg:$0x7]  }
0x11: {  	[hbm4b:s2+s15] =	stream.strided.scatter [tilespmem:s15], [sflag:$0x9], $0xFC00, s16, s15, $0x38;
	[tilespmem:$0x1A000] =	vst v63  }
0x12: {  	_ =	swait.ge [sflag:s14], $0xFC00  }
0x13: {  	s0 =	sadd.s32 $0x1, s0;
	s31 =	rddreg [dreg:$0x8]  }
0x14: {  	p0 =	sne.s32 s0, s31  }
.Ltmp1:
0x15: {  	_ = 	snop;
	(pc) =	sbr.rel @!p0 .LBB2_38-.Ltmp1, $3  }
0x16: {  	_ =	sdelay $0x1  }
0x17: {  	[sflag:s14] =	ssyncset.done $0x0  }
0x18: {  	[sflag:s14] =	ssyncadd.s32 $0xFFFF0400  }
.LBB2_1:
0x19: {  	s2 =	rddreg [dreg:$0x1]  }
0x1a: {  	[tilespmem:s6], [sflag:$0x9] =	stream.linear.gather [hbm4b:s2+s6], $0x400, $0x38;
	[tilespmem:$0x1A000] =	vst v63  }
0x1b: {  	_ =	swait.ge [sflag:s14], $0x400  }
0x1c: {  	[sflag:s14] =	ssyncset.done $0x0  }
0x1d: {  	s31 =	rddreg [dreg:$0x5];
	[sflag:s14] =	ssyncadd.s32 $0xFFFFFC00  }
0x1e: {  	[tilespmem:s17], [sflag:$0x1] =	stream.strided.gather [hbm4b:s31+s15], $0x1400, s16, s15, $0x38;
	[tilespmem:$0x1A000] =	vst v63  }
0x1f: {  	s2 =	simm.s32 $0x500  }
0x20: {  	[tilespmem:s7], [sflag:$0x2] =	stream.strided.gather [hbm4b:s29+s15], $0x1400, s16, s15, $0x38;
	[tilespmem:$0x1A000] =	vst v63  }
0x21: {  	[tilespmem:s2+$0xFFFFFF00] =	vst v1  }
0x22: {  	[tilespmem:s2+$0xF0] =	vst v1  }
0x23: {  	[tilespmem:s2+$0xE0] =	vst v1  }
0x24: {  	[tilespmem:s2+$0xD0] =	vst v1  }
0x25: {  	[tilespmem:s2+$0xC0] =	vst v1  }
0x26: {  	[tilespmem:s2+$0xB0] =	vst v1  }
0x27: {  	[tilespmem:s2+$0xA0] =	vst v1  }
0x28: {  	[tilespmem:s2+$0x90] =	vst v1  }
0x29: {  	[tilespmem:s2+$0x80] =	vst v1  }
0x2a: {  	[tilespmem:s2+$0x70] =	vst v1  }
0x2b: {  	[tilespmem:s2+$0x60] =	vst v1  }
0x2c: {  	[tilespmem:s2+$0x50] =	vst v1  }
0x2d: {  	[tilespmem:s2+$0x40] =	vst v1  }
0x2e: {  	[tilespmem:s2+$0x30] =	vst v1  }
0x2f: {  	[tilespmem:s2+$0x20] =	vst v1  }
0x30: {  	[tilespmem:s2+$0x10] =	vst v1  }
0x31: {  	[tilespmem:s2+$0x0] =	vst v1  }
0x32: {  	[tilespmem:s2+$0xFFFFFFF0] =	vst v1  }
0x33: {  	[tilespmem:s2+$0xFFFFFFE0] =	vst v1  }
0x34: {  	[tilespmem:s2+$0xFFFFFFD0] =	vst v1  }
0x35: {  	[tilespmem:s2+$0xFFFFFFC0] =	vst v1  }
0x36: {  	[tilespmem:s2+$0xFFFFFFB0] =	vst v1  }
0x37: {  	[tilespmem:s2+$0xFFFFFFA0] =	vst v1  }
0x38: {  	[tilespmem:s2+$0xFFFFFF90] =	vst v1  }
0x39: {  	[tilespmem:s2+$0xFFFFFF80] =	vst v1  }
0x3a: {  	[tilespmem:s2+$0xFFFFFF70] =	vst v1  }
0x3b: {  	[tilespmem:s2+$0xFFFFFF60] =	vst v1  }
0x3c: {  	[tilespmem:s2+$0xFFFFFF50] =	vst v1  }
0x3d: {  	[tilespmem:s2+$0xFFFFFF40] =	vst v1  }
0x3e: {  	[tilespmem:s2+$0xFFFFFF30] =	vst v1  }
0x3f: {  	s3 =	simm.s32 $0x0;
	[tilespmem:s2+$0xFFFFFF20] =	vst v1  }
.LBB2_2:
0x40: {  	s3 =	sadd.s32 $0x4, s3;
	[tilespmem:s2+$0xFFFFFF10] =	vst v1;
	s2 =	sadd.s32 $0x200, s2  }
0x41: {  	[tilespmem:s2+$0xFFFFFF00] =	vst v1;
	p0 =	slt.u32 s3, $0x1F4  }
0x42: {  	[tilespmem:s2+$0xF0] =	vst v1  }
0x43: {  	[tilespmem:s2+$0xE0] =	vst v1  }
0x44: {  	[tilespmem:s2+$0xD0] =	vst v1  }
0x45: {  	[tilespmem:s2+$0xC0] =	vst v1  }
0x46: {  	[tilespmem:s2+$0xB0] =	vst v1  }
0x47: {  	[tilespmem:s2+$0xA0] =	vst v1  }
0x48: {  	[tilespmem:s2+$0x90] =	vst v1  }
0x49: {  	[tilespmem:s2+$0x80] =	vst v1  }
0x4a: {  	[tilespmem:s2+$0x70] =	vst v1  }
0x4b: {  	[tilespmem:s2+$0x60] =	vst v1  }
0x4c: {  	[tilespmem:s2+$0x50] =	vst v1  }
0x4d: {  	[tilespmem:s2+$0x40] =	vst v1  }
0x4e: {  	[tilespmem:s2+$0x30] =	vst v1  }
0x4f: {  	[tilespmem:s2+$0x20] =	vst v1  }
0x50: {  	[tilespmem:s2+$0x10] =	vst v1  }
0x51: {  	[tilespmem:s2+$0x0] =	vst v1  }
0x52: {  	[tilespmem:s2+$0xFFFFFFF0] =	vst v1  }
0x53: {  	[tilespmem:s2+$0xFFFFFFE0] =	vst v1  }
0x54: {  	[tilespmem:s2+$0xFFFFFFD0] =	vst v1  }
0x55: {  	[tilespmem:s2+$0xFFFFFFC0] =	vst v1  }
0x56: {  	[tilespmem:s2+$0xFFFFFFB0] =	vst v1  }
0x57: {  	[tilespmem:s2+$0xFFFFFFA0] =	vst v1  }
0x58: {  	[tilespmem:s2+$0xFFFFFF90] =	vst v1  }
0x59: {  	[tilespmem:s2+$0xFFFFFF80] =	vst v1  }
0x5a: {  	[tilespmem:s2+$0xFFFFFF70] =	vst v1  }
.Ltmp2:
0x5b: {  	[tilespmem:s2+$0xFFFFFF60] =	vst v1;
	(pc) =	sbr.rel @p0 .LBB2_2-.Ltmp2, $4  }
0x5c: {  	[tilespmem:s2+$0xFFFFFF50] =	vst v1  }
0x5d: {  	[tilespmem:s2+$0xFFFFFF40] =	vst v1  }
0x5e: {  	[tilespmem:s2+$0xFFFFFF30] =	vst v1  }
0x5f: {  	[tilespmem:s2+$0xFFFFFF20] =	vst v1  }
.Ltmp3:
0x60: {  	(pc) =	sbr.rel .LBB2_4-.Ltmp3, $2  }
0x61: {  	_ =	sdelay $0x2  }
0x62: {  	[tilespmem:s2+$0xFFFFFF10] =	vst v1;
	s7 =	smov.u32 s29;
	s2 =	simm.s32 $0x0  }
.LBB2_18:
0x63: {  	s2 =	sadd.s32 $0x1, s2  }
0x64: {  	p0 =	sne.s32 s2, $0x7  }
.Ltmp4:
0x65: {  	_ = 	snop;
	(pc) =	sbr.rel @!p0 .LBB2_19-.Ltmp4, $1  }
0x66: {  	_ =	sdelay $0x3  }
.LBB2_4:
0x67: {  	_ =	swait.ge [sflag:s19], $0x1400  }
0x68: {  	p0 =	seq.s32 s2, $0x0;
	[sflag:s19] =	ssyncset.done $0x0  }
0x69: {  	s3 =	simm.s32 @!p0 $0x5;
	[sflag:s19] =	ssyncadd.s32 $0xFFFFEC00  }
0x6a: {  	_ =	swait.ge @!p0 [sflag:s3], $0x1400  }
0x6b: {  	[sflag:s3] =	ssyncset.done @!p0 $0x0  }
0x6c: {  	s31 =	simm.s32 $0x10080;
	[sflag:s3] =	ssyncadd.s32 @!p0 $0xFFFFEC00  }
0x6d: {  	v9 =	vld [tilespmem:s31+$0x0];
	_ =	sdelay $0x2  }
0x6e: {  	v10 =	vld [tilespmem:s31+$0xFFFFFF80];
	_ =	sdelay $0x3  }
0x6f: {  	v11 =	vld [tilespmem:s31+$0x10];
	v12 =	vshll.u32 v9, $0x7  }
0x70: {  	vm0 =	vlt.s32 v9, $0x1F8;
	v13 =	vld.idx.msk [tilespmem:v9+s6+$0x0], $0xffff;
	v9 =	vor.u32 v0, v12  }
0x71: {  	v9 =	vsel vm0, v9, v0  }
0x72: {  	v14 =	vshll.u32 v10, $0x7;
	v12 =	vld [tilespmem:s31+$0xFFFFFF90]  }
0x73: {  	vm1 =	vlt.s32 v10, $0x1F8;
	v14 =	vor.u32 v0, v14;
	v10 =	vld.idx.msk [tilespmem:v10+s6+$0x0], $0xffff  }
0x74: {  	s11 =	simm.s32 $0x15080;
	v15 =	vld [tilespmem:s31+$0x20];
	v14 =	vsel vm1, v14, v0  }
0x75: {  	v17 =	vld [tilespmem:s31+$0xFFFFFFD0];
	[tilespmem:s11+$0x0] =	vst v13;
	v13 =	vnsel vm0, $0x0, v13  }
0x76: {  	[tilespmem:v9+s15+$0x0] =	vst.idx.add.f32.msk $0xffff, v13;
	v9 =	vshll.u32 v11, $0x7  }
0x77: {  	s13 =	simm.s32 $0x10180;
	vm0 =	vlt.s32 v11, $0x1F8;
	v13 =	vld.idx.msk [tilespmem:v11+s6+$0x0], $0xffff;
	v9 =	vor.u32 v2, v9  }
0x78: {  	v19 =	vld [tilespmem:s13+$0xFFFFFF80];
	v16 =	vnsel vm1, $0x0, v10;
	v9 =	vsel vm0, v9, v2  }
0x79: {  	[tilespmem:v14+s15+$0x0] =	vst.idx.add.f32.msk $0xffff, v16  }
0x7a: {  	[tilespmem:s11+$0xFFFFFF80] =	vst v10;
	v10 =	vshll.u32 v12, $0x7;
	v11 =	vld [tilespmem:s31+$0xFFFFFFA0]  }
0x7b: {  	vm1 =	vlt.s32 v12, $0x1F8;
	v10 =	vor.u32 v2, v10;
	v12 =	vld.idx.msk [tilespmem:v12+s6+$0x0], $0xffff  }
0x7c: {  	v14 =	vld [tilespmem:s31+$0x30];
	v10 =	vsel vm1, v10, v2;
	[tilespmem:s11+$0x10] =	vst v13;
	v13 =	vnsel vm0, $0x0, v13  }
0x7d: {  	[tilespmem:v9+s15+$0x0] =	vst.idx.add.f32.msk $0xffff, v13;
	v9 =	vshll.u32 v15, $0x7  }
0x7e: {  	vm0 =	vlt.s32 v15, $0x1F8;
	v13 =	vld.idx.msk [tilespmem:v15+s6+$0x0], $0xffff;
	v9 =	vor.u32 v3, v9  }
0x7f: {  	v20 =	vld [tilespmem:s13+$0xFFFFFFA0];
	v9 =	vsel vm0, v9, v3  }
0x80: {  	[tilespmem:s11+$0xFFFFFF90] =	vst v12;
	v12 =	vnsel vm1, $0x0, v12;
	v15 =	vld [tilespmem:s31+$0xFFFFFFB0]  }
0x81: {  	v16 =	vshll.u32 v11, $0x7;
	[tilespmem:v10+s15+$0x0] =	vst.idx.add.f32.msk $0xffff, v12  }
0x82: {  	vm1 =	vlt.s32 v11, $0x1F8;
	v10 =	vor.u32 v3, v16;
	v11 =	vld.idx.msk [tilespmem:v11+s6+$0x0], $0xffff  }
0x83: {  	v16 =	vld [tilespmem:s31+$0x40];
	v10 =	vsel vm1, v10, v3;
	[tilespmem:s11+$0x20] =	vst v13;
	v13 =	vnsel vm0, $0x0, v13  }
0x84: {  	[tilespmem:v9+s15+$0x0] =	vst.idx.add.f32.msk $0xffff, v13;
	v9 =	vshll.u32 v14, $0x7  }
0x85: {  	vm0 =	vlt.s32 v14, $0x1F8;
	v13 =	vld.idx.msk [tilespmem:v14+s6+$0x0], $0xffff;
	v9 =	vor.u32 v4, v9  }
0x86: {  	v21 =	vld [tilespmem:s31+$0x70];
	v9 =	vsel vm0, v9, v4  }
0x87: {  	v22 =	vld [tilespmem:s13+$0x10];
	[tilespmem:s11+$0xFFFFFFA0] =	vst v11;
	v11 =	vnsel vm1, $0x0, v11  }
0x88: {  	v14 =	vshll.u32 v15, $0x7;
	[tilespmem:v10+s15+$0x0] =	vst.idx.add.f32.msk $0xffff, v11  }
0x89: {  	vm1 =	vlt.s32 v15, $0x1F8;
	v10 =	vor.u32 v4, v14;
	v11 =	vld.idx.msk [tilespmem:v15+s6+$0x0], $0xffff  }
0x8a: {  	v15 =	vld [tilespmem:s31+$0x50];
	v10 =	vsel vm1, v10, v4;
	[tilespmem:s11+$0x30] =	vst v13;
	v13 =	vnsel vm0, $0x0, v13  }
0x8b: {  	[tilespmem:v9+s15+$0x0] =	vst.idx.add.f32.msk $0xffff, v13;
	v9 =	vshll.u32 v16, $0x7  }
0x8c: {  	vm0 =	vlt.s32 v16, $0x1F8;
	v18 =	vld.idx.msk [tilespmem:v16+s6+$0x0], $0xffff;
	v9 =	vor.u32 v5, v9  }
0x8d: {  	v25 =	vld [tilespmem:s13+$0xFFFFFFB0];
	v9 =	vsel vm0, v9, v5  }
0x8e: {  	v26 =	vld [tilespmem:s13+$0x20];
	[tilespmem:s11+$0xFFFFFFB0] =	vst v11;
	v11 =	vnsel vm1, $0x0, v11  }
0x8f: {  	[tilespmem:v10+s15+$0x0] =	vst.idx.add.f32.msk $0xffff, v11  }
0x90: {  	v16 =	vld [tilespmem:s13+$0x0]  }
0x91: {  	v11 =	vld [tilespmem:s31+$0x60];
	[tilespmem:s11+$0x40] =	vst v18;
	v18 =	vnsel vm0, $0x0, v18  }
0x92: {  	[tilespmem:v9+s15+$0x0] =	vst.idx.add.f32.msk $0xffff, v18;
	v18 =	vshll.u32 v15, $0x7  }
0x93: {  	vm0 =	vlt.s32 v15, $0x1F8;
	v9 =	vld.idx.msk [tilespmem:v15+s6+$0x0], $0xffff;
	v15 =	vor.u32 v6, v18  }
0x94: {  	v60 =	vld [tilespmem:s13+$0x40];
	v15 =	vsel vm0, v15, v6  }
0x95: {  	v12 =	vld [tilespmem:s31+$0xFFFFFFC0]  }
0x96: {  	v56 =	vld.idx.msk [tilespmem:v19+s6+$0x0], $0xffff  }
0x97: {  	v14 =	vld [tilespmem:s31+$0xFFFFFFE0];
	v24 =	vshll.u32 v16, $0x7  }
0x98: {  	v23 =	vld.idx.msk [tilespmem:v16+s6+$0x0], $0xffff;
	[tilespmem:s11+$0x50] =	vst v9;
	v9 =	vnsel vm0, $0x0, v9;
	vm0 =	vlt.s32 v16, $0x1F8;
	v16 =	vor.u32 v0, v24  }
0x99: {  	[tilespmem:v15+s15+$0x0] =	vst.idx.add.f32.msk $0xffff, v9;
	v9 =	vsel vm0, v16, v0;
	v16 =	vshll.u32 v11, $0x7  }
0x9a: {  	vm1 =	vlt.s32 v11, $0x1F8;
	v15 =	vld.idx.msk [tilespmem:v11+s6+$0x0], $0xffff;
	v11 =	vor.u32 v7, v16  }
0x9b: {  	v13 =	vld [tilespmem:s31+$0xFFFFFFF0];
	v16 =	vshll.u32 v19, $0x7;
	v11 =	vsel vm1, v11, v7  }
0x9c: {  	s29 =	simm.s32 $0x15180;
	vm2 =	vlt.s32 v19, $0x1F8;
	v18 =	vld [tilespmem:s13+$0xFFFFFF90];
	v16 =	vor.u32 v0, v16  }
0x9d: {  	v10 =	vld.idx.msk [tilespmem:v12+s6+$0x0], $0xffff;
	[tilespmem:s29+$0x0] =	vst v23;
	v23 =	vnsel vm0, $0x0, v23;
	v16 =	vsel vm2, v16, v0  }
0x9e: {  	v27 =	vshll.u32 v12, $0x7;
	[tilespmem:v9+s15+$0x0] =	vst.idx.add.f32.msk $0xffff, v23  }
0x9f: {  	vm0 =	vlt.s32 v12, $0x1F8;
	v9 =	vor.u32 v5, v27;
	v12 =	vld.idx.msk [tilespmem:v22+s6+$0x0], $0xffff;
	[tilespmem:s11+$0x60] =	vst v15;
	v15 =	vnsel vm1, $0x0, v15  }
0xa0: {  	v57 =	vshll.u32 v22, $0x7;
	v23 =	vsel vm0, v9, v5;
	v9 =	vnsel vm2, $0x0, v56;
	[tilespmem:v11+s15+$0x0] =	vst.idx.add.f32.msk $0xffff, v15  }
0xa1: {  	vm1 =	vlt.s32 v22, $0x1F8;
	v11 =	vor.u32 v2, v57;
	v15 =	vshll.u32 v21, $0x7;
	v22 =	vld.idx.msk [tilespmem:v21+s6+$0x0], $0xffff  }
0xa2: {  	vm2 =	vlt.s32 v21, $0x1F8;
	[tilespmem:v16+s15+$0x0] =	vst.idx.add.f32.msk $0xffff, v9;
	v11 =	vsel vm1, v11, v2;
	v9 =	vor.u32 v8, v15  }
0xa3: {  	[tilespmem:s29+$0xFFFFFF80] =	vst v56;
	v19 =	vld [tilespmem:s13+$0xFFFFFFC0];
	v15 =	vshll.u32 v18, $0x7;
	v21 =	vsel vm2, v9, v8  }
0xa4: {  	v58 =	vnsel vm0, $0x0, v10;
	vm0 =	vlt.s32 v18, $0x1F8;
	v16 =	vld.idx.msk [tilespmem:v18+s6+$0x0], $0xffff;
	v15 =	vor.u32 v2, v15  }
0xa5: {  	[tilespmem:s11+$0xFFFFFFC0] =	vst v10;
	v9 =	vld [tilespmem:s13+$0xFFFFFFD0];
	v15 =	vsel vm0, v15, v2  }
0xa6: {  	v18 =	vld [tilespmem:s13+$0x30];
	[tilespmem:s29+$0x10] =	vst v12;
	v12 =	vnsel vm1, $0x0, v12  }
0xa7: {  	[tilespmem:v11+s15+$0x0] =	vst.idx.add.f32.msk $0xffff, v12;
	v11 =	vnsel vm2, $0x0, v22  }
0xa8: {  	[tilespmem:v21+s15+$0x0] =	vst.idx.add.f32.msk $0xffff, v11  }
0xa9: {  	[tilespmem:s29+$0xFFFFFF90] =	vst v16;
	v11 =	vnsel vm0, $0x0, v16;
	v12 =	vld.idx.msk [tilespmem:v26+s6+$0x0], $0xffff;
	v16 =	vshll.u32 v26, $0x7  }
0xaa: {  	vm1 =	vlt.s32 v26, $0x1F8;
	[tilespmem:v15+s15+$0x0] =	vst.idx.add.f32.msk $0xffff, v11;
	v11 =	vor.u32 v3, v16  }
0xab: {  	v10 =	vshll.u32 v20, $0x7;
	[tilespmem:v23+s15+$0x0] =	vst.idx.add.f32.msk $0xffff, v58;
	v21 =	vsel vm1, v11, v3  }
0xac: {  	v10 =	vor.u32 v3, v10;
	vm2 =	vlt.s32 v20, $0x1F8;
	v16 =	vld.idx.msk [tilespmem:v20+s6+$0x0], $0xffff  }
0xad: {  	v23 =	vsel vm2, v10, v3;
	v10 =	vld [tilespmem:s13+$0xFFFFFFF0];
	v15 =	vshll.u32 v17, $0x7  }
0xae: {  	vm3 =	vlt.s32 v17, $0x1F8;
	vm5 =	vlt.s32 v25, $0x1F8;
	v15 =	vor.u32 v6, v15;
	v20 =	vld.idx.msk [tilespmem:v17+s6+$0x0], $0xffff  }
0xaf: {  	vm4 =	vlt.s32 v14, $0x1F8;
	v11 =	vld [tilespmem:s13+$0xFFFFFFE0];
	v15 =	vsel vm3, v15, v6;
	[tilespmem:s29+$0x20] =	vst v12;
	v12 =	vnsel vm1, $0x0, v12  }
0xb0: {  	v59 =	vshll.u32 v13, $0x7;
	v17 =	vshll.u32 v14, $0x7;
	[tilespmem:v21+s15+$0x0] =	vst.idx.add.f32.msk $0xffff, v12;
	v12 =	vshll.u32 v18, $0x7  }
0xb1: {  	vm1 =	vlt.s32 v18, $0x1F8;
	[tilespmem:s29+$0xFFFFFFA0] =	vst v16;
	v16 =	vnsel vm2, $0x0, v16;
	v21 =	vld.idx.msk [tilespmem:v18+s6+$0x0], $0xffff;
	v12 =	vor.u32 v4, v12  }
0xb2: {  	vm2 =	vmmov vm3;
	v18 =	vshll.u32 v25, $0x7;
	[tilespmem:v23+s15+$0x0] =	vst.idx.add.f32.msk $0xffff, v16;
	v23 =	vsel vm1, v12, v4  }
0xb3: {  	v17 =	vor.u32 v7, v17;
	[tilespmem:s11+$0xFFFFFFD0] =	vst v20;
	v16 =	vor.u32 v4, v18;
	v18 =	vnsel vm2, $0x0, v20;
	v62 =	vld.idx.msk [tilespmem:v25+s6+$0x0], $0xffff  }
0xb4: {  	vm0 =	vlt.s32 v13, $0x1F8;
	v61 =	vsel vm4, v17, v7;
	v63 =	vsel vm5, v16, v4;
	[tilespmem:v15+s15+$0x0] =	vst.idx.add.f32.msk $0xffff, v18  }
0xb5: {  	v17 =	vor.u32 v8, v59;
	vm3 =	vlt.s32 v19, $0x1F8;
	v15 =	vshll.u32 v19, $0x7;
	v14 =	vld.idx.msk [tilespmem:v14+s6+$0x0], $0xffff  }
0xb6: {  	v12 =	vsel vm0, v17, v8;
	v17 =	vld [tilespmem:s13+$0x50];
	v15 =	vor.u32 v5, v15;
	[tilespmem:s29+$0x30] =	vst v21;
	v20 =	vnsel vm1, $0x0, v21  }
0xb7: {  	v18 =	vshll.u32 v9, $0x7;
	v16 =	vsel vm3, v15, v5;
	[tilespmem:v23+s15+$0x0] =	vst.idx.add.f32.msk $0xffff, v20  }
0xb8: {  	v15 =	vor.u32 v6, v18;
	v18 =	vshll.u32 v11, $0x7;
	[tilespmem:s29+$0xFFFFFFB0] =	vst v62;
	v21 =	vnsel vm5, $0x0, v62;
	v20 =	vld.idx.msk [tilespmem:v60+s6+$0x0], $0xffff  }
0xb9: {  	vm6 =	vlt.s32 v11, $0x1F8;
	vm2 =	vmmov vm4;
	v18 =	vor.u32 v7, v18;
	[tilespmem:v63+s15+$0x0] =	vst.idx.add.f32.msk $0xffff, v21  }
0xba: {  	v21 =	vld.idx.msk [tilespmem:v19+s6+$0x0], $0xffff;
	[tilespmem:s11+$0xFFFFFFE0] =	vst v14;
	v19 =	vnsel vm2, $0x0, v14;
	v14 =	vsel vm6, v18, v7;
	v18 =	vshll.u32 v60, $0x7  }
0xbb: {  	vm5 =	vlt.s32 v60, $0x1F8;
	[tilespmem:v61+s15+$0x0] =	vst.idx.add.f32.msk $0xffff, v19;
	v19 =	vor.u32 v5, v18  }
0xbc: {  	[tilespmem:s11+$0x70] =	vst v22;
	v22 =	vsel vm5, v19, v5  }
0xbd: {  	vm0 =	vmmov vm0;
	vm1 =	vlt.s32 v9, $0x1F8;
	v23 =	vshll.u32 v10, $0x7  }
0xbe: {  	vm4 =	vlt.s32 v10, $0x1F8;
	v15 =	vsel vm1, v15, v6;
	v23 =	vor.u32 v8, v23;
	v18 =	vld.idx.msk [tilespmem:v13+s6+$0x0], $0xffff  }
0xbf: {  	s12 =	sshll.u32 s2, $0x2;
	s18 =	simm.s32 $0x2;
	s3 =	simm.s32 $0x10280;
	vm2 =	vmmov vm1;
	vm1 =	vmmov vm6;
	v13 =	vsel vm4, v23, v8;
	v19 =	vld [tilespmem:s13+$0x60]  }
.LBB2_5:
0xc0: {  	v23 =	vld [tilespmem:s3+$0x0];
	[tilespmem:s29+$0x40] =	vst v20;
	v20 =	vnsel vm5, $0x0, v20  }
0xc1: {  	[tilespmem:v22+s15+$0x0] =	vst.idx.add.f32.msk $0xffff, v20  }
0xc2: {  	s18 =	sadd.s32 $0x2, s18;
	v20 =	vnsel vm3, $0x0, v21;
	v22 =	vshll.u32 v17, $0x7;
	[tilespmem:s29+$0xFFFFFFC0] =	vst v21;
	v21 =	vld.idx.msk [tilespmem:v17+s6+$0x0], $0xffff  }
0xc3: {  	p1 =	slt.u32 s18, $0x26;
	vm3 =	vlt.s32 v17, $0x1F8;
	v17 =	vor.u32 v6, v22;
	v24 =	vld [tilespmem:s3+$0xFFFFFF80]  }
0xc4: {  	v25 =	vsel vm3, v17, v6;
	v17 =	vnsel vm0, $0x0, v18;
	vm0 =	vmmov vm4;
	v22 =	vld [tilespmem:s3+$0xFFFFFF90];
	[tilespmem:s11+$0xFFFFFFF0] =	vst v18;
	s11 =	smov.u32 s29  }
0xc5: {  	v26 =	vld [tilespmem:s3+$0xFFFFFFA0]  }
0xc6: {  	v27 =	vld [tilespmem:s13+$0x70];
	s13 =	smov.u32 s3  }
0xc7: {  	v28 =	vld [tilespmem:s3+$0x10]  }
0xc8: {  	v30 =	vshll.u32 v23, $0x7;
	v18 =	vshll.u32 v24, $0x7;
	v29 =	vld.idx.msk [tilespmem:v23+s6+$0x0], $0xffff;
	[tilespmem:s29+$0x50] =	vst v21;
	v21 =	vnsel vm3, $0x0, v21  }
0xc9: {  	vm5 =	vlt.s32 v23, $0x1F8;
	v23 =	vor.u32 v0, v30;
	v18 =	vor.u32 v0, v18;
	[tilespmem:v25+s15+$0x0] =	vst.idx.add.f32.msk $0xffff, v21  }
0xca: {  	vm3 =	vlt.s32 v24, $0x1F8;
	v21 =	vsel vm5, v23, v0;
	v25 =	vshll.u32 v19, $0x7;
	v23 =	vld.idx.msk [tilespmem:v19+s6+$0x0], $0xffff  }
0xcb: {  	vm7 =	vlt.s32 v19, $0x1F8;
	v30 =	vsel vm3, v18, v0;
	v18 =	vor.u32 v7, v25;
	v24 =	vld.idx.msk [tilespmem:v24+s6+$0x0], $0xffff  }
0xcc: {  	vm6 =	vlt.s32 v22, $0x1F8;
	v19 =	vshll.u32 v22, $0x7;
	v31 =	vsel vm7, v18, v7;
	v25 =	vld [tilespmem:s3+$0xFFFFFFB0]  }
0xcd: {  	s29 =	sadd.s32 $0x100, s29;
	vm4 =	vlt.s32 v26, $0x1F8;
	v32 =	vshll.u32 v26, $0x7;
	v19 =	vor.u32 v2, v19;
	v18 =	vld [tilespmem:s3+$0xFFFFFFC0]  }
0xce: {  	v32 =	vor.u32 v3, v32;
	v19 =	vsel vm6, v19, v2;
	[tilespmem:s29+$0x0] =	vst v29;
	v29 =	vnsel vm5, $0x0, v29;
	v33 =	vld [tilespmem:s3+$0x20]  }
0xcf: {  	v32 =	vsel vm4, v32, v3;
	[tilespmem:v21+s15+$0x0] =	vst.idx.add.f32.msk $0xffff, v29  }
0xd0: {  	v21 =	vld.idx.msk [tilespmem:v28+s6+$0x0], $0xffff;
	[tilespmem:s11+$0x60] =	vst v23;
	v23 =	vnsel vm7, $0x0, v23  }
0xd1: {  	v35 =	vshll.u32 v28, $0x7;
	v29 =	vnsel vm3, $0x0, v24;
	v34 =	vshll.u32 v25, $0x7;
	[tilespmem:v31+s15+$0x0] =	vst.idx.add.f32.msk $0xffff, v23  }
0xd2: {  	vm7 =	vlt.s32 v28, $0x1F8;
	v28 =	vshll.u32 v27, $0x7;
	v23 =	vor.u32 v2, v35;
	[tilespmem:s29+$0xFFFFFF80] =	vst v24;
	v24 =	vld.idx.msk [tilespmem:v27+s6+$0x0], $0xffff  }
0xd3: {  	vm8 =	vlt.s32 v27, $0x1F8;
	v23 =	vsel vm7, v23, v2;
	v27 =	vor.u32 v8, v28;
	[tilespmem:v30+s15+$0x0] =	vst.idx.add.f32.msk $0xffff, v29  }
0xd4: {  	vm5 =	vlt.s32 v25, $0x1F8;
	v28 =	vor.u32 v4, v34;
	v27 =	vsel vm8, v27, v8;
	v22 =	vld.idx.msk [tilespmem:v22+s6+$0x0], $0xffff  }
0xd5: {  	vm3 =	vlt.s32 v18, $0x1F8;
	v28 =	vsel vm5, v28, v4;
	v29 =	vshll.u32 v18, $0x7;
	v30 =	vld [tilespmem:s3+$0xFFFFFFD0]  }
0xd6: {  	v29 =	vor.u32 v5, v29;
	[tilespmem:v16+s15+$0x0] =	vst.idx.add.f32.msk $0xffff, v20  }
0xd7: {  	v16 =	vsel vm3, v29, v5;
	v20 =	vnsel vm7, $0x0, v21;
	[tilespmem:s29+$0x10] =	vst v21;
	v21 =	vld [tilespmem:s3+$0x30]  }
0xd8: {  	[tilespmem:v23+s15+$0x0] =	vst.idx.add.f32.msk $0xffff, v20;
	v20 =	vnsel vm8, $0x0, v24  }
0xd9: {  	[tilespmem:v27+s15+$0x0] =	vst.idx.add.f32.msk $0xffff, v20  }
0xda: {  	v20 =	vnsel vm6, $0x0, v22;
	v27 =	vshll.u32 v33, $0x7;
	[tilespmem:s29+$0xFFFFFF90] =	vst v22;
	v22 =	vshll.u32 v30, $0x7;
	v23 =	vld.idx.msk [tilespmem:v33+s6+$0x0], $0xffff  }
0xdb: {  	vm7 =	vlt.s32 v33, $0x1F8;
	[tilespmem:v19+s15+$0x0] =	vst.idx.add.f32.msk $0xffff, v20;
	v19 =	vor.u32 v6, v22;
	v20 =	vor.u32 v3, v27  }
0xdc: {  	vm6 =	vlt.s32 v30, $0x1F8;
	v22 =	vld.idx.msk [tilespmem:v26+s6+$0x0], $0xffff;
	v20 =	vsel vm7, v20, v3;
	[tilespmem:s11+$0x70] =	vst v24  }
0xdd: {  	v19 =	vsel vm6, v19, v6;
	v24 =	vld.idx.msk [tilespmem:v9+s6+$0x0], $0xffff;
	v9 =	vmov v30  }
0xde: {  	v26 =	vld [tilespmem:s3+$0xFFFFFFE0]  }
0xdf: {  	v27 =	vld [tilespmem:s3+$0xFFFFFFF0]  }
0xe0: {  	[tilespmem:s29+$0x20] =	vst v23;
	v23 =	vnsel vm7, $0x0, v23;
	v29 =	vld [tilespmem:s3+$0x40]  }
0xe1: {  	[tilespmem:v20+s15+$0x0] =	vst.idx.add.f32.msk $0xffff, v23  }
0xe2: {  	v20 =	vnsel vm4, $0x0, v22;
	v23 =	vshll.u32 v21, $0x7;
	[tilespmem:s29+$0xFFFFFFA0] =	vst v22;
	v22 =	vld.idx.msk [tilespmem:v21+s6+$0x0], $0xffff  }
0xe3: {  	vm8 =	vlt.s32 v21, $0x1F8;
	v21 =	vnsel vm2, $0x0, v24;
	[tilespmem:v32+s15+$0x0] =	vst.idx.add.f32.msk $0xffff, v20;
	v20 =	vor.u32 v4, v23  }
0xe4: {  	vm7 =	vlt.s32 v26, $0x1F8;
	v23 =	vld.idx.msk [tilespmem:v25+s6+$0x0], $0xffff;
	v25 =	vshll.u32 v26, $0x7;
	v20 =	vsel vm8, v20, v4;
	[tilespmem:s11+$0xFFFFFFD0] =	vst v24  }
0xe5: {  	vm4 =	vlt.s32 v27, $0x1F8;
	v24 =	vor.u32 v7, v25;
	v25 =	vshll.u32 v27, $0x7;
	[tilespmem:v15+s15+$0x0] =	vst.idx.add.f32.msk $0xffff, v21;
	v15 =	vmovc v19  }
0xe6: {  	vm2 =	vmmov vm6;
	v19 =	vsel vm7, v24, v7;
	v21 =	vor.u32 v8, v25;
	v24 =	vld.idx.msk [tilespmem:v11+s6+$0x0], $0xffff;
	v11 =	vmovc v26  }
0xe7: {  	[tilespmem:v12+s15+$0x0] =	vst.idx.add.f32.msk $0xffff, v17;
	v12 =	vmov v13;
	v13 =	vsel vm4, v21, v8  }
0xe8: {  	v21 =	vnsel vm8, $0x0, v22;
	[tilespmem:s29+$0x30] =	vst v22;
	v17 =	vld [tilespmem:s3+$0x50]  }
0xe9: {  	[tilespmem:v20+s15+$0x0] =	vst.idx.add.f32.msk $0xffff, v21  }
0xea: {  	v22 =	vshll.u32 v29, $0x7;
	v21 =	vnsel vm5, $0x0, v23;
	[tilespmem:s29+$0xFFFFFFB0] =	vst v23;
	v20 =	vld.idx.msk [tilespmem:v29+s6+$0x0], $0xffff  }
.Ltmp5:
0xeb: {  	vm5 =	vlt.s32 v29, $0x1F8;
	v22 =	vor.u32 v5, v22;
	[tilespmem:v28+s15+$0x0] =	vst.idx.add.f32.msk $0xffff, v21;
	(pc) =	sbr.rel @p1 .LBB2_5-.Ltmp5, $4  }
0xec: {  	v22 =	vsel vm5, v22, v5;
	v21 =	vld.idx.msk [tilespmem:v18+s6+$0x0], $0xffff;
	[tilespmem:s11+$0xFFFFFFE0] =	vst v24;
	v18 =	vnsel vm1, $0x0, v24;
	vm1 =	vmmov vm7  }
0xed: {  	[tilespmem:v14+s15+$0x0] =	vst.idx.add.f32.msk $0xffff, v18;
	v14 =	vmov v19  }
0xee: {  	v18 =	vld.idx.msk [tilespmem:v10+s6+$0x0], $0xffff;
	v10 =	vmov v27  }
0xef: {  	s3 =	sadd.s32 $0x100, s3;
	v19 =	vld [tilespmem:s13+$0x60]  }
0xf0: {  	_ =	sdelay $0x2  }
0xf1: {  	[tilespmem:s29+$0x40] =	vst v20;
	v55 =	vnsel vm5, $0x0, v20  }
0xf2: {  	v56 =	vshll.u32 v17, $0x7;
	[tilespmem:v22+s15+$0x0] =	vst.idx.add.f32.msk $0xffff, v55  }
0xf3: {  	vm12 =	vlt.s32 v17, $0x1F8;
	v57 =	vor.u32 v6, v56;
	[tilespmem:s29+$0xFFFFFFC0] =	vst v21;
	v58 =	vnsel vm3, $0x0, v21;
	v22 =	vld.idx.msk [tilespmem:v17+s6+$0x0], $0xffff  }
0xf4: {  	v17 =	vsel vm12, v57, v6;
	[tilespmem:v16+s15+$0x0] =	vst.idx.add.f32.msk $0xffff, v58  }
0xf5: {  	v9 =	vld.idx.msk [tilespmem:v9+s6+$0x0], $0xffff;
	_ =	sdelay $0x2  }
0xf6: {  	v59 =	vld [tilespmem:s13+$0x70];
	[tilespmem:s29+$0x50] =	vst v22;
	v60 =	vnsel vm12, $0x0, v22  }
0xf7: {  	v61 =	vshll.u32 v19, $0x7;
	[tilespmem:v17+s15+$0x0] =	vst.idx.add.f32.msk $0xffff, v60  }
0xf8: {  	vm13 =	vlt.s32 v19, $0x1F8;
	v17 =	vor.u32 v7, v61;
	v62 =	vnsel vm2, $0x0, v9;
	[tilespmem:s29+$0xFFFFFFD0] =	vst v9;
	v20 =	vld.idx.msk [tilespmem:v19+s6+$0x0], $0xffff  }
0xf9: {  	v17 =	vsel vm13, v17, v7;
	[tilespmem:v15+s15+$0x0] =	vst.idx.add.f32.msk $0xffff, v62  }
0xfa: {  	v9 =	vld.idx.msk [tilespmem:v11+s6+$0x0], $0xffff;
	_ =	sdelay $0x2  }
0xfb: {  	[tilespmem:s29+$0x60] =	vst v20;
	v11 =	vnsel vm13, $0x0, v20  }
0xfc: {  	[tilespmem:v17+s15+$0x0] =	vst.idx.add.f32.msk $0xffff, v11;
	v11 =	vshll.u32 v59, $0x7  }
0xfd: {  	vm14 =	vlt.s32 v59, $0x1F8;
	[tilespmem:s29+$0xFFFFFFE0] =	vst v9;
	v9 =	vnsel vm1, $0x0, v9;
	v63 =	vld.idx.msk [tilespmem:v59+s6+$0x0], $0xffff;
	v11 =	vor.u32 v8, v11  }
0xfe: {  	[tilespmem:v14+s15+$0x0] =	vst.idx.add.f32.msk $0xffff, v9;
	v11 =	vsel vm14, v11, v8  }
0xff: {  	v9 =	vld.idx.msk [tilespmem:v10+s6+$0x0], $0xffff;
	_ =	sdelay $0x1  }
0x100: {  	[tilespmem:s11+$0xFFFFFFF0] =	vst v18  }
0x101: {  	s18 =	smul.u32 $0xA0000, s2;
	v10 =	vnsel vm14, $0x0, v63;
	[tilespmem:s29+$0x70] =	vst v63  }
0x102: {  	[tilespmem:v11+s15+$0x0] =	vst.idx.add.f32.msk $0xffff, v10  }
0x103: {  	vm15 =	vmmov vm4;
	s13 =	sor.u32 $0x2, s12;
	s3 =	sor.u32 s5, s18;
	v10 =	vnsel vm0, $0x0, v18;
	[tilespmem:s29+$0xFFFFFFF0] =	vst v9  }
0x104: {  	p1 =	sgt.u32 s13, $0x18;
	s3 =	sshrl.u32 s3, $0x3;
	v9 =	vnsel vm15, $0x0, v9;
	[tilespmem:v12+s15+$0x0] =	vst.idx.add.f32.msk $0xffff, v10  }
0x105: {  	s8 =	smul.u32 @!p1 $0x28000, s13;
	s3 =	sadd.s32 s4, s3;
	[tilespmem:v13+s15+$0x0] =	vst.idx.add.f32.msk $0xffff, v9  }
0x106: {  	[hbm4b:s3+s15] =	stream.strided.scatter [tilespmem:s20], [sflag:$0x5], $0x1400, s16, s15, $0x38;
	[tilespmem:$0x1A000] =	vst v63  }
0x107: {  	s3 =	sor.u32 @!p1 s5, s8  }
0x108: {  	s11 =	simm.s32 @!p1 $0x8000;
	s3 =	sshrl.u32 @!p1 s3, $0x3  }
0x109: {  	s29 =	simm.s32 @!p1 $0x12800;
	s8 =	simm.s32 @!p1 $0x400;
	s3 =	sadd.s32 @!p1 s1, s3  }
0x10a: {  	[tilespmem:s29], [sflag:$0x3] =	stream.strided.gather @!p1 [hbm4b:s3+s8], $0x1400, s11, s8, $0x38;
	[tilespmem:$0x1A000] =	vst v63  }
0x10b: {  	s11 =	sor.u32 $0x1, s12  }
0x10c: {  	p2 =	sgt.u32 s11, $0x18  }
.Ltmp6:
0x10d: {  	_ = 	snop;
	(pc) =	sbr.rel @p2 .LBB2_10-.Ltmp6, $1  }
0x10e: {  	_ =	sdelay $0x3  }
0x10f: {  	_ =	swait.ge [sflag:s21], $0x1400  }
0x110: {  	[sflag:s21] =	ssyncset.done $0x0  }
0x111: {  	s3 =	simm.s32 @!p0 $0x6;
	[sflag:s21] =	ssyncadd.s32 $0xFFFFEC00  }
0x112: {  	_ =	swait.ge @!p0 [sflag:s3], $0x1400  }
0x113: {  	[sflag:s3] =	ssyncset.done @!p0 $0x0  }
0x114: {  	s8 =	simm.s32 $0x114F0;
	[sflag:s3] =	ssyncadd.s32 @!p0 $0xFFFFEC00  }
0x115: {  	v9 =	vld [tilespmem:s8+$0xFFFFFF90];
	_ =	sdelay $0x2  }
0x116: {  	v10 =	vld [tilespmem:s8+$0xFFFFFF10];
	_ =	sdelay $0x3  }
0x117: {  	v11 =	vld [tilespmem:s8+$0xFFFFFFA0];
	v12 =	vshll.u32 v9, $0x7  }
0x118: {  	vm0 =	vlt.s32 v9, $0x1F8;
	v13 =	vld.idx.msk [tilespmem:v9+s6+$0x0], $0xffff;
	v9 =	vor.u32 v0, v12  }
0x119: {  	v9 =	vsel vm0, v9, v0  }
0x11a: {  	v14 =	vshll.u32 v10, $0x7;
	v12 =	vld [tilespmem:s8+$0xFFFFFF20]  }
0x11b: {  	vm1 =	vlt.s32 v10, $0x1F8;
	v14 =	vor.u32 v0, v14;
	v10 =	vld.idx.msk [tilespmem:v10+s6+$0x0], $0xffff  }
0x11c: {  	s29 =	simm.s32 $0x164F0;
	v15 =	vld [tilespmem:s8+$0xFFFFFFB0];
	v14 =	vsel vm1, v14, v0  }
0x11d: {  	v17 =	vld [tilespmem:s8+$0xFFFFFF60];
	[tilespmem:s29+$0xFFFFFF90] =	vst v13;
	v13 =	vnsel vm0, $0x0, v13  }
0x11e: {  	[tilespmem:v9+s15+$0x0] =	vst.idx.add.f32.msk $0xffff, v13;
	v9 =	vshll.u32 v11, $0x7  }
0x11f: {  	s31 =	simm.s32 $0x115F0;
	vm0 =	vlt.s32 v11, $0x1F8;
	v13 =	vld.idx.msk [tilespmem:v11+s6+$0x0], $0xffff;
	v9 =	vor.u32 v2, v9  }
0x120: {  	v19 =	vld [tilespmem:s31+$0xFFFFFF10];
	v16 =	vnsel vm1, $0x0, v10;
	v9 =	vsel vm0, v9, v2  }
0x121: {  	[tilespmem:v14+s15+$0x0] =	vst.idx.add.f32.msk $0xffff, v16  }
0x122: {  	[tilespmem:s29+$0xFFFFFF10] =	vst v10;
	v10 =	vshll.u32 v12, $0x7;
	v11 =	vld [tilespmem:s8+$0xFFFFFF30]  }
0x123: {  	vm1 =	vlt.s32 v12, $0x1F8;
	v10 =	vor.u32 v2, v10;
	v12 =	vld.idx.msk [tilespmem:v12+s6+$0x0], $0xffff  }
0x124: {  	v14 =	vld [tilespmem:s8+$0xFFFFFFC0];
	v10 =	vsel vm1, v10, v2;
	[tilespmem:s29+$0xFFFFFFA0] =	vst v13;
	v13 =	vnsel vm0, $0x0, v13  }
0x125: {  	[tilespmem:v9+s15+$0x0] =	vst.idx.add.f32.msk $0xffff, v13;
	v9 =	vshll.u32 v15, $0x7  }
0x126: {  	vm0 =	vlt.s32 v15, $0x1F8;
	v13 =	vld.idx.msk [tilespmem:v15+s6+$0x0], $0xffff;
	v9 =	vor.u32 v3, v9  }
0x127: {  	v20 =	vld [tilespmem:s31+$0xFFFFFF30];
	v9 =	vsel vm0, v9, v3  }
0x128: {  	[tilespmem:s29+$0xFFFFFF20] =	vst v12;
	v12 =	vnsel vm1, $0x0, v12;
	v15 =	vld [tilespmem:s8+$0xFFFFFF40]  }
0x129: {  	v16 =	vshll.u32 v11, $0x7;
	[tilespmem:v10+s15+$0x0] =	vst.idx.add.f32.msk $0xffff, v12  }
0x12a: {  	vm1 =	vlt.s32 v11, $0x1F8;
	v10 =	vor.u32 v3, v16;
	v11 =	vld.idx.msk [tilespmem:v11+s6+$0x0], $0xffff  }
0x12b: {  	v16 =	vld [tilespmem:s8+$0xFFFFFFD0];
	v10 =	vsel vm1, v10, v3;
	[tilespmem:s29+$0xFFFFFFB0] =	vst v13;
	v13 =	vnsel vm0, $0x0, v13  }
0x12c: {  	[tilespmem:v9+s15+$0x0] =	vst.idx.add.f32.msk $0xffff, v13;
	v9 =	vshll.u32 v14, $0x7  }
0x12d: {  	vm0 =	vlt.s32 v14, $0x1F8;
	v13 =	vld.idx.msk [tilespmem:v14+s6+$0x0], $0xffff;
	v9 =	vor.u32 v4, v9  }
0x12e: {  	v21 =	vld [tilespmem:s8+$0x0];
	v9 =	vsel vm0, v9, v4  }
0x12f: {  	v22 =	vld [tilespmem:s31+$0xFFFFFFA0];
	[tilespmem:s29+$0xFFFFFF30] =	vst v11;
	v11 =	vnsel vm1, $0x0, v11  }
0x130: {  	v14 =	vshll.u32 v15, $0x7;
	[tilespmem:v10+s15+$0x0] =	vst.idx.add.f32.msk $0xffff, v11  }
0x131: {  	vm1 =	vlt.s32 v15, $0x1F8;
	v10 =	vor.u32 v4, v14;
	v11 =	vld.idx.msk [tilespmem:v15+s6+$0x0], $0xffff  }
0x132: {  	v15 =	vld [tilespmem:s8+$0xFFFFFFE0];
	v10 =	vsel vm1, v10, v4;
	[tilespmem:s29+$0xFFFFFFC0] =	vst v13;
	v13 =	vnsel vm0, $0x0, v13  }
0x133: {  	[tilespmem:v9+s15+$0x0] =	vst.idx.add.f32.msk $0xffff, v13;
	v9 =	vshll.u32 v16, $0x7  }
0x134: {  	vm0 =	vlt.s32 v16, $0x1F8;
	v18 =	vld.idx.msk [tilespmem:v16+s6+$0x0], $0xffff;
	v9 =	vor.u32 v5, v9  }
0x135: {  	v25 =	vld [tilespmem:s31+$0xFFFFFF40];
	v9 =	vsel vm0, v9, v5  }
0x136: {  	v26 =	vld [tilespmem:s31+$0xFFFFFFB0];
	[tilespmem:s29+$0xFFFFFF40] =	vst v11;
	v11 =	vnsel vm1, $0x0, v11  }
0x137: {  	[tilespmem:v10+s15+$0x0] =	vst.idx.add.f32.msk $0xffff, v11  }
0x138: {  	v16 =	vld [tilespmem:s31+$0xFFFFFF90]  }
0x139: {  	v11 =	vld [tilespmem:s8+$0xFFFFFFF0];
	[tilespmem:s29+$0xFFFFFFD0] =	vst v18;
	v18 =	vnsel vm0, $0x0, v18  }
0x13a: {  	[tilespmem:v9+s15+$0x0] =	vst.idx.add.f32.msk $0xffff, v18;
	v18 =	vshll.u32 v15, $0x7  }
0x13b: {  	vm0 =	vlt.s32 v15, $0x1F8;
	v9 =	vld.idx.msk [tilespmem:v15+s6+$0x0], $0xffff;
	v15 =	vor.u32 v6, v18  }
0x13c: {  	v60 =	vld [tilespmem:s31+$0xFFFFFFD0];
	v15 =	vsel vm0, v15, v6  }
0x13d: {  	v12 =	vld [tilespmem:s8+$0xFFFFFF50]  }
0x13e: {  	v56 =	vld.idx.msk [tilespmem:v19+s6+$0x0], $0xffff  }
0x13f: {  	v14 =	vld [tilespmem:s8+$0xFFFFFF70];
	v24 =	vshll.u32 v16, $0x7  }
0x140: {  	v23 =	vld.idx.msk [tilespmem:v16+s6+$0x0], $0xffff;
	[tilespmem:s29+$0xFFFFFFE0] =	vst v9;
	v9 =	vnsel vm0, $0x0, v9;
	vm0 =	vlt.s32 v16, $0x1F8;
	v16 =	vor.u32 v0, v24  }
0x141: {  	[tilespmem:v15+s15+$0x0] =	vst.idx.add.f32.msk $0xffff, v9;
	v9 =	vsel vm0, v16, v0;
	v16 =	vshll.u32 v11, $0x7  }
0x142: {  	vm1 =	vlt.s32 v11, $0x1F8;
	v15 =	vld.idx.msk [tilespmem:v11+s6+$0x0], $0xffff;
	v11 =	vor.u32 v7, v16  }
0x143: {  	v13 =	vld [tilespmem:s8+$0xFFFFFF80];
	v16 =	vshll.u32 v19, $0x7;
	v11 =	vsel vm1, v11, v7  }
0x144: {  	s30 =	simm.s32 $0x165F0;
	vm2 =	vlt.s32 v19, $0x1F8;
	v18 =	vld [tilespmem:s31+$0xFFFFFF20];
	v16 =	vor.u32 v0, v16  }
0x145: {  	v10 =	vld.idx.msk [tilespmem:v12+s6+$0x0], $0xffff;
	[tilespmem:s30+$0xFFFFFF90] =	vst v23;
	v23 =	vnsel vm0, $0x0, v23;
	v16 =	vsel vm2, v16, v0  }
0x146: {  	v27 =	vshll.u32 v12, $0x7;
	[tilespmem:v9+s15+$0x0] =	vst.idx.add.f32.msk $0xffff, v23  }
0x147: {  	vm0 =	vlt.s32 v12, $0x1F8;
	v9 =	vor.u32 v5, v27;
	v12 =	vld.idx.msk [tilespmem:v22+s6+$0x0], $0xffff;
	[tilespmem:s29+$0xFFFFFFF0] =	vst v15;
	v15 =	vnsel vm1, $0x0, v15  }
0x148: {  	v57 =	vshll.u32 v22, $0x7;
	v23 =	vsel vm0, v9, v5;
	v9 =	vnsel vm2, $0x0, v56;
	[tilespmem:v11+s15+$0x0] =	vst.idx.add.f32.msk $0xffff, v15  }
0x149: {  	vm1 =	vlt.s32 v22, $0x1F8;
	v11 =	vor.u32 v2, v57;
	v15 =	vshll.u32 v21, $0x7;
	v22 =	vld.idx.msk [tilespmem:v21+s6+$0x0], $0xffff  }
0x14a: {  	vm2 =	vlt.s32 v21, $0x1F8;
	[tilespmem:v16+s15+$0x0] =	vst.idx.add.f32.msk $0xffff, v9;
	v11 =	vsel vm1, v11, v2;
	v9 =	vor.u32 v8, v15  }
0x14b: {  	[tilespmem:s30+$0xFFFFFF10] =	vst v56;
	v19 =	vld [tilespmem:s31+$0xFFFFFF50];
	v15 =	vshll.u32 v18, $0x7;
	v21 =	vsel vm2, v9, v8  }
0x14c: {  	v58 =	vnsel vm0, $0x0, v10;
	vm0 =	vlt.s32 v18, $0x1F8;
	v16 =	vld.idx.msk [tilespmem:v18+s6+$0x0], $0xffff;
	v15 =	vor.u32 v2, v15  }
0x14d: {  	[tilespmem:s29+$0xFFFFFF50] =	vst v10;
	v9 =	vld [tilespmem:s31+$0xFFFFFF60];
	v15 =	vsel vm0, v15, v2  }
0x14e: {  	v18 =	vld [tilespmem:s31+$0xFFFFFFC0];
	[tilespmem:s30+$0xFFFFFFA0] =	vst v12;
	v12 =	vnsel vm1, $0x0, v12  }
0x14f: {  	[tilespmem:v11+s15+$0x0] =	vst.idx.add.f32.msk $0xffff, v12;
	v11 =	vnsel vm2, $0x0, v22  }
0x150: {  	[tilespmem:v21+s15+$0x0] =	vst.idx.add.f32.msk $0xffff, v11  }
0x151: {  	[tilespmem:s30+$0xFFFFFF20] =	vst v16;
	v11 =	vnsel vm0, $0x0, v16;
	v12 =	vld.idx.msk [tilespmem:v26+s6+$0x0], $0xffff;
	v16 =	vshll.u32 v26, $0x7  }
0x152: {  	vm1 =	vlt.s32 v26, $0x1F8;
	[tilespmem:v15+s15+$0x0] =	vst.idx.add.f32.msk $0xffff, v11;
	v11 =	vor.u32 v3, v16  }
0x153: {  	v10 =	vshll.u32 v20, $0x7;
	[tilespmem:v23+s15+$0x0] =	vst.idx.add.f32.msk $0xffff, v58;
	v21 =	vsel vm1, v11, v3  }
0x154: {  	v10 =	vor.u32 v3, v10;
	vm2 =	vlt.s32 v20, $0x1F8;
	v16 =	vld.idx.msk [tilespmem:v20+s6+$0x0], $0xffff  }
0x155: {  	v23 =	vsel vm2, v10, v3;
	v10 =	vld [tilespmem:s31+$0xFFFFFF80];
	v15 =	vshll.u32 v17, $0x7  }
0x156: {  	vm3 =	vlt.s32 v17, $0x1F8;
	vm5 =	vlt.s32 v25, $0x1F8;
	v15 =	vor.u32 v6, v15;
	v20 =	vld.idx.msk [tilespmem:v17+s6+$0x0], $0xffff  }
0x157: {  	vm4 =	vlt.s32 v14, $0x1F8;
	v11 =	vld [tilespmem:s31+$0xFFFFFF70];
	v15 =	vsel vm3, v15, v6;
	[tilespmem:s30+$0xFFFFFFB0] =	vst v12;
	v12 =	vnsel vm1, $0x0, v12  }
0x158: {  	v59 =	vshll.u32 v13, $0x7;
	v17 =	vshll.u32 v14, $0x7;
	[tilespmem:v21+s15+$0x0] =	vst.idx.add.f32.msk $0xffff, v12;
	v12 =	vshll.u32 v18, $0x7  }
0x159: {  	vm1 =	vlt.s32 v18, $0x1F8;
	[tilespmem:s30+$0xFFFFFF30] =	vst v16;
	v16 =	vnsel vm2, $0x0, v16;
	v21 =	vld.idx.msk [tilespmem:v18+s6+$0x0], $0xffff;
	v12 =	vor.u32 v4, v12  }
0x15a: {  	vm2 =	vmmov vm3;
	v18 =	vshll.u32 v25, $0x7;
	[tilespmem:v23+s15+$0x0] =	vst.idx.add.f32.msk $0xffff, v16;
	v23 =	vsel vm1, v12, v4  }
0x15b: {  	v17 =	vor.u32 v7, v17;
	[tilespmem:s29+$0xFFFFFF60] =	vst v20;
	v16 =	vor.u32 v4, v18;
	v18 =	vnsel vm2, $0x0, v20;
	v62 =	vld.idx.msk [tilespmem:v25+s6+$0x0], $0xffff  }
0x15c: {  	vm0 =	vlt.s32 v13, $0x1F8;
	v61 =	vsel vm4, v17, v7;
	v63 =	vsel vm5, v16, v4;
	[tilespmem:v15+s15+$0x0] =	vst.idx.add.f32.msk $0xffff, v18  }
0x15d: {  	v17 =	vor.u32 v8, v59;
	vm3 =	vlt.s32 v19, $0x1F8;
	v15 =	vshll.u32 v19, $0x7;
	v14 =	vld.idx.msk [tilespmem:v14+s6+$0x0], $0xffff  }
0x15e: {  	v12 =	vsel vm0, v17, v8;
	v17 =	vld [tilespmem:s31+$0xFFFFFFE0];
	v15 =	vor.u32 v5, v15;
	[tilespmem:s30+$0xFFFFFFC0] =	vst v21;
	v20 =	vnsel vm1, $0x0, v21  }
0x15f: {  	v18 =	vshll.u32 v9, $0x7;
	v16 =	vsel vm3, v15, v5;
	[tilespmem:v23+s15+$0x0] =	vst.idx.add.f32.msk $0xffff, v20  }
0x160: {  	v15 =	vor.u32 v6, v18;
	v18 =	vshll.u32 v11, $0x7;
	[tilespmem:s30+$0xFFFFFF40] =	vst v62;
	v21 =	vnsel vm5, $0x0, v62;
	v20 =	vld.idx.msk [tilespmem:v60+s6+$0x0], $0xffff  }
0x161: {  	vm6 =	vlt.s32 v11, $0x1F8;
	vm2 =	vmmov vm4;
	v18 =	vor.u32 v7, v18;
	[tilespmem:v63+s15+$0x0] =	vst.idx.add.f32.msk $0xffff, v21  }
0x162: {  	v21 =	vld.idx.msk [tilespmem:v19+s6+$0x0], $0xffff;
	[tilespmem:s29+$0xFFFFFF70] =	vst v14;
	v19 =	vnsel vm2, $0x0, v14;
	v14 =	vsel vm6, v18, v7;
	v18 =	vshll.u32 v60, $0x7  }
0x163: {  	vm5 =	vlt.s32 v60, $0x1F8;
	[tilespmem:v61+s15+$0x0] =	vst.idx.add.f32.msk $0xffff, v19;
	v19 =	vor.u32 v5, v18  }
0x164: {  	[tilespmem:s29+$0x0] =	vst v22;
	v22 =	vsel vm5, v19, v5  }
0x165: {  	vm0 =	vmmov vm0;
	vm1 =	vlt.s32 v9, $0x1F8;
	v23 =	vshll.u32 v10, $0x7  }
0x166: {  	vm4 =	vlt.s32 v10, $0x1F8;
	v15 =	vsel vm1, v15, v6;
	v23 =	vor.u32 v8, v23;
	v18 =	vld.idx.msk [tilespmem:v13+s6+$0x0], $0xffff  }
0x167: {  	s3 =	simm.s32 $0x2;
	s8 =	simm.s32 $0x116F0;
	vm2 =	vmmov vm1;
	vm1 =	vmmov vm6;
	v13 =	vsel vm4, v23, v8;
	v19 =	vld [tilespmem:s31+$0xFFFFFFF0]  }
.LBB2_8:
0x168: {  	v23 =	vld [tilespmem:s8+$0xFFFFFF90];
	[tilespmem:s30+$0xFFFFFFD0] =	vst v20;
	v20 =	vnsel vm5, $0x0, v20  }
0x169: {  	[tilespmem:v22+s15+$0x0] =	vst.idx.add.f32.msk $0xffff, v20  }
0x16a: {  	s3 =	sadd.s32 $0x2, s3;
	v20 =	vnsel vm3, $0x0, v21;
	v22 =	vshll.u32 v17, $0x7;
	[tilespmem:s30+$0xFFFFFF50] =	vst v21;
	v21 =	vld.idx.msk [tilespmem:v17+s6+$0x0], $0xffff  }
0x16b: {  	p2 =	slt.u32 s3, $0x26;
	vm3 =	vlt.s32 v17, $0x1F8;
	v17 =	vor.u32 v6, v22;
	v24 =	vld [tilespmem:s8+$0xFFFFFF10]  }
0x16c: {  	v25 =	vsel vm3, v17, v6;
	v17 =	vnsel vm0, $0x0, v18;
	vm0 =	vmmov vm4;
	v22 =	vld [tilespmem:s8+$0xFFFFFF20];
	[tilespmem:s29+$0xFFFFFF80] =	vst v18;
	s29 =	smov.u32 s30  }
0x16d: {  	v26 =	vld [tilespmem:s8+$0xFFFFFF30]  }
0x16e: {  	v27 =	vld [tilespmem:s31+$0x0];
	s31 =	smov.u32 s8  }
0x16f: {  	v28 =	vld [tilespmem:s8+$0xFFFFFFA0]  }
0x170: {  	v30 =	vshll.u32 v23, $0x7;
	v18 =	vshll.u32 v24, $0x7;
	v29 =	vld.idx.msk [tilespmem:v23+s6+$0x0], $0xffff;
	[tilespmem:s30+$0xFFFFFFE0] =	vst v21;
	v21 =	vnsel vm3, $0x0, v21  }
0x171: {  	vm5 =	vlt.s32 v23, $0x1F8;
	v23 =	vor.u32 v0, v30;
	v18 =	vor.u32 v0, v18;
	[tilespmem:v25+s15+$0x0] =	vst.idx.add.f32.msk $0xffff, v21  }
0x172: {  	vm3 =	vlt.s32 v24, $0x1F8;
	v21 =	vsel vm5, v23, v0;
	v25 =	vshll.u32 v19, $0x7;
	v23 =	vld.idx.msk [tilespmem:v19+s6+$0x0], $0xffff  }
0x173: {  	vm7 =	vlt.s32 v19, $0x1F8;
	v30 =	vsel vm3, v18, v0;
	v18 =	vor.u32 v7, v25;
	v24 =	vld.idx.msk [tilespmem:v24+s6+$0x0], $0xffff  }
0x174: {  	vm6 =	vlt.s32 v22, $0x1F8;
	v19 =	vshll.u32 v22, $0x7;
	v31 =	vsel vm7, v18, v7;
	v25 =	vld [tilespmem:s8+$0xFFFFFF40]  }
0x175: {  	s30 =	sadd.s32 $0x100, s30;
	vm4 =	vlt.s32 v26, $0x1F8;
	v32 =	vshll.u32 v26, $0x7;
	v19 =	vor.u32 v2, v19;
	v18 =	vld [tilespmem:s8+$0xFFFFFF50]  }
0x176: {  	v32 =	vor.u32 v3, v32;
	v19 =	vsel vm6, v19, v2;
	[tilespmem:s30+$0xFFFFFF90] =	vst v29;
	v29 =	vnsel vm5, $0x0, v29;
	v33 =	vld [tilespmem:s8+$0xFFFFFFB0]  }
0x177: {  	v32 =	vsel vm4, v32, v3;
	[tilespmem:v21+s15+$0x0] =	vst.idx.add.f32.msk $0xffff, v29  }
0x178: {  	v21 =	vld.idx.msk [tilespmem:v28+s6+$0x0], $0xffff;
	[tilespmem:s29+$0xFFFFFFF0] =	vst v23;
	v23 =	vnsel vm7, $0x0, v23  }
0x179: {  	v35 =	vshll.u32 v28, $0x7;
	v29 =	vnsel vm3, $0x0, v24;
	v34 =	vshll.u32 v25, $0x7;
	[tilespmem:v31+s15+$0x0] =	vst.idx.add.f32.msk $0xffff, v23  }
0x17a: {  	vm7 =	vlt.s32 v28, $0x1F8;
	v28 =	vshll.u32 v27, $0x7;
	v23 =	vor.u32 v2, v35;
	[tilespmem:s30+$0xFFFFFF10] =	vst v24;
	v24 =	vld.idx.msk [tilespmem:v27+s6+$0x0], $0xffff  }
0x17b: {  	vm8 =	vlt.s32 v27, $0x1F8;
	v23 =	vsel vm7, v23, v2;
	v27 =	vor.u32 v8, v28;
	[tilespmem:v30+s15+$0x0] =	vst.idx.add.f32.msk $0xffff, v29  }
0x17c: {  	vm5 =	vlt.s32 v25, $0x1F8;
	v28 =	vor.u32 v4, v34;
	v27 =	vsel vm8, v27, v8;
	v22 =	vld.idx.msk [tilespmem:v22+s6+$0x0], $0xffff  }
0x17d: {  	vm3 =	vlt.s32 v18, $0x1F8;
	v28 =	vsel vm5, v28, v4;
	v29 =	vshll.u32 v18, $0x7;
	v30 =	vld [tilespmem:s8+$0xFFFFFF60]  }
0x17e: {  	v29 =	vor.u32 v5, v29;
	[tilespmem:v16+s15+$0x0] =	vst.idx.add.f32.msk $0xffff, v20  }
0x17f: {  	v16 =	vsel vm3, v29, v5;
	v20 =	vnsel vm7, $0x0, v21;
	[tilespmem:s30+$0xFFFFFFA0] =	vst v21;
	v21 =	vld [tilespmem:s8+$0xFFFFFFC0]  }
0x180: {  	[tilespmem:v23+s15+$0x0] =	vst.idx.add.f32.msk $0xffff, v20;
	v20 =	vnsel vm8, $0x0, v24  }
0x181: {  	[tilespmem:v27+s15+$0x0] =	vst.idx.add.f32.msk $0xffff, v20  }
0x182: {  	v20 =	vnsel vm6, $0x0, v22;
	v27 =	vshll.u32 v33, $0x7;
	[tilespmem:s30+$0xFFFFFF20] =	vst v22;
	v22 =	vshll.u32 v30, $0x7;
	v23 =	vld.idx.msk [tilespmem:v33+s6+$0x0], $0xffff  }
0x183: {  	vm7 =	vlt.s32 v33, $0x1F8;
	[tilespmem:v19+s15+$0x0] =	vst.idx.add.f32.msk $0xffff, v20;
	v19 =	vor.u32 v6, v22;
	v20 =	vor.u32 v3, v27  }
0x184: {  	vm6 =	vlt.s32 v30, $0x1F8;
	v22 =	vld.idx.msk [tilespmem:v26+s6+$0x0], $0xffff;
	v20 =	vsel vm7, v20, v3;
	[tilespmem:s29+$0x0] =	vst v24  }
0x185: {  	v19 =	vsel vm6, v19, v6;
	v24 =	vld.idx.msk [tilespmem:v9+s6+$0x0], $0xffff;
	v9 =	vmov v30  }
0x186: {  	v26 =	vld [tilespmem:s8+$0xFFFFFF70]  }
0x187: {  	v27 =	vld [tilespmem:s8+$0xFFFFFF80]  }
0x188: {  	[tilespmem:s30+$0xFFFFFFB0] =	vst v23;
	v23 =	vnsel vm7, $0x0, v23;
	v29 =	vld [tilespmem:s8+$0xFFFFFFD0]  }
0x189: {  	[tilespmem:v20+s15+$0x0] =	vst.idx.add.f32.msk $0xffff, v23  }
0x18a: {  	v20 =	vnsel vm4, $0x0, v22;
	v23 =	vshll.u32 v21, $0x7;
	[tilespmem:s30+$0xFFFFFF30] =	vst v22;
	v22 =	vld.idx.msk [tilespmem:v21+s6+$0x0], $0xffff  }
0x18b: {  	vm8 =	vlt.s32 v21, $0x1F8;
	v21 =	vnsel vm2, $0x0, v24;
	[tilespmem:v32+s15+$0x0] =	vst.idx.add.f32.msk $0xffff, v20;
	v20 =	vor.u32 v4, v23  }
0x18c: {  	vm7 =	vlt.s32 v26, $0x1F8;
	v23 =	vld.idx.msk [tilespmem:v25+s6+$0x0], $0xffff;
	v25 =	vshll.u32 v26, $0x7;
	v20 =	vsel vm8, v20, v4;
	[tilespmem:s29+$0xFFFFFF60] =	vst v24  }
0x18d: {  	vm4 =	vlt.s32 v27, $0x1F8;
	v24 =	vor.u32 v7, v25;
	v25 =	vshll.u32 v27, $0x7;
	[tilespmem:v15+s15+$0x0] =	vst.idx.add.f32.msk $0xffff, v21;
	v15 =	vmovc v19  }
0x18e: {  	vm2 =	vmmov vm6;
	v19 =	vsel vm7, v24, v7;
	v21 =	vor.u32 v8, v25;
	v24 =	vld.idx.msk [tilespmem:v11+s6+$0x0], $0xffff;
	v11 =	vmovc v26  }
0x18f: {  	[tilespmem:v12+s15+$0x0] =	vst.idx.add.f32.msk $0xffff, v17;
	v12 =	vmov v13;
	v13 =	vsel vm4, v21, v8  }
0x190: {  	v21 =	vnsel vm8, $0x0, v22;
	[tilespmem:s30+$0xFFFFFFC0] =	vst v22;
	v17 =	vld [tilespmem:s8+$0xFFFFFFE0]  }
0x191: {  	[tilespmem:v20+s15+$0x0] =	vst.idx.add.f32.msk $0xffff, v21  }
0x192: {  	v22 =	vshll.u32 v29, $0x7;
	v21 =	vnsel vm5, $0x0, v23;
	[tilespmem:s30+$0xFFFFFF40] =	vst v23;
	v20 =	vld.idx.msk [tilespmem:v29+s6+$0x0], $0xffff  }
.Ltmp7:
0x193: {  	vm5 =	vlt.s32 v29, $0x1F8;
	v22 =	vor.u32 v5, v22;
	[tilespmem:v28+s15+$0x0] =	vst.idx.add.f32.msk $0xffff, v21;
	(pc) =	sbr.rel @p2 .LBB2_8-.Ltmp7, $4  }
0x194: {  	v22 =	vsel vm5, v22, v5;
	v21 =	vld.idx.msk [tilespmem:v18+s6+$0x0], $0xffff;
	[tilespmem:s29+$0xFFFFFF70] =	vst v24;
	v18 =	vnsel vm1, $0x0, v24;
	vm1 =	vmmov vm7  }
0x195: {  	[tilespmem:v14+s15+$0x0] =	vst.idx.add.f32.msk $0xffff, v18;
	v14 =	vmov v19  }
0x196: {  	v18 =	vld.idx.msk [tilespmem:v10+s6+$0x0], $0xffff;
	v10 =	vmov v27  }
0x197: {  	s8 =	sadd.s32 $0x100, s8;
	v19 =	vld [tilespmem:s31+$0xFFFFFFF0]  }
0x198: {  	_ =	sdelay $0x2  }
0x199: {  	[tilespmem:s30+$0xFFFFFFD0] =	vst v20;
	v55 =	vnsel vm5, $0x0, v20  }
0x19a: {  	v56 =	vshll.u32 v17, $0x7;
	[tilespmem:v22+s15+$0x0] =	vst.idx.add.f32.msk $0xffff, v55  }
0x19b: {  	vm12 =	vlt.s32 v17, $0x1F8;
	v57 =	vor.u32 v6, v56;
	[tilespmem:s30+$0xFFFFFF50] =	vst v21;
	v58 =	vnsel vm3, $0x0, v21;
	v22 =	vld.idx.msk [tilespmem:v17+s6+$0x0], $0xffff  }
0x19c: {  	v17 =	vsel vm12, v57, v6;
	[tilespmem:v16+s15+$0x0] =	vst.idx.add.f32.msk $0xffff, v58  }
0x19d: {  	v9 =	vld.idx.msk [tilespmem:v9+s6+$0x0], $0xffff;
	_ =	sdelay $0x2  }
0x19e: {  	v59 =	vld [tilespmem:s31+$0x0];
	[tilespmem:s30+$0xFFFFFFE0] =	vst v22;
	v60 =	vnsel vm12, $0x0, v22  }
0x19f: {  	v61 =	vshll.u32 v19, $0x7;
	[tilespmem:v17+s15+$0x0] =	vst.idx.add.f32.msk $0xffff, v60  }
0x1a0: {  	vm13 =	vlt.s32 v19, $0x1F8;
	v17 =	vor.u32 v7, v61;
	v62 =	vnsel vm2, $0x0, v9;
	[tilespmem:s30+$0xFFFFFF60] =	vst v9;
	v20 =	vld.idx.msk [tilespmem:v19+s6+$0x0], $0xffff  }
0x1a1: {  	v17 =	vsel vm13, v17, v7;
	[tilespmem:v15+s15+$0x0] =	vst.idx.add.f32.msk $0xffff, v62  }
0x1a2: {  	v9 =	vld.idx.msk [tilespmem:v11+s6+$0x0], $0xffff;
	_ =	sdelay $0x2  }
0x1a3: {  	[tilespmem:s30+$0xFFFFFFF0] =	vst v20;
	v11 =	vnsel vm13, $0x0, v20  }
0x1a4: {  	[tilespmem:v17+s15+$0x0] =	vst.idx.add.f32.msk $0xffff, v11;
	v11 =	vshll.u32 v59, $0x7  }
0x1a5: {  	vm14 =	vlt.s32 v59, $0x1F8;
	[tilespmem:s30+$0xFFFFFF70] =	vst v9;
	v9 =	vnsel vm1, $0x0, v9;
	v63 =	vld.idx.msk [tilespmem:v59+s6+$0x0], $0xffff;
	v11 =	vor.u32 v8, v11  }
0x1a6: {  	[tilespmem:v14+s15+$0x0] =	vst.idx.add.f32.msk $0xffff, v9;
	v11 =	vsel vm14, v11, v8  }
0x1a7: {  	v9 =	vld.idx.msk [tilespmem:v10+s6+$0x0], $0xffff;
	_ =	sdelay $0x1  }
0x1a8: {  	[tilespmem:s29+$0xFFFFFF80] =	vst v18  }
0x1a9: {  	s3 =	smul.u32 $0x28000, s11;
	v10 =	vnsel vm14, $0x0, v63;
	[tilespmem:s30+$0x0] =	vst v63  }
0x1aa: {  	[tilespmem:v11+s15+$0x0] =	vst.idx.add.f32.msk $0xffff, v10  }
0x1ab: {  	vm15 =	vmmov vm4;
	s3 =	sor.u32 s5, s3;
	v10 =	vnsel vm0, $0x0, v18;
	[tilespmem:s30+$0xFFFFFF80] =	vst v9  }
0x1ac: {  	s3 =	sshrl.u32 s3, $0x3;
	v9 =	vnsel vm15, $0x0, v9;
	[tilespmem:v12+s15+$0x0] =	vst.idx.add.f32.msk $0xffff, v10  }
0x1ad: {  	s31 =	sadd.s32 s5, s18;
	s3 =	sadd.s32 s4, s3;
	[tilespmem:v13+s15+$0x0] =	vst.idx.add.f32.msk $0xffff, v9  }
0x1ae: {  	[hbm4b:s3+s15] =	stream.strided.scatter [tilespmem:s22], [sflag:$0x6], $0x1400, s16, s15, $0x38;
	[tilespmem:$0x1A000] =	vst v63  }
0x1af: {  	s3 =	sadd.s32 $0x78000, s31  }
0x1b0: {  	s3 =	sshrl.u32 s3, $0x3  }
0x1b1: {  	s3 =	sadd.s32 s1, s3  }
0x1b2: {  	[tilespmem:s23], [sflag:$0x4] =	stream.strided.gather [hbm4b:s3+s15], $0x1400, s16, s15, $0x38;
	[tilespmem:$0x1A000] =	vst v63  }
.LBB2_10:
.Ltmp8:
0x1b3: {  	(pc) =	sbr.rel @p1 .LBB2_14-.Ltmp8, $1  }
0x1b4: {  	_ =	sdelay $0x3  }
0x1b5: {  	_ =	swait.ge [sflag:s24], $0x1400  }
0x1b6: {  	[sflag:s24] =	ssyncset.done $0x0  }
0x1b7: {  	s3 =	simm.s32 @!p0 $0x7;
	[sflag:s24] =	ssyncadd.s32 $0xFFFFEC00  }
0x1b8: {  	_ =	swait.ge @!p0 [sflag:s3], $0x1400  }
0x1b9: {  	[sflag:s3] =	ssyncset.done @!p0 $0x0  }
0x1ba: {  	s31 =	simm.s32 $0x128F0;
	[sflag:s3] =	ssyncadd.s32 @!p0 $0xFFFFEC00  }
0x1bb: {  	v9 =	vld [tilespmem:s31+$0xFFFFFF90];
	_ =	sdelay $0x2  }
0x1bc: {  	v10 =	vld [tilespmem:s31+$0xFFFFFF10];
	_ =	sdelay $0x3  }
0x1bd: {  	v11 =	vld [tilespmem:s31+$0xFFFFFFA0];
	v12 =	vshll.u32 v9, $0x7  }
0x1be: {  	vm0 =	vlt.s32 v9, $0x1F8;
	v13 =	vld.idx.msk [tilespmem:v9+s6+$0x0], $0xffff;
	v9 =	vor.u32 v0, v12  }
0x1bf: {  	v9 =	vsel vm0, v9, v0  }
0x1c0: {  	v14 =	vshll.u32 v10, $0x7;
	v12 =	vld [tilespmem:s31+$0xFFFFFF20]  }
0x1c1: {  	vm1 =	vlt.s32 v10, $0x1F8;
	v14 =	vor.u32 v0, v14;
	v10 =	vld.idx.msk [tilespmem:v10+s6+$0x0], $0xffff  }
0x1c2: {  	s11 =	simm.s32 $0x178F0;
	v15 =	vld [tilespmem:s31+$0xFFFFFFB0];
	v14 =	vsel vm1, v14, v0  }
0x1c3: {  	v17 =	vld [tilespmem:s31+$0xFFFFFF60];
	[tilespmem:s11+$0xFFFFFF90] =	vst v13;
	v13 =	vnsel vm0, $0x0, v13  }
0x1c4: {  	[tilespmem:v9+s15+$0x0] =	vst.idx.add.f32.msk $0xffff, v13;
	v9 =	vshll.u32 v11, $0x7  }
0x1c5: {  	s30 =	simm.s32 $0x129F0;
	vm0 =	vlt.s32 v11, $0x1F8;
	v13 =	vld.idx.msk [tilespmem:v11+s6+$0x0], $0xffff;
	v9 =	vor.u32 v2, v9  }
0x1c6: {  	v19 =	vld [tilespmem:s30+$0xFFFFFF10];
	v16 =	vnsel vm1, $0x0, v10;
	v9 =	vsel vm0, v9, v2  }
0x1c7: {  	[tilespmem:v14+s15+$0x0] =	vst.idx.add.f32.msk $0xffff, v16  }
0x1c8: {  	[tilespmem:s11+$0xFFFFFF10] =	vst v10;
	v10 =	vshll.u32 v12, $0x7;
	v11 =	vld [tilespmem:s31+$0xFFFFFF30]  }
0x1c9: {  	vm1 =	vlt.s32 v12, $0x1F8;
	v10 =	vor.u32 v2, v10;
	v12 =	vld.idx.msk [tilespmem:v12+s6+$0x0], $0xffff  }
0x1ca: {  	v14 =	vld [tilespmem:s31+$0xFFFFFFC0];
	v10 =	vsel vm1, v10, v2;
	[tilespmem:s11+$0xFFFFFFA0] =	vst v13;
	v13 =	vnsel vm0, $0x0, v13  }
0x1cb: {  	[tilespmem:v9+s15+$0x0] =	vst.idx.add.f32.msk $0xffff, v13;
	v9 =	vshll.u32 v15, $0x7  }
0x1cc: {  	vm0 =	vlt.s32 v15, $0x1F8;
	v13 =	vld.idx.msk [tilespmem:v15+s6+$0x0], $0xffff;
	v9 =	vor.u32 v3, v9  }
0x1cd: {  	v20 =	vld [tilespmem:s30+$0xFFFFFF30];
	v9 =	vsel vm0, v9, v3  }
0x1ce: {  	[tilespmem:s11+$0xFFFFFF20] =	vst v12;
	v12 =	vnsel vm1, $0x0, v12;
	v15 =	vld [tilespmem:s31+$0xFFFFFF40]  }
0x1cf: {  	v16 =	vshll.u32 v11, $0x7;
	[tilespmem:v10+s15+$0x0] =	vst.idx.add.f32.msk $0xffff, v12  }
0x1d0: {  	vm1 =	vlt.s32 v11, $0x1F8;
	v10 =	vor.u32 v3, v16;
	v11 =	vld.idx.msk [tilespmem:v11+s6+$0x0], $0xffff  }
0x1d1: {  	v16 =	vld [tilespmem:s31+$0xFFFFFFD0];
	v10 =	vsel vm1, v10, v3;
	[tilespmem:s11+$0xFFFFFFB0] =	vst v13;
	v13 =	vnsel vm0, $0x0, v13  }
0x1d2: {  	[tilespmem:v9+s15+$0x0] =	vst.idx.add.f32.msk $0xffff, v13;
	v9 =	vshll.u32 v14, $0x7  }
0x1d3: {  	vm0 =	vlt.s32 v14, $0x1F8;
	v13 =	vld.idx.msk [tilespmem:v14+s6+$0x0], $0xffff;
	v9 =	vor.u32 v4, v9  }
0x1d4: {  	v21 =	vld [tilespmem:s31+$0x0];
	v9 =	vsel vm0, v9, v4  }
0x1d5: {  	v22 =	vld [tilespmem:s30+$0xFFFFFFA0];
	[tilespmem:s11+$0xFFFFFF30] =	vst v11;
	v11 =	vnsel vm1, $0x0, v11  }
0x1d6: {  	v14 =	vshll.u32 v15, $0x7;
	[tilespmem:v10+s15+$0x0] =	vst.idx.add.f32.msk $0xffff, v11  }
0x1d7: {  	vm1 =	vlt.s32 v15, $0x1F8;
	v10 =	vor.u32 v4, v14;
	v11 =	vld.idx.msk [tilespmem:v15+s6+$0x0], $0xffff  }
0x1d8: {  	v15 =	vld [tilespmem:s31+$0xFFFFFFE0];
	v10 =	vsel vm1, v10, v4;
	[tilespmem:s11+$0xFFFFFFC0] =	vst v13;
	v13 =	vnsel vm0, $0x0, v13  }
0x1d9: {  	[tilespmem:v9+s15+$0x0] =	vst.idx.add.f32.msk $0xffff, v13;
	v9 =	vshll.u32 v16, $0x7  }
0x1da: {  	vm0 =	vlt.s32 v16, $0x1F8;
	v18 =	vld.idx.msk [tilespmem:v16+s6+$0x0], $0xffff;
	v9 =	vor.u32 v5, v9  }
0x1db: {  	v25 =	vld [tilespmem:s30+$0xFFFFFF40];
	v9 =	vsel vm0, v9, v5  }
0x1dc: {  	v26 =	vld [tilespmem:s30+$0xFFFFFFB0];
	[tilespmem:s11+$0xFFFFFF40] =	vst v11;
	v11 =	vnsel vm1, $0x0, v11  }
0x1dd: {  	[tilespmem:v10+s15+$0x0] =	vst.idx.add.f32.msk $0xffff, v11  }
0x1de: {  	v16 =	vld [tilespmem:s30+$0xFFFFFF90]  }
0x1df: {  	v11 =	vld [tilespmem:s31+$0xFFFFFFF0];
	[tilespmem:s11+$0xFFFFFFD0] =	vst v18;
	v18 =	vnsel vm0, $0x0, v18  }
0x1e0: {  	[tilespmem:v9+s15+$0x0] =	vst.idx.add.f32.msk $0xffff, v18;
	v18 =	vshll.u32 v15, $0x7  }
0x1e1: {  	vm0 =	vlt.s32 v15, $0x1F8;
	v9 =	vld.idx.msk [tilespmem:v15+s6+$0x0], $0xffff;
	v15 =	vor.u32 v6, v18  }
0x1e2: {  	v60 =	vld [tilespmem:s30+$0xFFFFFFD0];
	v15 =	vsel vm0, v15, v6  }
0x1e3: {  	v12 =	vld [tilespmem:s31+$0xFFFFFF50]  }
0x1e4: {  	v56 =	vld.idx.msk [tilespmem:v19+s6+$0x0], $0xffff  }
0x1e5: {  	v14 =	vld [tilespmem:s31+$0xFFFFFF70];
	v24 =	vshll.u32 v16, $0x7  }
0x1e6: {  	v23 =	vld.idx.msk [tilespmem:v16+s6+$0x0], $0xffff;
	[tilespmem:s11+$0xFFFFFFE0] =	vst v9;
	v9 =	vnsel vm0, $0x0, v9;
	vm0 =	vlt.s32 v16, $0x1F8;
	v16 =	vor.u32 v0, v24  }
0x1e7: {  	[tilespmem:v15+s15+$0x0] =	vst.idx.add.f32.msk $0xffff, v9;
	v9 =	vsel vm0, v16, v0;
	v16 =	vshll.u32 v11, $0x7  }
0x1e8: {  	vm1 =	vlt.s32 v11, $0x1F8;
	v15 =	vld.idx.msk [tilespmem:v11+s6+$0x0], $0xffff;
	v11 =	vor.u32 v7, v16  }
0x1e9: {  	v13 =	vld [tilespmem:s31+$0xFFFFFF80];
	v16 =	vshll.u32 v19, $0x7;
	v11 =	vsel vm1, v11, v7  }
0x1ea: {  	s29 =	simm.s32 $0x179F0;
	vm2 =	vlt.s32 v19, $0x1F8;
	v18 =	vld [tilespmem:s30+$0xFFFFFF20];
	v16 =	vor.u32 v0, v16  }
0x1eb: {  	v10 =	vld.idx.msk [tilespmem:v12+s6+$0x0], $0xffff;
	[tilespmem:s29+$0xFFFFFF90] =	vst v23;
	v23 =	vnsel vm0, $0x0, v23;
	v16 =	vsel vm2, v16, v0  }
0x1ec: {  	v27 =	vshll.u32 v12, $0x7;
	[tilespmem:v9+s15+$0x0] =	vst.idx.add.f32.msk $0xffff, v23  }
0x1ed: {  	vm0 =	vlt.s32 v12, $0x1F8;
	v9 =	vor.u32 v5, v27;
	v12 =	vld.idx.msk [tilespmem:v22+s6+$0x0], $0xffff;
	[tilespmem:s11+$0xFFFFFFF0] =	vst v15;
	v15 =	vnsel vm1, $0x0, v15  }
0x1ee: {  	v57 =	vshll.u32 v22, $0x7;
	v23 =	vsel vm0, v9, v5;
	v9 =	vnsel vm2, $0x0, v56;
	[tilespmem:v11+s15+$0x0] =	vst.idx.add.f32.msk $0xffff, v15  }
0x1ef: {  	vm1 =	vlt.s32 v22, $0x1F8;
	v11 =	vor.u32 v2, v57;
	v15 =	vshll.u32 v21, $0x7;
	v22 =	vld.idx.msk [tilespmem:v21+s6+$0x0], $0xffff  }
0x1f0: {  	vm2 =	vlt.s32 v21, $0x1F8;
	[tilespmem:v16+s15+$0x0] =	vst.idx.add.f32.msk $0xffff, v9;
	v11 =	vsel vm1, v11, v2;
	v9 =	vor.u32 v8, v15  }
0x1f1: {  	[tilespmem:s29+$0xFFFFFF10] =	vst v56;
	v19 =	vld [tilespmem:s30+$0xFFFFFF50];
	v15 =	vshll.u32 v18, $0x7;
	v21 =	vsel vm2, v9, v8  }
0x1f2: {  	v58 =	vnsel vm0, $0x0, v10;
	vm0 =	vlt.s32 v18, $0x1F8;
	v16 =	vld.idx.msk [tilespmem:v18+s6+$0x0], $0xffff;
	v15 =	vor.u32 v2, v15  }
0x1f3: {  	[tilespmem:s11+$0xFFFFFF50] =	vst v10;
	v9 =	vld [tilespmem:s30+$0xFFFFFF60];
	v15 =	vsel vm0, v15, v2  }
0x1f4: {  	v18 =	vld [tilespmem:s30+$0xFFFFFFC0];
	[tilespmem:s29+$0xFFFFFFA0] =	vst v12;
	v12 =	vnsel vm1, $0x0, v12  }
0x1f5: {  	[tilespmem:v11+s15+$0x0] =	vst.idx.add.f32.msk $0xffff, v12;
	v11 =	vnsel vm2, $0x0, v22  }
0x1f6: {  	[tilespmem:v21+s15+$0x0] =	vst.idx.add.f32.msk $0xffff, v11  }
0x1f7: {  	[tilespmem:s29+$0xFFFFFF20] =	vst v16;
	v11 =	vnsel vm0, $0x0, v16;
	v12 =	vld.idx.msk [tilespmem:v26+s6+$0x0], $0xffff;
	v16 =	vshll.u32 v26, $0x7  }
0x1f8: {  	vm1 =	vlt.s32 v26, $0x1F8;
	[tilespmem:v15+s15+$0x0] =	vst.idx.add.f32.msk $0xffff, v11;
	v11 =	vor.u32 v3, v16  }
0x1f9: {  	v10 =	vshll.u32 v20, $0x7;
	[tilespmem:v23+s15+$0x0] =	vst.idx.add.f32.msk $0xffff, v58;
	v21 =	vsel vm1, v11, v3  }
0x1fa: {  	v10 =	vor.u32 v3, v10;
	vm2 =	vlt.s32 v20, $0x1F8;
	v16 =	vld.idx.msk [tilespmem:v20+s6+$0x0], $0xffff  }
0x1fb: {  	v23 =	vsel vm2, v10, v3;
	v10 =	vld [tilespmem:s30+$0xFFFFFF80];
	v15 =	vshll.u32 v17, $0x7  }
0x1fc: {  	vm3 =	vlt.s32 v17, $0x1F8;
	vm5 =	vlt.s32 v25, $0x1F8;
	v15 =	vor.u32 v6, v15;
	v20 =	vld.idx.msk [tilespmem:v17+s6+$0x0], $0xffff  }
0x1fd: {  	vm4 =	vlt.s32 v14, $0x1F8;
	v11 =	vld [tilespmem:s30+$0xFFFFFF70];
	v15 =	vsel vm3, v15, v6;
	[tilespmem:s29+$0xFFFFFFB0] =	vst v12;
	v12 =	vnsel vm1, $0x0, v12  }
0x1fe: {  	v59 =	vshll.u32 v13, $0x7;
	v17 =	vshll.u32 v14, $0x7;
	[tilespmem:v21+s15+$0x0] =	vst.idx.add.f32.msk $0xffff, v12;
	v12 =	vshll.u32 v18, $0x7  }
0x1ff: {  	vm1 =	vlt.s32 v18, $0x1F8;
	[tilespmem:s29+$0xFFFFFF30] =	vst v16;
	v16 =	vnsel vm2, $0x0, v16;
	v21 =	vld.idx.msk [tilespmem:v18+s6+$0x0], $0xffff;
	v12 =	vor.u32 v4, v12  }
0x200: {  	vm2 =	vmmov vm3;
	v18 =	vshll.u32 v25, $0x7;
	[tilespmem:v23+s15+$0x0] =	vst.idx.add.f32.msk $0xffff, v16;
	v23 =	vsel vm1, v12, v4  }
0x201: {  	v17 =	vor.u32 v7, v17;
	[tilespmem:s11+$0xFFFFFF60] =	vst v20;
	v16 =	vor.u32 v4, v18;
	v18 =	vnsel vm2, $0x0, v20;
	v62 =	vld.idx.msk [tilespmem:v25+s6+$0x0], $0xffff  }
0x202: {  	vm0 =	vlt.s32 v13, $0x1F8;
	v61 =	vsel vm4, v17, v7;
	v63 =	vsel vm5, v16, v4;
	[tilespmem:v15+s15+$0x0] =	vst.idx.add.f32.msk $0xffff, v18  }
0x203: {  	v17 =	vor.u32 v8, v59;
	vm3 =	vlt.s32 v19, $0x1F8;
	v15 =	vshll.u32 v19, $0x7;
	v14 =	vld.idx.msk [tilespmem:v14+s6+$0x0], $0xffff  }
0x204: {  	v12 =	vsel vm0, v17, v8;
	v17 =	vld [tilespmem:s30+$0xFFFFFFE0];
	v15 =	vor.u32 v5, v15;
	[tilespmem:s29+$0xFFFFFFC0] =	vst v21;
	v20 =	vnsel vm1, $0x0, v21  }
0x205: {  	v18 =	vshll.u32 v9, $0x7;
	v16 =	vsel vm3, v15, v5;
	[tilespmem:v23+s15+$0x0] =	vst.idx.add.f32.msk $0xffff, v20  }
0x206: {  	v15 =	vor.u32 v6, v18;
	v18 =	vshll.u32 v11, $0x7;
	[tilespmem:s29+$0xFFFFFF40] =	vst v62;
	v21 =	vnsel vm5, $0x0, v62;
	v20 =	vld.idx.msk [tilespmem:v60+s6+$0x0], $0xffff  }
0x207: {  	vm6 =	vlt.s32 v11, $0x1F8;
	vm2 =	vmmov vm4;
	v18 =	vor.u32 v7, v18;
	[tilespmem:v63+s15+$0x0] =	vst.idx.add.f32.msk $0xffff, v21  }
0x208: {  	v21 =	vld.idx.msk [tilespmem:v19+s6+$0x0], $0xffff;
	[tilespmem:s11+$0xFFFFFF70] =	vst v14;
	v19 =	vnsel vm2, $0x0, v14;
	v14 =	vsel vm6, v18, v7;
	v18 =	vshll.u32 v60, $0x7  }
0x209: {  	vm5 =	vlt.s32 v60, $0x1F8;
	[tilespmem:v61+s15+$0x0] =	vst.idx.add.f32.msk $0xffff, v19;
	v19 =	vor.u32 v5, v18  }
0x20a: {  	[tilespmem:s11+$0x0] =	vst v22;
	v22 =	vsel vm5, v19, v5  }
0x20b: {  	vm0 =	vmmov vm0;
	vm1 =	vlt.s32 v9, $0x1F8;
	v23 =	vshll.u32 v10, $0x7  }
0x20c: {  	vm4 =	vlt.s32 v10, $0x1F8;
	v15 =	vsel vm1, v15, v6;
	v23 =	vor.u32 v8, v23;
	v18 =	vld.idx.msk [tilespmem:v13+s6+$0x0], $0xffff  }
0x20d: {  	s8 =	simm.s32 $0x12AF0;
	s3 =	simm.s32 $0x2;
	vm2 =	vmmov vm1;
	vm1 =	vmmov vm6;
	v13 =	vsel vm4, v23, v8;
	v19 =	vld [tilespmem:s30+$0xFFFFFFF0]  }
.LBB2_12:
0x20e: {  	v23 =	vld [tilespmem:s8+$0xFFFFFF90];
	[tilespmem:s29+$0xFFFFFFD0] =	vst v20;
	v20 =	vnsel vm5, $0x0, v20  }
0x20f: {  	[tilespmem:v22+s15+$0x0] =	vst.idx.add.f32.msk $0xffff, v20  }
0x210: {  	s3 =	sadd.s32 $0x2, s3;
	v20 =	vnsel vm3, $0x0, v21;
	v22 =	vshll.u32 v17, $0x7;
	[tilespmem:s29+$0xFFFFFF50] =	vst v21;
	v21 =	vld.idx.msk [tilespmem:v17+s6+$0x0], $0xffff  }
0x211: {  	p1 =	slt.u32 s3, $0x26;
	vm3 =	vlt.s32 v17, $0x1F8;
	v17 =	vor.u32 v6, v22;
	v24 =	vld [tilespmem:s8+$0xFFFFFF10]  }
0x212: {  	v25 =	vsel vm3, v17, v6;
	v17 =	vnsel vm0, $0x0, v18;
	vm0 =	vmmov vm4;
	v22 =	vld [tilespmem:s8+$0xFFFFFF20];
	[tilespmem:s11+$0xFFFFFF80] =	vst v18;
	s11 =	smov.u32 s29  }
0x213: {  	v26 =	vld [tilespmem:s8+$0xFFFFFF30]  }
0x214: {  	v27 =	vld [tilespmem:s30+$0x0];
	s30 =	smov.u32 s8  }
0x215: {  	v28 =	vld [tilespmem:s8+$0xFFFFFFA0]  }
0x216: {  	v30 =	vshll.u32 v23, $0x7;
	v18 =	vshll.u32 v24, $0x7;
	v29 =	vld.idx.msk [tilespmem:v23+s6+$0x0], $0xffff;
	[tilespmem:s29+$0xFFFFFFE0] =	vst v21;
	v21 =	vnsel vm3, $0x0, v21  }
0x217: {  	vm5 =	vlt.s32 v23, $0x1F8;
	v23 =	vor.u32 v0, v30;
	v18 =	vor.u32 v0, v18;
	[tilespmem:v25+s15+$0x0] =	vst.idx.add.f32.msk $0xffff, v21  }
0x218: {  	vm3 =	vlt.s32 v24, $0x1F8;
	v21 =	vsel vm5, v23, v0;
	v25 =	vshll.u32 v19, $0x7;
	v23 =	vld.idx.msk [tilespmem:v19+s6+$0x0], $0xffff  }
0x219: {  	vm7 =	vlt.s32 v19, $0x1F8;
	v30 =	vsel vm3, v18, v0;
	v18 =	vor.u32 v7, v25;
	v24 =	vld.idx.msk [tilespmem:v24+s6+$0x0], $0xffff  }
0x21a: {  	vm6 =	vlt.s32 v22, $0x1F8;
	v19 =	vshll.u32 v22, $0x7;
	v31 =	vsel vm7, v18, v7;
	v25 =	vld [tilespmem:s8+$0xFFFFFF40]  }
0x21b: {  	s29 =	sadd.s32 $0x100, s29;
	vm4 =	vlt.s32 v26, $0x1F8;
	v32 =	vshll.u32 v26, $0x7;
	v19 =	vor.u32 v2, v19;
	v18 =	vld [tilespmem:s8+$0xFFFFFF50]  }
0x21c: {  	v32 =	vor.u32 v3, v32;
	v19 =	vsel vm6, v19, v2;
	[tilespmem:s29+$0xFFFFFF90] =	vst v29;
	v29 =	vnsel vm5, $0x0, v29;
	v33 =	vld [tilespmem:s8+$0xFFFFFFB0]  }
0x21d: {  	v32 =	vsel vm4, v32, v3;
	[tilespmem:v21+s15+$0x0] =	vst.idx.add.f32.msk $0xffff, v29  }
0x21e: {  	v21 =	vld.idx.msk [tilespmem:v28+s6+$0x0], $0xffff;
	[tilespmem:s11+$0xFFFFFFF0] =	vst v23;
	v23 =	vnsel vm7, $0x0, v23  }
0x21f: {  	v35 =	vshll.u32 v28, $0x7;
	v29 =	vnsel vm3, $0x0, v24;
	v34 =	vshll.u32 v25, $0x7;
	[tilespmem:v31+s15+$0x0] =	vst.idx.add.f32.msk $0xffff, v23  }
0x220: {  	vm7 =	vlt.s32 v28, $0x1F8;
	v28 =	vshll.u32 v27, $0x7;
	v23 =	vor.u32 v2, v35;
	[tilespmem:s29+$0xFFFFFF10] =	vst v24;
	v24 =	vld.idx.msk [tilespmem:v27+s6+$0x0], $0xffff  }
0x221: {  	vm8 =	vlt.s32 v27, $0x1F8;
	v23 =	vsel vm7, v23, v2;
	v27 =	vor.u32 v8, v28;
	[tilespmem:v30+s15+$0x0] =	vst.idx.add.f32.msk $0xffff, v29  }
0x222: {  	vm5 =	vlt.s32 v25, $0x1F8;
	v28 =	vor.u32 v4, v34;
	v27 =	vsel vm8, v27, v8;
	v22 =	vld.idx.msk [tilespmem:v22+s6+$0x0], $0xffff  }
0x223: {  	vm3 =	vlt.s32 v18, $0x1F8;
	v28 =	vsel vm5, v28, v4;
	v29 =	vshll.u32 v18, $0x7;
	v30 =	vld [tilespmem:s8+$0xFFFFFF60]  }
0x224: {  	v29 =	vor.u32 v5, v29;
	[tilespmem:v16+s15+$0x0] =	vst.idx.add.f32.msk $0xffff, v20  }
0x225: {  	v16 =	vsel vm3, v29, v5;
	v20 =	vnsel vm7, $0x0, v21;
	[tilespmem:s29+$0xFFFFFFA0] =	vst v21;
	v21 =	vld [tilespmem:s8+$0xFFFFFFC0]  }
0x226: {  	[tilespmem:v23+s15+$0x0] =	vst.idx.add.f32.msk $0xffff, v20;
	v20 =	vnsel vm8, $0x0, v24  }
0x227: {  	[tilespmem:v27+s15+$0x0] =	vst.idx.add.f32.msk $0xffff, v20  }
0x228: {  	v20 =	vnsel vm6, $0x0, v22;
	v27 =	vshll.u32 v33, $0x7;
	[tilespmem:s29+$0xFFFFFF20] =	vst v22;
	v22 =	vshll.u32 v30, $0x7;
	v23 =	vld.idx.msk [tilespmem:v33+s6+$0x0], $0xffff  }
0x229: {  	vm7 =	vlt.s32 v33, $0x1F8;
	[tilespmem:v19+s15+$0x0] =	vst.idx.add.f32.msk $0xffff, v20;
	v19 =	vor.u32 v6, v22;
	v20 =	vor.u32 v3, v27  }
0x22a: {  	vm6 =	vlt.s32 v30, $0x1F8;
	v22 =	vld.idx.msk [tilespmem:v26+s6+$0x0], $0xffff;
	v20 =	vsel vm7, v20, v3;
	[tilespmem:s11+$0x0] =	vst v24  }
0x22b: {  	v19 =	vsel vm6, v19, v6;
	v24 =	vld.idx.msk [tilespmem:v9+s6+$0x0], $0xffff;
	v9 =	vmov v30  }
0x22c: {  	v26 =	vld [tilespmem:s8+$0xFFFFFF70]  }
0x22d: {  	v27 =	vld [tilespmem:s8+$0xFFFFFF80]  }
0x22e: {  	[tilespmem:s29+$0xFFFFFFB0] =	vst v23;
	v23 =	vnsel vm7, $0x0, v23;
	v29 =	vld [tilespmem:s8+$0xFFFFFFD0]  }
0x22f: {  	[tilespmem:v20+s15+$0x0] =	vst.idx.add.f32.msk $0xffff, v23  }
0x230: {  	v20 =	vnsel vm4, $0x0, v22;
	v23 =	vshll.u32 v21, $0x7;
	[tilespmem:s29+$0xFFFFFF30] =	vst v22;
	v22 =	vld.idx.msk [tilespmem:v21+s6+$0x0], $0xffff  }
0x231: {  	vm8 =	vlt.s32 v21, $0x1F8;
	v21 =	vnsel vm2, $0x0, v24;
	[tilespmem:v32+s15+$0x0] =	vst.idx.add.f32.msk $0xffff, v20;
	v20 =	vor.u32 v4, v23  }
0x232: {  	vm7 =	vlt.s32 v26, $0x1F8;
	v23 =	vld.idx.msk [tilespmem:v25+s6+$0x0], $0xffff;
	v25 =	vshll.u32 v26, $0x7;
	v20 =	vsel vm8, v20, v4;
	[tilespmem:s11+$0xFFFFFF60] =	vst v24  }
0x233: {  	vm4 =	vlt.s32 v27, $0x1F8;
	v24 =	vor.u32 v7, v25;
	v25 =	vshll.u32 v27, $0x7;
	[tilespmem:v15+s15+$0x0] =	vst.idx.add.f32.msk $0xffff, v21;
	v15 =	vmovc v19  }
0x234: {  	vm2 =	vmmov vm6;
	v19 =	vsel vm7, v24, v7;
	v21 =	vor.u32 v8, v25;
	v24 =	vld.idx.msk [tilespmem:v11+s6+$0x0], $0xffff;
	v11 =	vmovc v26  }
0x235: {  	[tilespmem:v12+s15+$0x0] =	vst.idx.add.f32.msk $0xffff, v17;
	v12 =	vmov v13;
	v13 =	vsel vm4, v21, v8  }
0x236: {  	v21 =	vnsel vm8, $0x0, v22;
	[tilespmem:s29+$0xFFFFFFC0] =	vst v22;
	v17 =	vld [tilespmem:s8+$0xFFFFFFE0]  }
0x237: {  	[tilespmem:v20+s15+$0x0] =	vst.idx.add.f32.msk $0xffff, v21  }
0x238: {  	v22 =	vshll.u32 v29, $0x7;
	v21 =	vnsel vm5, $0x0, v23;
	[tilespmem:s29+$0xFFFFFF40] =	vst v23;
	v20 =	vld.idx.msk [tilespmem:v29+s6+$0x0], $0xffff  }
.Ltmp9:
0x239: {  	vm5 =	vlt.s32 v29, $0x1F8;
	v22 =	vor.u32 v5, v22;
	[tilespmem:v28+s15+$0x0] =	vst.idx.add.f32.msk $0xffff, v21;
	(pc) =	sbr.rel @p1 .LBB2_12-.Ltmp9, $4  }
0x23a: {  	v22 =	vsel vm5, v22, v5;
	v21 =	vld.idx.msk [tilespmem:v18+s6+$0x0], $0xffff;
	[tilespmem:s11+$0xFFFFFF70] =	vst v24;
	v18 =	vnsel vm1, $0x0, v24;
	vm1 =	vmmov vm7  }
0x23b: {  	[tilespmem:v14+s15+$0x0] =	vst.idx.add.f32.msk $0xffff, v18;
	v14 =	vmov v19  }
0x23c: {  	v18 =	vld.idx.msk [tilespmem:v10+s6+$0x0], $0xffff;
	v10 =	vmov v27  }
0x23d: {  	s8 =	sadd.s32 $0x100, s8;
	v19 =	vld [tilespmem:s30+$0xFFFFFFF0]  }
0x23e: {  	_ =	sdelay $0x2  }
0x23f: {  	[tilespmem:s29+$0xFFFFFFD0] =	vst v20;
	v55 =	vnsel vm5, $0x0, v20  }
0x240: {  	v56 =	vshll.u32 v17, $0x7;
	[tilespmem:v22+s15+$0x0] =	vst.idx.add.f32.msk $0xffff, v55  }
0x241: {  	vm12 =	vlt.s32 v17, $0x1F8;
	v57 =	vor.u32 v6, v56;
	[tilespmem:s29+$0xFFFFFF50] =	vst v21;
	v58 =	vnsel vm3, $0x0, v21;
	v22 =	vld.idx.msk [tilespmem:v17+s6+$0x0], $0xffff  }
0x242: {  	v17 =	vsel vm12, v57, v6;
	[tilespmem:v16+s15+$0x0] =	vst.idx.add.f32.msk $0xffff, v58  }
0x243: {  	v9 =	vld.idx.msk [tilespmem:v9+s6+$0x0], $0xffff;
	_ =	sdelay $0x2  }
0x244: {  	v59 =	vld [tilespmem:s30+$0x0];
	[tilespmem:s29+$0xFFFFFFE0] =	vst v22;
	v60 =	vnsel vm12, $0x0, v22  }
0x245: {  	v61 =	vshll.u32 v19, $0x7;
	[tilespmem:v17+s15+$0x0] =	vst.idx.add.f32.msk $0xffff, v60  }
0x246: {  	vm13 =	vlt.s32 v19, $0x1F8;
	v17 =	vor.u32 v7, v61;
	v62 =	vnsel vm2, $0x0, v9;
	[tilespmem:s29+$0xFFFFFF60] =	vst v9;
	v20 =	vld.idx.msk [tilespmem:v19+s6+$0x0], $0xffff  }
0x247: {  	v17 =	vsel vm13, v17, v7;
	[tilespmem:v15+s15+$0x0] =	vst.idx.add.f32.msk $0xffff, v62  }
0x248: {  	v9 =	vld.idx.msk [tilespmem:v11+s6+$0x0], $0xffff;
	_ =	sdelay $0x2  }
0x249: {  	[tilespmem:s29+$0xFFFFFFF0] =	vst v20;
	v11 =	vnsel vm13, $0x0, v20  }
0x24a: {  	[tilespmem:v17+s15+$0x0] =	vst.idx.add.f32.msk $0xffff, v11;
	v11 =	vshll.u32 v59, $0x7  }
0x24b: {  	vm14 =	vlt.s32 v59, $0x1F8;
	[tilespmem:s29+$0xFFFFFF70] =	vst v9;
	v9 =	vnsel vm1, $0x0, v9;
	v63 =	vld.idx.msk [tilespmem:v59+s6+$0x0], $0xffff;
	v11 =	vor.u32 v8, v11  }
0x24c: {  	[tilespmem:v14+s15+$0x0] =	vst.idx.add.f32.msk $0xffff, v9;
	v11 =	vsel vm14, v11, v8  }
0x24d: {  	v9 =	vld.idx.msk [tilespmem:v10+s6+$0x0], $0xffff;
	_ =	sdelay $0x1  }
0x24e: {  	[tilespmem:s11+$0xFFFFFF80] =	vst v18  }
0x24f: {  	s3 =	smul.u32 $0x28000, s13;
	v10 =	vnsel vm14, $0x0, v63;
	[tilespmem:s29+$0x0] =	vst v63  }
0x250: {  	[tilespmem:v11+s15+$0x0] =	vst.idx.add.f32.msk $0xffff, v10  }
0x251: {  	vm15 =	vmmov vm4;
	s3 =	sor.u32 s5, s3;
	v10 =	vnsel vm0, $0x0, v18;
	[tilespmem:s29+$0xFFFFFF80] =	vst v9  }
0x252: {  	s3 =	sshrl.u32 s3, $0x3;
	v9 =	vnsel vm15, $0x0, v9;
	[tilespmem:v12+s15+$0x0] =	vst.idx.add.f32.msk $0xffff, v10  }
0x253: {  	s31 =	sadd.s32 s9, s18;
	s3 =	sadd.s32 s4, s3;
	[tilespmem:v13+s15+$0x0] =	vst.idx.add.f32.msk $0xffff, v9  }
0x254: {  	[hbm4b:s3+s15] =	stream.strided.scatter [tilespmem:s25], [sflag:$0x7], $0x1400, s16, s15, $0x38;
	[tilespmem:$0x1A000] =	vst v63  }
0x255: {  	s3 =	sshrl.u32 s31, $0x3  }
0x256: {  	s3 =	sadd.s32 s1, s3  }
0x257: {  	[tilespmem:s17], [sflag:$0x1] =	stream.strided.gather [hbm4b:s3+s15], $0x1400, s16, s15, $0x38;
	[tilespmem:$0x1A000] =	vst v63  }
.LBB2_14:
0x258: {  	s11 =	sor.u32 $0x3, s12  }
0x259: {  	p1 =	sgt.u32 s11, $0x18  }
.Ltmp10:
0x25a: {  	_ = 	snop;
	(pc) =	sbr.rel @p1 .LBB2_18-.Ltmp10, $1  }
0x25b: {  	_ =	sdelay $0x3  }
0x25c: {  	_ =	swait.ge [sflag:s26], $0x1400  }
0x25d: {  	[sflag:s26] =	ssyncset.done $0x0  }
0x25e: {  	s3 =	simm.s32 @!p0 $0x8;
	[sflag:s26] =	ssyncadd.s32 $0xFFFFEC00  }
0x25f: {  	_ =	swait.ge @!p0 [sflag:s3], $0x1400  }
0x260: {  	[sflag:s3] =	ssyncset.done @!p0 $0x0  }
0x261: {  	s31 =	simm.s32 $0x13CF0;
	[sflag:s3] =	ssyncadd.s32 @!p0 $0xFFFFEC00  }
0x262: {  	v9 =	vld [tilespmem:s31+$0xFFFFFF90];
	_ =	sdelay $0x2  }
0x263: {  	v10 =	vld [tilespmem:s31+$0xFFFFFF10];
	_ =	sdelay $0x3  }
0x264: {  	v11 =	vld [tilespmem:s31+$0xFFFFFFA0];
	v12 =	vshll.u32 v9, $0x7  }
0x265: {  	vm0 =	vlt.s32 v9, $0x1F8;
	v13 =	vld.idx.msk [tilespmem:v9+s6+$0x0], $0xffff;
	v9 =	vor.u32 v0, v12  }
0x266: {  	v9 =	vsel vm0, v9, v0  }
0x267: {  	v14 =	vshll.u32 v10, $0x7;
	v12 =	vld [tilespmem:s31+$0xFFFFFF20]  }
0x268: {  	vm1 =	vlt.s32 v10, $0x1F8;
	v14 =	vor.u32 v0, v14;
	v10 =	vld.idx.msk [tilespmem:v10+s6+$0x0], $0xffff  }
0x269: {  	s12 =	simm.s32 $0x18CF0;
	v15 =	vld [tilespmem:s31+$0xFFFFFFB0];
	v14 =	vsel vm1, v14, v0  }
0x26a: {  	v17 =	vld [tilespmem:s31+$0xFFFFFF60];
	[tilespmem:s12+$0xFFFFFF90] =	vst v13;
	v13 =	vnsel vm0, $0x0, v13  }
0x26b: {  	[tilespmem:v9+s15+$0x0] =	vst.idx.add.f32.msk $0xffff, v13;
	v9 =	vshll.u32 v11, $0x7  }
0x26c: {  	s29 =	simm.s32 $0x13DF0;
	vm0 =	vlt.s32 v11, $0x1F8;
	v13 =	vld.idx.msk [tilespmem:v11+s6+$0x0], $0xffff;
	v9 =	vor.u32 v2, v9  }
0x26d: {  	v19 =	vld [tilespmem:s29+$0xFFFFFF10];
	v16 =	vnsel vm1, $0x0, v10;
	v9 =	vsel vm0, v9, v2  }
0x26e: {  	[tilespmem:v14+s15+$0x0] =	vst.idx.add.f32.msk $0xffff, v16  }
0x26f: {  	[tilespmem:s12+$0xFFFFFF10] =	vst v10;
	v10 =	vshll.u32 v12, $0x7;
	v11 =	vld [tilespmem:s31+$0xFFFFFF30]  }
0x270: {  	vm1 =	vlt.s32 v12, $0x1F8;
	v10 =	vor.u32 v2, v10;
	v12 =	vld.idx.msk [tilespmem:v12+s6+$0x0], $0xffff  }
0x271: {  	v14 =	vld [tilespmem:s31+$0xFFFFFFC0];
	v10 =	vsel vm1, v10, v2;
	[tilespmem:s12+$0xFFFFFFA0] =	vst v13;
	v13 =	vnsel vm0, $0x0, v13  }
0x272: {  	[tilespmem:v9+s15+$0x0] =	vst.idx.add.f32.msk $0xffff, v13;
	v9 =	vshll.u32 v15, $0x7  }
0x273: {  	vm0 =	vlt.s32 v15, $0x1F8;
	v13 =	vld.idx.msk [tilespmem:v15+s6+$0x0], $0xffff;
	v9 =	vor.u32 v3, v9  }
0x274: {  	v20 =	vld [tilespmem:s29+$0xFFFFFF30];
	v9 =	vsel vm0, v9, v3  }
0x275: {  	[tilespmem:s12+$0xFFFFFF20] =	vst v12;
	v12 =	vnsel vm1, $0x0, v12;
	v15 =	vld [tilespmem:s31+$0xFFFFFF40]  }
0x276: {  	v16 =	vshll.u32 v11, $0x7;
	[tilespmem:v10+s15+$0x0] =	vst.idx.add.f32.msk $0xffff, v12  }
0x277: {  	vm1 =	vlt.s32 v11, $0x1F8;
	v10 =	vor.u32 v3, v16;
	v11 =	vld.idx.msk [tilespmem:v11+s6+$0x0], $0xffff  }
0x278: {  	v16 =	vld [tilespmem:s31+$0xFFFFFFD0];
	v10 =	vsel vm1, v10, v3;
	[tilespmem:s12+$0xFFFFFFB0] =	vst v13;
	v13 =	vnsel vm0, $0x0, v13  }
0x279: {  	[tilespmem:v9+s15+$0x0] =	vst.idx.add.f32.msk $0xffff, v13;
	v9 =	vshll.u32 v14, $0x7  }
0x27a: {  	vm0 =	vlt.s32 v14, $0x1F8;
	v13 =	vld.idx.msk [tilespmem:v14+s6+$0x0], $0xffff;
	v9 =	vor.u32 v4, v9  }
0x27b: {  	v21 =	vld [tilespmem:s31+$0x0];
	v9 =	vsel vm0, v9, v4  }
0x27c: {  	v22 =	vld [tilespmem:s29+$0xFFFFFFA0];
	[tilespmem:s12+$0xFFFFFF30] =	vst v11;
	v11 =	vnsel vm1, $0x0, v11  }
0x27d: {  	v14 =	vshll.u32 v15, $0x7;
	[tilespmem:v10+s15+$0x0] =	vst.idx.add.f32.msk $0xffff, v11  }
0x27e: {  	vm1 =	vlt.s32 v15, $0x1F8;
	v10 =	vor.u32 v4, v14;
	v11 =	vld.idx.msk [tilespmem:v15+s6+$0x0], $0xffff  }
0x27f: {  	v15 =	vld [tilespmem:s31+$0xFFFFFFE0];
	v10 =	vsel vm1, v10, v4;
	[tilespmem:s12+$0xFFFFFFC0] =	vst v13;
	v13 =	vnsel vm0, $0x0, v13  }
0x280: {  	[tilespmem:v9+s15+$0x0] =	vst.idx.add.f32.msk $0xffff, v13;
	v9 =	vshll.u32 v16, $0x7  }
0x281: {  	vm0 =	vlt.s32 v16, $0x1F8;
	v18 =	vld.idx.msk [tilespmem:v16+s6+$0x0], $0xffff;
	v9 =	vor.u32 v5, v9  }
0x282: {  	v25 =	vld [tilespmem:s29+$0xFFFFFF40];
	v9 =	vsel vm0, v9, v5  }
0x283: {  	v26 =	vld [tilespmem:s29+$0xFFFFFFB0];
	[tilespmem:s12+$0xFFFFFF40] =	vst v11;
	v11 =	vnsel vm1, $0x0, v11  }
0x284: {  	[tilespmem:v10+s15+$0x0] =	vst.idx.add.f32.msk $0xffff, v11  }
0x285: {  	v16 =	vld [tilespmem:s29+$0xFFFFFF90]  }
0x286: {  	v11 =	vld [tilespmem:s31+$0xFFFFFFF0];
	[tilespmem:s12+$0xFFFFFFD0] =	vst v18;
	v18 =	vnsel vm0, $0x0, v18  }
0x287: {  	[tilespmem:v9+s15+$0x0] =	vst.idx.add.f32.msk $0xffff, v18;
	v18 =	vshll.u32 v15, $0x7  }
0x288: {  	vm0 =	vlt.s32 v15, $0x1F8;
	v9 =	vld.idx.msk [tilespmem:v15+s6+$0x0], $0xffff;
	v15 =	vor.u32 v6, v18  }
0x289: {  	v60 =	vld [tilespmem:s29+$0xFFFFFFD0];
	v15 =	vsel vm0, v15, v6  }
0x28a: {  	v12 =	vld [tilespmem:s31+$0xFFFFFF50]  }
0x28b: {  	v56 =	vld.idx.msk [tilespmem:v19+s6+$0x0], $0xffff  }
0x28c: {  	v14 =	vld [tilespmem:s31+$0xFFFFFF70];
	v24 =	vshll.u32 v16, $0x7  }
0x28d: {  	v23 =	vld.idx.msk [tilespmem:v16+s6+$0x0], $0xffff;
	[tilespmem:s12+$0xFFFFFFE0] =	vst v9;
	v9 =	vnsel vm0, $0x0, v9;
	vm0 =	vlt.s32 v16, $0x1F8;
	v16 =	vor.u32 v0, v24  }
0x28e: {  	[tilespmem:v15+s15+$0x0] =	vst.idx.add.f32.msk $0xffff, v9;
	v9 =	vsel vm0, v16, v0;
	v16 =	vshll.u32 v11, $0x7  }
0x28f: {  	vm1 =	vlt.s32 v11, $0x1F8;
	v15 =	vld.idx.msk [tilespmem:v11+s6+$0x0], $0xffff;
	v11 =	vor.u32 v7, v16  }
0x290: {  	v13 =	vld [tilespmem:s31+$0xFFFFFF80];
	v16 =	vshll.u32 v19, $0x7;
	v11 =	vsel vm1, v11, v7  }
0x291: {  	s13 =	simm.s32 $0x18DF0;
	vm2 =	vlt.s32 v19, $0x1F8;
	v18 =	vld [tilespmem:s29+$0xFFFFFF20];
	v16 =	vor.u32 v0, v16  }
0x292: {  	v10 =	vld.idx.msk [tilespmem:v12+s6+$0x0], $0xffff;
	[tilespmem:s13+$0xFFFFFF90] =	vst v23;
	v23 =	vnsel vm0, $0x0, v23;
	v16 =	vsel vm2, v16, v0  }
0x293: {  	v27 =	vshll.u32 v12, $0x7;
	[tilespmem:v9+s15+$0x0] =	vst.idx.add.f32.msk $0xffff, v23  }
0x294: {  	vm0 =	vlt.s32 v12, $0x1F8;
	v9 =	vor.u32 v5, v27;
	v12 =	vld.idx.msk [tilespmem:v22+s6+$0x0], $0xffff;
	[tilespmem:s12+$0xFFFFFFF0] =	vst v15;
	v15 =	vnsel vm1, $0x0, v15  }
0x295: {  	v57 =	vshll.u32 v22, $0x7;
	v23 =	vsel vm0, v9, v5;
	v9 =	vnsel vm2, $0x0, v56;
	[tilespmem:v11+s15+$0x0] =	vst.idx.add.f32.msk $0xffff, v15  }
0x296: {  	vm1 =	vlt.s32 v22, $0x1F8;
	v11 =	vor.u32 v2, v57;
	v15 =	vshll.u32 v21, $0x7;
	v22 =	vld.idx.msk [tilespmem:v21+s6+$0x0], $0xffff  }
0x297: {  	vm2 =	vlt.s32 v21, $0x1F8;
	[tilespmem:v16+s15+$0x0] =	vst.idx.add.f32.msk $0xffff, v9;
	v11 =	vsel vm1, v11, v2;
	v9 =	vor.u32 v8, v15  }
0x298: {  	[tilespmem:s13+$0xFFFFFF10] =	vst v56;
	v19 =	vld [tilespmem:s29+$0xFFFFFF50];
	v15 =	vshll.u32 v18, $0x7;
	v21 =	vsel vm2, v9, v8  }
0x299: {  	v58 =	vnsel vm0, $0x0, v10;
	vm0 =	vlt.s32 v18, $0x1F8;
	v16 =	vld.idx.msk [tilespmem:v18+s6+$0x0], $0xffff;
	v15 =	vor.u32 v2, v15  }
0x29a: {  	[tilespmem:s12+$0xFFFFFF50] =	vst v10;
	v9 =	vld [tilespmem:s29+$0xFFFFFF60];
	v15 =	vsel vm0, v15, v2  }
0x29b: {  	v18 =	vld [tilespmem:s29+$0xFFFFFFC0];
	[tilespmem:s13+$0xFFFFFFA0] =	vst v12;
	v12 =	vnsel vm1, $0x0, v12  }
0x29c: {  	[tilespmem:v11+s15+$0x0] =	vst.idx.add.f32.msk $0xffff, v12;
	v11 =	vnsel vm2, $0x0, v22  }
0x29d: {  	[tilespmem:v21+s15+$0x0] =	vst.idx.add.f32.msk $0xffff, v11  }
0x29e: {  	[tilespmem:s13+$0xFFFFFF20] =	vst v16;
	v11 =	vnsel vm0, $0x0, v16;
	v12 =	vld.idx.msk [tilespmem:v26+s6+$0x0], $0xffff;
	v16 =	vshll.u32 v26, $0x7  }
0x29f: {  	vm1 =	vlt.s32 v26, $0x1F8;
	[tilespmem:v15+s15+$0x0] =	vst.idx.add.f32.msk $0xffff, v11;
	v11 =	vor.u32 v3, v16  }
0x2a0: {  	v10 =	vshll.u32 v20, $0x7;
	[tilespmem:v23+s15+$0x0] =	vst.idx.add.f32.msk $0xffff, v58;
	v21 =	vsel vm1, v11, v3  }
0x2a1: {  	v10 =	vor.u32 v3, v10;
	vm2 =	vlt.s32 v20, $0x1F8;
	v16 =	vld.idx.msk [tilespmem:v20+s6+$0x0], $0xffff  }
0x2a2: {  	v23 =	vsel vm2, v10, v3;
	v10 =	vld [tilespmem:s29+$0xFFFFFF80];
	v15 =	vshll.u32 v17, $0x7  }
0x2a3: {  	vm3 =	vlt.s32 v17, $0x1F8;
	vm5 =	vlt.s32 v25, $0x1F8;
	v15 =	vor.u32 v6, v15;
	v20 =	vld.idx.msk [tilespmem:v17+s6+$0x0], $0xffff  }
0x2a4: {  	vm4 =	vlt.s32 v14, $0x1F8;
	v11 =	vld [tilespmem:s29+$0xFFFFFF70];
	v15 =	vsel vm3, v15, v6;
	[tilespmem:s13+$0xFFFFFFB0] =	vst v12;
	v12 =	vnsel vm1, $0x0, v12  }
0x2a5: {  	v59 =	vshll.u32 v13, $0x7;
	v17 =	vshll.u32 v14, $0x7;
	[tilespmem:v21+s15+$0x0] =	vst.idx.add.f32.msk $0xffff, v12;
	v12 =	vshll.u32 v18, $0x7  }
0x2a6: {  	vm1 =	vlt.s32 v18, $0x1F8;
	[tilespmem:s13+$0xFFFFFF30] =	vst v16;
	v16 =	vnsel vm2, $0x0, v16;
	v21 =	vld.idx.msk [tilespmem:v18+s6+$0x0], $0xffff;
	v12 =	vor.u32 v4, v12  }
0x2a7: {  	vm2 =	vmmov vm3;
	v18 =	vshll.u32 v25, $0x7;
	[tilespmem:v23+s15+$0x0] =	vst.idx.add.f32.msk $0xffff, v16;
	v23 =	vsel vm1, v12, v4  }
0x2a8: {  	v17 =	vor.u32 v7, v17;
	[tilespmem:s12+$0xFFFFFF60] =	vst v20;
	v16 =	vor.u32 v4, v18;
	v18 =	vnsel vm2, $0x0, v20;
	v62 =	vld.idx.msk [tilespmem:v25+s6+$0x0], $0xffff  }
0x2a9: {  	vm0 =	vlt.s32 v13, $0x1F8;
	v61 =	vsel vm4, v17, v7;
	v63 =	vsel vm5, v16, v4;
	[tilespmem:v15+s15+$0x0] =	vst.idx.add.f32.msk $0xffff, v18  }
0x2aa: {  	v17 =	vor.u32 v8, v59;
	vm3 =	vlt.s32 v19, $0x1F8;
	v15 =	vshll.u32 v19, $0x7;
	v14 =	vld.idx.msk [tilespmem:v14+s6+$0x0], $0xffff  }
0x2ab: {  	v12 =	vsel vm0, v17, v8;
	v17 =	vld [tilespmem:s29+$0xFFFFFFE0];
	v15 =	vor.u32 v5, v15;
	[tilespmem:s13+$0xFFFFFFC0] =	vst v21;
	v20 =	vnsel vm1, $0x0, v21  }
0x2ac: {  	v18 =	vshll.u32 v9, $0x7;
	v16 =	vsel vm3, v15, v5;
	[tilespmem:v23+s15+$0x0] =	vst.idx.add.f32.msk $0xffff, v20  }
0x2ad: {  	v15 =	vor.u32 v6, v18;
	v18 =	vshll.u32 v11, $0x7;
	[tilespmem:s13+$0xFFFFFF40] =	vst v62;
	v21 =	vnsel vm5, $0x0, v62;
	v20 =	vld.idx.msk [tilespmem:v60+s6+$0x0], $0xffff  }
0x2ae: {  	vm6 =	vlt.s32 v11, $0x1F8;
	vm2 =	vmmov vm4;
	v18 =	vor.u32 v7, v18;
	[tilespmem:v63+s15+$0x0] =	vst.idx.add.f32.msk $0xffff, v21  }
0x2af: {  	v21 =	vld.idx.msk [tilespmem:v19+s6+$0x0], $0xffff;
	[tilespmem:s12+$0xFFFFFF70] =	vst v14;
	v19 =	vnsel vm2, $0x0, v14;
	v14 =	vsel vm6, v18, v7;
	v18 =	vshll.u32 v60, $0x7  }
0x2b0: {  	vm5 =	vlt.s32 v60, $0x1F8;
	[tilespmem:v61+s15+$0x0] =	vst.idx.add.f32.msk $0xffff, v19;
	v19 =	vor.u32 v5, v18  }
0x2b1: {  	[tilespmem:s12+$0x0] =	vst v22;
	v22 =	vsel vm5, v19, v5  }
0x2b2: {  	vm0 =	vmmov vm0;
	vm1 =	vlt.s32 v9, $0x1F8;
	v23 =	vshll.u32 v10, $0x7  }
0x2b3: {  	vm4 =	vlt.s32 v10, $0x1F8;
	v15 =	vsel vm1, v15, v6;
	v23 =	vor.u32 v8, v23;
	v18 =	vld.idx.msk [tilespmem:v13+s6+$0x0], $0xffff  }
0x2b4: {  	s8 =	simm.s32 $0x13EF0;
	s3 =	simm.s32 $0x2;
	vm2 =	vmmov vm1;
	vm1 =	vmmov vm6;
	v13 =	vsel vm4, v23, v8;
	v19 =	vld [tilespmem:s29+$0xFFFFFFF0]  }
.LBB2_16:
0x2b5: {  	v23 =	vld [tilespmem:s8+$0xFFFFFF90];
	[tilespmem:s13+$0xFFFFFFD0] =	vst v20;
	v20 =	vnsel vm5, $0x0, v20  }
0x2b6: {  	[tilespmem:v22+s15+$0x0] =	vst.idx.add.f32.msk $0xffff, v20  }
0x2b7: {  	s3 =	sadd.s32 $0x2, s3;
	v20 =	vnsel vm3, $0x0, v21;
	v22 =	vshll.u32 v17, $0x7;
	[tilespmem:s13+$0xFFFFFF50] =	vst v21;
	v21 =	vld.idx.msk [tilespmem:v17+s6+$0x0], $0xffff  }
0x2b8: {  	p0 =	slt.u32 s3, $0x26;
	vm3 =	vlt.s32 v17, $0x1F8;
	v17 =	vor.u32 v6, v22;
	v24 =	vld [tilespmem:s8+$0xFFFFFF10]  }
0x2b9: {  	v25 =	vsel vm3, v17, v6;
	v17 =	vnsel vm0, $0x0, v18;
	vm0 =	vmmov vm4;
	v22 =	vld [tilespmem:s8+$0xFFFFFF20];
	[tilespmem:s12+$0xFFFFFF80] =	vst v18;
	s12 =	smov.u32 s13  }
0x2ba: {  	v26 =	vld [tilespmem:s8+$0xFFFFFF30]  }
0x2bb: {  	v27 =	vld [tilespmem:s29+$0x0];
	s29 =	smov.u32 s8  }
0x2bc: {  	v28 =	vld [tilespmem:s8+$0xFFFFFFA0]  }
0x2bd: {  	v30 =	vshll.u32 v23, $0x7;
	v18 =	vshll.u32 v24, $0x7;
	v29 =	vld.idx.msk [tilespmem:v23+s6+$0x0], $0xffff;
	[tilespmem:s13+$0xFFFFFFE0] =	vst v21;
	v21 =	vnsel vm3, $0x0, v21  }
0x2be: {  	vm5 =	vlt.s32 v23, $0x1F8;
	v23 =	vor.u32 v0, v30;
	v18 =	vor.u32 v0, v18;
	[tilespmem:v25+s15+$0x0] =	vst.idx.add.f32.msk $0xffff, v21  }
0x2bf: {  	vm3 =	vlt.s32 v24, $0x1F8;
	v21 =	vsel vm5, v23, v0;
	v25 =	vshll.u32 v19, $0x7;
	v23 =	vld.idx.msk [tilespmem:v19+s6+$0x0], $0xffff  }
0x2c0: {  	vm7 =	vlt.s32 v19, $0x1F8;
	v30 =	vsel vm3, v18, v0;
	v18 =	vor.u32 v7, v25;
	v24 =	vld.idx.msk [tilespmem:v24+s6+$0x0], $0xffff  }
0x2c1: {  	vm6 =	vlt.s32 v22, $0x1F8;
	v19 =	vshll.u32 v22, $0x7;
	v31 =	vsel vm7, v18, v7;
	v25 =	vld [tilespmem:s8+$0xFFFFFF40]  }
0x2c2: {  	s13 =	sadd.s32 $0x100, s13;
	vm4 =	vlt.s32 v26, $0x1F8;
	v32 =	vshll.u32 v26, $0x7;
	v19 =	vor.u32 v2, v19;
	v18 =	vld [tilespmem:s8+$0xFFFFFF50]  }
0x2c3: {  	v32 =	vor.u32 v3, v32;
	v19 =	vsel vm6, v19, v2;
	[tilespmem:s13+$0xFFFFFF90] =	vst v29;
	v29 =	vnsel vm5, $0x0, v29;
	v33 =	vld [tilespmem:s8+$0xFFFFFFB0]  }
0x2c4: {  	v32 =	vsel vm4, v32, v3;
	[tilespmem:v21+s15+$0x0] =	vst.idx.add.f32.msk $0xffff, v29  }
0x2c5: {  	v21 =	vld.idx.msk [tilespmem:v28+s6+$0x0], $0xffff;
	[tilespmem:s12+$0xFFFFFFF0] =	vst v23;
	v23 =	vnsel vm7, $0x0, v23  }
0x2c6: {  	v35 =	vshll.u32 v28, $0x7;
	v29 =	vnsel vm3, $0x0, v24;
	v34 =	vshll.u32 v25, $0x7;
	[tilespmem:v31+s15+$0x0] =	vst.idx.add.f32.msk $0xffff, v23  }
0x2c7: {  	vm7 =	vlt.s32 v28, $0x1F8;
	v28 =	vshll.u32 v27, $0x7;
	v23 =	vor.u32 v2, v35;
	[tilespmem:s13+$0xFFFFFF10] =	vst v24;
	v24 =	vld.idx.msk [tilespmem:v27+s6+$0x0], $0xffff  }
0x2c8: {  	vm8 =	vlt.s32 v27, $0x1F8;
	v23 =	vsel vm7, v23, v2;
	v27 =	vor.u32 v8, v28;
	[tilespmem:v30+s15+$0x0] =	vst.idx.add.f32.msk $0xffff, v29  }
0x2c9: {  	vm5 =	vlt.s32 v25, $0x1F8;
	v28 =	vor.u32 v4, v34;
	v27 =	vsel vm8, v27, v8;
	v22 =	vld.idx.msk [tilespmem:v22+s6+$0x0], $0xffff  }
0x2ca: {  	vm3 =	vlt.s32 v18, $0x1F8;
	v28 =	vsel vm5, v28, v4;
	v29 =	vshll.u32 v18, $0x7;
	v30 =	vld [tilespmem:s8+$0xFFFFFF60]  }
0x2cb: {  	v29 =	vor.u32 v5, v29;
	[tilespmem:v16+s15+$0x0] =	vst.idx.add.f32.msk $0xffff, v20  }
0x2cc: {  	v16 =	vsel vm3, v29, v5;
	v20 =	vnsel vm7, $0x0, v21;
	[tilespmem:s13+$0xFFFFFFA0] =	vst v21;
	v21 =	vld [tilespmem:s8+$0xFFFFFFC0]  }
0x2cd: {  	[tilespmem:v23+s15+$0x0] =	vst.idx.add.f32.msk $0xffff, v20;
	v20 =	vnsel vm8, $0x0, v24  }
0x2ce: {  	[tilespmem:v27+s15+$0x0] =	vst.idx.add.f32.msk $0xffff, v20  }
0x2cf: {  	v20 =	vnsel vm6, $0x0, v22;
	v27 =	vshll.u32 v33, $0x7;
	[tilespmem:s13+$0xFFFFFF20] =	vst v22;
	v22 =	vshll.u32 v30, $0x7;
	v23 =	vld.idx.msk [tilespmem:v33+s6+$0x0], $0xffff  }
0x2d0: {  	vm7 =	vlt.s32 v33, $0x1F8;
	[tilespmem:v19+s15+$0x0] =	vst.idx.add.f32.msk $0xffff, v20;
	v19 =	vor.u32 v6, v22;
	v20 =	vor.u32 v3, v27  }
0x2d1: {  	vm6 =	vlt.s32 v30, $0x1F8;
	v22 =	vld.idx.msk [tilespmem:v26+s6+$0x0], $0xffff;
	v20 =	vsel vm7, v20, v3;
	[tilespmem:s12+$0x0] =	vst v24  }
0x2d2: {  	v19 =	vsel vm6, v19, v6;
	v24 =	vld.idx.msk [tilespmem:v9+s6+$0x0], $0xffff;
	v9 =	vmov v30  }
0x2d3: {  	v26 =	vld [tilespmem:s8+$0xFFFFFF70]  }
0x2d4: {  	v27 =	vld [tilespmem:s8+$0xFFFFFF80]  }
0x2d5: {  	[tilespmem:s13+$0xFFFFFFB0] =	vst v23;
	v23 =	vnsel vm7, $0x0, v23;
	v29 =	vld [tilespmem:s8+$0xFFFFFFD0]  }
0x2d6: {  	[tilespmem:v20+s15+$0x0] =	vst.idx.add.f32.msk $0xffff, v23  }
0x2d7: {  	v20 =	vnsel vm4, $0x0, v22;
	v23 =	vshll.u32 v21, $0x7;
	[tilespmem:s13+$0xFFFFFF30] =	vst v22;
	v22 =	vld.idx.msk [tilespmem:v21+s6+$0x0], $0xffff  }
0x2d8: {  	vm8 =	vlt.s32 v21, $0x1F8;
	v21 =	vnsel vm2, $0x0, v24;
	[tilespmem:v32+s15+$0x0] =	vst.idx.add.f32.msk $0xffff, v20;
	v20 =	vor.u32 v4, v23  }
0x2d9: {  	vm7 =	vlt.s32 v26, $0x1F8;
	v23 =	vld.idx.msk [tilespmem:v25+s6+$0x0], $0xffff;
	v25 =	vshll.u32 v26, $0x7;
	v20 =	vsel vm8, v20, v4;
	[tilespmem:s12+$0xFFFFFF60] =	vst v24  }
0x2da: {  	vm4 =	vlt.s32 v27, $0x1F8;
	v24 =	vor.u32 v7, v25;
	v25 =	vshll.u32 v27, $0x7;
	[tilespmem:v15+s15+$0x0] =	vst.idx.add.f32.msk $0xffff, v21;
	v15 =	vmovc v19  }
0x2db: {  	vm2 =	vmmov vm6;
	v19 =	vsel vm7, v24, v7;
	v21 =	vor.u32 v8, v25;
	v24 =	vld.idx.msk [tilespmem:v11+s6+$0x0], $0xffff;
	v11 =	vmovc v26  }
0x2dc: {  	[tilespmem:v12+s15+$0x0] =	vst.idx.add.f32.msk $0xffff, v17;
	v12 =	vmov v13;
	v13 =	vsel vm4, v21, v8  }
0x2dd: {  	v21 =	vnsel vm8, $0x0, v22;
	[tilespmem:s13+$0xFFFFFFC0] =	vst v22;
	v17 =	vld [tilespmem:s8+$0xFFFFFFE0]  }
0x2de: {  	[tilespmem:v20+s15+$0x0] =	vst.idx.add.f32.msk $0xffff, v21  }
0x2df: {  	v22 =	vshll.u32 v29, $0x7;
	v21 =	vnsel vm5, $0x0, v23;
	[tilespmem:s13+$0xFFFFFF40] =	vst v23;
	v20 =	vld.idx.msk [tilespmem:v29+s6+$0x0], $0xffff  }
.Ltmp11:
0x2e0: {  	vm5 =	vlt.s32 v29, $0x1F8;
	v22 =	vor.u32 v5, v22;
	[tilespmem:v28+s15+$0x0] =	vst.idx.add.f32.msk $0xffff, v21;
	(pc) =	sbr.rel @p0 .LBB2_16-.Ltmp11, $4  }
0x2e1: {  	v22 =	vsel vm5, v22, v5;
	v21 =	vld.idx.msk [tilespmem:v18+s6+$0x0], $0xffff;
	[tilespmem:s12+$0xFFFFFF70] =	vst v24;
	v18 =	vnsel vm1, $0x0, v24;
	vm1 =	vmmov vm7  }
0x2e2: {  	[tilespmem:v14+s15+$0x0] =	vst.idx.add.f32.msk $0xffff, v18;
	v14 =	vmov v19  }
0x2e3: {  	v18 =	vld.idx.msk [tilespmem:v10+s6+$0x0], $0xffff;
	v10 =	vmov v27  }
0x2e4: {  	s8 =	sadd.s32 $0x100, s8;
	v19 =	vld [tilespmem:s29+$0xFFFFFFF0]  }
0x2e5: {  	_ =	sdelay $0x2  }
0x2e6: {  	[tilespmem:s13+$0xFFFFFFD0] =	vst v20;
	v55 =	vnsel vm5, $0x0, v20  }
0x2e7: {  	v56 =	vshll.u32 v17, $0x7;
	[tilespmem:v22+s15+$0x0] =	vst.idx.add.f32.msk $0xffff, v55  }
0x2e8: {  	vm12 =	vlt.s32 v17, $0x1F8;
	v57 =	vor.u32 v6, v56;
	[tilespmem:s13+$0xFFFFFF50] =	vst v21;
	v58 =	vnsel vm3, $0x0, v21;
	v22 =	vld.idx.msk [tilespmem:v17+s6+$0x0], $0xffff  }
0x2e9: {  	v17 =	vsel vm12, v57, v6;
	[tilespmem:v16+s15+$0x0] =	vst.idx.add.f32.msk $0xffff, v58  }
0x2ea: {  	v9 =	vld.idx.msk [tilespmem:v9+s6+$0x0], $0xffff;
	_ =	sdelay $0x2  }
0x2eb: {  	v59 =	vld [tilespmem:s29+$0x0];
	[tilespmem:s13+$0xFFFFFFE0] =	vst v22;
	v60 =	vnsel vm12, $0x0, v22  }
0x2ec: {  	v61 =	vshll.u32 v19, $0x7;
	[tilespmem:v17+s15+$0x0] =	vst.idx.add.f32.msk $0xffff, v60  }
0x2ed: {  	vm13 =	vlt.s32 v19, $0x1F8;
	v17 =	vor.u32 v7, v61;
	v62 =	vnsel vm2, $0x0, v9;
	[tilespmem:s13+$0xFFFFFF60] =	vst v9;
	v20 =	vld.idx.msk [tilespmem:v19+s6+$0x0], $0xffff  }
0x2ee: {  	v17 =	vsel vm13, v17, v7;
	[tilespmem:v15+s15+$0x0] =	vst.idx.add.f32.msk $0xffff, v62  }
0x2ef: {  	v9 =	vld.idx.msk [tilespmem:v11+s6+$0x0], $0xffff;
	_ =	sdelay $0x2  }
0x2f0: {  	[tilespmem:s13+$0xFFFFFFF0] =	vst v20;
	v11 =	vnsel vm13, $0x0, v20  }
0x2f1: {  	[tilespmem:v17+s15+$0x0] =	vst.idx.add.f32.msk $0xffff, v11;
	v11 =	vshll.u32 v59, $0x7  }
0x2f2: {  	vm14 =	vlt.s32 v59, $0x1F8;
	[tilespmem:s13+$0xFFFFFF70] =	vst v9;
	v9 =	vnsel vm1, $0x0, v9;
	v63 =	vld.idx.msk [tilespmem:v59+s6+$0x0], $0xffff;
	v11 =	vor.u32 v8, v11  }
0x2f3: {  	[tilespmem:v14+s15+$0x0] =	vst.idx.add.f32.msk $0xffff, v9;
	v11 =	vsel vm14, v11, v8  }
0x2f4: {  	v9 =	vld.idx.msk [tilespmem:v10+s6+$0x0], $0xffff;
	_ =	sdelay $0x1  }
0x2f5: {  	[tilespmem:s12+$0xFFFFFF80] =	vst v18  }
0x2f6: {  	s3 =	smul.u32 $0x28000, s11;
	v10 =	vnsel vm14, $0x0, v63;
	[tilespmem:s13+$0x0] =	vst v63  }
0x2f7: {  	[tilespmem:v11+s15+$0x0] =	vst.idx.add.f32.msk $0xffff, v10  }
0x2f8: {  	vm15 =	vmmov vm4;
	s3 =	sor.u32 s5, s3;
	v10 =	vnsel vm0, $0x0, v18;
	[tilespmem:s13+$0xFFFFFF80] =	vst v9  }
0x2f9: {  	s3 =	sshrl.u32 s3, $0x3;
	v9 =	vnsel vm15, $0x0, v9;
	[tilespmem:v12+s15+$0x0] =	vst.idx.add.f32.msk $0xffff, v10  }
0x2fa: {  	s3 =	sadd.s32 s4, s3;
	[tilespmem:v13+s15+$0x0] =	vst.idx.add.f32.msk $0xffff, v9  }
0x2fb: {  	[hbm4b:s3+s15] =	stream.strided.scatter [tilespmem:s28], [sflag:$0x8], $0x1400, s16, s15, $0x38;
	[tilespmem:$0x1A000] =	vst v63  }
.Ltmp12:
0x2fc: {  	p0 =	sgt.u32 s2, $0x4;
	(pc) =	sbr.rel .LBB2_18-.Ltmp12, $4  }
0x2fd: {  	s3 =	sadd.s32 @!p0 s10, s18  }
0x2fe: {  	s8 =	simm.s32 @!p0 $0x400;
	s3 =	sshrl.u32 @!p0 s3, $0x3  }
0x2ff: {  	s11 =	simm.s32 @!p0 $0x8000;
	s12 =	simm.s32 @!p0 $0x11400;
	s3 =	sadd.s32 @!p0 s1, s3  }
0x300: {  	[tilespmem:s12], [sflag:$0x2] =	stream.strided.gather @!p0 [hbm4b:s3+s8], $0x1400, s11, s8, $0x38;
	[tilespmem:$0x1A000] =	vst v63  }
.LBB2_19:
0x301: {  	s2 =	rddreg [dreg:$0x6]  }
0x302: {  	[hbm4b:s2+s15] =	stream.strided.scatter [tilespmem:s15], [sflag:$0x9], $0xFC00, s16, s15, $0x38;
	[tilespmem:$0x1A000] =	vst v63  }
0x303: {  	_ =	swait.ge [sflag:s14], $0xFC00  }
0x304: {  	[sflag:s14] =	ssyncset.done $0x0  }
0x305: {  	s12 =	simm.s32 $0x5;
	[sflag:s14] =	ssyncadd.s32 $0xFFFF0400  }
0x306: {  	_ =	swait.ge [sflag:s12], $0x1400  }
0x307: {  	[sflag:s12] =	ssyncset.done $0x0  }
0x308: {  	s13 =	simm.s32 $0x6;
	[sflag:s12] =	ssyncadd.s32 $0xFFFFEC00  }
0x309: {  	_ =	swait.ge [sflag:s13], $0x1400  }
0x30a: {  	[sflag:s13] =	ssyncset.done $0x0  }
0x30b: {  	s18 =	simm.s32 $0x7;
	[sflag:s13] =	ssyncadd.s32 $0xFFFFEC00  }
0x30c: {  	_ =	swait.ge [sflag:s18], $0x1400  }
0x30d: {  	[sflag:s18] =	ssyncset.done $0x0  }
0x30e: {  	s30 =	simm.s32 $0x8;
	[sflag:s18] =	ssyncadd.s32 $0xFFFFEC00  }
0x30f: {  	_ =	swait.ge [sflag:s30], $0x1400  }
0x310: {  	[sflag:s30] =	ssyncset.done $0x0  }
0x311: {  	s31 =	rddreg [dreg:$0x5];
	[sflag:s30] =	ssyncadd.s32 $0xFFFFEC00  }
0x312: {  	[tilespmem:s17], [sflag:$0x1] =	stream.strided.gather [hbm4b:s31+s15], $0x1400, s16, s15, $0x38;
	[tilespmem:$0x1A000] =	vst v63  }
0x313: {  	s29 =	smov.u32 s7;
	s7 =	simm.s32 $0x11400;
	s2 =	simm.s32 $0x500  }
0x314: {  	[tilespmem:s7], [sflag:$0x2] =	stream.strided.gather [hbm4b:s29+s15], $0x1400, s16, s15, $0x38;
	[tilespmem:$0x1A000] =	vst v63  }
0x315: {  	[tilespmem:s2+$0xFFFFFF00] =	vst v1  }
0x316: {  	[tilespmem:s2+$0xF0] =	vst v1  }
0x317: {  	[tilespmem:s2+$0xE0] =	vst v1  }
0x318: {  	[tilespmem:s2+$0xD0] =	vst v1  }
0x319: {  	[tilespmem:s2+$0xC0] =	vst v1  }
0x31a: {  	[tilespmem:s2+$0xB0] =	vst v1  }
0x31b: {  	[tilespmem:s2+$0xA0] =	vst v1  }
0x31c: {  	[tilespmem:s2+$0x90] =	vst v1  }
0x31d: {  	[tilespmem:s2+$0x80] =	vst v1  }
0x31e: {  	[tilespmem:s2+$0x70] =	vst v1  }
0x31f: {  	[tilespmem:s2+$0x60] =	vst v1  }
0x320: {  	[tilespmem:s2+$0x50] =	vst v1  }
0x321: {  	[tilespmem:s2+$0x40] =	vst v1  }
0x322: {  	[tilespmem:s2+$0x30] =	vst v1  }
0x323: {  	[tilespmem:s2+$0x20] =	vst v1  }
0x324: {  	[tilespmem:s2+$0x10] =	vst v1  }
0x325: {  	[tilespmem:s2+$0x0] =	vst v1  }
0x326: {  	[tilespmem:s2+$0xFFFFFFF0] =	vst v1  }
0x327: {  	[tilespmem:s2+$0xFFFFFFE0] =	vst v1  }
0x328: {  	[tilespmem:s2+$0xFFFFFFD0] =	vst v1  }
0x329: {  	[tilespmem:s2+$0xFFFFFFC0] =	vst v1  }
0x32a: {  	[tilespmem:s2+$0xFFFFFFB0] =	vst v1  }
0x32b: {  	[tilespmem:s2+$0xFFFFFFA0] =	vst v1  }
0x32c: {  	[tilespmem:s2+$0xFFFFFF90] =	vst v1  }
0x32d: {  	[tilespmem:s2+$0xFFFFFF80] =	vst v1  }
0x32e: {  	[tilespmem:s2+$0xFFFFFF70] =	vst v1  }
0x32f: {  	[tilespmem:s2+$0xFFFFFF60] =	vst v1  }
0x330: {  	[tilespmem:s2+$0xFFFFFF50] =	vst v1  }
0x331: {  	[tilespmem:s2+$0xFFFFFF40] =	vst v1  }
0x332: {  	[tilespmem:s2+$0xFFFFFF30] =	vst v1  }
0x333: {  	s3 =	simm.s32 $0x0;
	[tilespmem:s2+$0xFFFFFF20] =	vst v1  }
.LBB2_20:
0x334: {  	s3 =	sadd.s32 $0x4, s3;
	[tilespmem:s2+$0xFFFFFF10] =	vst v1;
	s2 =	sadd.s32 $0x200, s2  }
0x335: {  	[tilespmem:s2+$0xFFFFFF00] =	vst v1;
	p0 =	slt.u32 s3, $0x1F4  }
0x336: {  	[tilespmem:s2+$0xF0] =	vst v1  }
0x337: {  	[tilespmem:s2+$0xE0] =	vst v1  }
0x338: {  	[tilespmem:s2+$0xD0] =	vst v1  }
0x339: {  	[tilespmem:s2+$0xC0] =	vst v1  }
0x33a: {  	[tilespmem:s2+$0xB0] =	vst v1  }
0x33b: {  	[tilespmem:s2+$0xA0] =	vst v1  }
0x33c: {  	[tilespmem:s2+$0x90] =	vst v1  }
0x33d: {  	[tilespmem:s2+$0x80] =	vst v1  }
0x33e: {  	[tilespmem:s2+$0x70] =	vst v1  }
0x33f: {  	[tilespmem:s2+$0x60] =	vst v1  }
0x340: {  	[tilespmem:s2+$0x50] =	vst v1  }
0x341: {  	[tilespmem:s2+$0x40] =	vst v1  }
0x342: {  	[tilespmem:s2+$0x30] =	vst v1  }
0x343: {  	[tilespmem:s2+$0x20] =	vst v1  }
0x344: {  	[tilespmem:s2+$0x10] =	vst v1  }
0x345: {  	[tilespmem:s2+$0x0] =	vst v1  }
0x346: {  	[tilespmem:s2+$0xFFFFFFF0] =	vst v1  }
0x347: {  	[tilespmem:s2+$0xFFFFFFE0] =	vst v1  }
0x348: {  	[tilespmem:s2+$0xFFFFFFD0] =	vst v1  }
0x349: {  	[tilespmem:s2+$0xFFFFFFC0] =	vst v1  }
0x34a: {  	[tilespmem:s2+$0xFFFFFFB0] =	vst v1  }
0x34b: {  	[tilespmem:s2+$0xFFFFFFA0] =	vst v1  }
0x34c: {  	[tilespmem:s2+$0xFFFFFF90] =	vst v1  }
0x34d: {  	[tilespmem:s2+$0xFFFFFF80] =	vst v1  }
0x34e: {  	[tilespmem:s2+$0xFFFFFF70] =	vst v1  }
.Ltmp13:
0x34f: {  	[tilespmem:s2+$0xFFFFFF60] =	vst v1;
	(pc) =	sbr.rel @p0 .LBB2_20-.Ltmp13, $4  }
0x350: {  	[tilespmem:s2+$0xFFFFFF50] =	vst v1  }
0x351: {  	[tilespmem:s2+$0xFFFFFF40] =	vst v1  }
0x352: {  	[tilespmem:s2+$0xFFFFFF30] =	vst v1  }
0x353: {  	[tilespmem:s2+$0xFFFFFF20] =	vst v1  }
.Ltmp14:
0x354: {  	(pc) =	sbr.rel .LBB2_22-.Ltmp14, $2  }
0x355: {  	_ =	sdelay $0x2  }
0x356: {  	[tilespmem:s2+$0xFFFFFF10] =	vst v1;
	s2 =	simm.s32 $0x0  }
.LBB2_36:
0x357: {  	s2 =	sadd.s32 $0x1, s2  }
0x358: {  	p0 =	sne.s32 s2, $0x7  }
.Ltmp15:
0x359: {  	_ = 	snop;
	(pc) =	sbr.rel @!p0 .LBB2_37-.Ltmp15, $1  }
0x35a: {  	_ =	sdelay $0x3  }
.LBB2_22:
0x35b: {  	_ =	swait.ge [sflag:s19], $0x1400  }
0x35c: {  	[sflag:s19] =	ssyncset.done $0x0  }
0x35d: {  	s3 =	simm.s32 $0x10080;
	[sflag:s19] =	ssyncadd.s32 $0xFFFFEC00  }
0x35e: {  	v9 =	vld [tilespmem:s3+$0x0];
	_ =	sdelay $0x3  }
0x35f: {  	v10 =	vld [tilespmem:s3+$0xFFFFFF80]  }
0x360: {  	v11 =	vadd.s32 $0xFFFFFE10, v9  }
0x361: {  	vm0 =	vgt.s32 v11, $0x0  }
0x362: {  	v12 =	vld [tilespmem:s3+$0x10];
	v13 =	vnsel vm0, $0x0, v11  }
0x363: {  	v9 =	vld.idx.msk [tilespmem:v9+s6+$0x0], $0xffff;
	v13 =	vshll.u32 v13, $0x7  }
0x364: {  	v14 =	vadd.s32 $0xFFFFFE10, v10;
	v13 =	vor.u32 v0, v13  }
0x365: {  	v15 =	vld [tilespmem:s3+$0xFFFFFF90];
	vm0 =	vgt.s32 v14, $0x0  }
0x366: {  	v17 =	vld [tilespmem:s3+$0x20];
	v16 =	vnsel vm0, $0x0, v14  }
0x367: {  	v10 =	vld.idx.msk [tilespmem:v10+s6+$0x0], $0xffff;
	vm0 =	vgt.s32 v11, $0xFFFFFFFF;
	v11 =	vadd.s32 $0xFFFFFE10, v12;
	v16 =	vshll.u32 v16, $0x7  }
0x368: {  	v19 =	vld [tilespmem:s3+$0x40];
	v16 =	vor.u32 v0, v16;
	v9 =	vnsel vm0, $0x0, v9;
	vm0 =	vgt.s32 v11, $0x0  }
0x369: {  	[tilespmem:v13+s15+$0x0] =	vst.idx.add.f32.msk $0xffff, v9;
	v9 =	vnsel vm0, $0x0, v11  }
0x36a: {  	v12 =	vld.idx.msk [tilespmem:v12+s6+$0x0], $0xffff;
	v9 =	vshll.u32 v9, $0x7  }
0x36b: {  	v20 =	vld [tilespmem:s3+$0x50];
	vm0 =	vgt.s32 v14, $0xFFFFFFFF;
	v13 =	vadd.s32 $0xFFFFFE10, v15;
	v9 =	vor.u32 v2, v9  }
0x36c: {  	v14 =	vld [tilespmem:s3+$0xFFFFFFA0];
	vm1 =	vgt.s32 v13, $0x0;
	v10 =	vnsel vm0, $0x0, v10  }
0x36d: {  	v18 =	vnsel vm1, $0x0, v13;
	[tilespmem:v16+s15+$0x0] =	vst.idx.add.f32.msk $0xffff, v10  }
0x36e: {  	vm0 =	vgt.s32 v11, $0xFFFFFFFF;
	v11 =	vadd.s32 $0xFFFFFE10, v17;
	v10 =	vshll.u32 v18, $0x7;
	v15 =	vld.idx.msk [tilespmem:v15+s6+$0x0], $0xffff  }
0x36f: {  	v16 =	vld [tilespmem:s3+$0x30];
	v10 =	vor.u32 v2, v10;
	v12 =	vnsel vm0, $0x0, v12;
	vm0 =	vgt.s32 v11, $0x0  }
0x370: {  	[tilespmem:v9+s15+$0x0] =	vst.idx.add.f32.msk $0xffff, v12;
	v9 =	vnsel vm0, $0x0, v11  }
0x371: {  	s11 =	simm.s32 $0x10180;
	vm0 =	vgt.s32 v13, $0xFFFFFFFF;
	v13 =	vld.idx.msk [tilespmem:v17+s6+$0x0], $0xffff;
	v9 =	vshll.u32 v9, $0x7  }
0x372: {  	v22 =	vld [tilespmem:s11+$0xFFFFFF90];
	v12 =	vadd.s32 $0xFFFFFE10, v14;
	v9 =	vor.u32 v3, v9  }
0x373: {  	v17 =	vld [tilespmem:s3+$0xFFFFFFB0];
	vm1 =	vgt.s32 v12, $0x0;
	v15 =	vnsel vm0, $0x0, v15  }
0x374: {  	v18 =	vnsel vm1, $0x0, v12;
	[tilespmem:v10+s15+$0x0] =	vst.idx.add.f32.msk $0xffff, v15  }
0x375: {  	vm0 =	vgt.s32 v11, $0xFFFFFFFF;
	v10 =	vshll.u32 v18, $0x7;
	v14 =	vld.idx.msk [tilespmem:v14+s6+$0x0], $0xffff;
	v18 =	vadd.s32 $0xFFFFFE10, v16  }
0x376: {  	v31 =	vld [tilespmem:s11+$0xFFFFFFC0];
	v10 =	vor.u32 v3, v10;
	v11 =	vnsel vm0, $0x0, v13;
	vm0 =	vgt.s32 v18, $0x0  }
0x377: {  	[tilespmem:v9+s15+$0x0] =	vst.idx.add.f32.msk $0xffff, v11;
	v9 =	vnsel vm0, $0x0, v18  }
0x378: {  	v16 =	vld.idx.msk [tilespmem:v16+s6+$0x0], $0xffff;
	v9 =	vshll.u32 v9, $0x7  }
0x379: {  	v60 =	vld [tilespmem:s11+$0x40];
	vm0 =	vgt.s32 v12, $0xFFFFFFFF;
	v12 =	vadd.s32 $0xFFFFFE10, v17;
	v9 =	vor.u32 v4, v9  }
0x37a: {  	v15 =	vld [tilespmem:s3+$0xFFFFFFC0];
	vm1 =	vgt.s32 v12, $0x0;
	v13 =	vnsel vm0, $0x0, v14  }
0x37b: {  	v14 =	vnsel vm1, $0x0, v12;
	[tilespmem:v10+s15+$0x0] =	vst.idx.add.f32.msk $0xffff, v13  }
0x37c: {  	vm0 =	vgt.s32 v18, $0xFFFFFFFF;
	v18 =	vadd.s32 $0xFFFFFE10, v19;
	v10 =	vshll.u32 v14, $0x7;
	v14 =	vld.idx.msk [tilespmem:v17+s6+$0x0], $0xffff  }
0x37d: {  	v11 =	vld [tilespmem:s3+$0xFFFFFFD0];
	v10 =	vor.u32 v4, v10;
	v16 =	vnsel vm0, $0x0, v16;
	vm0 =	vgt.s32 v18, $0x0  }
0x37e: {  	[tilespmem:v9+s15+$0x0] =	vst.idx.add.f32.msk $0xffff, v16;
	v9 =	vnsel vm0, $0x0, v18  }
0x37f: {  	vm0 =	vgt.s32 v12, $0xFFFFFFFF;
	v12 =	vld.idx.msk [tilespmem:v19+s6+$0x0], $0xffff;
	v9 =	vshll.u32 v9, $0x7  }
0x380: {  	v13 =	vld [tilespmem:s3+$0xFFFFFFE0];
	v9 =	vor.u32 v5, v9  }
0x381: {  	v16 =	vld [tilespmem:s11+$0x0];
	v14 =	vnsel vm0, $0x0, v14  }
0x382: {  	[tilespmem:v10+s15+$0x0] =	vst.idx.add.f32.msk $0xffff, v14  }
0x383: {  	v52 =	vadd.s32 $0xFFFFFE10, v22;
	vm0 =	vgt.s32 v18, $0xFFFFFFFF;
	v18 =	vadd.s32 $0xFFFFFE10, v20;
	v14 =	vld [tilespmem:s3+$0x60]  }
0x384: {  	v57 =	vadd.s32 $0xFFFFFE10, v31;
	vm1 =	vgt.s32 v18, $0x0;
	v10 =	vld.idx.msk [tilespmem:v15+s6+$0x0], $0xffff;
	v12 =	vnsel vm0, $0x0, v12  }
0x385: {  	v62 =	vadd.s32 $0xFFFFFE10, v60;
	v23 =	vadd.s32 $0xFFFFFE10, v13;
	v19 =	vnsel vm1, $0x0, v18;
	[tilespmem:v9+s15+$0x0] =	vst.idx.add.f32.msk $0xffff, v12  }
0x386: {  	vm4 =	vgt.s32 v18, $0xFFFFFFFF;
	v15 =	vadd.s32 $0xFFFFFE10, v15;
	v19 =	vshll.u32 v19, $0x7;
	v12 =	vld.idx.msk [tilespmem:v20+s6+$0x0], $0xffff  }
0x387: {  	vm2 =	vgt.s32 v15, $0x0;
	v19 =	vor.u32 v6, v19;
	v24 =	vadd.s32 $0xFFFFFE10, v16;
	v20 =	vld [tilespmem:s11+$0xFFFFFF80]  }
0x388: {  	v25 =	vld [tilespmem:s3+$0x70];
	vm0 =	vgt.s32 v15, $0xFFFFFFFF;
	v15 =	vnsel vm2, $0x0, v15;
	vm2 =	vgt.s32 v23, $0xFFFFFFFF  }
0x389: {  	v26 =	vld [tilespmem:s11+$0x10];
	vm3 =	vgt.s32 v24, $0x0;
	v9 =	vadd.s32 $0xFFFFFE10, v11;
	v15 =	vshll.u32 v15, $0x7  }
0x38a: {  	v30 =	vld [tilespmem:s11+$0xFFFFFFB0];
	v18 =	vnsel vm3, $0x0, v24;
	v27 =	vadd.s32 $0xFFFFFE10, v14;
	vm3 =	vgt.s32 v23, $0x0  }
0x38b: {  	v16 =	vld.idx.msk [tilespmem:v16+s6+$0x0], $0xffff;
	v18 =	vshll.u32 v18, $0x7;
	v12 =	vnsel vm4, $0x0, v12;
	vm4 =	vgt.s32 v27, $0x0  }
0x38c: {  	v18 =	vor.u32 v0, v18;
	[tilespmem:v19+s15+$0x0] =	vst.idx.add.f32.msk $0xffff, v12;
	v12 =	vadd.s32 $0xFFFFFE10, v20;
	v19 =	vnsel vm4, $0x0, v27  }
0x38d: {  	v23 =	vnsel vm3, $0x0, v23;
	v14 =	vld.idx.msk [tilespmem:v14+s6+$0x0], $0xffff;
	vm3 =	vgt.s32 v12, $0x0;
	v19 =	vshll.u32 v19, $0x7  }
0x38e: {  	v51 =	vld [tilespmem:s11+$0x20];
	vm1 =	vgt.s32 v9, $0x0;
	v29 =	vnsel vm3, $0x0, v12;
	v19 =	vor.u32 v7, v19  }
0x38f: {  	v21 =	vnsel vm1, $0x0, v9;
	v20 =	vld.idx.msk [tilespmem:v20+s6+$0x0], $0xffff;
	vm3 =	vgt.s32 v24, $0xFFFFFFFF;
	v29 =	vshll.u32 v29, $0x7  }
0x390: {  	v17 =	vld [tilespmem:s3+$0xFFFFFFF0];
	vm1 =	vgt.s32 v9, $0xFFFFFFFF;
	v16 =	vnsel vm3, $0x0, v16;
	v50 =	vor.u32 v0, v29  }
0x391: {  	vm4 =	vgt.s32 v27, $0xFFFFFFFF;
	vm3 =	vgt.s32 v12, $0xFFFFFFFF;
	v12 =	vadd.s32 $0xFFFFFE10, v26;
	[tilespmem:v18+s15+$0x0] =	vst.idx.add.f32.msk $0xffff, v16  }
0x392: {  	vm5 =	vgt.s32 v12, $0x0;
	v18 =	vadd.s32 $0xFFFFFE10, v25;
	v16 =	vld.idx.msk [tilespmem:v26+s6+$0x0], $0xffff;
	v14 =	vnsel vm4, $0x0, v14  }
0x393: {  	v9 =	vor.u32 v5, v15;
	v53 =	vnsel vm5, $0x0, v12;
	vm4 =	vgt.s32 v18, $0x0;
	[tilespmem:v19+s15+$0x0] =	vst.idx.add.f32.msk $0xffff, v14  }
0x394: {  	v14 =	vnsel vm3, $0x0, v20;
	v19 =	vshll.u32 v53, $0x7;
	v54 =	vnsel vm4, $0x0, v18;
	v20 =	vld.idx.msk [tilespmem:v25+s6+$0x0], $0xffff  }
0x395: {  	vm3 =	vgt.s32 v52, $0x0;
	[tilespmem:v50+s15+$0x0] =	vst.idx.add.f32.msk $0xffff, v14;
	v14 =	vor.u32 v2, v19;
	v19 =	vshll.u32 v54, $0x7  }
0x396: {  	v15 =	vshll.u32 v21, $0x7;
	v21 =	vld [tilespmem:s11+$0xFFFFFFA0];
	v55 =	vnsel vm3, $0x0, v52;
	v19 =	vor.u32 v8, v19  }
0x397: {  	vm6 =	vgt.s32 v57, $0x0;
	v56 =	vnsel vm0, $0x0, v10;
	v24 =	vshll.u32 v55, $0x7;
	v22 =	vld.idx.msk [tilespmem:v22+s6+$0x0], $0xffff  }
0x398: {  	v28 =	vadd.s32 $0xFFFFFE10, v17;
	[tilespmem:v9+s15+$0x0] =	vst.idx.add.f32.msk $0xffff, v56;
	vm0 =	vgt.s32 v12, $0xFFFFFFFF;
	v24 =	vor.u32 v2, v24  }
0x399: {  	v23 =	vshll.u32 v23, $0x7;
	v12 =	vnsel vm0, $0x0, v16;
	v16 =	vld [tilespmem:s11+$0x30];
	vm0 =	vgt.s32 v18, $0xFFFFFFFF  }
0x39a: {  	vm3 =	vgt.s32 v28, $0x0;
	[tilespmem:v14+s15+$0x0] =	vst.idx.add.f32.msk $0xffff, v12;
	v14 =	vadd.s32 $0xFFFFFE10, v51;
	v12 =	vnsel vm0, $0x0, v20  }
0x39b: {  	v9 =	vnsel vm3, $0x0, v28;
	vm0 =	vgt.s32 v52, $0xFFFFFFFF;
	vm3 =	vgt.s32 v14, $0x0;
	[tilespmem:v19+s15+$0x0] =	vst.idx.add.f32.msk $0xffff, v12  }
0x39c: {  	v12 =	vadd.s32 $0xFFFFFE10, v21;
	v18 =	vnsel vm0, $0x0, v22;
	v19 =	vld.idx.msk [tilespmem:v51+s6+$0x0], $0xffff;
	v20 =	vnsel vm3, $0x0, v14  }
0x39d: {  	vm4 =	vmmov vm2;
	vm2 =	vgt.s32 v12, $0x0;
	[tilespmem:v24+s15+$0x0] =	vst.idx.add.f32.msk $0xffff, v18;
	v18 =	vshll.u32 v20, $0x7  }
0x39e: {  	v10 =	vld [tilespmem:s11+$0xFFFFFFD0];
	vm1 =	vmmov vm1;
	v20 =	vnsel vm2, $0x0, v12;
	v18 =	vor.u32 v3, v18  }
0x39f: {  	v22 =	vadd.s32 $0xFFFFFE10, v30;
	v21 =	vld.idx.msk [tilespmem:v21+s6+$0x0], $0xffff;
	vm2 =	vgt.s32 v12, $0xFFFFFFFF;
	v12 =	vshll.u32 v20, $0x7  }
0x3a0: {  	v15 =	vor.u32 v6, v15;
	vm3 =	vgt.s32 v22, $0x0;
	v20 =	vld.idx.msk [tilespmem:v11+s6+$0x0], $0xffff;
	v58 =	vor.u32 v3, v12  }
0x3a1: {  	v59 =	vnsel vm3, $0x0, v22;
	vm3 =	vgt.s32 v14, $0xFFFFFFFF;
	v14 =	vadd.s32 $0xFFFFFE10, v16;
	v11 =	vld [tilespmem:s11+$0xFFFFFFF0]  }
0x3a2: {  	vm5 =	vgt.s32 v28, $0xFFFFFFFF;
	v12 =	vld [tilespmem:s11+$0xFFFFFFE0];
	v19 =	vnsel vm3, $0x0, v19;
	vm3 =	vgt.s32 v14, $0x0  }
0x3a3: {  	v23 =	vor.u32 v7, v23;
	vm0 =	vmmov vm5;
	[tilespmem:v18+s15+$0x0] =	vst.idx.add.f32.msk $0xffff, v19;
	v18 =	vnsel vm3, $0x0, v14  }
0x3a4: {  	vm5 =	vgt.s32 v22, $0xFFFFFFFF;
	v19 =	vnsel vm2, $0x0, v21;
	v21 =	vld.idx.msk [tilespmem:v16+s6+$0x0], $0xffff;
	v16 =	vshll.u32 v18, $0x7  }
0x3a5: {  	v26 =	vshll.u32 v59, $0x7;
	v18 =	vnsel vm6, $0x0, v57;
	[tilespmem:v58+s15+$0x0] =	vst.idx.add.f32.msk $0xffff, v19;
	v61 =	vor.u32 v4, v16  }
0x3a6: {  	v19 =	vadd.s32 $0xFFFFFE10, v10;
	v16 =	vshll.u32 v18, $0x7;
	v18 =	vnsel vm1, $0x0, v20;
	v20 =	vld.idx.msk [tilespmem:v30+s6+$0x0], $0xffff  }
0x3a7: {  	v22 =	vor.u32 v4, v26;
	vm1 =	vgt.s32 v19, $0xFFFFFFFF;
	vm2 =	vgt.s32 v19, $0x0;
	[tilespmem:v15+s15+$0x0] =	vst.idx.add.f32.msk $0xffff, v18  }
0x3a8: {  	v15 =	vnsel vm2, $0x0, v19;
	v18 =	vadd.s32 $0xFFFFFE10, v12;
	vm2 =	vgt.s32 v14, $0xFFFFFFFF;
	v13 =	vld.idx.msk [tilespmem:v13+s6+$0x0], $0xffff  }
0x3a9: {  	v14 =	vshll.u32 v15, $0x7;
	vm6 =	vgt.s32 v18, $0x0;
	v15 =	vnsel vm2, $0x0, v21  }
0x3aa: {  	vm7 =	vgt.s32 v18, $0xFFFFFFFF;
	v18 =	vnsel vm6, $0x0, v18;
	[tilespmem:v61+s15+$0x0] =	vst.idx.add.f32.msk $0xffff, v15;
	v15 =	vadd.s32 $0xFFFFFE10, v11  }
0x3ab: {  	vm2 =	vmmov vm1;
	v21 =	vnsel vm5, $0x0, v20;
	vm1 =	vgt.s32 v15, $0x0  }
0x3ac: {  	v18 =	vshll.u32 v18, $0x7;
	[tilespmem:v22+s15+$0x0] =	vst.idx.add.f32.msk $0xffff, v21;
	v22 =	vnsel vm1, $0x0, v15;
	vm1 =	vgt.s32 v62, $0x0  }
0x3ad: {  	v19 =	vld [tilespmem:s11+$0x50];
	v13 =	vnsel vm4, $0x0, v13;
	vm4 =	vgt.s32 v15, $0xFFFFFFFF;
	v63 =	vnsel vm1, $0x0, v62  }
0x3ae: {  	v20 =	vld.idx.msk [tilespmem:v60+s6+$0x0], $0xffff;
	v15 =	vor.u32 v7, v18;
	v22 =	vshll.u32 v22, $0x7;
	v18 =	vshll.u32 v63, $0x7  }
0x3af: {  	[tilespmem:v23+s15+$0x0] =	vst.idx.add.f32.msk $0xffff, v13;
	v13 =	vor.u32 v8, v22;
	v22 =	vor.u32 v5, v18  }
0x3b0: {  	v9 =	vshll.u32 v9, $0x7;
	v21 =	vld.idx.msk [tilespmem:v31+s6+$0x0], $0xffff  }
0x3b1: {  	v9 =	vor.u32 v8, v9;
	vm3 =	vgt.s32 v57, $0xFFFFFFFF;
	v16 =	vor.u32 v5, v16;
	v17 =	vld.idx.msk [tilespmem:v17+s6+$0x0], $0xffff  }
0x3b2: {  	s12 =	simm.s32 $0x2;
	s13 =	simm.s32 $0x10280;
	v14 =	vor.u32 v6, v14;
	vm5 =	vgt.s32 v62, $0xFFFFFFFF;
	vm1 =	vmmov vm7;
	v18 =	vld [tilespmem:s11+$0x60]  }
.LBB2_23:
0x3b3: {  	v23 =	vld [tilespmem:s13+$0x0];
	v20 =	vnsel vm5, $0x0, v20;
	v24 =	vadd.s32 $0xFFFFFE10, v19  }
0x3b4: {  	[tilespmem:v22+s15+$0x0] =	vst.idx.add.f32.msk $0xffff, v20;
	vm5 =	vgt.s32 v24, $0x0  }
0x3b5: {  	s12 =	sadd.s32 $0x2, s12;
	v20 =	vnsel vm3, $0x0, v21;
	v19 =	vld.idx.msk [tilespmem:v19+s6+$0x0], $0xffff;
	v21 =	vnsel vm5, $0x0, v24  }
0x3b6: {  	p0 =	slt.u32 s12, $0x26;
	v22 =	vld [tilespmem:s13+$0xFFFFFF80];
	v21 =	vshll.u32 v21, $0x7  }
0x3b7: {  	v17 =	vnsel vm0, $0x0, v17;
	vm0 =	vmmov vm4;
	v25 =	vld [tilespmem:s13+$0xFFFFFF90];
	v21 =	vor.u32 v6, v21  }
0x3b8: {  	v26 =	vld [tilespmem:s13+$0xFFFFFFA0]  }
0x3b9: {  	v27 =	vadd.s32 $0xFFFFFE10, v23;
	v28 =	vld [tilespmem:s11+$0x70];
	s11 =	smov.u32 s13  }
0x3ba: {  	vm4 =	vgt.s32 v24, $0xFFFFFFFF;
	vm3 =	vgt.s32 v27, $0x0;
	v29 =	vld [tilespmem:s13+$0x10]  }
0x3bb: {  	v30 =	vadd.s32 $0xFFFFFE10, v18;
	v24 =	vnsel vm3, $0x0, v27;
	v19 =	vnsel vm4, $0x0, v19;
	v23 =	vld.idx.msk [tilespmem:v23+s6+$0x0], $0xffff  }
0x3bc: {  	vm3 =	vgt.s32 v30, $0x0;
	v31 =	vadd.s32 $0xFFFFFE10, v22;
	v24 =	vshll.u32 v24, $0x7;
	[tilespmem:v21+s15+$0x0] =	vst.idx.add.f32.msk $0xffff, v19  }
0x3bd: {  	vm4 =	vgt.s32 v31, $0x0;
	v19 =	vor.u32 v0, v24;
	v21 =	vld.idx.msk [tilespmem:v18+s6+$0x0], $0xffff;
	v18 =	vnsel vm3, $0x0, v30  }
0x3be: {  	vm5 =	vgt.s32 v31, $0xFFFFFFFF;
	v24 =	vnsel vm4, $0x0, v31;
	v22 =	vld.idx.msk [tilespmem:v22+s6+$0x0], $0xffff;
	v18 =	vshll.u32 v18, $0x7  }
0x3bf: {  	v31 =	vadd.s32 $0xFFFFFE10, v25;
	v24 =	vshll.u32 v24, $0x7;
	v32 =	vld [tilespmem:s13+$0xFFFFFFB0];
	v33 =	vor.u32 v7, v18  }
0x3c0: {  	vm6 =	vgt.s32 v27, $0xFFFFFFFF;
	vm4 =	vgt.s32 v31, $0x0;
	v24 =	vor.u32 v0, v24;
	v18 =	vld [tilespmem:s13+$0xFFFFFFC0]  }
0x3c1: {  	vm3 =	vgt.s32 v31, $0xFFFFFFFF;
	v27 =	vnsel vm4, $0x0, v31;
	v23 =	vnsel vm6, $0x0, v23;
	v31 =	vld [tilespmem:s13+$0x20]  }
0x3c2: {  	vm4 =	vgt.s32 v30, $0xFFFFFFFF;
	v27 =	vshll.u32 v27, $0x7;
	[tilespmem:v19+s15+$0x0] =	vst.idx.add.f32.msk $0xffff, v23;
	v19 =	vadd.s32 $0xFFFFFE10, v29  }
0x3c3: {  	v21 =	vnsel vm4, $0x0, v21;
	v23 =	vld.idx.msk [tilespmem:v29+s6+$0x0], $0xffff;
	vm6 =	vgt.s32 v19, $0x0;
	v29 =	vadd.s32 $0xFFFFFE10, v28  }
0x3c4: {  	v22 =	vnsel vm5, $0x0, v22;
	v30 =	vnsel vm6, $0x0, v19;
	[tilespmem:v33+s15+$0x0] =	vst.idx.add.f32.msk $0xffff, v21;
	vm4 =	vgt.s32 v29, $0x0  }
0x3c5: {  	v21 =	vor.u32 v2, v27;
	v27 =	vshll.u32 v30, $0x7;
	v28 =	vld.idx.msk [tilespmem:v28+s6+$0x0], $0xffff;
	v30 =	vnsel vm4, $0x0, v29  }
0x3c6: {  	[tilespmem:v24+s15+$0x0] =	vst.idx.add.f32.msk $0xffff, v22;
	v22 =	vadd.s32 $0xFFFFFE10, v26;
	v24 =	vor.u32 v2, v27;
	v27 =	vshll.u32 v30, $0x7  }
0x3c7: {  	v25 =	vld.idx.msk [tilespmem:v25+s6+$0x0], $0xffff;
	vm4 =	vgt.s32 v22, $0xFFFFFFFF;
	vm5 =	vgt.s32 v22, $0x0;
	v27 =	vor.u32 v8, v27  }
0x3c8: {  	v33 =	vadd.s32 $0xFFFFFE10, v18;
	v30 =	vadd.s32 $0xFFFFFE10, v32;
	v22 =	vnsel vm5, $0x0, v22;
	v34 =	vld [tilespmem:s13+$0xFFFFFFD0]  }
0x3c9: {  	vm6 =	vgt.s32 v19, $0xFFFFFFFF;
	vm5 =	vgt.s32 v30, $0x0;
	v22 =	vshll.u32 v22, $0x7;
	[tilespmem:v16+s15+$0x0] =	vst.idx.add.f32.msk $0xffff, v20  }
0x3ca: {  	v16 =	vnsel vm6, $0x0, v23;
	vm6 =	vgt.s32 v29, $0xFFFFFFFF;
	v19 =	vor.u32 v3, v22;
	v20 =	vld [tilespmem:s13+$0x30]  }
0x3cb: {  	v23 =	vadd.s32 $0xFFFFFE10, v31;
	v22 =	vnsel vm5, $0x0, v30;
	[tilespmem:v24+s15+$0x0] =	vst.idx.add.f32.msk $0xffff, v16;
	v16 =	vnsel vm6, $0x0, v28  }
0x3cc: {  	vm5 =	vgt.s32 v30, $0xFFFFFFFF;
	v22 =	vshll.u32 v22, $0x7;
	vm6 =	vgt.s32 v23, $0x0;
	[tilespmem:v27+s15+$0x0] =	vst.idx.add.f32.msk $0xffff, v16  }
0x3cd: {  	v16 =	vnsel vm3, $0x0, v25;
	v22 =	vor.u32 v4, v22;
	v25 =	vnsel vm6, $0x0, v23;
	v24 =	vld.idx.msk [tilespmem:v31+s6+$0x0], $0xffff  }
0x3ce: {  	vm3 =	vgt.s32 v33, $0xFFFFFFFF;
	vm6 =	vgt.s32 v33, $0x0;
	[tilespmem:v21+s15+$0x0] =	vst.idx.add.f32.msk $0xffff, v16;
	v16 =	vshll.u32 v25, $0x7  }
0x3cf: {  	v25 =	vnsel vm6, $0x0, v33;
	v21 =	vld.idx.msk [tilespmem:v26+s6+$0x0], $0xffff;
	v26 =	vadd.s32 $0xFFFFFE10, v34;
	v27 =	vor.u32 v3, v16  }
0x3d0: {  	v16 =	vshll.u32 v25, $0x7;
	vm7 =	vgt.s32 v26, $0xFFFFFFFF;
	vm6 =	vgt.s32 v26, $0x0;
	v25 =	vld.idx.msk [tilespmem:v10+s6+$0x0], $0xffff;
	v10 =	vmovc v34  }
0x3d1: {  	v16 =	vor.u32 v5, v16;
	v26 =	vnsel vm6, $0x0, v26;
	v28 =	vld [tilespmem:s13+$0xFFFFFFE0]  }
0x3d2: {  	vm6 =	vgt.s32 v23, $0xFFFFFFFF;
	v26 =	vshll.u32 v26, $0x7;
	v29 =	vld [tilespmem:s13+$0xFFFFFFF0]  }
0x3d3: {  	v24 =	vnsel vm6, $0x0, v24;
	v23 =	vor.u32 v6, v26;
	v26 =	vadd.s32 $0xFFFFFE10, v20;
	v30 =	vld [tilespmem:s13+$0x40]  }
0x3d4: {  	[tilespmem:v27+s15+$0x0] =	vst.idx.add.f32.msk $0xffff, v24;
	vm6 =	vgt.s32 v26, $0x0  }
0x3d5: {  	v21 =	vnsel vm4, $0x0, v21;
	v20 =	vld.idx.msk [tilespmem:v20+s6+$0x0], $0xffff;
	v24 =	vnsel vm6, $0x0, v26  }
0x3d6: {  	[tilespmem:v19+s15+$0x0] =	vst.idx.add.f32.msk $0xffff, v21;
	v19 =	vadd.s32 $0xFFFFFE10, v28;
	v21 =	vshll.u32 v24, $0x7;
	v24 =	vnsel vm2, $0x0, v25  }
0x3d7: {  	v25 =	vld.idx.msk [tilespmem:v32+s6+$0x0], $0xffff;
	vm6 =	vgt.s32 v19, $0xFFFFFFFF;
	vm2 =	vgt.s32 v19, $0x0;
	v21 =	vor.u32 v4, v21  }
0x3d8: {  	v27 =	vadd.s32 $0xFFFFFE10, v29;
	v19 =	vnsel vm2, $0x0, v19;
	[tilespmem:v14+s15+$0x0] =	vst.idx.add.f32.msk $0xffff, v24;
	v14 =	vmovc v23;
	vm2 =	vmmov vm7  }
0x3d9: {  	vm4 =	vgt.s32 v27, $0xFFFFFFFF;
	vm7 =	vgt.s32 v27, $0x0;
	v19 =	vshll.u32 v19, $0x7;
	v23 =	vld.idx.msk [tilespmem:v12+s6+$0x0], $0xffff;
	v12 =	vmovc v28  }
0x3da: {  	v24 =	vor.u32 v7, v19;
	v19 =	vnsel vm7, $0x0, v27;
	vm7 =	vgt.s32 v26, $0xFFFFFFFF;
	[tilespmem:v9+s15+$0x0] =	vst.idx.add.f32.msk $0xffff, v17;
	v9 =	vmovc v13  }
0x3db: {  	v26 =	vadd.s32 $0xFFFFFE10, v30;
	v13 =	vshll.u32 v19, $0x7;
	v17 =	vnsel vm7, $0x0, v20;
	v19 =	vld [tilespmem:s13+$0x50]  }
0x3dc: {  	vm7 =	vgt.s32 v26, $0x0;
	v13 =	vor.u32 v8, v13;
	[tilespmem:v21+s15+$0x0] =	vst.idx.add.f32.msk $0xffff, v17  }
0x3dd: {  	v17 =	vnsel vm5, $0x0, v25;
	v21 =	vnsel vm7, $0x0, v26;
	v20 =	vld.idx.msk [tilespmem:v30+s6+$0x0], $0xffff  }
.Ltmp16:
0x3de: {  	[tilespmem:v22+s15+$0x0] =	vst.idx.add.f32.msk $0xffff, v17;
	v17 =	vshll.u32 v21, $0x7;
	(pc) =	sbr.rel @p0 .LBB2_23-.Ltmp16, $4  }
0x3df: {  	v21 =	vld.idx.msk [tilespmem:v18+s6+$0x0], $0xffff;
	v22 =	vor.u32 v5, v17;
	v17 =	vnsel vm1, $0x0, v23;
	vm1 =	vmmov vm6  }
0x3e0: {  	[tilespmem:v15+s15+$0x0] =	vst.idx.add.f32.msk $0xffff, v17;
	v15 =	vmov v24  }
0x3e1: {  	v17 =	vld.idx.msk [tilespmem:v11+s6+$0x0], $0xffff;
	v11 =	vmov v29  }
0x3e2: {  	s13 =	sadd.s32 $0x100, s13;
	vm5 =	vgt.s32 v26, $0xFFFFFFFF;
	v18 =	vld [tilespmem:s11+$0x60]  }
0x3e3: {  	_ =	sdelay $0x2  }
0x3e4: {  	v23 =	vadd.s32 $0xFFFFFE10, v19;
	v20 =	vnsel vm5, $0x0, v20  }
0x3e5: {  	vm9 =	vgt.s32 v23, $0x0;
	[tilespmem:v22+s15+$0x0] =	vst.idx.add.f32.msk $0xffff, v20  }
0x3e6: {  	v21 =	vnsel vm3, $0x0, v21;
	v53 =	vnsel vm9, $0x0, v23;
	v54 =	vld.idx.msk [tilespmem:v19+s6+$0x0], $0xffff  }
0x3e7: {  	[tilespmem:v16+s15+$0x0] =	vst.idx.add.f32.msk $0xffff, v21;
	v20 =	vshll.u32 v53, $0x7  }
0x3e8: {  	v10 =	vld.idx.msk [tilespmem:v10+s6+$0x0], $0xffff;
	v20 =	vor.u32 v6, v20;
	_ =	sdelay $0x2  }
0x3e9: {  	vm10 =	vgt.s32 v23, $0xFFFFFFFF  }
0x3ea: {  	v56 =	vld [tilespmem:s11+$0x70];
	v55 =	vadd.s32 $0xFFFFFE10, v18;
	v19 =	vnsel vm10, $0x0, v54  }
0x3eb: {  	vm11 =	vgt.s32 v55, $0x0;
	v10 =	vnsel vm2, $0x0, v10;
	[tilespmem:v20+s15+$0x0] =	vst.idx.add.f32.msk $0xffff, v19  }
0x3ec: {  	v57 =	vnsel vm11, $0x0, v55;
	[tilespmem:v14+s15+$0x0] =	vst.idx.add.f32.msk $0xffff, v10  }
0x3ed: {  	v19 =	vshll.u32 v57, $0x7;
	v58 =	vld.idx.msk [tilespmem:v18+s6+$0x0], $0xffff  }
0x3ee: {  	v19 =	vor.u32 v7, v19;
	v10 =	vld.idx.msk [tilespmem:v12+s6+$0x0], $0xffff;
	_ =	sdelay $0x2  }
0x3ef: {  	vm12 =	vgt.s32 v55, $0xFFFFFFFF  }
0x3f0: {  	v59 =	vadd.s32 $0xFFFFFE10, v56;
	v60 =	vnsel vm12, $0x0, v58  }
0x3f1: {  	vm13 =	vgt.s32 v59, $0x0;
	v10 =	vnsel vm1, $0x0, v10;
	[tilespmem:v19+s15+$0x0] =	vst.idx.add.f32.msk $0xffff, v60  }
0x3f2: {  	v61 =	vnsel vm13, $0x0, v59;
	[tilespmem:v15+s15+$0x0] =	vst.idx.add.f32.msk $0xffff, v10  }
0x3f3: {  	s12 =	sshll.u32 s2, $0x2;
	v14 =	vshll.u32 v61, $0x7;
	v62 =	vld.idx.msk [tilespmem:v56+s6+$0x0], $0xffff  }
0x3f4: {  	s3 =	sor.u32 $0x2, s12;
	v14 =	vor.u32 v8, v14;
	v10 =	vld.idx.msk [tilespmem:v11+s6+$0x0], $0xffff  }
0x3f5: {  	p1 =	sgt.u32 s3, $0x18  }
0x3f6: {  	p0 =	sgt.u32 s2, $0x5;
	s3 =	smul.u32 @!p1 $0x28000, s3  }
.Ltmp17:
0x3f7: {  	v63 =	vnsel vm0, $0x0, v17;
	vm14 =	vgt.s32 v59, $0xFFFFFFFF;
	(pc) =	sbr.rel @p0 .LBB2_28-.Ltmp17, $4  }
0x3f8: {  	vm15 =	vmmov vm4;
	[tilespmem:v9+s15+$0x0] =	vst.idx.add.f32.msk $0xffff, v63;
	s3 =	sor.u32 @!p1 s5, s3;
	v11 =	vnsel vm14, $0x0, v62  }
0x3f9: {  	s8 =	simm.s32 @!p1 $0x400;
	s3 =	sshrl.u32 @!p1 s3, $0x3;
	v9 =	vnsel vm15, $0x0, v10;
	[tilespmem:v14+s15+$0x0] =	vst.idx.add.f32.msk $0xffff, v11  }
0x3fa: {  	s11 =	simm.s32 @!p1 $0x8000;
	s13 =	simm.s32 @!p1 $0x12800;
	s3 =	sadd.s32 @!p1 s1, s3;
	[tilespmem:v13+s15+$0x0] =	vst.idx.add.f32.msk $0xffff, v9  }
0x3fb: {  	[tilespmem:s13], [sflag:$0x3] =	stream.strided.gather @!p1 [hbm4b:s3+s8], $0x1400, s11, s8, $0x38;
	[tilespmem:$0x1A000] =	vst v63  }
0x3fc: {  	_ =	swait.ge [sflag:s21], $0x1400  }
0x3fd: {  	[sflag:s21] =	ssyncset.done $0x0  }
0x3fe: {  	s3 =	simm.s32 $0x114F0;
	[sflag:s21] =	ssyncadd.s32 $0xFFFFEC00  }
0x3ff: {  	v9 =	vld [tilespmem:s3+$0xFFFFFF90];
	_ =	sdelay $0x3  }
0x400: {  	v10 =	vld [tilespmem:s3+$0xFFFFFF10]  }
0x401: {  	v11 =	vadd.s32 $0xFFFFFE10, v9  }
0x402: {  	vm0 =	vgt.s32 v11, $0x0  }
0x403: {  	v12 =	vld [tilespmem:s3+$0xFFFFFFA0];
	v13 =	vnsel vm0, $0x0, v11  }
0x404: {  	v9 =	vld.idx.msk [tilespmem:v9+s6+$0x0], $0xffff;
	v13 =	vshll.u32 v13, $0x7  }
0x405: {  	v14 =	vadd.s32 $0xFFFFFE10, v10;
	v13 =	vor.u32 v0, v13  }
0x406: {  	v15 =	vld [tilespmem:s3+$0xFFFFFF20];
	vm0 =	vgt.s32 v14, $0x0  }
0x407: {  	v17 =	vld [tilespmem:s3+$0xFFFFFFB0];
	v16 =	vnsel vm0, $0x0, v14  }
0x408: {  	v10 =	vld.idx.msk [tilespmem:v10+s6+$0x0], $0xffff;
	vm0 =	vgt.s32 v11, $0xFFFFFFFF;
	v11 =	vadd.s32 $0xFFFFFE10, v12;
	v16 =	vshll.u32 v16, $0x7  }
0x409: {  	v19 =	vld [tilespmem:s3+$0xFFFFFFD0];
	v16 =	vor.u32 v0, v16;
	v9 =	vnsel vm0, $0x0, v9;
	vm0 =	vgt.s32 v11, $0x0  }
0x40a: {  	[tilespmem:v13+s15+$0x0] =	vst.idx.add.f32.msk $0xffff, v9;
	v9 =	vnsel vm0, $0x0, v11  }
0x40b: {  	v12 =	vld.idx.msk [tilespmem:v12+s6+$0x0], $0xffff;
	v9 =	vshll.u32 v9, $0x7  }
0x40c: {  	v20 =	vld [tilespmem:s3+$0xFFFFFFE0];
	vm0 =	vgt.s32 v14, $0xFFFFFFFF;
	v13 =	vadd.s32 $0xFFFFFE10, v15;
	v9 =	vor.u32 v2, v9  }
0x40d: {  	v14 =	vld [tilespmem:s3+$0xFFFFFF30];
	vm1 =	vgt.s32 v13, $0x0;
	v10 =	vnsel vm0, $0x0, v10  }
0x40e: {  	v18 =	vnsel vm1, $0x0, v13;
	[tilespmem:v16+s15+$0x0] =	vst.idx.add.f32.msk $0xffff, v10  }
0x40f: {  	vm0 =	vgt.s32 v11, $0xFFFFFFFF;
	v11 =	vadd.s32 $0xFFFFFE10, v17;
	v10 =	vshll.u32 v18, $0x7;
	v15 =	vld.idx.msk [tilespmem:v15+s6+$0x0], $0xffff  }
0x410: {  	v16 =	vld [tilespmem:s3+$0xFFFFFFC0];
	v10 =	vor.u32 v2, v10;
	v12 =	vnsel vm0, $0x0, v12;
	vm0 =	vgt.s32 v11, $0x0  }
0x411: {  	[tilespmem:v9+s15+$0x0] =	vst.idx.add.f32.msk $0xffff, v12;
	v9 =	vnsel vm0, $0x0, v11  }
0x412: {  	s11 =	simm.s32 $0x115F0;
	vm0 =	vgt.s32 v13, $0xFFFFFFFF;
	v13 =	vld.idx.msk [tilespmem:v17+s6+$0x0], $0xffff;
	v9 =	vshll.u32 v9, $0x7  }
0x413: {  	v22 =	vld [tilespmem:s11+$0xFFFFFF20];
	v12 =	vadd.s32 $0xFFFFFE10, v14;
	v9 =	vor.u32 v3, v9  }
0x414: {  	v17 =	vld [tilespmem:s3+$0xFFFFFF40];
	vm1 =	vgt.s32 v12, $0x0;
	v15 =	vnsel vm0, $0x0, v15  }
0x415: {  	v18 =	vnsel vm1, $0x0, v12;
	[tilespmem:v10+s15+$0x0] =	vst.idx.add.f32.msk $0xffff, v15  }
0x416: {  	vm0 =	vgt.s32 v11, $0xFFFFFFFF;
	v10 =	vshll.u32 v18, $0x7;
	v14 =	vld.idx.msk [tilespmem:v14+s6+$0x0], $0xffff;
	v18 =	vadd.s32 $0xFFFFFE10, v16  }
0x417: {  	v25 =	vld [tilespmem:s3+$0x0];
	v10 =	vor.u32 v3, v10;
	v11 =	vnsel vm0, $0x0, v13;
	vm0 =	vgt.s32 v18, $0x0  }
0x418: {  	[tilespmem:v9+s15+$0x0] =	vst.idx.add.f32.msk $0xffff, v11;
	v9 =	vnsel vm0, $0x0, v18  }
0x419: {  	v16 =	vld.idx.msk [tilespmem:v16+s6+$0x0], $0xffff;
	v9 =	vshll.u32 v9, $0x7  }
0x41a: {  	v26 =	vld [tilespmem:s11+$0xFFFFFFA0];
	vm0 =	vgt.s32 v12, $0xFFFFFFFF;
	v12 =	vadd.s32 $0xFFFFFE10, v17;
	v9 =	vor.u32 v4, v9  }
0x41b: {  	v15 =	vld [tilespmem:s3+$0xFFFFFF50];
	vm1 =	vgt.s32 v12, $0x0;
	v13 =	vnsel vm0, $0x0, v14  }
0x41c: {  	v14 =	vnsel vm1, $0x0, v12;
	[tilespmem:v10+s15+$0x0] =	vst.idx.add.f32.msk $0xffff, v13  }
0x41d: {  	vm0 =	vgt.s32 v18, $0xFFFFFFFF;
	v18 =	vadd.s32 $0xFFFFFE10, v19;
	v10 =	vshll.u32 v14, $0x7;
	v14 =	vld.idx.msk [tilespmem:v17+s6+$0x0], $0xffff  }
0x41e: {  	v11 =	vld [tilespmem:s3+$0xFFFFFF60];
	v10 =	vor.u32 v4, v10;
	v16 =	vnsel vm0, $0x0, v16;
	vm0 =	vgt.s32 v18, $0x0  }
0x41f: {  	[tilespmem:v9+s15+$0x0] =	vst.idx.add.f32.msk $0xffff, v16;
	v9 =	vnsel vm0, $0x0, v18  }
0x420: {  	vm0 =	vgt.s32 v12, $0xFFFFFFFF;
	v12 =	vld.idx.msk [tilespmem:v19+s6+$0x0], $0xffff;
	v9 =	vshll.u32 v9, $0x7  }
0x421: {  	v13 =	vld [tilespmem:s3+$0xFFFFFF70];
	v9 =	vor.u32 v5, v9  }
0x422: {  	v16 =	vld [tilespmem:s11+$0xFFFFFF90];
	v14 =	vnsel vm0, $0x0, v14  }
0x423: {  	[tilespmem:v10+s15+$0x0] =	vst.idx.add.f32.msk $0xffff, v14  }
0x424: {  	vm0 =	vgt.s32 v18, $0xFFFFFFFF;
	v18 =	vadd.s32 $0xFFFFFE10, v20;
	v14 =	vld [tilespmem:s3+$0xFFFFFFF0]  }
0x425: {  	vm1 =	vgt.s32 v18, $0x0;
	v10 =	vld.idx.msk [tilespmem:v15+s6+$0x0], $0xffff;
	v12 =	vnsel vm0, $0x0, v12  }
0x426: {  	v52 =	vadd.s32 $0xFFFFFE10, v22;
	v23 =	vadd.s32 $0xFFFFFE10, v13;
	v19 =	vnsel vm1, $0x0, v18;
	[tilespmem:v9+s15+$0x0] =	vst.idx.add.f32.msk $0xffff, v12  }
0x427: {  	vm4 =	vgt.s32 v18, $0xFFFFFFFF;
	v15 =	vadd.s32 $0xFFFFFE10, v15;
	v19 =	vshll.u32 v19, $0x7;
	v12 =	vld.idx.msk [tilespmem:v20+s6+$0x0], $0xffff  }
0x428: {  	vm2 =	vgt.s32 v15, $0x0;
	v19 =	vor.u32 v6, v19;
	v24 =	vadd.s32 $0xFFFFFE10, v16;
	v20 =	vld [tilespmem:s11+$0xFFFFFF10]  }
0x429: {  	v30 =	vld [tilespmem:s11+$0xFFFFFF40];
	vm0 =	vgt.s32 v15, $0xFFFFFFFF;
	v15 =	vnsel vm2, $0x0, v15;
	vm2 =	vgt.s32 v23, $0xFFFFFFFF  }
0x42a: {  	v31 =	vld [tilespmem:s11+$0xFFFFFF50];
	vm3 =	vgt.s32 v24, $0x0;
	v9 =	vadd.s32 $0xFFFFFE10, v11;
	v15 =	vshll.u32 v15, $0x7  }
0x42b: {  	v51 =	vld [tilespmem:s11+$0xFFFFFFB0];
	v18 =	vnsel vm3, $0x0, v24;
	v27 =	vadd.s32 $0xFFFFFE10, v14;
	vm3 =	vgt.s32 v23, $0x0  }
0x42c: {  	v16 =	vld.idx.msk [tilespmem:v16+s6+$0x0], $0xffff;
	v18 =	vshll.u32 v18, $0x7;
	v12 =	vnsel vm4, $0x0, v12;
	vm4 =	vgt.s32 v27, $0x0  }
0x42d: {  	v18 =	vor.u32 v0, v18;
	[tilespmem:v19+s15+$0x0] =	vst.idx.add.f32.msk $0xffff, v12;
	v12 =	vadd.s32 $0xFFFFFE10, v20;
	v19 =	vnsel vm4, $0x0, v27  }
0x42e: {  	v23 =	vnsel vm3, $0x0, v23;
	v14 =	vld.idx.msk [tilespmem:v14+s6+$0x0], $0xffff;
	vm3 =	vgt.s32 v12, $0x0;
	v19 =	vshll.u32 v19, $0x7  }
0x42f: {  	v60 =	vld [tilespmem:s11+$0xFFFFFFD0];
	vm1 =	vgt.s32 v9, $0x0;
	v29 =	vnsel vm3, $0x0, v12;
	v19 =	vor.u32 v7, v19  }
0x430: {  	v21 =	vnsel vm1, $0x0, v9;
	v20 =	vld.idx.msk [tilespmem:v20+s6+$0x0], $0xffff;
	vm3 =	vgt.s32 v24, $0xFFFFFFFF;
	v29 =	vshll.u32 v29, $0x7  }
0x431: {  	v17 =	vld [tilespmem:s3+$0xFFFFFF80];
	vm1 =	vgt.s32 v9, $0xFFFFFFFF;
	v16 =	vnsel vm3, $0x0, v16;
	v50 =	vor.u32 v0, v29  }
0x432: {  	vm4 =	vgt.s32 v27, $0xFFFFFFFF;
	vm3 =	vgt.s32 v12, $0xFFFFFFFF;
	v12 =	vadd.s32 $0xFFFFFE10, v26;
	[tilespmem:v18+s15+$0x0] =	vst.idx.add.f32.msk $0xffff, v16  }
0x433: {  	vm5 =	vgt.s32 v12, $0x0;
	v18 =	vadd.s32 $0xFFFFFE10, v25;
	v16 =	vld.idx.msk [tilespmem:v26+s6+$0x0], $0xffff;
	v14 =	vnsel vm4, $0x0, v14  }
0x434: {  	v9 =	vor.u32 v5, v15;
	v53 =	vnsel vm5, $0x0, v12;
	vm4 =	vgt.s32 v18, $0x0;
	[tilespmem:v19+s15+$0x0] =	vst.idx.add.f32.msk $0xffff, v14  }
0x435: {  	v14 =	vnsel vm3, $0x0, v20;
	v19 =	vshll.u32 v53, $0x7;
	v54 =	vnsel vm4, $0x0, v18;
	v20 =	vld.idx.msk [tilespmem:v25+s6+$0x0], $0xffff  }
0x436: {  	vm3 =	vgt.s32 v52, $0x0;
	[tilespmem:v50+s15+$0x0] =	vst.idx.add.f32.msk $0xffff, v14;
	v14 =	vor.u32 v2, v19;
	v19 =	vshll.u32 v54, $0x7  }
0x437: {  	v15 =	vshll.u32 v21, $0x7;
	v21 =	vld [tilespmem:s11+$0xFFFFFF30];
	v55 =	vnsel vm3, $0x0, v52;
	v19 =	vor.u32 v8, v19  }
0x438: {  	v56 =	vnsel vm0, $0x0, v10;
	v24 =	vshll.u32 v55, $0x7;
	v22 =	vld.idx.msk [tilespmem:v22+s6+$0x0], $0xffff  }
0x439: {  	v57 =	vadd.s32 $0xFFFFFE10, v31;
	[tilespmem:v9+s15+$0x0] =	vst.idx.add.f32.msk $0xffff, v56;
	vm0 =	vgt.s32 v12, $0xFFFFFFFF;
	v24 =	vor.u32 v2, v24  }
0x43a: {  	v28 =	vadd.s32 $0xFFFFFE10, v17;
	v12 =	vnsel vm0, $0x0, v16;
	v16 =	vld [tilespmem:s11+$0xFFFFFFC0];
	vm0 =	vgt.s32 v18, $0xFFFFFFFF  }
0x43b: {  	vm3 =	vgt.s32 v28, $0x0;
	[tilespmem:v14+s15+$0x0] =	vst.idx.add.f32.msk $0xffff, v12;
	v14 =	vadd.s32 $0xFFFFFE10, v51;
	v12 =	vnsel vm0, $0x0, v20  }
0x43c: {  	v9 =	vnsel vm3, $0x0, v28;
	vm0 =	vgt.s32 v52, $0xFFFFFFFF;
	vm3 =	vgt.s32 v14, $0x0;
	[tilespmem:v19+s15+$0x0] =	vst.idx.add.f32.msk $0xffff, v12  }
0x43d: {  	v12 =	vadd.s32 $0xFFFFFE10, v21;
	v18 =	vnsel vm0, $0x0, v22;
	v19 =	vld.idx.msk [tilespmem:v51+s6+$0x0], $0xffff;
	v20 =	vnsel vm3, $0x0, v14  }
0x43e: {  	vm4 =	vmmov vm2;
	vm2 =	vgt.s32 v12, $0x0;
	[tilespmem:v24+s15+$0x0] =	vst.idx.add.f32.msk $0xffff, v18;
	v18 =	vshll.u32 v20, $0x7  }
0x43f: {  	v63 =	vadd.s32 $0xFFFFFE10, v60;
	v10 =	vld [tilespmem:s11+$0xFFFFFF60];
	v20 =	vnsel vm2, $0x0, v12;
	v18 =	vor.u32 v3, v18  }
0x440: {  	v22 =	vadd.s32 $0xFFFFFE10, v30;
	v21 =	vld.idx.msk [tilespmem:v21+s6+$0x0], $0xffff;
	vm2 =	vgt.s32 v12, $0xFFFFFFFF;
	v12 =	vshll.u32 v20, $0x7  }
0x441: {  	vm6 =	vgt.s32 v57, $0x0;
	vm3 =	vgt.s32 v22, $0x0;
	v20 =	vld.idx.msk [tilespmem:v11+s6+$0x0], $0xffff;
	v58 =	vor.u32 v3, v12  }
0x442: {  	v23 =	vshll.u32 v23, $0x7;
	v59 =	vnsel vm3, $0x0, v22;
	vm3 =	vgt.s32 v14, $0xFFFFFFFF;
	v11 =	vld [tilespmem:s11+$0xFFFFFF80]  }
0x443: {  	v15 =	vor.u32 v6, v15;
	v14 =	vadd.s32 $0xFFFFFE10, v16;
	v12 =	vld [tilespmem:s11+$0xFFFFFF70];
	v19 =	vnsel vm3, $0x0, v19  }
0x444: {  	vm1 =	vmmov vm1;
	v23 =	vor.u32 v7, v23;
	vm3 =	vgt.s32 v14, $0x0;
	[tilespmem:v18+s15+$0x0] =	vst.idx.add.f32.msk $0xffff, v19  }
0x445: {  	vm5 =	vgt.s32 v28, $0xFFFFFFFF;
	v18 =	vnsel vm3, $0x0, v14;
	v19 =	vnsel vm2, $0x0, v21;
	v21 =	vld.idx.msk [tilespmem:v16+s6+$0x0], $0xffff  }
0x446: {  	vm0 =	vmmov vm5;
	v16 =	vshll.u32 v18, $0x7;
	v18 =	vnsel vm6, $0x0, v57;
	[tilespmem:v58+s15+$0x0] =	vst.idx.add.f32.msk $0xffff, v19  }
0x447: {  	v61 =	vor.u32 v4, v16;
	v16 =	vshll.u32 v18, $0x7;
	v18 =	vnsel vm1, $0x0, v20;
	v20 =	vld.idx.msk [tilespmem:v30+s6+$0x0], $0xffff  }
0x448: {  	vm5 =	vgt.s32 v22, $0xFFFFFFFF;
	v26 =	vshll.u32 v59, $0x7;
	v19 =	vadd.s32 $0xFFFFFE10, v10;
	[tilespmem:v15+s15+$0x0] =	vst.idx.add.f32.msk $0xffff, v18  }
0x449: {  	v22 =	vor.u32 v4, v26;
	vm1 =	vgt.s32 v19, $0xFFFFFFFF;
	vm2 =	vgt.s32 v19, $0x0;
	v62 =	vld.idx.msk [tilespmem:v13+s6+$0x0], $0xffff  }
0x44a: {  	v15 =	vnsel vm2, $0x0, v19;
	v18 =	vadd.s32 $0xFFFFFE10, v12;
	vm2 =	vgt.s32 v14, $0xFFFFFFFF  }
0x44b: {  	v13 =	vshll.u32 v15, $0x7;
	vm6 =	vgt.s32 v18, $0x0;
	v14 =	vnsel vm2, $0x0, v21  }
0x44c: {  	vm7 =	vgt.s32 v18, $0xFFFFFFFF;
	v15 =	vnsel vm6, $0x0, v18;
	[tilespmem:v61+s15+$0x0] =	vst.idx.add.f32.msk $0xffff, v14;
	v14 =	vadd.s32 $0xFFFFFE10, v11  }
0x44d: {  	vm2 =	vmmov vm1;
	v18 =	vnsel vm5, $0x0, v20;
	vm1 =	vgt.s32 v14, $0x0  }
0x44e: {  	[tilespmem:v22+s15+$0x0] =	vst.idx.add.f32.msk $0xffff, v18;
	v18 =	vnsel vm1, $0x0, v14;
	vm1 =	vgt.s32 v63, $0x0;
	v22 =	vnsel vm4, $0x0, v62  }
0x44f: {  	v19 =	vld [tilespmem:s11+$0xFFFFFFE0];
	vm4 =	vgt.s32 v14, $0xFFFFFFFF;
	v14 =	vshll.u32 v18, $0x7;
	v18 =	vnsel vm1, $0x0, v63  }
0x450: {  	v20 =	vld.idx.msk [tilespmem:v60+s6+$0x0], $0xffff;
	v18 =	vshll.u32 v18, $0x7  }
0x451: {  	v9 =	vshll.u32 v9, $0x7;
	[tilespmem:v23+s15+$0x0] =	vst.idx.add.f32.msk $0xffff, v22;
	v22 =	vor.u32 v5, v18  }
0x452: {  	v9 =	vor.u32 v8, v9;
	vm3 =	vgt.s32 v57, $0xFFFFFFFF;
	v15 =	vshll.u32 v15, $0x7;
	v21 =	vld.idx.msk [tilespmem:v31+s6+$0x0], $0xffff  }
0x453: {  	v16 =	vor.u32 v5, v16;
	v13 =	vor.u32 v6, v13;
	v15 =	vor.u32 v7, v15;
	v17 =	vld.idx.msk [tilespmem:v17+s6+$0x0], $0xffff  }
0x454: {  	s13 =	simm.s32 $0x2;
	s18 =	simm.s32 $0x116F0;
	vm5 =	vgt.s32 v63, $0xFFFFFFFF;
	vm1 =	vmmov vm7;
	v14 =	vor.u32 v8, v14;
	v18 =	vld [tilespmem:s11+$0xFFFFFFF0]  }
.LBB2_26:
0x455: {  	v23 =	vld [tilespmem:s18+$0xFFFFFF90];
	v20 =	vnsel vm5, $0x0, v20;
	v24 =	vadd.s32 $0xFFFFFE10, v19  }
0x456: {  	[tilespmem:v22+s15+$0x0] =	vst.idx.add.f32.msk $0xffff, v20;
	vm5 =	vgt.s32 v24, $0x0  }
0x457: {  	s13 =	sadd.s32 $0x2, s13;
	v20 =	vnsel vm3, $0x0, v21;
	v19 =	vld.idx.msk [tilespmem:v19+s6+$0x0], $0xffff;
	v21 =	vnsel vm5, $0x0, v24  }
0x458: {  	p2 =	slt.u32 s13, $0x26;
	v22 =	vld [tilespmem:s18+$0xFFFFFF10];
	v21 =	vshll.u32 v21, $0x7  }
0x459: {  	v17 =	vnsel vm0, $0x0, v17;
	vm0 =	vmmov vm4;
	v25 =	vld [tilespmem:s18+$0xFFFFFF20];
	v21 =	vor.u32 v6, v21  }
0x45a: {  	v26 =	vld [tilespmem:s18+$0xFFFFFF30]  }
0x45b: {  	v27 =	vadd.s32 $0xFFFFFE10, v23;
	v28 =	vld [tilespmem:s11+$0x0];
	s11 =	smov.u32 s18  }
0x45c: {  	vm4 =	vgt.s32 v24, $0xFFFFFFFF;
	vm3 =	vgt.s32 v27, $0x0;
	v29 =	vld [tilespmem:s18+$0xFFFFFFA0]  }
0x45d: {  	v30 =	vadd.s32 $0xFFFFFE10, v18;
	v24 =	vnsel vm3, $0x0, v27;
	v19 =	vnsel vm4, $0x0, v19;
	v23 =	vld.idx.msk [tilespmem:v23+s6+$0x0], $0xffff  }
0x45e: {  	vm3 =	vgt.s32 v30, $0x0;
	v31 =	vadd.s32 $0xFFFFFE10, v22;
	v24 =	vshll.u32 v24, $0x7;
	[tilespmem:v21+s15+$0x0] =	vst.idx.add.f32.msk $0xffff, v19  }
0x45f: {  	vm4 =	vgt.s32 v31, $0x0;
	v19 =	vor.u32 v0, v24;
	v21 =	vld.idx.msk [tilespmem:v18+s6+$0x0], $0xffff;
	v18 =	vnsel vm3, $0x0, v30  }
0x460: {  	vm5 =	vgt.s32 v31, $0xFFFFFFFF;
	v24 =	vnsel vm4, $0x0, v31;
	v22 =	vld.idx.msk [tilespmem:v22+s6+$0x0], $0xffff;
	v18 =	vshll.u32 v18, $0x7  }
0x461: {  	v31 =	vadd.s32 $0xFFFFFE10, v25;
	v24 =	vshll.u32 v24, $0x7;
	v32 =	vld [tilespmem:s18+$0xFFFFFF40];
	v33 =	vor.u32 v7, v18  }
0x462: {  	vm6 =	vgt.s32 v27, $0xFFFFFFFF;
	vm4 =	vgt.s32 v31, $0x0;
	v24 =	vor.u32 v0, v24;
	v18 =	vld [tilespmem:s18+$0xFFFFFF50]  }
0x463: {  	vm3 =	vgt.s32 v31, $0xFFFFFFFF;
	v27 =	vnsel vm4, $0x0, v31;
	v23 =	vnsel vm6, $0x0, v23;
	v31 =	vld [tilespmem:s18+$0xFFFFFFB0]  }
0x464: {  	vm4 =	vgt.s32 v30, $0xFFFFFFFF;
	v27 =	vshll.u32 v27, $0x7;
	[tilespmem:v19+s15+$0x0] =	vst.idx.add.f32.msk $0xffff, v23;
	v19 =	vadd.s32 $0xFFFFFE10, v29  }
0x465: {  	v21 =	vnsel vm4, $0x0, v21;
	v23 =	vld.idx.msk [tilespmem:v29+s6+$0x0], $0xffff;
	vm6 =	vgt.s32 v19, $0x0;
	v29 =	vadd.s32 $0xFFFFFE10, v28  }
0x466: {  	v22 =	vnsel vm5, $0x0, v22;
	v30 =	vnsel vm6, $0x0, v19;
	[tilespmem:v33+s15+$0x0] =	vst.idx.add.f32.msk $0xffff, v21;
	vm4 =	vgt.s32 v29, $0x0  }
0x467: {  	v21 =	vor.u32 v2, v27;
	v27 =	vshll.u32 v30, $0x7;
	v28 =	vld.idx.msk [tilespmem:v28+s6+$0x0], $0xffff;
	v30 =	vnsel vm4, $0x0, v29  }
0x468: {  	[tilespmem:v24+s15+$0x0] =	vst.idx.add.f32.msk $0xffff, v22;
	v22 =	vadd.s32 $0xFFFFFE10, v26;
	v24 =	vor.u32 v2, v27;
	v27 =	vshll.u32 v30, $0x7  }
0x469: {  	v25 =	vld.idx.msk [tilespmem:v25+s6+$0x0], $0xffff;
	vm4 =	vgt.s32 v22, $0xFFFFFFFF;
	vm5 =	vgt.s32 v22, $0x0;
	v27 =	vor.u32 v8, v27  }
0x46a: {  	v33 =	vadd.s32 $0xFFFFFE10, v18;
	v30 =	vadd.s32 $0xFFFFFE10, v32;
	v22 =	vnsel vm5, $0x0, v22;
	v34 =	vld [tilespmem:s18+$0xFFFFFF60]  }
0x46b: {  	vm6 =	vgt.s32 v19, $0xFFFFFFFF;
	vm5 =	vgt.s32 v30, $0x0;
	v22 =	vshll.u32 v22, $0x7;
	[tilespmem:v16+s15+$0x0] =	vst.idx.add.f32.msk $0xffff, v20  }
0x46c: {  	v16 =	vnsel vm6, $0x0, v23;
	vm6 =	vgt.s32 v29, $0xFFFFFFFF;
	v19 =	vor.u32 v3, v22;
	v20 =	vld [tilespmem:s18+$0xFFFFFFC0]  }
0x46d: {  	v23 =	vadd.s32 $0xFFFFFE10, v31;
	v22 =	vnsel vm5, $0x0, v30;
	[tilespmem:v24+s15+$0x0] =	vst.idx.add.f32.msk $0xffff, v16;
	v16 =	vnsel vm6, $0x0, v28  }
0x46e: {  	vm5 =	vgt.s32 v30, $0xFFFFFFFF;
	v22 =	vshll.u32 v22, $0x7;
	vm6 =	vgt.s32 v23, $0x0;
	[tilespmem:v27+s15+$0x0] =	vst.idx.add.f32.msk $0xffff, v16  }
0x46f: {  	v16 =	vnsel vm3, $0x0, v25;
	v22 =	vor.u32 v4, v22;
	v25 =	vnsel vm6, $0x0, v23;
	v24 =	vld.idx.msk [tilespmem:v31+s6+$0x0], $0xffff  }
0x470: {  	vm3 =	vgt.s32 v33, $0xFFFFFFFF;
	vm6 =	vgt.s32 v33, $0x0;
	[tilespmem:v21+s15+$0x0] =	vst.idx.add.f32.msk $0xffff, v16;
	v16 =	vshll.u32 v25, $0x7  }
0x471: {  	v25 =	vnsel vm6, $0x0, v33;
	v21 =	vld.idx.msk [tilespmem:v26+s6+$0x0], $0xffff;
	v26 =	vadd.s32 $0xFFFFFE10, v34;
	v27 =	vor.u32 v3, v16  }
0x472: {  	v16 =	vshll.u32 v25, $0x7;
	vm7 =	vgt.s32 v26, $0xFFFFFFFF;
	vm6 =	vgt.s32 v26, $0x0;
	v25 =	vld.idx.msk [tilespmem:v10+s6+$0x0], $0xffff;
	v10 =	vmovc v34  }
0x473: {  	v16 =	vor.u32 v5, v16;
	v26 =	vnsel vm6, $0x0, v26;
	v28 =	vld [tilespmem:s18+$0xFFFFFF70]  }
0x474: {  	vm6 =	vgt.s32 v23, $0xFFFFFFFF;
	v26 =	vshll.u32 v26, $0x7;
	v29 =	vld [tilespmem:s18+$0xFFFFFF80]  }
0x475: {  	v24 =	vnsel vm6, $0x0, v24;
	v23 =	vor.u32 v6, v26;
	v26 =	vadd.s32 $0xFFFFFE10, v20;
	v30 =	vld [tilespmem:s18+$0xFFFFFFD0]  }
0x476: {  	[tilespmem:v27+s15+$0x0] =	vst.idx.add.f32.msk $0xffff, v24;
	vm6 =	vgt.s32 v26, $0x0  }
0x477: {  	v21 =	vnsel vm4, $0x0, v21;
	v20 =	vld.idx.msk [tilespmem:v20+s6+$0x0], $0xffff;
	v24 =	vnsel vm6, $0x0, v26  }
0x478: {  	[tilespmem:v19+s15+$0x0] =	vst.idx.add.f32.msk $0xffff, v21;
	v19 =	vadd.s32 $0xFFFFFE10, v28;
	v21 =	vshll.u32 v24, $0x7;
	v24 =	vnsel vm2, $0x0, v25  }
0x479: {  	v25 =	vld.idx.msk [tilespmem:v32+s6+$0x0], $0xffff;
	vm6 =	vgt.s32 v19, $0xFFFFFFFF;
	vm2 =	vgt.s32 v19, $0x0;
	v21 =	vor.u32 v4, v21  }
0x47a: {  	v27 =	vadd.s32 $0xFFFFFE10, v29;
	v19 =	vnsel vm2, $0x0, v19;
	[tilespmem:v13+s15+$0x0] =	vst.idx.add.f32.msk $0xffff, v24;
	v13 =	vmovc v23;
	vm2 =	vmmov vm7  }
0x47b: {  	vm4 =	vgt.s32 v27, $0xFFFFFFFF;
	vm7 =	vgt.s32 v27, $0x0;
	v19 =	vshll.u32 v19, $0x7;
	v23 =	vld.idx.msk [tilespmem:v12+s6+$0x0], $0xffff;
	v12 =	vmovc v28  }
0x47c: {  	v24 =	vor.u32 v7, v19;
	v19 =	vnsel vm7, $0x0, v27;
	vm7 =	vgt.s32 v26, $0xFFFFFFFF;
	[tilespmem:v9+s15+$0x0] =	vst.idx.add.f32.msk $0xffff, v17;
	v9 =	vmovc v14  }
0x47d: {  	v26 =	vadd.s32 $0xFFFFFE10, v30;
	v14 =	vshll.u32 v19, $0x7;
	v17 =	vnsel vm7, $0x0, v20;
	v19 =	vld [tilespmem:s18+$0xFFFFFFE0]  }
0x47e: {  	vm7 =	vgt.s32 v26, $0x0;
	v14 =	vor.u32 v8, v14;
	[tilespmem:v21+s15+$0x0] =	vst.idx.add.f32.msk $0xffff, v17  }
0x47f: {  	v17 =	vnsel vm5, $0x0, v25;
	v21 =	vnsel vm7, $0x0, v26;
	v20 =	vld.idx.msk [tilespmem:v30+s6+$0x0], $0xffff  }
.Ltmp18:
0x480: {  	[tilespmem:v22+s15+$0x0] =	vst.idx.add.f32.msk $0xffff, v17;
	v17 =	vshll.u32 v21, $0x7;
	(pc) =	sbr.rel @p2 .LBB2_26-.Ltmp18, $4  }
0x481: {  	v21 =	vld.idx.msk [tilespmem:v18+s6+$0x0], $0xffff;
	v22 =	vor.u32 v5, v17;
	v17 =	vnsel vm1, $0x0, v23;
	vm1 =	vmmov vm6  }
0x482: {  	[tilespmem:v15+s15+$0x0] =	vst.idx.add.f32.msk $0xffff, v17;
	v15 =	vmov v24  }
0x483: {  	v17 =	vld.idx.msk [tilespmem:v11+s6+$0x0], $0xffff;
	v11 =	vmov v29  }
0x484: {  	s18 =	sadd.s32 $0x100, s18;
	vm5 =	vgt.s32 v26, $0xFFFFFFFF;
	v18 =	vld [tilespmem:s11+$0xFFFFFFF0]  }
0x485: {  	_ =	sdelay $0x2  }
0x486: {  	v23 =	vadd.s32 $0xFFFFFE10, v19;
	v20 =	vnsel vm5, $0x0, v20  }
0x487: {  	vm9 =	vgt.s32 v23, $0x0;
	[tilespmem:v22+s15+$0x0] =	vst.idx.add.f32.msk $0xffff, v20  }
0x488: {  	v21 =	vnsel vm3, $0x0, v21;
	v53 =	vnsel vm9, $0x0, v23;
	v54 =	vld.idx.msk [tilespmem:v19+s6+$0x0], $0xffff  }
0x489: {  	[tilespmem:v16+s15+$0x0] =	vst.idx.add.f32.msk $0xffff, v21;
	v20 =	vshll.u32 v53, $0x7  }
0x48a: {  	v10 =	vld.idx.msk [tilespmem:v10+s6+$0x0], $0xffff;
	v20 =	vor.u32 v6, v20;
	_ =	sdelay $0x2  }
0x48b: {  	vm10 =	vgt.s32 v23, $0xFFFFFFFF  }
0x48c: {  	v56 =	vld [tilespmem:s11+$0x0];
	v55 =	vadd.s32 $0xFFFFFE10, v18;
	v19 =	vnsel vm10, $0x0, v54  }
0x48d: {  	vm11 =	vgt.s32 v55, $0x0;
	v10 =	vnsel vm2, $0x0, v10;
	[tilespmem:v20+s15+$0x0] =	vst.idx.add.f32.msk $0xffff, v19  }
0x48e: {  	v57 =	vnsel vm11, $0x0, v55;
	[tilespmem:v13+s15+$0x0] =	vst.idx.add.f32.msk $0xffff, v10  }
0x48f: {  	v19 =	vshll.u32 v57, $0x7;
	v58 =	vld.idx.msk [tilespmem:v18+s6+$0x0], $0xffff  }
0x490: {  	v19 =	vor.u32 v7, v19;
	v10 =	vld.idx.msk [tilespmem:v12+s6+$0x0], $0xffff;
	_ =	sdelay $0x2  }
0x491: {  	vm12 =	vgt.s32 v55, $0xFFFFFFFF  }
0x492: {  	v59 =	vadd.s32 $0xFFFFFE10, v56;
	v60 =	vnsel vm12, $0x0, v58  }
0x493: {  	vm13 =	vgt.s32 v59, $0x0;
	v10 =	vnsel vm1, $0x0, v10;
	[tilespmem:v19+s15+$0x0] =	vst.idx.add.f32.msk $0xffff, v60  }
0x494: {  	v61 =	vnsel vm13, $0x0, v59;
	[tilespmem:v15+s15+$0x0] =	vst.idx.add.f32.msk $0xffff, v10  }
0x495: {  	v13 =	vshll.u32 v61, $0x7;
	v62 =	vld.idx.msk [tilespmem:v56+s6+$0x0], $0xffff  }
0x496: {  	s3 =	sor.u32 $0x3, s12;
	v13 =	vor.u32 v8, v13;
	v10 =	vld.idx.msk [tilespmem:v11+s6+$0x0], $0xffff  }
0x497: {  	p2 =	sgt.u32 s3, $0x18  }
0x498: {  	s3 =	smul.u32 @!p2 $0x28000, s3  }
0x499: {  	v63 =	vnsel vm0, $0x0, v17;
	vm14 =	vgt.s32 v59, $0xFFFFFFFF  }
0x49a: {  	vm15 =	vmmov vm4;
	s3 =	sor.u32 @!p2 s5, s3;
	[tilespmem:v9+s15+$0x0] =	vst.idx.add.f32.msk $0xffff, v63;
	v11 =	vnsel vm14, $0x0, v62  }
0x49b: {  	s8 =	simm.s32 @!p2 $0x400;
	s3 =	sshrl.u32 @!p2 s3, $0x3;
	v9 =	vnsel vm15, $0x0, v10;
	[tilespmem:v13+s15+$0x0] =	vst.idx.add.f32.msk $0xffff, v11  }
0x49c: {  	s11 =	simm.s32 @!p2 $0x8000;
	s12 =	simm.s32 @!p2 $0x13C00;
	s3 =	sadd.s32 @!p2 s1, s3;
	[tilespmem:v14+s15+$0x0] =	vst.idx.add.f32.msk $0xffff, v9  }
0x49d: {  	[tilespmem:s12], [sflag:$0x4] =	stream.strided.gather @!p2 [hbm4b:s3+s8], $0x1400, s11, s8, $0x38;
	[tilespmem:$0x1A000] =	vst v63  }
.LBB2_28:
.Ltmp19:
0x49e: {  	(pc) =	sbr.rel @p1 .LBB2_32-.Ltmp19, $1  }
0x49f: {  	_ =	sdelay $0x3  }
0x4a0: {  	_ =	swait.ge [sflag:s24], $0x1400  }
0x4a1: {  	[sflag:s24] =	ssyncset.done $0x0  }
0x4a2: {  	s3 =	simm.s32 $0x128F0;
	[sflag:s24] =	ssyncadd.s32 $0xFFFFEC00  }
0x4a3: {  	v9 =	vld [tilespmem:s3+$0xFFFFFF90];
	_ =	sdelay $0x3  }
0x4a4: {  	v10 =	vld [tilespmem:s3+$0xFFFFFF10]  }
0x4a5: {  	v11 =	vadd.s32 $0xFFFFFE10, v9  }
0x4a6: {  	vm0 =	vgt.s32 v11, $0x0  }
0x4a7: {  	v12 =	vld [tilespmem:s3+$0xFFFFFFA0];
	v13 =	vnsel vm0, $0x0, v11  }
0x4a8: {  	v9 =	vld.idx.msk [tilespmem:v9+s6+$0x0], $0xffff;
	v13 =	vshll.u32 v13, $0x7  }
0x4a9: {  	v14 =	vadd.s32 $0xFFFFFE10, v10;
	v13 =	vor.u32 v0, v13  }
0x4aa: {  	v15 =	vld [tilespmem:s3+$0xFFFFFF20];
	vm0 =	vgt.s32 v14, $0x0  }
0x4ab: {  	v17 =	vld [tilespmem:s3+$0xFFFFFFB0];
	v16 =	vnsel vm0, $0x0, v14  }
0x4ac: {  	v10 =	vld.idx.msk [tilespmem:v10+s6+$0x0], $0xffff;
	vm0 =	vgt.s32 v11, $0xFFFFFFFF;
	v11 =	vadd.s32 $0xFFFFFE10, v12;
	v16 =	vshll.u32 v16, $0x7  }
0x4ad: {  	v19 =	vld [tilespmem:s3+$0xFFFFFFD0];
	v16 =	vor.u32 v0, v16;
	v9 =	vnsel vm0, $0x0, v9;
	vm0 =	vgt.s32 v11, $0x0  }
0x4ae: {  	[tilespmem:v13+s15+$0x0] =	vst.idx.add.f32.msk $0xffff, v9;
	v9 =	vnsel vm0, $0x0, v11  }
0x4af: {  	v12 =	vld.idx.msk [tilespmem:v12+s6+$0x0], $0xffff;
	v9 =	vshll.u32 v9, $0x7  }
0x4b0: {  	v20 =	vld [tilespmem:s3+$0xFFFFFFE0];
	vm0 =	vgt.s32 v14, $0xFFFFFFFF;
	v13 =	vadd.s32 $0xFFFFFE10, v15;
	v9 =	vor.u32 v2, v9  }
0x4b1: {  	v14 =	vld [tilespmem:s3+$0xFFFFFF30];
	vm1 =	vgt.s32 v13, $0x0;
	v10 =	vnsel vm0, $0x0, v10  }
0x4b2: {  	v18 =	vnsel vm1, $0x0, v13;
	[tilespmem:v16+s15+$0x0] =	vst.idx.add.f32.msk $0xffff, v10  }
0x4b3: {  	vm0 =	vgt.s32 v11, $0xFFFFFFFF;
	v11 =	vadd.s32 $0xFFFFFE10, v17;
	v10 =	vshll.u32 v18, $0x7;
	v15 =	vld.idx.msk [tilespmem:v15+s6+$0x0], $0xffff  }
0x4b4: {  	v16 =	vld [tilespmem:s3+$0xFFFFFFC0];
	v10 =	vor.u32 v2, v10;
	v12 =	vnsel vm0, $0x0, v12;
	vm0 =	vgt.s32 v11, $0x0  }
0x4b5: {  	[tilespmem:v9+s15+$0x0] =	vst.idx.add.f32.msk $0xffff, v12;
	v9 =	vnsel vm0, $0x0, v11  }
0x4b6: {  	s11 =	simm.s32 $0x129F0;
	vm0 =	vgt.s32 v13, $0xFFFFFFFF;
	v13 =	vld.idx.msk [tilespmem:v17+s6+$0x0], $0xffff;
	v9 =	vshll.u32 v9, $0x7  }
0x4b7: {  	v22 =	vld [tilespmem:s11+$0xFFFFFF20];
	v12 =	vadd.s32 $0xFFFFFE10, v14;
	v9 =	vor.u32 v3, v9  }
0x4b8: {  	v17 =	vld [tilespmem:s3+$0xFFFFFF40];
	vm1 =	vgt.s32 v12, $0x0;
	v15 =	vnsel vm0, $0x0, v15  }
0x4b9: {  	v18 =	vnsel vm1, $0x0, v12;
	[tilespmem:v10+s15+$0x0] =	vst.idx.add.f32.msk $0xffff, v15  }
0x4ba: {  	vm0 =	vgt.s32 v11, $0xFFFFFFFF;
	v10 =	vshll.u32 v18, $0x7;
	v14 =	vld.idx.msk [tilespmem:v14+s6+$0x0], $0xffff;
	v18 =	vadd.s32 $0xFFFFFE10, v16  }
0x4bb: {  	v25 =	vld [tilespmem:s3+$0x0];
	v10 =	vor.u32 v3, v10;
	v11 =	vnsel vm0, $0x0, v13;
	vm0 =	vgt.s32 v18, $0x0  }
0x4bc: {  	[tilespmem:v9+s15+$0x0] =	vst.idx.add.f32.msk $0xffff, v11;
	v9 =	vnsel vm0, $0x0, v18  }
0x4bd: {  	v16 =	vld.idx.msk [tilespmem:v16+s6+$0x0], $0xffff;
	v9 =	vshll.u32 v9, $0x7  }
0x4be: {  	v26 =	vld [tilespmem:s11+$0xFFFFFFA0];
	vm0 =	vgt.s32 v12, $0xFFFFFFFF;
	v12 =	vadd.s32 $0xFFFFFE10, v17;
	v9 =	vor.u32 v4, v9  }
0x4bf: {  	v15 =	vld [tilespmem:s3+$0xFFFFFF50];
	vm1 =	vgt.s32 v12, $0x0;
	v13 =	vnsel vm0, $0x0, v14  }
0x4c0: {  	v14 =	vnsel vm1, $0x0, v12;
	[tilespmem:v10+s15+$0x0] =	vst.idx.add.f32.msk $0xffff, v13  }
0x4c1: {  	vm0 =	vgt.s32 v18, $0xFFFFFFFF;
	v18 =	vadd.s32 $0xFFFFFE10, v19;
	v10 =	vshll.u32 v14, $0x7;
	v14 =	vld.idx.msk [tilespmem:v17+s6+$0x0], $0xffff  }
0x4c2: {  	v11 =	vld [tilespmem:s3+$0xFFFFFF60];
	v10 =	vor.u32 v4, v10;
	v16 =	vnsel vm0, $0x0, v16;
	vm0 =	vgt.s32 v18, $0x0  }
0x4c3: {  	[tilespmem:v9+s15+$0x0] =	vst.idx.add.f32.msk $0xffff, v16;
	v9 =	vnsel vm0, $0x0, v18  }
0x4c4: {  	vm0 =	vgt.s32 v12, $0xFFFFFFFF;
	v12 =	vld.idx.msk [tilespmem:v19+s6+$0x0], $0xffff;
	v9 =	vshll.u32 v9, $0x7  }
0x4c5: {  	v13 =	vld [tilespmem:s3+$0xFFFFFF70];
	v9 =	vor.u32 v5, v9  }
0x4c6: {  	v16 =	vld [tilespmem:s11+$0xFFFFFF90];
	v14 =	vnsel vm0, $0x0, v14  }
0x4c7: {  	[tilespmem:v10+s15+$0x0] =	vst.idx.add.f32.msk $0xffff, v14  }
0x4c8: {  	vm0 =	vgt.s32 v18, $0xFFFFFFFF;
	v18 =	vadd.s32 $0xFFFFFE10, v20;
	v14 =	vld [tilespmem:s3+$0xFFFFFFF0]  }
0x4c9: {  	vm1 =	vgt.s32 v18, $0x0;
	v10 =	vld.idx.msk [tilespmem:v15+s6+$0x0], $0xffff;
	v12 =	vnsel vm0, $0x0, v12  }
0x4ca: {  	v52 =	vadd.s32 $0xFFFFFE10, v22;
	v23 =	vadd.s32 $0xFFFFFE10, v13;
	v19 =	vnsel vm1, $0x0, v18;
	[tilespmem:v9+s15+$0x0] =	vst.idx.add.f32.msk $0xffff, v12  }
0x4cb: {  	vm4 =	vgt.s32 v18, $0xFFFFFFFF;
	v15 =	vadd.s32 $0xFFFFFE10, v15;
	v19 =	vshll.u32 v19, $0x7;
	v12 =	vld.idx.msk [tilespmem:v20+s6+$0x0], $0xffff  }
0x4cc: {  	vm2 =	vgt.s32 v15, $0x0;
	v19 =	vor.u32 v6, v19;
	v24 =	vadd.s32 $0xFFFFFE10, v16;
	v20 =	vld [tilespmem:s11+$0xFFFFFF10]  }
0x4cd: {  	v30 =	vld [tilespmem:s11+$0xFFFFFF40];
	vm0 =	vgt.s32 v15, $0xFFFFFFFF;
	v15 =	vnsel vm2, $0x0, v15;
	vm2 =	vgt.s32 v23, $0xFFFFFFFF  }
0x4ce: {  	v31 =	vld [tilespmem:s11+$0xFFFFFF50];
	vm3 =	vgt.s32 v24, $0x0;
	v9 =	vadd.s32 $0xFFFFFE10, v11;
	v15 =	vshll.u32 v15, $0x7  }
0x4cf: {  	v51 =	vld [tilespmem:s11+$0xFFFFFFB0];
	v18 =	vnsel vm3, $0x0, v24;
	v27 =	vadd.s32 $0xFFFFFE10, v14;
	vm3 =	vgt.s32 v23, $0x0  }
0x4d0: {  	v16 =	vld.idx.msk [tilespmem:v16+s6+$0x0], $0xffff;
	v18 =	vshll.u32 v18, $0x7;
	v12 =	vnsel vm4, $0x0, v12;
	vm4 =	vgt.s32 v27, $0x0  }
0x4d1: {  	v18 =	vor.u32 v0, v18;
	[tilespmem:v19+s15+$0x0] =	vst.idx.add.f32.msk $0xffff, v12;
	v12 =	vadd.s32 $0xFFFFFE10, v20;
	v19 =	vnsel vm4, $0x0, v27  }
0x4d2: {  	v23 =	vnsel vm3, $0x0, v23;
	v14 =	vld.idx.msk [tilespmem:v14+s6+$0x0], $0xffff;
	vm3 =	vgt.s32 v12, $0x0;
	v19 =	vshll.u32 v19, $0x7  }
0x4d3: {  	v60 =	vld [tilespmem:s11+$0xFFFFFFD0];
	vm1 =	vgt.s32 v9, $0x0;
	v29 =	vnsel vm3, $0x0, v12;
	v19 =	vor.u32 v7, v19  }
0x4d4: {  	v21 =	vnsel vm1, $0x0, v9;
	v20 =	vld.idx.msk [tilespmem:v20+s6+$0x0], $0xffff;
	vm3 =	vgt.s32 v24, $0xFFFFFFFF;
	v29 =	vshll.u32 v29, $0x7  }
0x4d5: {  	v17 =	vld [tilespmem:s3+$0xFFFFFF80];
	vm1 =	vgt.s32 v9, $0xFFFFFFFF;
	v16 =	vnsel vm3, $0x0, v16;
	v50 =	vor.u32 v0, v29  }
0x4d6: {  	vm4 =	vgt.s32 v27, $0xFFFFFFFF;
	vm3 =	vgt.s32 v12, $0xFFFFFFFF;
	v12 =	vadd.s32 $0xFFFFFE10, v26;
	[tilespmem:v18+s15+$0x0] =	vst.idx.add.f32.msk $0xffff, v16  }
0x4d7: {  	vm5 =	vgt.s32 v12, $0x0;
	v18 =	vadd.s32 $0xFFFFFE10, v25;
	v16 =	vld.idx.msk [tilespmem:v26+s6+$0x0], $0xffff;
	v14 =	vnsel vm4, $0x0, v14  }
0x4d8: {  	v9 =	vor.u32 v5, v15;
	v53 =	vnsel vm5, $0x0, v12;
	vm4 =	vgt.s32 v18, $0x0;
	[tilespmem:v19+s15+$0x0] =	vst.idx.add.f32.msk $0xffff, v14  }
0x4d9: {  	v14 =	vnsel vm3, $0x0, v20;
	v19 =	vshll.u32 v53, $0x7;
	v54 =	vnsel vm4, $0x0, v18;
	v20 =	vld.idx.msk [tilespmem:v25+s6+$0x0], $0xffff  }
0x4da: {  	vm3 =	vgt.s32 v52, $0x0;
	[tilespmem:v50+s15+$0x0] =	vst.idx.add.f32.msk $0xffff, v14;
	v14 =	vor.u32 v2, v19;
	v19 =	vshll.u32 v54, $0x7  }
0x4db: {  	v15 =	vshll.u32 v21, $0x7;
	v21 =	vld [tilespmem:s11+$0xFFFFFF30];
	v55 =	vnsel vm3, $0x0, v52;
	v19 =	vor.u32 v8, v19  }
0x4dc: {  	v56 =	vnsel vm0, $0x0, v10;
	v24 =	vshll.u32 v55, $0x7;
	v22 =	vld.idx.msk [tilespmem:v22+s6+$0x0], $0xffff  }
0x4dd: {  	v57 =	vadd.s32 $0xFFFFFE10, v31;
	[tilespmem:v9+s15+$0x0] =	vst.idx.add.f32.msk $0xffff, v56;
	vm0 =	vgt.s32 v12, $0xFFFFFFFF;
	v24 =	vor.u32 v2, v24  }
0x4de: {  	v28 =	vadd.s32 $0xFFFFFE10, v17;
	v12 =	vnsel vm0, $0x0, v16;
	v16 =	vld [tilespmem:s11+$0xFFFFFFC0];
	vm0 =	vgt.s32 v18, $0xFFFFFFFF  }
0x4df: {  	vm3 =	vgt.s32 v28, $0x0;
	[tilespmem:v14+s15+$0x0] =	vst.idx.add.f32.msk $0xffff, v12;
	v14 =	vadd.s32 $0xFFFFFE10, v51;
	v12 =	vnsel vm0, $0x0, v20  }
0x4e0: {  	v9 =	vnsel vm3, $0x0, v28;
	vm0 =	vgt.s32 v52, $0xFFFFFFFF;
	vm3 =	vgt.s32 v14, $0x0;
	[tilespmem:v19+s15+$0x0] =	vst.idx.add.f32.msk $0xffff, v12  }
0x4e1: {  	v12 =	vadd.s32 $0xFFFFFE10, v21;
	v18 =	vnsel vm0, $0x0, v22;
	v19 =	vld.idx.msk [tilespmem:v51+s6+$0x0], $0xffff;
	v20 =	vnsel vm3, $0x0, v14  }
0x4e2: {  	vm4 =	vmmov vm2;
	vm2 =	vgt.s32 v12, $0x0;
	[tilespmem:v24+s15+$0x0] =	vst.idx.add.f32.msk $0xffff, v18;
	v18 =	vshll.u32 v20, $0x7  }
0x4e3: {  	v63 =	vadd.s32 $0xFFFFFE10, v60;
	v10 =	vld [tilespmem:s11+$0xFFFFFF60];
	v20 =	vnsel vm2, $0x0, v12;
	v18 =	vor.u32 v3, v18  }
0x4e4: {  	v22 =	vadd.s32 $0xFFFFFE10, v30;
	v21 =	vld.idx.msk [tilespmem:v21+s6+$0x0], $0xffff;
	vm2 =	vgt.s32 v12, $0xFFFFFFFF;
	v12 =	vshll.u32 v20, $0x7  }
0x4e5: {  	vm6 =	vgt.s32 v57, $0x0;
	vm3 =	vgt.s32 v22, $0x0;
	v20 =	vld.idx.msk [tilespmem:v11+s6+$0x0], $0xffff;
	v58 =	vor.u32 v3, v12  }
0x4e6: {  	v23 =	vshll.u32 v23, $0x7;
	v59 =	vnsel vm3, $0x0, v22;
	vm3 =	vgt.s32 v14, $0xFFFFFFFF;
	v11 =	vld [tilespmem:s11+$0xFFFFFF80]  }
0x4e7: {  	v15 =	vor.u32 v6, v15;
	v14 =	vadd.s32 $0xFFFFFE10, v16;
	v12 =	vld [tilespmem:s11+$0xFFFFFF70];
	v19 =	vnsel vm3, $0x0, v19  }
0x4e8: {  	vm1 =	vmmov vm1;
	v23 =	vor.u32 v7, v23;
	vm3 =	vgt.s32 v14, $0x0;
	[tilespmem:v18+s15+$0x0] =	vst.idx.add.f32.msk $0xffff, v19  }
0x4e9: {  	vm5 =	vgt.s32 v28, $0xFFFFFFFF;
	v18 =	vnsel vm3, $0x0, v14;
	v19 =	vnsel vm2, $0x0, v21;
	v21 =	vld.idx.msk [tilespmem:v16+s6+$0x0], $0xffff  }
0x4ea: {  	vm0 =	vmmov vm5;
	v16 =	vshll.u32 v18, $0x7;
	v18 =	vnsel vm6, $0x0, v57;
	[tilespmem:v58+s15+$0x0] =	vst.idx.add.f32.msk $0xffff, v19  }
0x4eb: {  	v61 =	vor.u32 v4, v16;
	v16 =	vshll.u32 v18, $0x7;
	v18 =	vnsel vm1, $0x0, v20;
	v20 =	vld.idx.msk [tilespmem:v30+s6+$0x0], $0xffff  }
0x4ec: {  	vm5 =	vgt.s32 v22, $0xFFFFFFFF;
	v26 =	vshll.u32 v59, $0x7;
	v19 =	vadd.s32 $0xFFFFFE10, v10;
	[tilespmem:v15+s15+$0x0] =	vst.idx.add.f32.msk $0xffff, v18  }
0x4ed: {  	v22 =	vor.u32 v4, v26;
	vm1 =	vgt.s32 v19, $0xFFFFFFFF;
	vm2 =	vgt.s32 v19, $0x0;
	v62 =	vld.idx.msk [tilespmem:v13+s6+$0x0], $0xffff  }
0x4ee: {  	v15 =	vnsel vm2, $0x0, v19;
	v18 =	vadd.s32 $0xFFFFFE10, v12;
	vm2 =	vgt.s32 v14, $0xFFFFFFFF  }
0x4ef: {  	v13 =	vshll.u32 v15, $0x7;
	vm6 =	vgt.s32 v18, $0x0;
	v14 =	vnsel vm2, $0x0, v21  }
0x4f0: {  	vm7 =	vgt.s32 v18, $0xFFFFFFFF;
	v15 =	vnsel vm6, $0x0, v18;
	[tilespmem:v61+s15+$0x0] =	vst.idx.add.f32.msk $0xffff, v14;
	v14 =	vadd.s32 $0xFFFFFE10, v11  }
0x4f1: {  	vm2 =	vmmov vm1;
	v18 =	vnsel vm5, $0x0, v20;
	vm1 =	vgt.s32 v14, $0x0  }
0x4f2: {  	[tilespmem:v22+s15+$0x0] =	vst.idx.add.f32.msk $0xffff, v18;
	v18 =	vnsel vm1, $0x0, v14;
	vm1 =	vgt.s32 v63, $0x0;
	v22 =	vnsel vm4, $0x0, v62  }
0x4f3: {  	v19 =	vld [tilespmem:s11+$0xFFFFFFE0];
	vm4 =	vgt.s32 v14, $0xFFFFFFFF;
	v14 =	vshll.u32 v18, $0x7;
	v18 =	vnsel vm1, $0x0, v63  }
0x4f4: {  	v20 =	vld.idx.msk [tilespmem:v60+s6+$0x0], $0xffff;
	v18 =	vshll.u32 v18, $0x7  }
0x4f5: {  	v9 =	vshll.u32 v9, $0x7;
	[tilespmem:v23+s15+$0x0] =	vst.idx.add.f32.msk $0xffff, v22;
	v22 =	vor.u32 v5, v18  }
0x4f6: {  	v9 =	vor.u32 v8, v9;
	vm3 =	vgt.s32 v57, $0xFFFFFFFF;
	v15 =	vshll.u32 v15, $0x7;
	v21 =	vld.idx.msk [tilespmem:v31+s6+$0x0], $0xffff  }
0x4f7: {  	v16 =	vor.u32 v5, v16;
	v13 =	vor.u32 v6, v13;
	v15 =	vor.u32 v7, v15;
	v17 =	vld.idx.msk [tilespmem:v17+s6+$0x0], $0xffff  }
0x4f8: {  	s12 =	simm.s32 $0x2;
	s13 =	simm.s32 $0x12AF0;
	vm5 =	vgt.s32 v63, $0xFFFFFFFF;
	vm1 =	vmmov vm7;
	v14 =	vor.u32 v8, v14;
	v18 =	vld [tilespmem:s11+$0xFFFFFFF0]  }
.LBB2_30:
0x4f9: {  	v23 =	vld [tilespmem:s13+$0xFFFFFF90];
	v20 =	vnsel vm5, $0x0, v20;
	v24 =	vadd.s32 $0xFFFFFE10, v19  }
0x4fa: {  	[tilespmem:v22+s15+$0x0] =	vst.idx.add.f32.msk $0xffff, v20;
	vm5 =	vgt.s32 v24, $0x0  }
0x4fb: {  	s12 =	sadd.s32 $0x2, s12;
	v20 =	vnsel vm3, $0x0, v21;
	v19 =	vld.idx.msk [tilespmem:v19+s6+$0x0], $0xffff;
	v21 =	vnsel vm5, $0x0, v24  }
0x4fc: {  	p1 =	slt.u32 s12, $0x26;
	v22 =	vld [tilespmem:s13+$0xFFFFFF10];
	v21 =	vshll.u32 v21, $0x7  }
0x4fd: {  	v17 =	vnsel vm0, $0x0, v17;
	vm0 =	vmmov vm4;
	v25 =	vld [tilespmem:s13+$0xFFFFFF20];
	v21 =	vor.u32 v6, v21  }
0x4fe: {  	v26 =	vld [tilespmem:s13+$0xFFFFFF30]  }
0x4ff: {  	v27 =	vadd.s32 $0xFFFFFE10, v23;
	v28 =	vld [tilespmem:s11+$0x0];
	s11 =	smov.u32 s13  }
0x500: {  	vm4 =	vgt.s32 v24, $0xFFFFFFFF;
	vm3 =	vgt.s32 v27, $0x0;
	v29 =	vld [tilespmem:s13+$0xFFFFFFA0]  }
0x501: {  	v30 =	vadd.s32 $0xFFFFFE10, v18;
	v24 =	vnsel vm3, $0x0, v27;
	v19 =	vnsel vm4, $0x0, v19;
	v23 =	vld.idx.msk [tilespmem:v23+s6+$0x0], $0xffff  }
0x502: {  	vm3 =	vgt.s32 v30, $0x0;
	v31 =	vadd.s32 $0xFFFFFE10, v22;
	v24 =	vshll.u32 v24, $0x7;
	[tilespmem:v21+s15+$0x0] =	vst.idx.add.f32.msk $0xffff, v19  }
0x503: {  	vm4 =	vgt.s32 v31, $0x0;
	v19 =	vor.u32 v0, v24;
	v21 =	vld.idx.msk [tilespmem:v18+s6+$0x0], $0xffff;
	v18 =	vnsel vm3, $0x0, v30  }
0x504: {  	vm5 =	vgt.s32 v31, $0xFFFFFFFF;
	v24 =	vnsel vm4, $0x0, v31;
	v22 =	vld.idx.msk [tilespmem:v22+s6+$0x0], $0xffff;
	v18 =	vshll.u32 v18, $0x7  }
0x505: {  	v31 =	vadd.s32 $0xFFFFFE10, v25;
	v24 =	vshll.u32 v24, $0x7;
	v32 =	vld [tilespmem:s13+$0xFFFFFF40];
	v33 =	vor.u32 v7, v18  }
0x506: {  	vm6 =	vgt.s32 v27, $0xFFFFFFFF;
	vm4 =	vgt.s32 v31, $0x0;
	v24 =	vor.u32 v0, v24;
	v18 =	vld [tilespmem:s13+$0xFFFFFF50]  }
0x507: {  	vm3 =	vgt.s32 v31, $0xFFFFFFFF;
	v27 =	vnsel vm4, $0x0, v31;
	v23 =	vnsel vm6, $0x0, v23;
	v31 =	vld [tilespmem:s13+$0xFFFFFFB0]  }
0x508: {  	vm4 =	vgt.s32 v30, $0xFFFFFFFF;
	v27 =	vshll.u32 v27, $0x7;
	[tilespmem:v19+s15+$0x0] =	vst.idx.add.f32.msk $0xffff, v23;
	v19 =	vadd.s32 $0xFFFFFE10, v29  }
0x509: {  	v21 =	vnsel vm4, $0x0, v21;
	v23 =	vld.idx.msk [tilespmem:v29+s6+$0x0], $0xffff;
	vm6 =	vgt.s32 v19, $0x0;
	v29 =	vadd.s32 $0xFFFFFE10, v28  }
0x50a: {  	v22 =	vnsel vm5, $0x0, v22;
	v30 =	vnsel vm6, $0x0, v19;
	[tilespmem:v33+s15+$0x0] =	vst.idx.add.f32.msk $0xffff, v21;
	vm4 =	vgt.s32 v29, $0x0  }
0x50b: {  	v21 =	vor.u32 v2, v27;
	v27 =	vshll.u32 v30, $0x7;
	v28 =	vld.idx.msk [tilespmem:v28+s6+$0x0], $0xffff;
	v30 =	vnsel vm4, $0x0, v29  }
0x50c: {  	[tilespmem:v24+s15+$0x0] =	vst.idx.add.f32.msk $0xffff, v22;
	v22 =	vadd.s32 $0xFFFFFE10, v26;
	v24 =	vor.u32 v2, v27;
	v27 =	vshll.u32 v30, $0x7  }
0x50d: {  	v25 =	vld.idx.msk [tilespmem:v25+s6+$0x0], $0xffff;
	vm4 =	vgt.s32 v22, $0xFFFFFFFF;
	vm5 =	vgt.s32 v22, $0x0;
	v27 =	vor.u32 v8, v27  }
0x50e: {  	v33 =	vadd.s32 $0xFFFFFE10, v18;
	v30 =	vadd.s32 $0xFFFFFE10, v32;
	v22 =	vnsel vm5, $0x0, v22;
	v34 =	vld [tilespmem:s13+$0xFFFFFF60]  }
0x50f: {  	vm6 =	vgt.s32 v19, $0xFFFFFFFF;
	vm5 =	vgt.s32 v30, $0x0;
	v22 =	vshll.u32 v22, $0x7;
	[tilespmem:v16+s15+$0x0] =	vst.idx.add.f32.msk $0xffff, v20  }
0x510: {  	v16 =	vnsel vm6, $0x0, v23;
	vm6 =	vgt.s32 v29, $0xFFFFFFFF;
	v19 =	vor.u32 v3, v22;
	v20 =	vld [tilespmem:s13+$0xFFFFFFC0]  }
0x511: {  	v23 =	vadd.s32 $0xFFFFFE10, v31;
	v22 =	vnsel vm5, $0x0, v30;
	[tilespmem:v24+s15+$0x0] =	vst.idx.add.f32.msk $0xffff, v16;
	v16 =	vnsel vm6, $0x0, v28  }
0x512: {  	vm5 =	vgt.s32 v30, $0xFFFFFFFF;
	v22 =	vshll.u32 v22, $0x7;
	vm6 =	vgt.s32 v23, $0x0;
	[tilespmem:v27+s15+$0x0] =	vst.idx.add.f32.msk $0xffff, v16  }
0x513: {  	v16 =	vnsel vm3, $0x0, v25;
	v22 =	vor.u32 v4, v22;
	v25 =	vnsel vm6, $0x0, v23;
	v24 =	vld.idx.msk [tilespmem:v31+s6+$0x0], $0xffff  }
0x514: {  	vm3 =	vgt.s32 v33, $0xFFFFFFFF;
	vm6 =	vgt.s32 v33, $0x0;
	[tilespmem:v21+s15+$0x0] =	vst.idx.add.f32.msk $0xffff, v16;
	v16 =	vshll.u32 v25, $0x7  }
0x515: {  	v25 =	vnsel vm6, $0x0, v33;
	v21 =	vld.idx.msk [tilespmem:v26+s6+$0x0], $0xffff;
	v26 =	vadd.s32 $0xFFFFFE10, v34;
	v27 =	vor.u32 v3, v16  }
0x516: {  	v16 =	vshll.u32 v25, $0x7;
	vm7 =	vgt.s32 v26, $0xFFFFFFFF;
	vm6 =	vgt.s32 v26, $0x0;
	v25 =	vld.idx.msk [tilespmem:v10+s6+$0x0], $0xffff;
	v10 =	vmovc v34  }
0x517: {  	v16 =	vor.u32 v5, v16;
	v26 =	vnsel vm6, $0x0, v26;
	v28 =	vld [tilespmem:s13+$0xFFFFFF70]  }
0x518: {  	vm6 =	vgt.s32 v23, $0xFFFFFFFF;
	v26 =	vshll.u32 v26, $0x7;
	v29 =	vld [tilespmem:s13+$0xFFFFFF80]  }
0x519: {  	v24 =	vnsel vm6, $0x0, v24;
	v23 =	vor.u32 v6, v26;
	v26 =	vadd.s32 $0xFFFFFE10, v20;
	v30 =	vld [tilespmem:s13+$0xFFFFFFD0]  }
0x51a: {  	[tilespmem:v27+s15+$0x0] =	vst.idx.add.f32.msk $0xffff, v24;
	vm6 =	vgt.s32 v26, $0x0  }
0x51b: {  	v21 =	vnsel vm4, $0x0, v21;
	v20 =	vld.idx.msk [tilespmem:v20+s6+$0x0], $0xffff;
	v24 =	vnsel vm6, $0x0, v26  }
0x51c: {  	[tilespmem:v19+s15+$0x0] =	vst.idx.add.f32.msk $0xffff, v21;
	v19 =	vadd.s32 $0xFFFFFE10, v28;
	v21 =	vshll.u32 v24, $0x7;
	v24 =	vnsel vm2, $0x0, v25  }
0x51d: {  	v25 =	vld.idx.msk [tilespmem:v32+s6+$0x0], $0xffff;
	vm6 =	vgt.s32 v19, $0xFFFFFFFF;
	vm2 =	vgt.s32 v19, $0x0;
	v21 =	vor.u32 v4, v21  }
0x51e: {  	v27 =	vadd.s32 $0xFFFFFE10, v29;
	v19 =	vnsel vm2, $0x0, v19;
	[tilespmem:v13+s15+$0x0] =	vst.idx.add.f32.msk $0xffff, v24;
	v13 =	vmovc v23;
	vm2 =	vmmov vm7  }
0x51f: {  	vm4 =	vgt.s32 v27, $0xFFFFFFFF;
	vm7 =	vgt.s32 v27, $0x0;
	v19 =	vshll.u32 v19, $0x7;
	v23 =	vld.idx.msk [tilespmem:v12+s6+$0x0], $0xffff;
	v12 =	vmovc v28  }
0x520: {  	v24 =	vor.u32 v7, v19;
	v19 =	vnsel vm7, $0x0, v27;
	vm7 =	vgt.s32 v26, $0xFFFFFFFF;
	[tilespmem:v9+s15+$0x0] =	vst.idx.add.f32.msk $0xffff, v17;
	v9 =	vmovc v14  }
0x521: {  	v26 =	vadd.s32 $0xFFFFFE10, v30;
	v14 =	vshll.u32 v19, $0x7;
	v17 =	vnsel vm7, $0x0, v20;
	v19 =	vld [tilespmem:s13+$0xFFFFFFE0]  }
0x522: {  	vm7 =	vgt.s32 v26, $0x0;
	v14 =	vor.u32 v8, v14;
	[tilespmem:v21+s15+$0x0] =	vst.idx.add.f32.msk $0xffff, v17  }
0x523: {  	v17 =	vnsel vm5, $0x0, v25;
	v21 =	vnsel vm7, $0x0, v26;
	v20 =	vld.idx.msk [tilespmem:v30+s6+$0x0], $0xffff  }
.Ltmp20:
0x524: {  	[tilespmem:v22+s15+$0x0] =	vst.idx.add.f32.msk $0xffff, v17;
	v17 =	vshll.u32 v21, $0x7;
	(pc) =	sbr.rel @p1 .LBB2_30-.Ltmp20, $4  }
0x525: {  	v21 =	vld.idx.msk [tilespmem:v18+s6+$0x0], $0xffff;
	v22 =	vor.u32 v5, v17;
	v17 =	vnsel vm1, $0x0, v23;
	vm1 =	vmmov vm6  }
0x526: {  	[tilespmem:v15+s15+$0x0] =	vst.idx.add.f32.msk $0xffff, v17;
	v15 =	vmov v24  }
0x527: {  	v17 =	vld.idx.msk [tilespmem:v11+s6+$0x0], $0xffff;
	v11 =	vmov v29  }
0x528: {  	s13 =	sadd.s32 $0x100, s13;
	vm5 =	vgt.s32 v26, $0xFFFFFFFF;
	v18 =	vld [tilespmem:s11+$0xFFFFFFF0]  }
0x529: {  	_ =	sdelay $0x2  }
0x52a: {  	v23 =	vadd.s32 $0xFFFFFE10, v19;
	v20 =	vnsel vm5, $0x0, v20  }
0x52b: {  	vm9 =	vgt.s32 v23, $0x0;
	[tilespmem:v22+s15+$0x0] =	vst.idx.add.f32.msk $0xffff, v20  }
0x52c: {  	v21 =	vnsel vm3, $0x0, v21;
	v53 =	vnsel vm9, $0x0, v23;
	v54 =	vld.idx.msk [tilespmem:v19+s6+$0x0], $0xffff  }
0x52d: {  	[tilespmem:v16+s15+$0x0] =	vst.idx.add.f32.msk $0xffff, v21;
	v20 =	vshll.u32 v53, $0x7  }
0x52e: {  	v10 =	vld.idx.msk [tilespmem:v10+s6+$0x0], $0xffff;
	v20 =	vor.u32 v6, v20;
	_ =	sdelay $0x2  }
0x52f: {  	vm10 =	vgt.s32 v23, $0xFFFFFFFF  }
0x530: {  	v56 =	vld [tilespmem:s11+$0x0];
	v55 =	vadd.s32 $0xFFFFFE10, v18;
	v19 =	vnsel vm10, $0x0, v54  }
0x531: {  	vm11 =	vgt.s32 v55, $0x0;
	v10 =	vnsel vm2, $0x0, v10;
	[tilespmem:v20+s15+$0x0] =	vst.idx.add.f32.msk $0xffff, v19  }
0x532: {  	v57 =	vnsel vm11, $0x0, v55;
	[tilespmem:v13+s15+$0x0] =	vst.idx.add.f32.msk $0xffff, v10  }
0x533: {  	v19 =	vshll.u32 v57, $0x7;
	v58 =	vld.idx.msk [tilespmem:v18+s6+$0x0], $0xffff  }
0x534: {  	v19 =	vor.u32 v7, v19;
	v10 =	vld.idx.msk [tilespmem:v12+s6+$0x0], $0xffff;
	_ =	sdelay $0x2  }
0x535: {  	vm12 =	vgt.s32 v55, $0xFFFFFFFF  }
0x536: {  	v59 =	vadd.s32 $0xFFFFFE10, v56;
	v60 =	vnsel vm12, $0x0, v58  }
0x537: {  	vm13 =	vgt.s32 v59, $0x0;
	v10 =	vnsel vm1, $0x0, v10;
	[tilespmem:v19+s15+$0x0] =	vst.idx.add.f32.msk $0xffff, v60  }
0x538: {  	v61 =	vnsel vm13, $0x0, v59;
	[tilespmem:v15+s15+$0x0] =	vst.idx.add.f32.msk $0xffff, v10  }
0x539: {  	v13 =	vshll.u32 v61, $0x7;
	v62 =	vld.idx.msk [tilespmem:v56+s6+$0x0], $0xffff  }
0x53a: {  	v13 =	vor.u32 v8, v13;
	v10 =	vld.idx.msk [tilespmem:v11+s6+$0x0], $0xffff;
	_ =	sdelay $0x1  }
0x53b: {  	s3 =	smul.u32 $0xA0000, s2  }
0x53c: {  	v63 =	vnsel vm0, $0x0, v17;
	vm14 =	vgt.s32 v59, $0xFFFFFFFF  }
0x53d: {  	vm15 =	vmmov vm4;
	s3 =	sadd.s32 s9, s3;
	[tilespmem:v9+s15+$0x0] =	vst.idx.add.f32.msk $0xffff, v63;
	v11 =	vnsel vm14, $0x0, v62  }
0x53e: {  	s3 =	sshrl.u32 s3, $0x3;
	v9 =	vnsel vm15, $0x0, v10;
	[tilespmem:v13+s15+$0x0] =	vst.idx.add.f32.msk $0xffff, v11  }
0x53f: {  	s3 =	sadd.s32 s1, s3;
	[tilespmem:v14+s15+$0x0] =	vst.idx.add.f32.msk $0xffff, v9  }
0x540: {  	[tilespmem:s17], [sflag:$0x1] =	stream.strided.gather [hbm4b:s3+s15], $0x1400, s16, s15, $0x38;
	[tilespmem:$0x1A000] =	vst v63  }
.LBB2_32:
.Ltmp21:
0x541: {  	(pc) =	sbr.rel @p0 .LBB2_36-.Ltmp21, $1  }
0x542: {  	_ =	sdelay $0x3  }
0x543: {  	_ =	swait.ge [sflag:s26], $0x1400  }
0x544: {  	[sflag:s26] =	ssyncset.done $0x0  }
0x545: {  	s3 =	simm.s32 $0x13CF0;
	[sflag:s26] =	ssyncadd.s32 $0xFFFFEC00  }
0x546: {  	v9 =	vld [tilespmem:s3+$0xFFFFFF90];
	_ =	sdelay $0x3  }
0x547: {  	v10 =	vld [tilespmem:s3+$0xFFFFFF10]  }
0x548: {  	v11 =	vadd.s32 $0xFFFFFE10, v9  }
0x549: {  	vm0 =	vgt.s32 v11, $0x0  }
0x54a: {  	v12 =	vld [tilespmem:s3+$0xFFFFFFA0];
	v13 =	vnsel vm0, $0x0, v11  }
0x54b: {  	v9 =	vld.idx.msk [tilespmem:v9+s6+$0x0], $0xffff;
	v13 =	vshll.u32 v13, $0x7  }
0x54c: {  	v14 =	vadd.s32 $0xFFFFFE10, v10;
	v13 =	vor.u32 v0, v13  }
0x54d: {  	v15 =	vld [tilespmem:s3+$0xFFFFFF20];
	vm0 =	vgt.s32 v14, $0x0  }
0x54e: {  	v17 =	vld [tilespmem:s3+$0xFFFFFFB0];
	v16 =	vnsel vm0, $0x0, v14  }
0x54f: {  	v10 =	vld.idx.msk [tilespmem:v10+s6+$0x0], $0xffff;
	vm0 =	vgt.s32 v11, $0xFFFFFFFF;
	v11 =	vadd.s32 $0xFFFFFE10, v12;
	v16 =	vshll.u32 v16, $0x7  }
0x550: {  	v19 =	vld [tilespmem:s3+$0xFFFFFFD0];
	v16 =	vor.u32 v0, v16;
	v9 =	vnsel vm0, $0x0, v9;
	vm0 =	vgt.s32 v11, $0x0  }
0x551: {  	[tilespmem:v13+s15+$0x0] =	vst.idx.add.f32.msk $0xffff, v9;
	v9 =	vnsel vm0, $0x0, v11  }
0x552: {  	v12 =	vld.idx.msk [tilespmem:v12+s6+$0x0], $0xffff;
	v9 =	vshll.u32 v9, $0x7  }
0x553: {  	v20 =	vld [tilespmem:s3+$0xFFFFFFE0];
	vm0 =	vgt.s32 v14, $0xFFFFFFFF;
	v13 =	vadd.s32 $0xFFFFFE10, v15;
	v9 =	vor.u32 v2, v9  }
0x554: {  	v14 =	vld [tilespmem:s3+$0xFFFFFF30];
	vm1 =	vgt.s32 v13, $0x0;
	v10 =	vnsel vm0, $0x0, v10  }
0x555: {  	v18 =	vnsel vm1, $0x0, v13;
	[tilespmem:v16+s15+$0x0] =	vst.idx.add.f32.msk $0xffff, v10  }
0x556: {  	vm0 =	vgt.s32 v11, $0xFFFFFFFF;
	v11 =	vadd.s32 $0xFFFFFE10, v17;
	v10 =	vshll.u32 v18, $0x7;
	v15 =	vld.idx.msk [tilespmem:v15+s6+$0x0], $0xffff  }
0x557: {  	v16 =	vld [tilespmem:s3+$0xFFFFFFC0];
	v10 =	vor.u32 v2, v10;
	v12 =	vnsel vm0, $0x0, v12;
	vm0 =	vgt.s32 v11, $0x0  }
0x558: {  	[tilespmem:v9+s15+$0x0] =	vst.idx.add.f32.msk $0xffff, v12;
	v9 =	vnsel vm0, $0x0, v11  }
0x559: {  	s11 =	simm.s32 $0x13DF0;
	vm0 =	vgt.s32 v13, $0xFFFFFFFF;
	v13 =	vld.idx.msk [tilespmem:v17+s6+$0x0], $0xffff;
	v9 =	vshll.u32 v9, $0x7  }
0x55a: {  	v22 =	vld [tilespmem:s11+$0xFFFFFF20];
	v12 =	vadd.s32 $0xFFFFFE10, v14;
	v9 =	vor.u32 v3, v9  }
0x55b: {  	v17 =	vld [tilespmem:s3+$0xFFFFFF40];
	vm1 =	vgt.s32 v12, $0x0;
	v15 =	vnsel vm0, $0x0, v15  }
0x55c: {  	v18 =	vnsel vm1, $0x0, v12;
	[tilespmem:v10+s15+$0x0] =	vst.idx.add.f32.msk $0xffff, v15  }
0x55d: {  	vm0 =	vgt.s32 v11, $0xFFFFFFFF;
	v10 =	vshll.u32 v18, $0x7;
	v14 =	vld.idx.msk [tilespmem:v14+s6+$0x0], $0xffff;
	v18 =	vadd.s32 $0xFFFFFE10, v16  }
0x55e: {  	v25 =	vld [tilespmem:s3+$0x0];
	v10 =	vor.u32 v3, v10;
	v11 =	vnsel vm0, $0x0, v13;
	vm0 =	vgt.s32 v18, $0x0  }
0x55f: {  	[tilespmem:v9+s15+$0x0] =	vst.idx.add.f32.msk $0xffff, v11;
	v9 =	vnsel vm0, $0x0, v18  }
0x560: {  	v16 =	vld.idx.msk [tilespmem:v16+s6+$0x0], $0xffff;
	v9 =	vshll.u32 v9, $0x7  }
0x561: {  	v26 =	vld [tilespmem:s11+$0xFFFFFFA0];
	vm0 =	vgt.s32 v12, $0xFFFFFFFF;
	v12 =	vadd.s32 $0xFFFFFE10, v17;
	v9 =	vor.u32 v4, v9  }
0x562: {  	v15 =	vld [tilespmem:s3+$0xFFFFFF50];
	vm1 =	vgt.s32 v12, $0x0;
	v13 =	vnsel vm0, $0x0, v14  }
0x563: {  	v14 =	vnsel vm1, $0x0, v12;
	[tilespmem:v10+s15+$0x0] =	vst.idx.add.f32.msk $0xffff, v13  }
0x564: {  	vm0 =	vgt.s32 v18, $0xFFFFFFFF;
	v18 =	vadd.s32 $0xFFFFFE10, v19;
	v10 =	vshll.u32 v14, $0x7;
	v14 =	vld.idx.msk [tilespmem:v17+s6+$0x0], $0xffff  }
0x565: {  	v11 =	vld [tilespmem:s3+$0xFFFFFF60];
	v10 =	vor.u32 v4, v10;
	v16 =	vnsel vm0, $0x0, v16;
	vm0 =	vgt.s32 v18, $0x0  }
0x566: {  	[tilespmem:v9+s15+$0x0] =	vst.idx.add.f32.msk $0xffff, v16;
	v9 =	vnsel vm0, $0x0, v18  }
0x567: {  	vm0 =	vgt.s32 v12, $0xFFFFFFFF;
	v12 =	vld.idx.msk [tilespmem:v19+s6+$0x0], $0xffff;
	v9 =	vshll.u32 v9, $0x7  }
0x568: {  	v13 =	vld [tilespmem:s3+$0xFFFFFF70];
	v9 =	vor.u32 v5, v9  }
0x569: {  	v16 =	vld [tilespmem:s11+$0xFFFFFF90];
	v14 =	vnsel vm0, $0x0, v14  }
0x56a: {  	[tilespmem:v10+s15+$0x0] =	vst.idx.add.f32.msk $0xffff, v14  }
0x56b: {  	vm0 =	vgt.s32 v18, $0xFFFFFFFF;
	v18 =	vadd.s32 $0xFFFFFE10, v20;
	v14 =	vld [tilespmem:s3+$0xFFFFFFF0]  }
0x56c: {  	vm1 =	vgt.s32 v18, $0x0;
	v10 =	vld.idx.msk [tilespmem:v15+s6+$0x0], $0xffff;
	v12 =	vnsel vm0, $0x0, v12  }
0x56d: {  	v52 =	vadd.s32 $0xFFFFFE10, v22;
	v23 =	vadd.s32 $0xFFFFFE10, v13;
	v19 =	vnsel vm1, $0x0, v18;
	[tilespmem:v9+s15+$0x0] =	vst.idx.add.f32.msk $0xffff, v12  }
0x56e: {  	vm4 =	vgt.s32 v18, $0xFFFFFFFF;
	v15 =	vadd.s32 $0xFFFFFE10, v15;
	v19 =	vshll.u32 v19, $0x7;
	v12 =	vld.idx.msk [tilespmem:v20+s6+$0x0], $0xffff  }
0x56f: {  	vm2 =	vgt.s32 v15, $0x0;
	v19 =	vor.u32 v6, v19;
	v24 =	vadd.s32 $0xFFFFFE10, v16;
	v20 =	vld [tilespmem:s11+$0xFFFFFF10]  }
0x570: {  	v30 =	vld [tilespmem:s11+$0xFFFFFF40];
	vm0 =	vgt.s32 v15, $0xFFFFFFFF;
	v15 =	vnsel vm2, $0x0, v15;
	vm2 =	vgt.s32 v23, $0xFFFFFFFF  }
0x571: {  	v31 =	vld [tilespmem:s11+$0xFFFFFF50];
	vm3 =	vgt.s32 v24, $0x0;
	v9 =	vadd.s32 $0xFFFFFE10, v11;
	v15 =	vshll.u32 v15, $0x7  }
0x572: {  	v51 =	vld [tilespmem:s11+$0xFFFFFFB0];
	v18 =	vnsel vm3, $0x0, v24;
	v27 =	vadd.s32 $0xFFFFFE10, v14;
	vm3 =	vgt.s32 v23, $0x0  }
0x573: {  	v16 =	vld.idx.msk [tilespmem:v16+s6+$0x0], $0xffff;
	v18 =	vshll.u32 v18, $0x7;
	v12 =	vnsel vm4, $0x0, v12;
	vm4 =	vgt.s32 v27, $0x0  }
0x574: {  	v18 =	vor.u32 v0, v18;
	[tilespmem:v19+s15+$0x0] =	vst.idx.add.f32.msk $0xffff, v12;
	v12 =	vadd.s32 $0xFFFFFE10, v20;
	v19 =	vnsel vm4, $0x0, v27  }
0x575: {  	v23 =	vnsel vm3, $0x0, v23;
	v14 =	vld.idx.msk [tilespmem:v14+s6+$0x0], $0xffff;
	vm3 =	vgt.s32 v12, $0x0;
	v19 =	vshll.u32 v19, $0x7  }
0x576: {  	v60 =	vld [tilespmem:s11+$0xFFFFFFD0];
	vm1 =	vgt.s32 v9, $0x0;
	v29 =	vnsel vm3, $0x0, v12;
	v19 =	vor.u32 v7, v19  }
0x577: {  	v21 =	vnsel vm1, $0x0, v9;
	v20 =	vld.idx.msk [tilespmem:v20+s6+$0x0], $0xffff;
	vm3 =	vgt.s32 v24, $0xFFFFFFFF;
	v29 =	vshll.u32 v29, $0x7  }
0x578: {  	v17 =	vld [tilespmem:s3+$0xFFFFFF80];
	vm1 =	vgt.s32 v9, $0xFFFFFFFF;
	v16 =	vnsel vm3, $0x0, v16;
	v50 =	vor.u32 v0, v29  }
0x579: {  	vm4 =	vgt.s32 v27, $0xFFFFFFFF;
	vm3 =	vgt.s32 v12, $0xFFFFFFFF;
	v12 =	vadd.s32 $0xFFFFFE10, v26;
	[tilespmem:v18+s15+$0x0] =	vst.idx.add.f32.msk $0xffff, v16  }
0x57a: {  	vm5 =	vgt.s32 v12, $0x0;
	v18 =	vadd.s32 $0xFFFFFE10, v25;
	v16 =	vld.idx.msk [tilespmem:v26+s6+$0x0], $0xffff;
	v14 =	vnsel vm4, $0x0, v14  }
0x57b: {  	v9 =	vor.u32 v5, v15;
	v53 =	vnsel vm5, $0x0, v12;
	vm4 =	vgt.s32 v18, $0x0;
	[tilespmem:v19+s15+$0x0] =	vst.idx.add.f32.msk $0xffff, v14  }
0x57c: {  	v14 =	vnsel vm3, $0x0, v20;
	v19 =	vshll.u32 v53, $0x7;
	v54 =	vnsel vm4, $0x0, v18;
	v20 =	vld.idx.msk [tilespmem:v25+s6+$0x0], $0xffff  }
0x57d: {  	vm3 =	vgt.s32 v52, $0x0;
	[tilespmem:v50+s15+$0x0] =	vst.idx.add.f32.msk $0xffff, v14;
	v14 =	vor.u32 v2, v19;
	v19 =	vshll.u32 v54, $0x7  }
0x57e: {  	v15 =	vshll.u32 v21, $0x7;
	v21 =	vld [tilespmem:s11+$0xFFFFFF30];
	v55 =	vnsel vm3, $0x0, v52;
	v19 =	vor.u32 v8, v19  }
0x57f: {  	v56 =	vnsel vm0, $0x0, v10;
	v24 =	vshll.u32 v55, $0x7;
	v22 =	vld.idx.msk [tilespmem:v22+s6+$0x0], $0xffff  }
0x580: {  	v57 =	vadd.s32 $0xFFFFFE10, v31;
	[tilespmem:v9+s15+$0x0] =	vst.idx.add.f32.msk $0xffff, v56;
	vm0 =	vgt.s32 v12, $0xFFFFFFFF;
	v24 =	vor.u32 v2, v24  }
0x581: {  	v28 =	vadd.s32 $0xFFFFFE10, v17;
	v12 =	vnsel vm0, $0x0, v16;
	v16 =	vld [tilespmem:s11+$0xFFFFFFC0];
	vm0 =	vgt.s32 v18, $0xFFFFFFFF  }
0x582: {  	vm3 =	vgt.s32 v28, $0x0;
	[tilespmem:v14+s15+$0x0] =	vst.idx.add.f32.msk $0xffff, v12;
	v14 =	vadd.s32 $0xFFFFFE10, v51;
	v12 =	vnsel vm0, $0x0, v20  }
0x583: {  	v9 =	vnsel vm3, $0x0, v28;
	vm0 =	vgt.s32 v52, $0xFFFFFFFF;
	vm3 =	vgt.s32 v14, $0x0;
	[tilespmem:v19+s15+$0x0] =	vst.idx.add.f32.msk $0xffff, v12  }
0x584: {  	v12 =	vadd.s32 $0xFFFFFE10, v21;
	v18 =	vnsel vm0, $0x0, v22;
	v19 =	vld.idx.msk [tilespmem:v51+s6+$0x0], $0xffff;
	v20 =	vnsel vm3, $0x0, v14  }
0x585: {  	vm4 =	vmmov vm2;
	vm2 =	vgt.s32 v12, $0x0;
	[tilespmem:v24+s15+$0x0] =	vst.idx.add.f32.msk $0xffff, v18;
	v18 =	vshll.u32 v20, $0x7  }
0x586: {  	v63 =	vadd.s32 $0xFFFFFE10, v60;
	v10 =	vld [tilespmem:s11+$0xFFFFFF60];
	v20 =	vnsel vm2, $0x0, v12;
	v18 =	vor.u32 v3, v18  }
0x587: {  	v22 =	vadd.s32 $0xFFFFFE10, v30;
	v21 =	vld.idx.msk [tilespmem:v21+s6+$0x0], $0xffff;
	vm2 =	vgt.s32 v12, $0xFFFFFFFF;
	v12 =	vshll.u32 v20, $0x7  }
0x588: {  	vm6 =	vgt.s32 v57, $0x0;
	vm3 =	vgt.s32 v22, $0x0;
	v20 =	vld.idx.msk [tilespmem:v11+s6+$0x0], $0xffff;
	v58 =	vor.u32 v3, v12  }
0x589: {  	v23 =	vshll.u32 v23, $0x7;
	v59 =	vnsel vm3, $0x0, v22;
	vm3 =	vgt.s32 v14, $0xFFFFFFFF;
	v11 =	vld [tilespmem:s11+$0xFFFFFF80]  }
0x58a: {  	v15 =	vor.u32 v6, v15;
	v14 =	vadd.s32 $0xFFFFFE10, v16;
	v12 =	vld [tilespmem:s11+$0xFFFFFF70];
	v19 =	vnsel vm3, $0x0, v19  }
0x58b: {  	vm1 =	vmmov vm1;
	v23 =	vor.u32 v7, v23;
	vm3 =	vgt.s32 v14, $0x0;
	[tilespmem:v18+s15+$0x0] =	vst.idx.add.f32.msk $0xffff, v19  }
0x58c: {  	vm5 =	vgt.s32 v28, $0xFFFFFFFF;
	v18 =	vnsel vm3, $0x0, v14;
	v19 =	vnsel vm2, $0x0, v21;
	v21 =	vld.idx.msk [tilespmem:v16+s6+$0x0], $0xffff  }
0x58d: {  	vm0 =	vmmov vm5;
	v16 =	vshll.u32 v18, $0x7;
	v18 =	vnsel vm6, $0x0, v57;
	[tilespmem:v58+s15+$0x0] =	vst.idx.add.f32.msk $0xffff, v19  }
0x58e: {  	v61 =	vor.u32 v4, v16;
	v16 =	vshll.u32 v18, $0x7;
	v18 =	vnsel vm1, $0x0, v20;
	v20 =	vld.idx.msk [tilespmem:v30+s6+$0x0], $0xffff  }
0x58f: {  	vm5 =	vgt.s32 v22, $0xFFFFFFFF;
	v26 =	vshll.u32 v59, $0x7;
	v19 =	vadd.s32 $0xFFFFFE10, v10;
	[tilespmem:v15+s15+$0x0] =	vst.idx.add.f32.msk $0xffff, v18  }
0x590: {  	v22 =	vor.u32 v4, v26;
	vm1 =	vgt.s32 v19, $0xFFFFFFFF;
	vm2 =	vgt.s32 v19, $0x0;
	v62 =	vld.idx.msk [tilespmem:v13+s6+$0x0], $0xffff  }
0x591: {  	v15 =	vnsel vm2, $0x0, v19;
	v18 =	vadd.s32 $0xFFFFFE10, v12;
	vm2 =	vgt.s32 v14, $0xFFFFFFFF  }
0x592: {  	v13 =	vshll.u32 v15, $0x7;
	vm6 =	vgt.s32 v18, $0x0;
	v14 =	vnsel vm2, $0x0, v21  }
0x593: {  	vm7 =	vgt.s32 v18, $0xFFFFFFFF;
	v15 =	vnsel vm6, $0x0, v18;
	[tilespmem:v61+s15+$0x0] =	vst.idx.add.f32.msk $0xffff, v14;
	v14 =	vadd.s32 $0xFFFFFE10, v11  }
0x594: {  	vm2 =	vmmov vm1;
	v18 =	vnsel vm5, $0x0, v20;
	vm1 =	vgt.s32 v14, $0x0  }
0x595: {  	[tilespmem:v22+s15+$0x0] =	vst.idx.add.f32.msk $0xffff, v18;
	v18 =	vnsel vm1, $0x0, v14;
	vm1 =	vgt.s32 v63, $0x0;
	v22 =	vnsel vm4, $0x0, v62  }
0x596: {  	v19 =	vld [tilespmem:s11+$0xFFFFFFE0];
	vm4 =	vgt.s32 v14, $0xFFFFFFFF;
	v14 =	vshll.u32 v18, $0x7;
	v18 =	vnsel vm1, $0x0, v63  }
0x597: {  	v20 =	vld.idx.msk [tilespmem:v60+s6+$0x0], $0xffff;
	v18 =	vshll.u32 v18, $0x7  }
0x598: {  	v9 =	vshll.u32 v9, $0x7;
	[tilespmem:v23+s15+$0x0] =	vst.idx.add.f32.msk $0xffff, v22;
	v22 =	vor.u32 v5, v18  }
0x599: {  	v9 =	vor.u32 v8, v9;
	vm3 =	vgt.s32 v57, $0xFFFFFFFF;
	v15 =	vshll.u32 v15, $0x7;
	v21 =	vld.idx.msk [tilespmem:v31+s6+$0x0], $0xffff  }
0x59a: {  	v16 =	vor.u32 v5, v16;
	v13 =	vor.u32 v6, v13;
	v15 =	vor.u32 v7, v15;
	v17 =	vld.idx.msk [tilespmem:v17+s6+$0x0], $0xffff  }
0x59b: {  	s12 =	simm.s32 $0x2;
	s13 =	simm.s32 $0x13EF0;
	vm5 =	vgt.s32 v63, $0xFFFFFFFF;
	vm1 =	vmmov vm7;
	v14 =	vor.u32 v8, v14;
	v18 =	vld [tilespmem:s11+$0xFFFFFFF0]  }
.LBB2_34:
0x59c: {  	v23 =	vld [tilespmem:s13+$0xFFFFFF90];
	v20 =	vnsel vm5, $0x0, v20;
	v24 =	vadd.s32 $0xFFFFFE10, v19  }
0x59d: {  	[tilespmem:v22+s15+$0x0] =	vst.idx.add.f32.msk $0xffff, v20;
	vm5 =	vgt.s32 v24, $0x0  }
0x59e: {  	s12 =	sadd.s32 $0x2, s12;
	v20 =	vnsel vm3, $0x0, v21;
	v19 =	vld.idx.msk [tilespmem:v19+s6+$0x0], $0xffff;
	v21 =	vnsel vm5, $0x0, v24  }
0x59f: {  	p0 =	slt.u32 s12, $0x26;
	v22 =	vld [tilespmem:s13+$0xFFFFFF10];
	v21 =	vshll.u32 v21, $0x7  }
0x5a0: {  	v17 =	vnsel vm0, $0x0, v17;
	vm0 =	vmmov vm4;
	v25 =	vld [tilespmem:s13+$0xFFFFFF20];
	v21 =	vor.u32 v6, v21  }
0x5a1: {  	v26 =	vld [tilespmem:s13+$0xFFFFFF30]  }
0x5a2: {  	v27 =	vadd.s32 $0xFFFFFE10, v23;
	v28 =	vld [tilespmem:s11+$0x0];
	s11 =	smov.u32 s13  }
0x5a3: {  	vm4 =	vgt.s32 v24, $0xFFFFFFFF;
	vm3 =	vgt.s32 v27, $0x0;
	v29 =	vld [tilespmem:s13+$0xFFFFFFA0]  }
0x5a4: {  	v30 =	vadd.s32 $0xFFFFFE10, v18;
	v24 =	vnsel vm3, $0x0, v27;
	v19 =	vnsel vm4, $0x0, v19;
	v23 =	vld.idx.msk [tilespmem:v23+s6+$0x0], $0xffff  }
0x5a5: {  	vm3 =	vgt.s32 v30, $0x0;
	v31 =	vadd.s32 $0xFFFFFE10, v22;
	v24 =	vshll.u32 v24, $0x7;
	[tilespmem:v21+s15+$0x0] =	vst.idx.add.f32.msk $0xffff, v19  }
0x5a6: {  	vm4 =	vgt.s32 v31, $0x0;
	v19 =	vor.u32 v0, v24;
	v21 =	vld.idx.msk [tilespmem:v18+s6+$0x0], $0xffff;
	v18 =	vnsel vm3, $0x0, v30  }
0x5a7: {  	vm5 =	vgt.s32 v31, $0xFFFFFFFF;
	v24 =	vnsel vm4, $0x0, v31;
	v22 =	vld.idx.msk [tilespmem:v22+s6+$0x0], $0xffff;
	v18 =	vshll.u32 v18, $0x7  }
0x5a8: {  	v31 =	vadd.s32 $0xFFFFFE10, v25;
	v24 =	vshll.u32 v24, $0x7;
	v32 =	vld [tilespmem:s13+$0xFFFFFF40];
	v33 =	vor.u32 v7, v18  }
0x5a9: {  	vm6 =	vgt.s32 v27, $0xFFFFFFFF;
	vm4 =	vgt.s32 v31, $0x0;
	v24 =	vor.u32 v0, v24;
	v18 =	vld [tilespmem:s13+$0xFFFFFF50]  }
0x5aa: {  	vm3 =	vgt.s32 v31, $0xFFFFFFFF;
	v27 =	vnsel vm4, $0x0, v31;
	v23 =	vnsel vm6, $0x0, v23;
	v31 =	vld [tilespmem:s13+$0xFFFFFFB0]  }
0x5ab: {  	vm4 =	vgt.s32 v30, $0xFFFFFFFF;
	v27 =	vshll.u32 v27, $0x7;
	[tilespmem:v19+s15+$0x0] =	vst.idx.add.f32.msk $0xffff, v23;
	v19 =	vadd.s32 $0xFFFFFE10, v29  }
0x5ac: {  	v21 =	vnsel vm4, $0x0, v21;
	v23 =	vld.idx.msk [tilespmem:v29+s6+$0x0], $0xffff;
	vm6 =	vgt.s32 v19, $0x0;
	v29 =	vadd.s32 $0xFFFFFE10, v28  }
0x5ad: {  	v22 =	vnsel vm5, $0x0, v22;
	v30 =	vnsel vm6, $0x0, v19;
	[tilespmem:v33+s15+$0x0] =	vst.idx.add.f32.msk $0xffff, v21;
	vm4 =	vgt.s32 v29, $0x0  }
0x5ae: {  	v21 =	vor.u32 v2, v27;
	v27 =	vshll.u32 v30, $0x7;
	v28 =	vld.idx.msk [tilespmem:v28+s6+$0x0], $0xffff;
	v30 =	vnsel vm4, $0x0, v29  }
0x5af: {  	[tilespmem:v24+s15+$0x0] =	vst.idx.add.f32.msk $0xffff, v22;
	v22 =	vadd.s32 $0xFFFFFE10, v26;
	v24 =	vor.u32 v2, v27;
	v27 =	vshll.u32 v30, $0x7  }
0x5b0: {  	v25 =	vld.idx.msk [tilespmem:v25+s6+$0x0], $0xffff;
	vm4 =	vgt.s32 v22, $0xFFFFFFFF;
	vm5 =	vgt.s32 v22, $0x0;
	v27 =	vor.u32 v8, v27  }
0x5b1: {  	v33 =	vadd.s32 $0xFFFFFE10, v18;
	v30 =	vadd.s32 $0xFFFFFE10, v32;
	v22 =	vnsel vm5, $0x0, v22;
	v34 =	vld [tilespmem:s13+$0xFFFFFF60]  }
0x5b2: {  	vm6 =	vgt.s32 v19, $0xFFFFFFFF;
	vm5 =	vgt.s32 v30, $0x0;
	v22 =	vshll.u32 v22, $0x7;
	[tilespmem:v16+s15+$0x0] =	vst.idx.add.f32.msk $0xffff, v20  }
0x5b3: {  	v16 =	vnsel vm6, $0x0, v23;
	vm6 =	vgt.s32 v29, $0xFFFFFFFF;
	v19 =	vor.u32 v3, v22;
	v20 =	vld [tilespmem:s13+$0xFFFFFFC0]  }
0x5b4: {  	v23 =	vadd.s32 $0xFFFFFE10, v31;
	v22 =	vnsel vm5, $0x0, v30;
	[tilespmem:v24+s15+$0x0] =	vst.idx.add.f32.msk $0xffff, v16;
	v16 =	vnsel vm6, $0x0, v28  }
0x5b5: {  	vm5 =	vgt.s32 v30, $0xFFFFFFFF;
	v22 =	vshll.u32 v22, $0x7;
	vm6 =	vgt.s32 v23, $0x0;
	[tilespmem:v27+s15+$0x0] =	vst.idx.add.f32.msk $0xffff, v16  }
0x5b6: {  	v16 =	vnsel vm3, $0x0, v25;
	v22 =	vor.u32 v4, v22;
	v25 =	vnsel vm6, $0x0, v23;
	v24 =	vld.idx.msk [tilespmem:v31+s6+$0x0], $0xffff  }
0x5b7: {  	vm3 =	vgt.s32 v33, $0xFFFFFFFF;
	vm6 =	vgt.s32 v33, $0x0;
	[tilespmem:v21+s15+$0x0] =	vst.idx.add.f32.msk $0xffff, v16;
	v16 =	vshll.u32 v25, $0x7  }
0x5b8: {  	v25 =	vnsel vm6, $0x0, v33;
	v21 =	vld.idx.msk [tilespmem:v26+s6+$0x0], $0xffff;
	v26 =	vadd.s32 $0xFFFFFE10, v34;
	v27 =	vor.u32 v3, v16  }
0x5b9: {  	v16 =	vshll.u32 v25, $0x7;
	vm7 =	vgt.s32 v26, $0xFFFFFFFF;
	vm6 =	vgt.s32 v26, $0x0;
	v25 =	vld.idx.msk [tilespmem:v10+s6+$0x0], $0xffff;
	v10 =	vmovc v34  }
0x5ba: {  	v16 =	vor.u32 v5, v16;
	v26 =	vnsel vm6, $0x0, v26;
	v28 =	vld [tilespmem:s13+$0xFFFFFF70]  }
0x5bb: {  	vm6 =	vgt.s32 v23, $0xFFFFFFFF;
	v26 =	vshll.u32 v26, $0x7;
	v29 =	vld [tilespmem:s13+$0xFFFFFF80]  }
0x5bc: {  	v24 =	vnsel vm6, $0x0, v24;
	v23 =	vor.u32 v6, v26;
	v26 =	vadd.s32 $0xFFFFFE10, v20;
	v30 =	vld [tilespmem:s13+$0xFFFFFFD0]  }
0x5bd: {  	[tilespmem:v27+s15+$0x0] =	vst.idx.add.f32.msk $0xffff, v24;
	vm6 =	vgt.s32 v26, $0x0  }
0x5be: {  	v21 =	vnsel vm4, $0x0, v21;
	v20 =	vld.idx.msk [tilespmem:v20+s6+$0x0], $0xffff;
	v24 =	vnsel vm6, $0x0, v26  }
0x5bf: {  	[tilespmem:v19+s15+$0x0] =	vst.idx.add.f32.msk $0xffff, v21;
	v19 =	vadd.s32 $0xFFFFFE10, v28;
	v21 =	vshll.u32 v24, $0x7;
	v24 =	vnsel vm2, $0x0, v25  }
0x5c0: {  	v25 =	vld.idx.msk [tilespmem:v32+s6+$0x0], $0xffff;
	vm6 =	vgt.s32 v19, $0xFFFFFFFF;
	vm2 =	vgt.s32 v19, $0x0;
	v21 =	vor.u32 v4, v21  }
0x5c1: {  	v27 =	vadd.s32 $0xFFFFFE10, v29;
	v19 =	vnsel vm2, $0x0, v19;
	[tilespmem:v13+s15+$0x0] =	vst.idx.add.f32.msk $0xffff, v24;
	v13 =	vmovc v23;
	vm2 =	vmmov vm7  }
0x5c2: {  	vm4 =	vgt.s32 v27, $0xFFFFFFFF;
	vm7 =	vgt.s32 v27, $0x0;
	v19 =	vshll.u32 v19, $0x7;
	v23 =	vld.idx.msk [tilespmem:v12+s6+$0x0], $0xffff;
	v12 =	vmovc v28  }
0x5c3: {  	v24 =	vor.u32 v7, v19;
	v19 =	vnsel vm7, $0x0, v27;
	vm7 =	vgt.s32 v26, $0xFFFFFFFF;
	[tilespmem:v9+s15+$0x0] =	vst.idx.add.f32.msk $0xffff, v17;
	v9 =	vmovc v14  }
0x5c4: {  	v26 =	vadd.s32 $0xFFFFFE10, v30;
	v14 =	vshll.u32 v19, $0x7;
	v17 =	vnsel vm7, $0x0, v20;
	v19 =	vld [tilespmem:s13+$0xFFFFFFE0]  }
0x5c5: {  	vm7 =	vgt.s32 v26, $0x0;
	v14 =	vor.u32 v8, v14;
	[tilespmem:v21+s15+$0x0] =	vst.idx.add.f32.msk $0xffff, v17  }
0x5c6: {  	v17 =	vnsel vm5, $0x0, v25;
	v21 =	vnsel vm7, $0x0, v26;
	v20 =	vld.idx.msk [tilespmem:v30+s6+$0x0], $0xffff  }
.Ltmp22:
0x5c7: {  	[tilespmem:v22+s15+$0x0] =	vst.idx.add.f32.msk $0xffff, v17;
	v17 =	vshll.u32 v21, $0x7;
	(pc) =	sbr.rel @p0 .LBB2_34-.Ltmp22, $4  }
0x5c8: {  	v21 =	vld.idx.msk [tilespmem:v18+s6+$0x0], $0xffff;
	v22 =	vor.u32 v5, v17;
	v17 =	vnsel vm1, $0x0, v23;
	vm1 =	vmmov vm6  }
0x5c9: {  	[tilespmem:v15+s15+$0x0] =	vst.idx.add.f32.msk $0xffff, v17;
	v15 =	vmov v24  }
0x5ca: {  	v17 =	vld.idx.msk [tilespmem:v11+s6+$0x0], $0xffff;
	v11 =	vmov v29  }
0x5cb: {  	s13 =	sadd.s32 $0x100, s13;
	vm5 =	vgt.s32 v26, $0xFFFFFFFF;
	v18 =	vld [tilespmem:s11+$0xFFFFFFF0]  }
0x5cc: {  	_ =	sdelay $0x2  }
0x5cd: {  	v23 =	vadd.s32 $0xFFFFFE10, v19;
	v20 =	vnsel vm5, $0x0, v20  }
0x5ce: {  	vm9 =	vgt.s32 v23, $0x0;
	[tilespmem:v22+s15+$0x0] =	vst.idx.add.f32.msk $0xffff, v20  }
0x5cf: {  	v21 =	vnsel vm3, $0x0, v21;
	v53 =	vnsel vm9, $0x0, v23;
	v54 =	vld.idx.msk [tilespmem:v19+s6+$0x0], $0xffff  }
0x5d0: {  	[tilespmem:v16+s15+$0x0] =	vst.idx.add.f32.msk $0xffff, v21;
	v20 =	vshll.u32 v53, $0x7  }
0x5d1: {  	v10 =	vld.idx.msk [tilespmem:v10+s6+$0x0], $0xffff;
	v20 =	vor.u32 v6, v20;
	_ =	sdelay $0x2  }
0x5d2: {  	vm10 =	vgt.s32 v23, $0xFFFFFFFF  }
0x5d3: {  	v56 =	vld [tilespmem:s11+$0x0];
	v55 =	vadd.s32 $0xFFFFFE10, v18;
	v19 =	vnsel vm10, $0x0, v54  }
0x5d4: {  	vm11 =	vgt.s32 v55, $0x0;
	v10 =	vnsel vm2, $0x0, v10;
	[tilespmem:v20+s15+$0x0] =	vst.idx.add.f32.msk $0xffff, v19  }
0x5d5: {  	v57 =	vnsel vm11, $0x0, v55;
	[tilespmem:v13+s15+$0x0] =	vst.idx.add.f32.msk $0xffff, v10  }
0x5d6: {  	v19 =	vshll.u32 v57, $0x7;
	v58 =	vld.idx.msk [tilespmem:v18+s6+$0x0], $0xffff  }
0x5d7: {  	v19 =	vor.u32 v7, v19;
	v10 =	vld.idx.msk [tilespmem:v12+s6+$0x0], $0xffff;
	_ =	sdelay $0x2  }
0x5d8: {  	vm12 =	vgt.s32 v55, $0xFFFFFFFF  }
0x5d9: {  	v59 =	vadd.s32 $0xFFFFFE10, v56;
	v60 =	vnsel vm12, $0x0, v58  }
0x5da: {  	vm13 =	vgt.s32 v59, $0x0;
	v10 =	vnsel vm1, $0x0, v10;
	[tilespmem:v19+s15+$0x0] =	vst.idx.add.f32.msk $0xffff, v60  }
0x5db: {  	v61 =	vnsel vm13, $0x0, v59;
	[tilespmem:v15+s15+$0x0] =	vst.idx.add.f32.msk $0xffff, v10  }
0x5dc: {  	v13 =	vshll.u32 v61, $0x7;
	v62 =	vld.idx.msk [tilespmem:v56+s6+$0x0], $0xffff  }
0x5dd: {  	v13 =	vor.u32 v8, v13;
	v10 =	vld.idx.msk [tilespmem:v11+s6+$0x0], $0xffff  }
0x5de: {  	p0 =	seq.s32 s2, $0x5  }
0x5df: {  	s3 =	smul.u32 @!p0 $0xA0000, s2  }
.Ltmp23:
0x5e0: {  	v63 =	vnsel vm0, $0x0, v17;
	vm14 =	vgt.s32 v59, $0xFFFFFFFF;
	(pc) =	sbr.rel .LBB2_36-.Ltmp23, $4  }
0x5e1: {  	vm15 =	vmmov vm4;
	s3 =	sadd.s32 @!p0 s10, s3;
	[tilespmem:v9+s15+$0x0] =	vst.idx.add.f32.msk $0xffff, v63;
	v11 =	vnsel vm14, $0x0, v62  }
0x5e2: {  	s8 =	simm.s32 @!p0 $0x400;
	s3 =	sshrl.u32 @!p0 s3, $0x3;
	v9 =	vnsel vm15, $0x0, v10;
	[tilespmem:v13+s15+$0x0] =	vst.idx.add.f32.msk $0xffff, v11  }
0x5e3: {  	s11 =	simm.s32 @!p0 $0x8000;
	s12 =	simm.s32 @!p0 $0x11400;
	s3 =	sadd.s32 @!p0 s1, s3;
	[tilespmem:v14+s15+$0x0] =	vst.idx.add.f32.msk $0xffff, v9  }
0x5e4: {  	[tilespmem:s12], [sflag:$0x2] =	stream.strided.gather @!p0 [hbm4b:s3+s8], $0x1400, s11, s8, $0x38;
	[tilespmem:$0x1A000] =	vst v63  }
.LBB2_38:
0x5e5: {  	_ =	sfence.sel $0x180000  }
0x5e6: {  	[bflag:$0x0] =	sbarrier.arrive $0xFFFF  }
0x5e7: {  	_ =	strace $0x90000047  }
0x5e8: {  	s0 =	stileid.u32;
	[bflag:$0x2] =	sbarrier.arrive $0xFFFF  }
0x5e9: {  	p0 =	sne.s32 s0, $0x0;
	s0 =	rddreg [dreg:$0x4]  }
0x5ea: {  	s0 =	sadd.s32 @!p0 $0x100000, s0  }
0x5eb: {  	[sflag:s0] =	ssyncadd.tile.s32 @!p0 $0x1;
	_ =	shalt  }
.Lfunc_end2:
_tile_overlayer_lowered:
.L_overlay_start_2:
0x5ec: {  	(tag) =	ssettag $0x2  }
0x5ed: {  	s0 =	rddreg [dreg:$0x0];
	s2 =	stileid.u32  }
0x5ee: {  	s1 =	rddreg [dreg:$0x1];
	p0 =	sne.s32 s2, $0x0  }
0x5ef: {  	s3 =	rddreg [dreg:$0x2];
	[bflag:$0x3] =	sbarrier.arrive $0xFFFF;
	s2 =	simm.s32 @!p0 $0x1C09  }
0x5f0: {  	[timem:s3], [sflag:s2] =	dma.local @!p0 [hbm:s0], s1  }
0x5f1: {  	s0 =	simm.s32 @!p0 $0x9  }
0x5f2: {  	_ =	swait.ge @!p0 [sflag:s0], s1  }
0x5f3: {  	s1 =	ssub.s32 @!p0 $0x0, s1;
	[sflag:s0] =	ssyncset.done @!p0 $0x0  }
0x5f4: {  	[sflag:s0] =	ssyncadd.s32 @!p0 s1  }
0x5f5: {  	[bflag:$0x3] =	sbarrier.arrive $0xFFFF  }
0x5f6: {  	_ =	shalt  }

</sc_bundles>
